<compile_context>
chip_gen: v7x
topology: tpu7x:2x2x1
jax: 0.10.2.dev20260603
libtpu: 0.0.44.dev20260713+nightly
codegen_flags: <defaults>
</compile_context>

<pallas_src>
import functools

import jax
import jax.numpy as jnp
from jax import lax
from jax.experimental import pallas as pl
from jax.experimental.pallas import tpu as pltpu
from jax.experimental.pallas import tpu_sc as plsc

N = 10000
E = 320000
NC = 2
NS = 16
CHUNK = 64
NB = 4


def _make_seg_sum(d, col_split):
  edges_per_core = E if col_split else E // 2
  ept = edges_per_core // NS
  nchunk, tail = divmod(ept, CHUNK)
  nblk, remb = divmod(nchunk, NB)
  assert remb == 0 and tail % 8 == 0
  rpt = 632
  n_acc = (NS - 1) * rpt + 528
  last_wb = N - (NS - 1) * rpt
  mesh = plsc.VectorSubcoreMesh(core_axis_name="c", subcore_axis_name="s",
                                num_cores=NC, num_subcores=NS)

  @functools.partial(
      pl.kernel,
      out_type=jax.ShapeDtypeStruct((2 * N, d), jnp.float32),
      mesh=mesh,
      scratch_types=[
          [[pltpu.VMEM((CHUNK,), jnp.int32)] * NB for _ in range(2)],
          [[pltpu.VMEM((CHUNK,), jnp.int32)] * NB for _ in range(2)],
          [pltpu.VMEM((CHUNK, d), jnp.float32)] * NB,
          pltpu.VMEM((tail,), jnp.int32),
          pltpu.VMEM((tail,), jnp.int32),
          pltpu.VMEM_SHARED(((NS - 1) * 632 + 528, d), jnp.float32),
          [[pltpu.SemaphoreType.DMA] * NB for _ in range(2)],
          [pltpu.SemaphoreType.DMA] * NB,
          [pltpu.SemaphoreType.DMA] * NB,
      ],
  )
  def seg(src_hbm, dst_hbm, zeros_hbm, table_hbm, out_hbm,
          src_v, dst_v, rows_v, src_t, dst_t, agg, isem, gsem, ssem):
    c = lax.axis_index("c")
    s = lax.axis_index("s")
    if col_split:
      ebase = s * ept
      soff = c * E
    else:
      ebase = c * (E // 2) + s * ept
      soff = 0

    def fire_idx(g, blk_e0):
      for b in range(NB):
        eb = lax.min(blk_e0 + b * CHUNK, E - CHUNK)
        pltpu.async_copy(src_hbm.at[pl.ds(soff + eb, CHUNK)],
                         src_v[g][b], isem[g][b])
        pltpu.async_copy(dst_hbm.at[pl.ds(eb, CHUNK)], dst_v[g][b], isem[g][b])

    def wait_idx(g, b):
      pltpu.make_async_copy(src_hbm.at[pl.ds(0, CHUNK)],
                            src_v[g][b], isem[g][b]).wait()
      pltpu.make_async_copy(dst_hbm.at[pl.ds(0, CHUNK)],
                            dst_v[g][b], isem[g][b]).wait()

    def wait_scatter(g, b):
      pltpu.make_async_copy(rows_v[b], agg.at[dst_v[g][b]], ssem[b]).wait()

    def sub_block(j, g, blk, skip_first_reclaim=False):
      e0 = ebase + blk * (NB * CHUNK)
      gather_cps = []
      for b in range(NB):
        if skip_first_reclaim:
          @pl.when(j > 0)
          def _reclaim(b=b):
            wait_scatter(1 - g, b)
        else:
          wait_scatter(1 - g, b)
        wait_idx(g, b)
        gather_cps.append(
            pltpu.async_copy(table_hbm.at[src_v[g][b]], rows_v[b], gsem[b]))
      fire_idx(1 - g, e0 + NB * CHUNK)
      for b in range(NB):
        gather_cps[b].wait()
        pltpu.async_copy(rows_v[b], agg.at[dst_v[g][b]], ssem[b], add=True)

    def body(j, carry):
      sub_block(j, 0, 2 * j, skip_first_reclaim=True)
      sub_block(j, 1, 2 * j + 1)
      return carry

    fire_idx(0, ebase)

    @pl.when(s < NS - 1)
    def _zero_full():
      pltpu.sync_copy(zeros_hbm.at[pl.ds(s * rpt, rpt)],
                      agg.at[pl.ds(s * rpt, rpt)])

    @pl.when(s == NS - 1)
    def _zero_last():
      pltpu.sync_copy(zeros_hbm.at[pl.ds((NS - 1) * rpt, 528)],
                      agg.at[pl.ds((NS - 1) * rpt, 528)])

    plsc.subcore_barrier()

    lax.fori_loop(0, nblk // 2, body, 0)
    if nblk % 2:
      sub_block(1, 0, nblk - 1)
      last_g = 0
    else:
      last_g = 1
    for b in range(NB):
      wait_scatter(last_g, b)
    for b in range(NB):
      wait_idx(1 - last_g, b)

    if tail:
      et = ebase + nchunk * CHUNK
      cs = pltpu.async_copy(src_hbm.at[pl.ds(soff + et, tail)], src_t,
                            isem[0][0])
      cd = pltpu.async_copy(dst_hbm.at[pl.ds(et, tail)], dst_t, isem[0][0])
      cs.wait()
      cd.wait()
      pltpu.async_copy(table_hbm.at[src_t], rows_v[0].at[pl.ds(0, tail)],
                       gsem[0]).wait()
      pltpu.async_copy(rows_v[0].at[pl.ds(0, tail)], agg.at[dst_t], ssem[0],
                       add=True).wait()

    plsc.subcore_barrier()

    @pl.when(s < NS - 1)
    def _full_tile_writeback():
      pltpu.sync_copy(agg.at[pl.ds(s * rpt, rpt)],
                      out_hbm.at[pl.ds(c * N + s * rpt, rpt)])

    @pl.when(s == NS - 1)
    def _last_tile_writeback():
      pltpu.sync_copy(agg.at[pl.ds((NS - 1) * rpt, last_wb)],
                      out_hbm.at[pl.ds(c * N + (NS - 1) * rpt, last_wb)])

  return seg


_seg1 = _make_seg_sum(128, col_split=False)
_seg2 = _make_seg_sum(128, col_split=True)

_R = 1000


def _tc1_body(x_ref, p0_ref, p1_ref, wr_ref, b_ref, wt_ref, o_ref):
  agg = p0_ref[...] + p1_ref[...]
  z = jnp.dot(agg, wr_ref[...], preferred_element_type=jnp.float32)
  z = z + jnp.dot(x_ref[...], wt_ref[...], preferred_element_type=jnp.float32)
  z = jnp.maximum(z + b_ref[...], 0.0)
  o_ref[0] = z[:, :128]
  o_ref[1] = z[:, 128:]


def _tc1(x, p_cat, w_rel_t, b_rel, w_root_t):
  nb = N // _R
  return pl.pallas_call(
      _tc1_body,
      grid=(nb,),
      in_specs=[
          pl.BlockSpec((_R, 128), lambda i: (i, 0)),
          pl.BlockSpec((_R, 128), lambda i: (i, 0)),
          pl.BlockSpec((_R, 128), lambda i: (i + nb, 0)),
          pl.BlockSpec((128, 256), lambda i: (0, 0)),
          pl.BlockSpec((1, 256), lambda i: (0, 0)),
          pl.BlockSpec((128, 256), lambda i: (0, 0)),
      ],
      out_specs=pl.BlockSpec((2, _R, 128), lambda i: (0, i, 0)),
      out_shape=jax.ShapeDtypeStruct((2, N, 128), jnp.float32),
  )(x, p_cat, p_cat, w_rel_t, b_rel, w_root_t)


def _tc2_body(h0_ref, h1_ref, a0_ref, a1_ref, wr_ref, b_ref, wt_ref, o_ref):
  z = jnp.dot(a0_ref[...], wr_ref[:128], preferred_element_type=jnp.float32)
  z = z + jnp.dot(a1_ref[...], wr_ref[128:], preferred_element_type=jnp.float32)
  z = z + jnp.dot(h0_ref[...], wt_ref[:128], preferred_element_type=jnp.float32)
  z = z + jnp.dot(h1_ref[...], wt_ref[128:], preferred_element_type=jnp.float32)
  o_ref[...] = jnp.maximum(z + b_ref[...], 0.0)


def _tc2(h_cat, a_cat, w_rel_t, b_rel, w_root_t):
  nb = N // _R
  return pl.pallas_call(
      _tc2_body,
      grid=(nb,),
      in_specs=[
          pl.BlockSpec((_R, 128), lambda i: (i, 0)),
          pl.BlockSpec((_R, 128), lambda i: (i + nb, 0)),
          pl.BlockSpec((_R, 128), lambda i: (i, 0)),
          pl.BlockSpec((_R, 128), lambda i: (i + nb, 0)),
          pl.BlockSpec((256, 256), lambda i: (0, 0)),
          pl.BlockSpec((1, 256), lambda i: (0, 0)),
          pl.BlockSpec((256, 256), lambda i: (0, 0)),
      ],
      out_specs=pl.BlockSpec((_R, 256), lambda i: (i, 0)),
      out_shape=jax.ShapeDtypeStruct((N, 256), jnp.float32),
  )(h_cat, h_cat, a_cat, a_cat, w_rel_t, b_rel, w_root_t)


def kernel(x, edge_index, W1_rel, b1_rel, W1_root, W2_rel, b2_rel, W2_root):
  ei = edge_index.astype(jnp.int32)
  src, dst = ei[0], ei[1]
  src1 = src
  src2 = jnp.concatenate([src, src + N])
  zeros = jnp.zeros(((NS - 1) * 632 + 528, 128), jnp.float32)

  p_cat = _seg1(src1, dst, zeros, x)
  h_cat = _tc1(x, p_cat, W1_rel.T, b1_rel[None], W1_root.T).reshape(2 * N, 128)
  a_cat = _seg2(src2, dst, zeros, h_cat)
  return _tc2(h_cat, a_cat, W2_rel.T, b2_rel[None], W2_root.T)

# --- scband reference (transcript-rebuilt; emitter-appended) ---
"""Pipeline reference for scband-gcn-74706661146653 (READ-ONLY COPY).

The authoritative reference and input builder live on the scoring server;
editing this copy changes nothing except your own understanding.
"""

import jax, jax.numpy as jnp
import numpy as np

N_NODES = 10000
N_EDGES = 320000
D_IN = 128
D_HID = 256


def setup_inputs(seed: int = 0) -> dict:
    key = jax.random.key(seed)
    ks = jax.random.split(key, 8)
    x = jax.random.normal(ks[0], (N_NODES, D_IN), dtype=jnp.float32)
    edge_index = jax.random.randint(ks[1], (2, N_EDGES), 0, N_NODES, dtype=jnp.int64)
    # GraphConv layer 1 params: lin_rel (weight+bias), lin_root (weight only)
    s1 = 1.0 / np.sqrt(D_IN)
    W1_rel = jax.random.uniform(ks[2], (D_HID, D_IN), dtype=jnp.float32, minval=-s1, maxval=s1)
    b1_rel = jax.random.uniform(ks[3], (D_HID,), dtype=jnp.float32, minval=-s1, maxval=s1)
    W1_root = jax.random.uniform(ks[4], (D_HID, D_IN), dtype=jnp.float32, minval=-s1, maxval=s1)
    # GraphConv layer 2 params
    s2 = 1.0 / np.sqrt(D_HID)
    W2_rel = jax.random.uniform(ks[5], (D_HID, D_HID), dtype=jnp.float32, minval=-s2, maxval=s2)
    b2_rel = jax.random.uniform(ks[6], (D_HID,), dtype=jnp.float32, minval=-s2, maxval=s2)
    W2_root = jax.random.uniform(ks[7], (D_HID, D_HID), dtype=jnp.float32, minval=-s2, maxval=s2)
    return {"x": x, "edge_index": edge_index,
            "W1_rel": W1_rel, "b1_rel": b1_rel, "W1_root": W1_root,
            "W2_rel": W2_rel, "b2_rel": b2_rel, "W2_root": W2_root}


def _graph_conv(x, edge_index, W_rel, b_rel, W_root, num_nodes):
    # PyG GraphConv with aggr='add':
    #   out_i = W_rel @ (sum_{j in N(i)} x_j) + b_rel + W_root @ x_i
    src = edge_index[0]
    dst = edge_index[1]
    msgs = jnp.take(x, src, axis=0)                         # gather source features
    agg = jax.ops.segment_sum(msgs, dst, num_segments=num_nodes)  # scatter-add to dst
    return agg @ W_rel.T + b_rel + x @ W_root.T


def reference(x, edge_index, W1_rel, b1_rel, W1_root, W2_rel, b2_rel, W2_root):
    n = x.shape[0]
    h = _graph_conv(x, edge_index, W1_rel, b1_rel, W1_root, n)
    h = jax.nn.relu(h)
    h = _graph_conv(h, edge_index, W2_rel, b2_rel, W2_root, n)
    h = jax.nn.relu(h)
    return h

if __name__ == "__main__":
    import jax
    _d = setup_inputs()
    print(jax.jit(kernel)(*tuple(_d.values())))

</pallas_src>

<mosaic_0001>
#map = affine_map<(d0, d1) -> (0)>
#map1 = affine_map<(d0, d1) -> (0, 0)>
module attributes {stable_mosaic.version = 14 : i64} {
  func.func @seg(%arg0: i32, %arg1: i32, %arg2: memref<320000xi32, #tpu.memory_space<hbm>>, %arg3: memref<320000xi32, #tpu.memory_space<hbm>>, %arg4: memref<10008x128xf32, #tpu.memory_space<hbm>>, %arg5: memref<10000x128xf32, #tpu.memory_space<hbm>>, %arg6: memref<20000x128xf32, #tpu.memory_space<hbm>>, %arg7: memref<64xi32, #tpu.memory_space<vmem>>, %arg8: memref<64xi32, #tpu.memory_space<vmem>>, %arg9: memref<64xi32, #tpu.memory_space<vmem>>, %arg10: memref<64xi32, #tpu.memory_space<vmem>>, %arg11: memref<64xi32, #tpu.memory_space<vmem>>, %arg12: memref<64xi32, #tpu.memory_space<vmem>>, %arg13: memref<64xi32, #tpu.memory_space<vmem>>, %arg14: memref<64xi32, #tpu.memory_space<vmem>>, %arg15: memref<64xi32, #tpu.memory_space<vmem>>, %arg16: memref<64xi32, #tpu.memory_space<vmem>>, %arg17: memref<64xi32, #tpu.memory_space<vmem>>, %arg18: memref<64xi32, #tpu.memory_space<vmem>>, %arg19: memref<64xi32, #tpu.memory_space<vmem>>, %arg20: memref<64xi32, #tpu.memory_space<vmem>>, %arg21: memref<64xi32, #tpu.memory_space<vmem>>, %arg22: memref<64xi32, #tpu.memory_space<vmem>>, %arg23: memref<64x128xf32, #tpu.memory_space<vmem>>, %arg24: memref<64x128xf32, #tpu.memory_space<vmem>>, %arg25: memref<64x128xf32, #tpu.memory_space<vmem>>, %arg26: memref<64x128xf32, #tpu.memory_space<vmem>>, %arg27: memref<16xi32, #tpu.memory_space<vmem>>, %arg28: memref<16xi32, #tpu.memory_space<vmem>>, %arg29: memref<10008x128xf32, #tpu.memory_space<vmem_shared>>, %arg30: memref<!tpu.dma_semaphore, #tpu.memory_space<semaphore_mem>>, %arg31: memref<!tpu.dma_semaphore, #tpu.memory_space<semaphore_mem>>, %arg32: memref<!tpu.dma_semaphore, #tpu.memory_space<semaphore_mem>>, %arg33: memref<!tpu.dma_semaphore, #tpu.memory_space<semaphore_mem>>, %arg34: memref<!tpu.dma_semaphore, #tpu.memory_space<semaphore_mem>>, %arg35: memref<!tpu.dma_semaphore, #tpu.memory_space<semaphore_mem>>, %arg36: memref<!tpu.dma_semaphore, #tpu.memory_space<semaphore_mem>>, %arg37: memref<!tpu.dma_semaphore, #tpu.memory_space<semaphore_mem>>, %arg38: memref<!tpu.dma_semaphore, #tpu.memory_space<semaphore_mem>>, %arg39: memref<!tpu.dma_semaphore, #tpu.memory_space<semaphore_mem>>, %arg40: memref<!tpu.dma_semaphore, #tpu.memory_space<semaphore_mem>>, %arg41: memref<!tpu.dma_semaphore, #tpu.memory_space<semaphore_mem>>, %arg42: memref<!tpu.dma_semaphore, #tpu.memory_space<semaphore_mem>>, %arg43: memref<!tpu.dma_semaphore, #tpu.memory_space<semaphore_mem>>, %arg44: memref<!tpu.dma_semaphore, #tpu.memory_space<semaphore_mem>>, %arg45: memref<!tpu.dma_semaphore, #tpu.memory_space<semaphore_mem>>) attributes {dimension_semantics = [#tpu.dimension_semantics<core_parallel>, #tpu.dimension_semantics<subcore_parallel>], iteration_bounds = array<i64: 2, 16>, scalar_prefetch = 0 : i64, scratch_operands = 39 : i64, tpu.core_type = #tpu.core_type<sc_vector_subcore>, window_params = [{transform_indices = #map}, {transform_indices = #map}, {transform_indices = #map1}, {transform_indices = #map1}, {transform_indices = #map1}]} {
    %mul3A = arith.constant 160000 : i32
    %mul3A_0 = arith.muli %arg0, %mul3A : i32
    %mul3A_1 = arith.constant 10000 : i32
    %mul3A_2 = arith.muli %arg1, %mul3A_1 : i32
    %add3A = arith.addi %mul3A_0, %mul3A_2 : i32
    %add3A_3 = arith.constant 0 : i32
    %add3A_4 = arith.addi %add3A, %add3A_3 : i32
    %min3A = arith.constant 319936 : i32
    %min3A_5 = arith.minsi %add3A_4, %min3A : i32
    %add3A_6 = arith.constant 0 : i32
    %add3A_7 = arith.addi %add3A_6, %min3A_5 : i32
    %dma_start3A = tpu.memref_slice %arg2[%add3A_7] : memref<320000xi32, #tpu.memory_space<hbm>> -> memref<64xi32, #tpu.memory_space<hbm>>
    %dma_start3A_8 = tpu.memref_slice %arg2[%add3A_7] : memref<320000xi32, #tpu.memory_space<hbm>> -> memref<64xi32, #tpu.memory_space<hbm>>
    tpu.enqueue_dma source(%dma_start3A_8 : memref<64xi32, #tpu.memory_space<hbm>>) target(%arg7 : memref<64xi32, #tpu.memory_space<vmem>>) target_semaphore(%arg30 : memref<!tpu.dma_semaphore, #tpu.memory_space<semaphore_mem>>)
    %dma_start3A_9 = tpu.memref_slice %arg3[%min3A_5] : memref<320000xi32, #tpu.memory_space<hbm>> -> memref<64xi32, #tpu.memory_space<hbm>>
    %dma_start3A_10 = tpu.memref_slice %arg3[%min3A_5] : memref<320000xi32, #tpu.memory_space<hbm>> -> memref<64xi32, #tpu.memory_space<hbm>>
    tpu.enqueue_dma source(%dma_start3A_10 : memref<64xi32, #tpu.memory_space<hbm>>) target(%arg15 : memref<64xi32, #tpu.memory_space<vmem>>) target_semaphore(%arg30 : memref<!tpu.dma_semaphore, #tpu.memory_space<semaphore_mem>>)
    %add3A_11 = arith.constant 64 : i32
    %add3A_12 = arith.addi %add3A, %add3A_11 : i32
    %min3A_13 = arith.constant 319936 : i32
    %min3A_14 = arith.minsi %add3A_12, %min3A_13 : i32
    %add3A_15 = arith.constant 0 : i32
    %add3A_16 = arith.addi %add3A_15, %min3A_14 : i32
    %dma_start3A_17 = tpu.memref_slice %arg2[%add3A_16] : memref<320000xi32, #tpu.memory_space<hbm>> -> memref<64xi32, #tpu.memory_space<hbm>>
    %dma_start3A_18 = tpu.memref_slice %arg2[%add3A_16] : memref<320000xi32, #tpu.memory_space<hbm>> -> memref<64xi32, #tpu.memory_space<hbm>>
    tpu.enqueue_dma source(%dma_start3A_18 : memref<64xi32, #tpu.memory_space<hbm>>) target(%arg8 : memref<64xi32, #tpu.memory_space<vmem>>) target_semaphore(%arg31 : memref<!tpu.dma_semaphore, #tpu.memory_space<semaphore_mem>>)
    %dma_start3A_19 = tpu.memref_slice %arg3[%min3A_14] : memref<320000xi32, #tpu.memory_space<hbm>> -> memref<64xi32, #tpu.memory_space<hbm>>
    %dma_start3A_20 = tpu.memref_slice %arg3[%min3A_14] : memref<320000xi32, #tpu.memory_space<hbm>> -> memref<64xi32, #tpu.memory_space<hbm>>
    tpu.enqueue_dma source(%dma_start3A_20 : memref<64xi32, #tpu.memory_space<hbm>>) target(%arg16 : memref<64xi32, #tpu.memory_space<vmem>>) target_semaphore(%arg31 : memref<!tpu.dma_semaphore, #tpu.memory_space<semaphore_mem>>)
    %add3A_21 = arith.constant 128 : i32
    %add3A_22 = arith.addi %add3A, %add3A_21 : i32
    %min3A_23 = arith.constant 319936 : i32
    %min3A_24 = arith.minsi %add3A_22, %min3A_23 : i32
    %add3A_25 = arith.constant 0 : i32
    %add3A_26 = arith.addi %add3A_25, %min3A_24 : i32
    %dma_start3A_27 = tpu.memref_slice %arg2[%add3A_26] : memref<320000xi32, #tpu.memory_space<hbm>> -> memref<64xi32, #tpu.memory_space<hbm>>
    %dma_start3A_28 = tpu.memref_slice %arg2[%add3A_26] : memref<320000xi32, #tpu.memory_space<hbm>> -> memref<64xi32, #tpu.memory_space<hbm>>
    tpu.enqueue_dma source(%dma_start3A_28 : memref<64xi32, #tpu.memory_space<hbm>>) target(%arg9 : memref<64xi32, #tpu.memory_space<vmem>>) target_semaphore(%arg32 : memref<!tpu.dma_semaphore, #tpu.memory_space<semaphore_mem>>)
    %dma_start3A_29 = tpu.memref_slice %arg3[%min3A_24] : memref<320000xi32, #tpu.memory_space<hbm>> -> memref<64xi32, #tpu.memory_space<hbm>>
    %dma_start3A_30 = tpu.memref_slice %arg3[%min3A_24] : memref<320000xi32, #tpu.memory_space<hbm>> -> memref<64xi32, #tpu.memory_space<hbm>>
    tpu.enqueue_dma source(%dma_start3A_30 : memref<64xi32, #tpu.memory_space<hbm>>) target(%arg17 : memref<64xi32, #tpu.memory_space<vmem>>) target_semaphore(%arg32 : memref<!tpu.dma_semaphore, #tpu.memory_space<semaphore_mem>>)
    %add3A_31 = arith.constant 192 : i32
    %add3A_32 = arith.addi %add3A, %add3A_31 : i32
    %min3A_33 = arith.constant 319936 : i32
    %min3A_34 = arith.minsi %add3A_32, %min3A_33 : i32
    %add3A_35 = arith.constant 0 : i32
    %add3A_36 = arith.addi %add3A_35, %min3A_34 : i32
    %dma_start3A_37 = tpu.memref_slice %arg2[%add3A_36] : memref<320000xi32, #tpu.memory_space<hbm>> -> memref<64xi32, #tpu.memory_space<hbm>>
    %dma_start3A_38 = tpu.memref_slice %arg2[%add3A_36] : memref<320000xi32, #tpu.memory_space<hbm>> -> memref<64xi32, #tpu.memory_space<hbm>>
    tpu.enqueue_dma source(%dma_start3A_38 : memref<64xi32, #tpu.memory_space<hbm>>) target(%arg10 : memref<64xi32, #tpu.memory_space<vmem>>) target_semaphore(%arg33 : memref<!tpu.dma_semaphore, #tpu.memory_space<semaphore_mem>>)
    %dma_start3A_39 = tpu.memref_slice %arg3[%min3A_34] : memref<320000xi32, #tpu.memory_space<hbm>> -> memref<64xi32, #tpu.memory_space<hbm>>
    %dma_start3A_40 = tpu.memref_slice %arg3[%min3A_34] : memref<320000xi32, #tpu.memory_space<hbm>> -> memref<64xi32, #tpu.memory_space<hbm>>
    tpu.enqueue_dma source(%dma_start3A_40 : memref<64xi32, #tpu.memory_space<hbm>>) target(%arg18 : memref<64xi32, #tpu.memory_space<vmem>>) target_semaphore(%arg33 : memref<!tpu.dma_semaphore, #tpu.memory_space<semaphore_mem>>)
    %lt3A = arith.constant 15 : i32
    %lt3A_41 = arith.cmpi slt, %arg1, %lt3A : i32
    %convert_element_type3A = arith.extui %lt3A_41 : i1 to i32
    %cond3A = arith.constant 0 : i32
    %cond3A_42 = arith.cmpi ne, %convert_element_type3A, %cond3A : i32
    scf.if %cond3A_42 {
      %mul3A_266 = arith.constant 632 : i32
      %mul3A_267 = arith.muli %arg1, %mul3A_266 : i32
      %mul3A_268 = arith.constant 632 : i32
      %mul3A_269 = arith.muli %arg1, %mul3A_268 : i32
      "tpu.region"() ({
        %run_scoped3A = tpu.sem_alloc : memref<!tpu.dma_semaphore, #tpu.memory_space<semaphore_mem>>
        %dma_start3A_270 = arith.constant 0 : i32
        %dma_start3A_271 = tpu.memref_slice %arg29[%mul3A_269, %dma_start3A_270] : memref<10008x128xf32, #tpu.memory_space<vmem_shared>> -> memref<632x128xf32, #tpu.memory_space<vmem_shared>>
        %dma_start3A_272 = arith.constant 0 : i32
        %dma_start3A_273 = tpu.memref_slice %arg4[%mul3A_267, %dma_start3A_272] : memref<10008x128xf32, #tpu.memory_space<hbm>> -> memref<632x128xf32, #tpu.memory_space<hbm>>
        tpu.enqueue_dma source(%dma_start3A_273 : memref<632x128xf32, #tpu.memory_space<hbm>>) target(%dma_start3A_271 : memref<632x128xf32, #tpu.memory_space<vmem_shared>>) target_semaphore(%run_scoped3A : memref<!tpu.dma_semaphore, #tpu.memory_space<semaphore_mem>>)
        %dma_wait3A_274 = arith.constant 0 : i32
        %dma_wait3A_275 = tpu.memref_slice %arg29[%mul3A_269, %dma_wait3A_274] : memref<10008x128xf32, #tpu.memory_space<vmem_shared>> -> memref<632x128xf32, #tpu.memory_space<vmem_shared>>
        %dma_wait3A_276 = arith.constant 0 : i32
        %dma_wait3A_277 = tpu.memref_slice %arg4[%mul3A_267, %dma_wait3A_276] : memref<10008x128xf32, #tpu.memory_space<hbm>> -> memref<632x128xf32, #tpu.memory_space<hbm>>
        tpu.wait_dma2 semaphore(%run_scoped3A : memref<!tpu.dma_semaphore, #tpu.memory_space<semaphore_mem>>) src(%dma_wait3A_277 : memref<632x128xf32, #tpu.memory_space<hbm>>) dst(%dma_wait3A_275 : memref<632x128xf32, #tpu.memory_space<vmem_shared>>)
        tpu.yield
      }) : () -> ()
    } else {
    }
    %eq3A = arith.constant 15 : i32
    %eq3A_43 = arith.cmpi eq, %arg1, %eq3A : i32
    %convert_element_type3A_44 = arith.extui %eq3A_43 : i1 to i32
    %cond3A_45 = arith.constant 0 : i32
    %cond3A_46 = arith.cmpi ne, %convert_element_type3A_44, %cond3A_45 : i32
    scf.if %cond3A_46 {
      "tpu.region"() ({
        %run_scoped3A = tpu.sem_alloc : memref<!tpu.dma_semaphore, #tpu.memory_space<semaphore_mem>>
        %dma_start3A_266 = arith.constant 9480 : i32
        %dma_start3A_267 = arith.constant 0 : i32
        %dma_start3A_268 = tpu.memref_slice %arg29[%dma_start3A_266, %dma_start3A_267] : memref<10008x128xf32, #tpu.memory_space<vmem_shared>> -> memref<528x128xf32, #tpu.memory_space<vmem_shared>>
        %dma_start3A_269 = arith.constant 9480 : i32
        %dma_start3A_270 = arith.constant 0 : i32
        %dma_start3A_271 = tpu.memref_slice %arg4[%dma_start3A_269, %dma_start3A_270] : memref<10008x128xf32, #tpu.memory_space<hbm>> -> memref<528x128xf32, #tpu.memory_space<hbm>>
        tpu.enqueue_dma source(%dma_start3A_271 : memref<528x128xf32, #tpu.memory_space<hbm>>) target(%dma_start3A_268 : memref<528x128xf32, #tpu.memory_space<vmem_shared>>) target_semaphore(%run_scoped3A : memref<!tpu.dma_semaphore, #tpu.memory_space<semaphore_mem>>)
        %dma_wait3A_272 = arith.constant 9480 : i32
        %dma_wait3A_273 = arith.constant 0 : i32
        %dma_wait3A_274 = tpu.memref_slice %arg29[%dma_wait3A_272, %dma_wait3A_273] : memref<10008x128xf32, #tpu.memory_space<vmem_shared>> -> memref<528x128xf32, #tpu.memory_space<vmem_shared>>
        %dma_wait3A_275 = arith.constant 9480 : i32
        %dma_wait3A_276 = arith.constant 0 : i32
        %dma_wait3A_277 = tpu.memref_slice %arg4[%dma_wait3A_275, %dma_wait3A_276] : memref<10008x128xf32, #tpu.memory_space<hbm>> -> memref<528x128xf32, #tpu.memory_space<hbm>>
        tpu.wait_dma2 semaphore(%run_scoped3A : memref<!tpu.dma_semaphore, #tpu.memory_space<semaphore_mem>>) src(%dma_wait3A_277 : memref<528x128xf32, #tpu.memory_space<hbm>>) dst(%dma_wait3A_274 : memref<528x128xf32, #tpu.memory_space<vmem_shared>>)
        tpu.yield
      }) : () -> ()
    } else {
    }
    %barrier3A = arith.constant 0 : index
    tpu.barrier barrier_id(%barrier3A)
    %scan3A = arith.constant 0 : i32
    %scan3A_47 = arith.constant 0 : i32
    %scan3A_48 = arith.constant 19 : i32
    %scan3A_49 = arith.addi %scan3A_47, %scan3A_48 : i32
    %scan3A_50 = arith.constant 1 : i32
    scf.for %scan3A_266 = %scan3A_47 to %scan3A_49 step %scan3A_50  : i32 {
      %mul3A_267 = arith.constant 2 : i32
      %mul3A_268 = arith.muli %mul3A_267, %scan3A_266 : i32
      %mul3A_269 = arith.constant 256 : i32
      %mul3A_270 = arith.muli %mul3A_268, %mul3A_269 : i32
      %add3A_271 = arith.addi %add3A, %mul3A_270 : i32
      %gt3A = arith.constant 0 : i32
      %gt3A_272 = arith.cmpi sgt, %scan3A_266, %gt3A : i32
      %convert_element_type3A_273 = arith.extui %gt3A_272 : i1 to i32
      %cond3A_274 = arith.constant 0 : i32
      %cond3A_275 = arith.cmpi ne, %convert_element_type3A_273, %cond3A_274 : i32
      scf.if %cond3A_275 {
        %dma_wait3A_530 = arith.constant 0 : i32
        %dma_wait3A_531 = arith.constant 0 : i32
        %dma_wait3A_532 = tpu.memref_slice %arg29[%dma_wait3A_530, %dma_wait3A_531] : memref<10008x128xf32, #tpu.memory_space<vmem_shared>> -> memref<10008x128xf32, #tpu.memory_space<vmem_shared>>
        tpu.wait_indirect_dma semaphore(%arg42 : memref<!tpu.dma_semaphore, #tpu.memory_space<semaphore_mem>>) src(%arg23 : memref<64x128xf32, #tpu.memory_space<vmem>>) dst(%dma_wait3A_532 : memref<10008x128xf32, #tpu.memory_space<vmem_shared>>)
      } else {
      }
      %dma_wait3A_276 = arith.constant 0 : i32
      %dma_wait3A_277 = tpu.memref_slice %arg2[%dma_wait3A_276] : memref<320000xi32, #tpu.memory_space<hbm>> -> memref<64xi32, #tpu.memory_space<hbm>>
      %dma_wait3A_278 = arith.constant 0 : i32
      %dma_wait3A_279 = tpu.memref_slice %arg2[%dma_wait3A_278] : memref<320000xi32, #tpu.memory_space<hbm>> -> memref<64xi32, #tpu.memory_space<hbm>>
      tpu.wait_dma2 semaphore(%arg30 : memref<!tpu.dma_semaphore, #tpu.memory_space<semaphore_mem>>) src(%dma_wait3A_279 : memref<64xi32, #tpu.memory_space<hbm>>) dst(%arg7 : memref<64xi32, #tpu.memory_space<vmem>>)
      %dma_wait3A_280 = arith.constant 0 : i32
      %dma_wait3A_281 = tpu.memref_slice %arg3[%dma_wait3A_280] : memref<320000xi32, #tpu.memory_space<hbm>> -> memref<64xi32, #tpu.memory_space<hbm>>
      %dma_wait3A_282 = arith.constant 0 : i32
      %dma_wait3A_283 = tpu.memref_slice %arg3[%dma_wait3A_282] : memref<320000xi32, #tpu.memory_space<hbm>> -> memref<64xi32, #tpu.memory_space<hbm>>
      tpu.wait_dma2 semaphore(%arg30 : memref<!tpu.dma_semaphore, #tpu.memory_space<semaphore_mem>>) src(%dma_wait3A_283 : memref<64xi32, #tpu.memory_space<hbm>>) dst(%arg15 : memref<64xi32, #tpu.memory_space<vmem>>)
      %dma_start3A_284 = arith.constant 0 : i32
      %dma_start3A_285 = arith.constant 0 : i32
      %dma_start3A_286 = tpu.memref_slice %arg5[%dma_start3A_284, %dma_start3A_285] : memref<10000x128xf32, #tpu.memory_space<hbm>> -> memref<10000x128xf32, #tpu.memory_space<hbm>>
      tpu.enqueue_indirect_dma source(%dma_start3A_286 : memref<10000x128xf32, #tpu.memory_space<hbm>>) target(%arg23 : memref<64x128xf32, #tpu.memory_space<vmem>>) offsets(%arg7 : memref<64xi32, #tpu.memory_space<vmem>>) semaphore(%arg38 : memref<!tpu.dma_semaphore, #tpu.memory_space<semaphore_mem>>)
      %gt3A_287 = arith.constant 0 : i32
      %gt3A_288 = arith.cmpi sgt, %scan3A_266, %gt3A_287 : i32
      %convert_element_type3A_289 = arith.extui %gt3A_288 : i1 to i32
      %cond3A_290 = arith.constant 0 : i32
      %cond3A_291 = arith.cmpi ne, %convert_element_type3A_289, %cond3A_290 : i32
      scf.if %cond3A_291 {
        %dma_wait3A_530 = arith.constant 0 : i32
        %dma_wait3A_531 = arith.constant 0 : i32
        %dma_wait3A_532 = tpu.memref_slice %arg29[%dma_wait3A_530, %dma_wait3A_531] : memref<10008x128xf32, #tpu.memory_space<vmem_shared>> -> memref<10008x128xf32, #tpu.memory_space<vmem_shared>>
        tpu.wait_indirect_dma semaphore(%arg43 : memref<!tpu.dma_semaphore, #tpu.memory_space<semaphore_mem>>) src(%arg24 : memref<64x128xf32, #tpu.memory_space<vmem>>) dst(%dma_wait3A_532 : memref<10008x128xf32, #tpu.memory_space<vmem_shared>>)
      } else {
      }
      %dma_wait3A_292 = arith.constant 0 : i32
      %dma_wait3A_293 = tpu.memref_slice %arg2[%dma_wait3A_292] : memref<320000xi32, #tpu.memory_space<hbm>> -> memref<64xi32, #tpu.memory_space<hbm>>
      %dma_wait3A_294 = arith.constant 0 : i32
      %dma_wait3A_295 = tpu.memref_slice %arg2[%dma_wait3A_294] : memref<320000xi32, #tpu.memory_space<hbm>> -> memref<64xi32, #tpu.memory_space<hbm>>
      tpu.wait_dma2 semaphore(%arg31 : memref<!tpu.dma_semaphore, #tpu.memory_space<semaphore_mem>>) src(%dma_wait3A_295 : memref<64xi32, #tpu.memory_space<hbm>>) dst(%arg8 : memref<64xi32, #tpu.memory_space<vmem>>)
      %dma_wait3A_296 = arith.constant 0 : i32
      %dma_wait3A_297 = tpu.memref_slice %arg3[%dma_wait3A_296] : memref<320000xi32, #tpu.memory_space<hbm>> -> memref<64xi32, #tpu.memory_space<hbm>>
      %dma_wait3A_298 = arith.constant 0 : i32
      %dma_wait3A_299 = tpu.memref_slice %arg3[%dma_wait3A_298] : memref<320000xi32, #tpu.memory_space<hbm>> -> memref<64xi32, #tpu.memory_space<hbm>>
      tpu.wait_dma2 semaphore(%arg31 : memref<!tpu.dma_semaphore, #tpu.memory_space<semaphore_mem>>) src(%dma_wait3A_299 : memref<64xi32, #tpu.memory_space<hbm>>) dst(%arg16 : memref<64xi32, #tpu.memory_space<vmem>>)
      %dma_start3A_300 = arith.constant 0 : i32
      %dma_start3A_301 = arith.constant 0 : i32
      %dma_start3A_302 = tpu.memref_slice %arg5[%dma_start3A_300, %dma_start3A_301] : memref<10000x128xf32, #tpu.memory_space<hbm>> -> memref<10000x128xf32, #tpu.memory_space<hbm>>
      tpu.enqueue_indirect_dma source(%dma_start3A_302 : memref<10000x128xf32, #tpu.memory_space<hbm>>) target(%arg24 : memref<64x128xf32, #tpu.memory_space<vmem>>) offsets(%arg8 : memref<64xi32, #tpu.memory_space<vmem>>) semaphore(%arg39 : memref<!tpu.dma_semaphore, #tpu.memory_space<semaphore_mem>>)
      %gt3A_303 = arith.constant 0 : i32
      %gt3A_304 = arith.cmpi sgt, %scan3A_266, %gt3A_303 : i32
      %convert_element_type3A_305 = arith.extui %gt3A_304 : i1 to i32
      %cond3A_306 = arith.constant 0 : i32
      %cond3A_307 = arith.cmpi ne, %convert_element_type3A_305, %cond3A_306 : i32
      scf.if %cond3A_307 {
        %dma_wait3A_530 = arith.constant 0 : i32
        %dma_wait3A_531 = arith.constant 0 : i32
        %dma_wait3A_532 = tpu.memref_slice %arg29[%dma_wait3A_530, %dma_wait3A_531] : memref<10008x128xf32, #tpu.memory_space<vmem_shared>> -> memref<10008x128xf32, #tpu.memory_space<vmem_shared>>
        tpu.wait_indirect_dma semaphore(%arg44 : memref<!tpu.dma_semaphore, #tpu.memory_space<semaphore_mem>>) src(%arg25 : memref<64x128xf32, #tpu.memory_space<vmem>>) dst(%dma_wait3A_532 : memref<10008x128xf32, #tpu.memory_space<vmem_shared>>)
      } else {
      }
      %dma_wait3A_308 = arith.constant 0 : i32
      %dma_wait3A_309 = tpu.memref_slice %arg2[%dma_wait3A_308] : memref<320000xi32, #tpu.memory_space<hbm>> -> memref<64xi32, #tpu.memory_space<hbm>>
      %dma_wait3A_310 = arith.constant 0 : i32
      %dma_wait3A_311 = tpu.memref_slice %arg2[%dma_wait3A_310] : memref<320000xi32, #tpu.memory_space<hbm>> -> memref<64xi32, #tpu.memory_space<hbm>>
      tpu.wait_dma2 semaphore(%arg32 : memref<!tpu.dma_semaphore, #tpu.memory_space<semaphore_mem>>) src(%dma_wait3A_311 : memref<64xi32, #tpu.memory_space<hbm>>) dst(%arg9 : memref<64xi32, #tpu.memory_space<vmem>>)
      %dma_wait3A_312 = arith.constant 0 : i32
      %dma_wait3A_313 = tpu.memref_slice %arg3[%dma_wait3A_312] : memref<320000xi32, #tpu.memory_space<hbm>> -> memref<64xi32, #tpu.memory_space<hbm>>
      %dma_wait3A_314 = arith.constant 0 : i32
      %dma_wait3A_315 = tpu.memref_slice %arg3[%dma_wait3A_314] : memref<320000xi32, #tpu.memory_space<hbm>> -> memref<64xi32, #tpu.memory_space<hbm>>
      tpu.wait_dma2 semaphore(%arg32 : memref<!tpu.dma_semaphore, #tpu.memory_space<semaphore_mem>>) src(%dma_wait3A_315 : memref<64xi32, #tpu.memory_space<hbm>>) dst(%arg17 : memref<64xi32, #tpu.memory_space<vmem>>)
      %dma_start3A_316 = arith.constant 0 : i32
      %dma_start3A_317 = arith.constant 0 : i32
      %dma_start3A_318 = tpu.memref_slice %arg5[%dma_start3A_316, %dma_start3A_317] : memref<10000x128xf32, #tpu.memory_space<hbm>> -> memref<10000x128xf32, #tpu.memory_space<hbm>>
      tpu.enqueue_indirect_dma source(%dma_start3A_318 : memref<10000x128xf32, #tpu.memory_space<hbm>>) target(%arg25 : memref<64x128xf32, #tpu.memory_space<vmem>>) offsets(%arg9 : memref<64xi32, #tpu.memory_space<vmem>>) semaphore(%arg40 : memref<!tpu.dma_semaphore, #tpu.memory_space<semaphore_mem>>)
      %gt3A_319 = arith.constant 0 : i32
      %gt3A_320 = arith.cmpi sgt, %scan3A_266, %gt3A_319 : i32
      %convert_element_type3A_321 = arith.extui %gt3A_320 : i1 to i32
      %cond3A_322 = arith.constant 0 : i32
      %cond3A_323 = arith.cmpi ne, %convert_element_type3A_321, %cond3A_322 : i32
      scf.if %cond3A_323 {
        %dma_wait3A_530 = arith.constant 0 : i32
        %dma_wait3A_531 = arith.constant 0 : i32
        %dma_wait3A_532 = tpu.memref_slice %arg29[%dma_wait3A_530, %dma_wait3A_531] : memref<10008x128xf32, #tpu.memory_space<vmem_shared>> -> memref<10008x128xf32, #tpu.memory_space<vmem_shared>>
        tpu.wait_indirect_dma semaphore(%arg45 : memref<!tpu.dma_semaphore, #tpu.memory_space<semaphore_mem>>) src(%arg26 : memref<64x128xf32, #tpu.memory_space<vmem>>) dst(%dma_wait3A_532 : memref<10008x128xf32, #tpu.memory_space<vmem_shared>>)
      } else {
      }
      %dma_wait3A_324 = arith.constant 0 : i32
      %dma_wait3A_325 = tpu.memref_slice %arg2[%dma_wait3A_324] : memref<320000xi32, #tpu.memory_space<hbm>> -> memref<64xi32, #tpu.memory_space<hbm>>
      %dma_wait3A_326 = arith.constant 0 : i32
      %dma_wait3A_327 = tpu.memref_slice %arg2[%dma_wait3A_326] : memref<320000xi32, #tpu.memory_space<hbm>> -> memref<64xi32, #tpu.memory_space<hbm>>
      tpu.wait_dma2 semaphore(%arg33 : memref<!tpu.dma_semaphore, #tpu.memory_space<semaphore_mem>>) src(%dma_wait3A_327 : memref<64xi32, #tpu.memory_space<hbm>>) dst(%arg10 : memref<64xi32, #tpu.memory_space<vmem>>)
      %dma_wait3A_328 = arith.constant 0 : i32
      %dma_wait3A_329 = tpu.memref_slice %arg3[%dma_wait3A_328] : memref<320000xi32, #tpu.memory_space<hbm>> -> memref<64xi32, #tpu.memory_space<hbm>>
      %dma_wait3A_330 = arith.constant 0 : i32
      %dma_wait3A_331 = tpu.memref_slice %arg3[%dma_wait3A_330] : memref<320000xi32, #tpu.memory_space<hbm>> -> memref<64xi32, #tpu.memory_space<hbm>>
      tpu.wait_dma2 semaphore(%arg33 : memref<!tpu.dma_semaphore, #tpu.memory_space<semaphore_mem>>) src(%dma_wait3A_331 : memref<64xi32, #tpu.memory_space<hbm>>) dst(%arg18 : memref<64xi32, #tpu.memory_space<vmem>>)
      %dma_start3A_332 = arith.constant 0 : i32
      %dma_start3A_333 = arith.constant 0 : i32
      %dma_start3A_334 = tpu.memref_slice %arg5[%dma_start3A_332, %dma_start3A_333] : memref<10000x128xf32, #tpu.memory_space<hbm>> -> memref<10000x128xf32, #tpu.memory_space<hbm>>
      tpu.enqueue_indirect_dma source(%dma_start3A_334 : memref<10000x128xf32, #tpu.memory_space<hbm>>) target(%arg26 : memref<64x128xf32, #tpu.memory_space<vmem>>) offsets(%arg10 : memref<64xi32, #tpu.memory_space<vmem>>) semaphore(%arg41 : memref<!tpu.dma_semaphore, #tpu.memory_space<semaphore_mem>>)
      %add3A_335 = arith.constant 256 : i32
      %add3A_336 = arith.addi %add3A_271, %add3A_335 : i32
      %add3A_337 = arith.constant 0 : i32
      %add3A_338 = arith.addi %add3A_336, %add3A_337 : i32
      %min3A_339 = arith.constant 319936 : i32
      %min3A_340 = arith.minsi %add3A_338, %min3A_339 : i32
      %add3A_341 = arith.constant 0 : i32
      %add3A_342 = arith.addi %add3A_341, %min3A_340 : i32
      %dma_start3A_343 = tpu.memref_slice %arg2[%add3A_342] : memref<320000xi32, #tpu.memory_space<hbm>> -> memref<64xi32, #tpu.memory_space<hbm>>
      %dma_start3A_344 = tpu.memref_slice %arg2[%add3A_342] : memref<320000xi32, #tpu.memory_space<hbm>> -> memref<64xi32, #tpu.memory_space<hbm>>
      tpu.enqueue_dma source(%dma_start3A_344 : memref<64xi32, #tpu.memory_space<hbm>>) target(%arg11 : memref<64xi32, #tpu.memory_space<vmem>>) target_semaphore(%arg34 : memref<!tpu.dma_semaphore, #tpu.memory_space<semaphore_mem>>)
      %dma_start3A_345 = tpu.memref_slice %arg3[%min3A_340] : memref<320000xi32, #tpu.memory_space<hbm>> -> memref<64xi32, #tpu.memory_space<hbm>>
      %dma_start3A_346 = tpu.memref_slice %arg3[%min3A_340] : memref<320000xi32, #tpu.memory_space<hbm>> -> memref<64xi32, #tpu.memory_space<hbm>>
      tpu.enqueue_dma source(%dma_start3A_346 : memref<64xi32, #tpu.memory_space<hbm>>) target(%arg19 : memref<64xi32, #tpu.memory_space<vmem>>) target_semaphore(%arg34 : memref<!tpu.dma_semaphore, #tpu.memory_space<semaphore_mem>>)
      %add3A_347 = arith.constant 64 : i32
      %add3A_348 = arith.addi %add3A_336, %add3A_347 : i32
      %min3A_349 = arith.constant 319936 : i32
      %min3A_350 = arith.minsi %add3A_348, %min3A_349 : i32
      %add3A_351 = arith.constant 0 : i32
      %add3A_352 = arith.addi %add3A_351, %min3A_350 : i32
      %dma_start3A_353 = tpu.memref_slice %arg2[%add3A_352] : memref<320000xi32, #tpu.memory_space<hbm>> -> memref<64xi32, #tpu.memory_space<hbm>>
      %dma_start3A_354 = tpu.memref_slice %arg2[%add3A_352] : memref<320000xi32, #tpu.memory_space<hbm>> -> memref<64xi32, #tpu.memory_space<hbm>>
      tpu.enqueue_dma source(%dma_start3A_354 : memref<64xi32, #tpu.memory_space<hbm>>) target(%arg12 : memref<64xi32, #tpu.memory_space<vmem>>) target_semaphore(%arg35 : memref<!tpu.dma_semaphore, #tpu.memory_space<semaphore_mem>>)
      %dma_start3A_355 = tpu.memref_slice %arg3[%min3A_350] : memref<320000xi32, #tpu.memory_space<hbm>> -> memref<64xi32, #tpu.memory_space<hbm>>
      %dma_start3A_356 = tpu.memref_slice %arg3[%min3A_350] : memref<320000xi32, #tpu.memory_space<hbm>> -> memref<64xi32, #tpu.memory_space<hbm>>
      tpu.enqueue_dma source(%dma_start3A_356 : memref<64xi32, #tpu.memory_space<hbm>>) target(%arg20 : memref<64xi32, #tpu.memory_space<vmem>>) target_semaphore(%arg35 : memref<!tpu.dma_semaphore, #tpu.memory_space<semaphore_mem>>)
      %add3A_357 = arith.constant 128 : i32
      %add3A_358 = arith.addi %add3A_336, %add3A_357 : i32
      %min3A_359 = arith.constant 319936 : i32
      %min3A_360 = arith.minsi %add3A_358, %min3A_359 : i32
      %add3A_361 = arith.constant 0 : i32
      %add3A_362 = arith.addi %add3A_361, %min3A_360 : i32
      %dma_start3A_363 = tpu.memref_slice %arg2[%add3A_362] : memref<320000xi32, #tpu.memory_space<hbm>> -> memref<64xi32, #tpu.memory_space<hbm>>
      %dma_start3A_364 = tpu.memref_slice %arg2[%add3A_362] : memref<320000xi32, #tpu.memory_space<hbm>> -> memref<64xi32, #tpu.memory_space<hbm>>
      tpu.enqueue_dma source(%dma_start3A_364 : memref<64xi32, #tpu.memory_space<hbm>>) target(%arg13 : memref<64xi32, #tpu.memory_space<vmem>>) target_semaphore(%arg36 : memref<!tpu.dma_semaphore, #tpu.memory_space<semaphore_mem>>)
      %dma_start3A_365 = tpu.memref_slice %arg3[%min3A_360] : memref<320000xi32, #tpu.memory_space<hbm>> -> memref<64xi32, #tpu.memory_space<hbm>>
      %dma_start3A_366 = tpu.memref_slice %arg3[%min3A_360] : memref<320000xi32, #tpu.memory_space<hbm>> -> memref<64xi32, #tpu.memory_space<hbm>>
      tpu.enqueue_dma source(%dma_start3A_366 : memref<64xi32, #tpu.memory_space<hbm>>) target(%arg21 : memref<64xi32, #tpu.memory_space<vmem>>) target_semaphore(%arg36 : memref<!tpu.dma_semaphore, #tpu.memory_space<semaphore_mem>>)
      %add3A_367 = arith.constant 192 : i32
      %add3A_368 = arith.addi %add3A_336, %add3A_367 : i32
      %min3A_369 = arith.constant 319936 : i32
      %min3A_370 = arith.minsi %add3A_368, %min3A_369 : i32
      %add3A_371 = arith.constant 0 : i32
      %add3A_372 = arith.addi %add3A_371, %min3A_370 : i32
      %dma_start3A_373 = tpu.memref_slice %arg2[%add3A_372] : memref<320000xi32, #tpu.memory_space<hbm>> -> memref<64xi32, #tpu.memory_space<hbm>>
      %dma_start3A_374 = tpu.memref_slice %arg2[%add3A_372] : memref<320000xi32, #tpu.memory_space<hbm>> -> memref<64xi32, #tpu.memory_space<hbm>>
      tpu.enqueue_dma source(%dma_start3A_374 : memref<64xi32, #tpu.memory_space<hbm>>) target(%arg14 : memref<64xi32, #tpu.memory_space<vmem>>) target_semaphore(%arg37 : memref<!tpu.dma_semaphore, #tpu.memory_space<semaphore_mem>>)
      %dma_start3A_375 = tpu.memref_slice %arg3[%min3A_370] : memref<320000xi32, #tpu.memory_space<hbm>> -> memref<64xi32, #tpu.memory_space<hbm>>
      %dma_start3A_376 = tpu.memref_slice %arg3[%min3A_370] : memref<320000xi32, #tpu.memory_space<hbm>> -> memref<64xi32, #tpu.memory_space<hbm>>
      tpu.enqueue_dma source(%dma_start3A_376 : memref<64xi32, #tpu.memory_space<hbm>>) target(%arg22 : memref<64xi32, #tpu.memory_space<vmem>>) target_semaphore(%arg37 : memref<!tpu.dma_semaphore, #tpu.memory_space<semaphore_mem>>)
      %dma_wait3A_377 = arith.constant 0 : i32
      %dma_wait3A_378 = arith.constant 0 : i32
      %dma_wait3A_379 = tpu.memref_slice %arg5[%dma_wait3A_377, %dma_wait3A_378] : memref<10000x128xf32, #tpu.memory_space<hbm>> -> memref<10000x128xf32, #tpu.memory_space<hbm>>
      tpu.wait_indirect_dma semaphore(%arg38 : memref<!tpu.dma_semaphore, #tpu.memory_space<semaphore_mem>>) src(%dma_wait3A_379 : memref<10000x128xf32, #tpu.memory_space<hbm>>) dst(%arg23 : memref<64x128xf32, #tpu.memory_space<vmem>>)
      %dma_start3A_380 = arith.constant 0 : i32
      %dma_start3A_381 = arith.constant 0 : i32
      %dma_start3A_382 = tpu.memref_slice %arg29[%dma_start3A_380, %dma_start3A_381] : memref<10008x128xf32, #tpu.memory_space<vmem_shared>> -> memref<10008x128xf32, #tpu.memory_space<vmem_shared>>
      tpu.enqueue_indirect_dma source(%arg23 : memref<64x128xf32, #tpu.memory_space<vmem>>) target(%dma_start3A_382 : memref<10008x128xf32, #tpu.memory_space<vmem_shared>>) offsets(%arg15 : memref<64xi32, #tpu.memory_space<vmem>>) semaphore(%arg42 : memref<!tpu.dma_semaphore, #tpu.memory_space<semaphore_mem>>) {add = true}
      %dma_wait3A_383 = arith.constant 0 : i32
      %dma_wait3A_384 = arith.constant 0 : i32
      %dma_wait3A_385 = tpu.memref_slice %arg5[%dma_wait3A_383, %dma_wait3A_384] : memref<10000x128xf32, #tpu.memory_space<hbm>> -> memref<10000x128xf32, #tpu.memory_space<hbm>>
      tpu.wait_indirect_dma semaphore(%arg39 : memref<!tpu.dma_semaphore, #tpu.memory_space<semaphore_mem>>) src(%dma_wait3A_385 : memref<10000x128xf32, #tpu.memory_space<hbm>>) dst(%arg24 : memref<64x128xf32, #tpu.memory_space<vmem>>)
      %dma_start3A_386 = arith.constant 0 : i32
      %dma_start3A_387 = arith.constant 0 : i32
      %dma_start3A_388 = tpu.memref_slice %arg29[%dma_start3A_386, %dma_start3A_387] : memref<10008x128xf32, #tpu.memory_space<vmem_shared>> -> memref<10008x128xf32, #tpu.memory_space<vmem_shared>>
      tpu.enqueue_indirect_dma source(%arg24 : memref<64x128xf32, #tpu.memory_space<vmem>>) target(%dma_start3A_388 : memref<10008x128xf32, #tpu.memory_space<vmem_shared>>) offsets(%arg16 : memref<64xi32, #tpu.memory_space<vmem>>) semaphore(%arg43 : memref<!tpu.dma_semaphore, #tpu.memory_space<semaphore_mem>>) {add = true}
      %dma_wait3A_389 = arith.constant 0 : i32
      %dma_wait3A_390 = arith.constant 0 : i32
      %dma_wait3A_391 = tpu.memref_slice %arg5[%dma_wait3A_389, %dma_wait3A_390] : memref<10000x128xf32, #tpu.memory_space<hbm>> -> memref<10000x128xf32, #tpu.memory_space<hbm>>
      tpu.wait_indirect_dma semaphore(%arg40 : memref<!tpu.dma_semaphore, #tpu.memory_space<semaphore_mem>>) src(%dma_wait3A_391 : memref<10000x128xf32, #tpu.memory_space<hbm>>) dst(%arg25 : memref<64x128xf32, #tpu.memory_space<vmem>>)
      %dma_start3A_392 = arith.constant 0 : i32
      %dma_start3A_393 = arith.constant 0 : i32
      %dma_start3A_394 = tpu.memref_slice %arg29[%dma_start3A_392, %dma_start3A_393] : memref<10008x128xf32, #tpu.memory_space<vmem_shared>> -> memref<10008x128xf32, #tpu.memory_space<vmem_shared>>
      tpu.enqueue_indirect_dma source(%arg25 : memref<64x128xf32, #tpu.memory_space<vmem>>) target(%dma_start3A_394 : memref<10008x128xf32, #tpu.memory_space<vmem_shared>>) offsets(%arg17 : memref<64xi32, #tpu.memory_space<vmem>>) semaphore(%arg44 : memref<!tpu.dma_semaphore, #tpu.memory_space<semaphore_mem>>) {add = true}
      %dma_wait3A_395 = arith.constant 0 : i32
      %dma_wait3A_396 = arith.constant 0 : i32
      %dma_wait3A_397 = tpu.memref_slice %arg5[%dma_wait3A_395, %dma_wait3A_396] : memref<10000x128xf32, #tpu.memory_space<hbm>> -> memref<10000x128xf32, #tpu.memory_space<hbm>>
      tpu.wait_indirect_dma semaphore(%arg41 : memref<!tpu.dma_semaphore, #tpu.memory_space<semaphore_mem>>) src(%dma_wait3A_397 : memref<10000x128xf32, #tpu.memory_space<hbm>>) dst(%arg26 : memref<64x128xf32, #tpu.memory_space<vmem>>)
      %dma_start3A_398 = arith.constant 0 : i32
      %dma_start3A_399 = arith.constant 0 : i32
      %dma_start3A_400 = tpu.memref_slice %arg29[%dma_start3A_398, %dma_start3A_399] : memref<10008x128xf32, #tpu.memory_space<vmem_shared>> -> memref<10008x128xf32, #tpu.memory_space<vmem_shared>>
      tpu.enqueue_indirect_dma source(%arg26 : memref<64x128xf32, #tpu.memory_space<vmem>>) target(%dma_start3A_400 : memref<10008x128xf32, #tpu.memory_space<vmem_shared>>) offsets(%arg18 : memref<64xi32, #tpu.memory_space<vmem>>) semaphore(%arg45 : memref<!tpu.dma_semaphore, #tpu.memory_space<semaphore_mem>>) {add = true}
      %mul3A_401 = arith.constant 2 : i32
      %mul3A_402 = arith.muli %mul3A_401, %scan3A_266 : i32
      %add3A_403 = arith.constant 1 : i32
      %add3A_404 = arith.addi %mul3A_402, %add3A_403 : i32
      %mul3A_405 = arith.constant 256 : i32
      %mul3A_406 = arith.muli %add3A_404, %mul3A_405 : i32
      %add3A_407 = arith.addi %add3A, %mul3A_406 : i32
      %dma_wait3A_408 = arith.constant 0 : i32
      %dma_wait3A_409 = arith.constant 0 : i32
      %dma_wait3A_410 = tpu.memref_slice %arg29[%dma_wait3A_408, %dma_wait3A_409] : memref<10008x128xf32, #tpu.memory_space<vmem_shared>> -> memref<10008x128xf32, #tpu.memory_space<vmem_shared>>
      tpu.wait_indirect_dma semaphore(%arg42 : memref<!tpu.dma_semaphore, #tpu.memory_space<semaphore_mem>>) src(%arg23 : memref<64x128xf32, #tpu.memory_space<vmem>>) dst(%dma_wait3A_410 : memref<10008x128xf32, #tpu.memory_space<vmem_shared>>)
      %dma_wait3A_411 = arith.constant 0 : i32
      %dma_wait3A_412 = tpu.memref_slice %arg2[%dma_wait3A_411] : memref<320000xi32, #tpu.memory_space<hbm>> -> memref<64xi32, #tpu.memory_space<hbm>>
      %dma_wait3A_413 = arith.constant 0 : i32
      %dma_wait3A_414 = tpu.memref_slice %arg2[%dma_wait3A_413] : memref<320000xi32, #tpu.memory_space<hbm>> -> memref<64xi32, #tpu.memory_space<hbm>>
      tpu.wait_dma2 semaphore(%arg34 : memref<!tpu.dma_semaphore, #tpu.memory_space<semaphore_mem>>) src(%dma_wait3A_414 : memref<64xi32, #tpu.memory_space<hbm>>) dst(%arg11 : memref<64xi32, #tpu.memory_space<vmem>>)
      %dma_wait3A_415 = arith.constant 0 : i32
      %dma_wait3A_416 = tpu.memref_slice %arg3[%dma_wait3A_415] : memref<320000xi32, #tpu.memory_space<hbm>> -> memref<64xi32, #tpu.memory_space<hbm>>
      %dma_wait3A_417 = arith.constant 0 : i32
      %dma_wait3A_418 = tpu.memref_slice %arg3[%dma_wait3A_417] : memref<320000xi32, #tpu.memory_space<hbm>> -> memref<64xi32, #tpu.memory_space<hbm>>
      tpu.wait_dma2 semaphore(%arg34 : memref<!tpu.dma_semaphore, #tpu.memory_space<semaphore_mem>>) src(%dma_wait3A_418 : memref<64xi32, #tpu.memory_space<hbm>>) dst(%arg19 : memref<64xi32, #tpu.memory_space<vmem>>)
      %dma_start3A_419 = arith.constant 0 : i32
      %dma_start3A_420 = arith.constant 0 : i32
      %dma_start3A_421 = tpu.memref_slice %arg5[%dma_start3A_419, %dma_start3A_420] : memref<10000x128xf32, #tpu.memory_space<hbm>> -> memref<10000x128xf32, #tpu.memory_space<hbm>>
      tpu.enqueue_indirect_dma source(%dma_start3A_421 : memref<10000x128xf32, #tpu.memory_space<hbm>>) target(%arg23 : memref<64x128xf32, #tpu.memory_space<vmem>>) offsets(%arg11 : memref<64xi32, #tpu.memory_space<vmem>>) semaphore(%arg38 : memref<!tpu.dma_semaphore, #tpu.memory_space<semaphore_mem>>)
      %dma_wait3A_422 = arith.constant 0 : i32
      %dma_wait3A_423 = arith.constant 0 : i32
      %dma_wait3A_424 = tpu.memref_slice %arg29[%dma_wait3A_422, %dma_wait3A_423] : memref<10008x128xf32, #tpu.memory_space<vmem_shared>> -> memref<10008x128xf32, #tpu.memory_space<vmem_shared>>
      tpu.wait_indirect_dma semaphore(%arg43 : memref<!tpu.dma_semaphore, #tpu.memory_space<semaphore_mem>>) src(%arg24 : memref<64x128xf32, #tpu.memory_space<vmem>>) dst(%dma_wait3A_424 : memref<10008x128xf32, #tpu.memory_space<vmem_shared>>)
      %dma_wait3A_425 = arith.constant 0 : i32
      %dma_wait3A_426 = tpu.memref_slice %arg2[%dma_wait3A_425] : memref<320000xi32, #tpu.memory_space<hbm>> -> memref<64xi32, #tpu.memory_space<hbm>>
      %dma_wait3A_427 = arith.constant 0 : i32
      %dma_wait3A_428 = tpu.memref_slice %arg2[%dma_wait3A_427] : memref<320000xi32, #tpu.memory_space<hbm>> -> memref<64xi32, #tpu.memory_space<hbm>>
      tpu.wait_dma2 semaphore(%arg35 : memref<!tpu.dma_semaphore, #tpu.memory_space<semaphore_mem>>) src(%dma_wait3A_428 : memref<64xi32, #tpu.memory_space<hbm>>) dst(%arg12 : memref<64xi32, #tpu.memory_space<vmem>>)
      %dma_wait3A_429 = arith.constant 0 : i32
      %dma_wait3A_430 = tpu.memref_slice %arg3[%dma_wait3A_429] : memref<320000xi32, #tpu.memory_space<hbm>> -> memref<64xi32, #tpu.memory_space<hbm>>
      %dma_wait3A_431 = arith.constant 0 : i32
      %dma_wait3A_432 = tpu.memref_slice %arg3[%dma_wait3A_431] : memref<320000xi32, #tpu.memory_space<hbm>> -> memref<64xi32, #tpu.memory_space<hbm>>
      tpu.wait_dma2 semaphore(%arg35 : memref<!tpu.dma_semaphore, #tpu.memory_space<semaphore_mem>>) src(%dma_wait3A_432 : memref<64xi32, #tpu.memory_space<hbm>>) dst(%arg20 : memref<64xi32, #tpu.memory_space<vmem>>)
      %dma_start3A_433 = arith.constant 0 : i32
      %dma_start3A_434 = arith.constant 0 : i32
      %dma_start3A_435 = tpu.memref_slice %arg5[%dma_start3A_433, %dma_start3A_434] : memref<10000x128xf32, #tpu.memory_space<hbm>> -> memref<10000x128xf32, #tpu.memory_space<hbm>>
      tpu.enqueue_indirect_dma source(%dma_start3A_435 : memref<10000x128xf32, #tpu.memory_space<hbm>>) target(%arg24 : memref<64x128xf32, #tpu.memory_space<vmem>>) offsets(%arg12 : memref<64xi32, #tpu.memory_space<vmem>>) semaphore(%arg39 : memref<!tpu.dma_semaphore, #tpu.memory_space<semaphore_mem>>)
      %dma_wait3A_436 = arith.constant 0 : i32
      %dma_wait3A_437 = arith.constant 0 : i32
      %dma_wait3A_438 = tpu.memref_slice %arg29[%dma_wait3A_436, %dma_wait3A_437] : memref<10008x128xf32, #tpu.memory_space<vmem_shared>> -> memref<10008x128xf32, #tpu.memory_space<vmem_shared>>
      tpu.wait_indirect_dma semaphore(%arg44 : memref<!tpu.dma_semaphore, #tpu.memory_space<semaphore_mem>>) src(%arg25 : memref<64x128xf32, #tpu.memory_space<vmem>>) dst(%dma_wait3A_438 : memref<10008x128xf32, #tpu.memory_space<vmem_shared>>)
      %dma_wait3A_439 = arith.constant 0 : i32
      %dma_wait3A_440 = tpu.memref_slice %arg2[%dma_wait3A_439] : memref<320000xi32, #tpu.memory_space<hbm>> -> memref<64xi32, #tpu.memory_space<hbm>>
      %dma_wait3A_441 = arith.constant 0 : i32
      %dma_wait3A_442 = tpu.memref_slice %arg2[%dma_wait3A_441] : memref<320000xi32, #tpu.memory_space<hbm>> -> memref<64xi32, #tpu.memory_space<hbm>>
      tpu.wait_dma2 semaphore(%arg36 : memref<!tpu.dma_semaphore, #tpu.memory_space<semaphore_mem>>) src(%dma_wait3A_442 : memref<64xi32, #tpu.memory_space<hbm>>) dst(%arg13 : memref<64xi32, #tpu.memory_space<vmem>>)
      %dma_wait3A_443 = arith.constant 0 : i32
      %dma_wait3A_444 = tpu.memref_slice %arg3[%dma_wait3A_443] : memref<320000xi32, #tpu.memory_space<hbm>> -> memref<64xi32, #tpu.memory_space<hbm>>
      %dma_wait3A_445 = arith.constant 0 : i32
      %dma_wait3A_446 = tpu.memref_slice %arg3[%dma_wait3A_445] : memref<320000xi32, #tpu.memory_space<hbm>> -> memref<64xi32, #tpu.memory_space<hbm>>
      tpu.wait_dma2 semaphore(%arg36 : memref<!tpu.dma_semaphore, #tpu.memory_space<semaphore_mem>>) src(%dma_wait3A_446 : memref<64xi32, #tpu.memory_space<hbm>>) dst(%arg21 : memref<64xi32, #tpu.memory_space<vmem>>)
      %dma_start3A_447 = arith.constant 0 : i32
      %dma_start3A_448 = arith.constant 0 : i32
      %dma_start3A_449 = tpu.memref_slice %arg5[%dma_start3A_447, %dma_start3A_448] : memref<10000x128xf32, #tpu.memory_space<hbm>> -> memref<10000x128xf32, #tpu.memory_space<hbm>>
      tpu.enqueue_indirect_dma source(%dma_start3A_449 : memref<10000x128xf32, #tpu.memory_space<hbm>>) target(%arg25 : memref<64x128xf32, #tpu.memory_space<vmem>>) offsets(%arg13 : memref<64xi32, #tpu.memory_space<vmem>>) semaphore(%arg40 : memref<!tpu.dma_semaphore, #tpu.memory_space<semaphore_mem>>)
      %dma_wait3A_450 = arith.constant 0 : i32
      %dma_wait3A_451 = arith.constant 0 : i32
      %dma_wait3A_452 = tpu.memref_slice %arg29[%dma_wait3A_450, %dma_wait3A_451] : memref<10008x128xf32, #tpu.memory_space<vmem_shared>> -> memref<10008x128xf32, #tpu.memory_space<vmem_shared>>
      tpu.wait_indirect_dma semaphore(%arg45 : memref<!tpu.dma_semaphore, #tpu.memory_space<semaphore_mem>>) src(%arg26 : memref<64x128xf32, #tpu.memory_space<vmem>>) dst(%dma_wait3A_452 : memref<10008x128xf32, #tpu.memory_space<vmem_shared>>)
      %dma_wait3A_453 = arith.constant 0 : i32
      %dma_wait3A_454 = tpu.memref_slice %arg2[%dma_wait3A_453] : memref<320000xi32, #tpu.memory_space<hbm>> -> memref<64xi32, #tpu.memory_space<hbm>>
      %dma_wait3A_455 = arith.constant 0 : i32
      %dma_wait3A_456 = tpu.memref_slice %arg2[%dma_wait3A_455] : memref<320000xi32, #tpu.memory_space<hbm>> -> memref<64xi32, #tpu.memory_space<hbm>>
      tpu.wait_dma2 semaphore(%arg37 : memref<!tpu.dma_semaphore, #tpu.memory_space<semaphore_mem>>) src(%dma_wait3A_456 : memref<64xi32, #tpu.memory_space<hbm>>) dst(%arg14 : memref<64xi32, #tpu.memory_space<vmem>>)
      %dma_wait3A_457 = arith.constant 0 : i32
      %dma_wait3A_458 = tpu.memref_slice %arg3[%dma_wait3A_457] : memref<320000xi32, #tpu.memory_space<hbm>> -> memref<64xi32, #tpu.memory_space<hbm>>
      %dma_wait3A_459 = arith.constant 0 : i32
      %dma_wait3A_460 = tpu.memref_slice %arg3[%dma_wait3A_459] : memref<320000xi32, #tpu.memory_space<hbm>> -> memref<64xi32, #tpu.memory_space<hbm>>
      tpu.wait_dma2 semaphore(%arg37 : memref<!tpu.dma_semaphore, #tpu.memory_space<semaphore_mem>>) src(%dma_wait3A_460 : memref<64xi32, #tpu.memory_space<hbm>>) dst(%arg22 : memref<64xi32, #tpu.memory_space<vmem>>)
      %dma_start3A_461 = arith.constant 0 : i32
      %dma_start3A_462 = arith.constant 0 : i32
      %dma_start3A_463 = tpu.memref_slice %arg5[%dma_start3A_461, %dma_start3A_462] : memref<10000x128xf32, #tpu.memory_space<hbm>> -> memref<10000x128xf32, #tpu.memory_space<hbm>>
      tpu.enqueue_indirect_dma source(%dma_start3A_463 : memref<10000x128xf32, #tpu.memory_space<hbm>>) target(%arg26 : memref<64x128xf32, #tpu.memory_space<vmem>>) offsets(%arg14 : memref<64xi32, #tpu.memory_space<vmem>>) semaphore(%arg41 : memref<!tpu.dma_semaphore, #tpu.memory_space<semaphore_mem>>)
      %add3A_464 = arith.constant 256 : i32
      %add3A_465 = arith.addi %add3A_407, %add3A_464 : i32
      %add3A_466 = arith.constant 0 : i32
      %add3A_467 = arith.addi %add3A_465, %add3A_466 : i32
      %min3A_468 = arith.constant 319936 : i32
      %min3A_469 = arith.minsi %add3A_467, %min3A_468 : i32
      %add3A_470 = arith.constant 0 : i32
      %add3A_471 = arith.addi %add3A_470, %min3A_469 : i32
      %dma_start3A_472 = tpu.memref_slice %arg2[%add3A_471] : memref<320000xi32, #tpu.memory_space<hbm>> -> memref<64xi32, #tpu.memory_space<hbm>>
      %dma_start3A_473 = tpu.memref_slice %arg2[%add3A_471] : memref<320000xi32, #tpu.memory_space<hbm>> -> memref<64xi32, #tpu.memory_space<hbm>>
      tpu.enqueue_dma source(%dma_start3A_473 : memref<64xi32, #tpu.memory_space<hbm>>) target(%arg7 : memref<64xi32, #tpu.memory_space<vmem>>) target_semaphore(%arg30 : memref<!tpu.dma_semaphore, #tpu.memory_space<semaphore_mem>>)
      %dma_start3A_474 = tpu.memref_slice %arg3[%min3A_469] : memref<320000xi32, #tpu.memory_space<hbm>> -> memref<64xi32, #tpu.memory_space<hbm>>
      %dma_start3A_475 = tpu.memref_slice %arg3[%min3A_469] : memref<320000xi32, #tpu.memory_space<hbm>> -> memref<64xi32, #tpu.memory_space<hbm>>
      tpu.enqueue_dma source(%dma_start3A_475 : memref<64xi32, #tpu.memory_space<hbm>>) target(%arg15 : memref<64xi32, #tpu.memory_space<vmem>>) target_semaphore(%arg30 : memref<!tpu.dma_semaphore, #tpu.memory_space<semaphore_mem>>)
      %add3A_476 = arith.constant 64 : i32
      %add3A_477 = arith.addi %add3A_465, %add3A_476 : i32
      %min3A_478 = arith.constant 319936 : i32
      %min3A_479 = arith.minsi %add3A_477, %min3A_478 : i32
      %add3A_480 = arith.constant 0 : i32
      %add3A_481 = arith.addi %add3A_480, %min3A_479 : i32
      %dma_start3A_482 = tpu.memref_slice %arg2[%add3A_481] : memref<320000xi32, #tpu.memory_space<hbm>> -> memref<64xi32, #tpu.memory_space<hbm>>
      %dma_start3A_483 = tpu.memref_slice %arg2[%add3A_481] : memref<320000xi32, #tpu.memory_space<hbm>> -> memref<64xi32, #tpu.memory_space<hbm>>
      tpu.enqueue_dma source(%dma_start3A_483 : memref<64xi32, #tpu.memory_space<hbm>>) target(%arg8 : memref<64xi32, #tpu.memory_space<vmem>>) target_semaphore(%arg31 : memref<!tpu.dma_semaphore, #tpu.memory_space<semaphore_mem>>)
      %dma_start3A_484 = tpu.memref_slice %arg3[%min3A_479] : memref<320000xi32, #tpu.memory_space<hbm>> -> memref<64xi32, #tpu.memory_space<hbm>>
      %dma_start3A_485 = tpu.memref_slice %arg3[%min3A_479] : memref<320000xi32, #tpu.memory_space<hbm>> -> memref<64xi32, #tpu.memory_space<hbm>>
      tpu.enqueue_dma source(%dma_start3A_485 : memref<64xi32, #tpu.memory_space<hbm>>) target(%arg16 : memref<64xi32, #tpu.memory_space<vmem>>) target_semaphore(%arg31 : memref<!tpu.dma_semaphore, #tpu.memory_space<semaphore_mem>>)
      %add3A_486 = arith.constant 128 : i32
      %add3A_487 = arith.addi %add3A_465, %add3A_486 : i32
      %min3A_488 = arith.constant 319936 : i32
      %min3A_489 = arith.minsi %add3A_487, %min3A_488 : i32
      %add3A_490 = arith.constant 0 : i32
      %add3A_491 = arith.addi %add3A_490, %min3A_489 : i32
      %dma_start3A_492 = tpu.memref_slice %arg2[%add3A_491] : memref<320000xi32, #tpu.memory_space<hbm>> -> memref<64xi32, #tpu.memory_space<hbm>>
      %dma_start3A_493 = tpu.memref_slice %arg2[%add3A_491] : memref<320000xi32, #tpu.memory_space<hbm>> -> memref<64xi32, #tpu.memory_space<hbm>>
      tpu.enqueue_dma source(%dma_start3A_493 : memref<64xi32, #tpu.memory_space<hbm>>) target(%arg9 : memref<64xi32, #tpu.memory_space<vmem>>) target_semaphore(%arg32 : memref<!tpu.dma_semaphore, #tpu.memory_space<semaphore_mem>>)
      %dma_start3A_494 = tpu.memref_slice %arg3[%min3A_489] : memref<320000xi32, #tpu.memory_space<hbm>> -> memref<64xi32, #tpu.memory_space<hbm>>
      %dma_start3A_495 = tpu.memref_slice %arg3[%min3A_489] : memref<320000xi32, #tpu.memory_space<hbm>> -> memref<64xi32, #tpu.memory_space<hbm>>
      tpu.enqueue_dma source(%dma_start3A_495 : memref<64xi32, #tpu.memory_space<hbm>>) target(%arg17 : memref<64xi32, #tpu.memory_space<vmem>>) target_semaphore(%arg32 : memref<!tpu.dma_semaphore, #tpu.memory_space<semaphore_mem>>)
      %add3A_496 = arith.constant 192 : i32
      %add3A_497 = arith.addi %add3A_465, %add3A_496 : i32
      %min3A_498 = arith.constant 319936 : i32
      %min3A_499 = arith.minsi %add3A_497, %min3A_498 : i32
      %add3A_500 = arith.constant 0 : i32
      %add3A_501 = arith.addi %add3A_500, %min3A_499 : i32
      %dma_start3A_502 = tpu.memref_slice %arg2[%add3A_501] : memref<320000xi32, #tpu.memory_space<hbm>> -> memref<64xi32, #tpu.memory_space<hbm>>
      %dma_start3A_503 = tpu.memref_slice %arg2[%add3A_501] : memref<320000xi32, #tpu.memory_space<hbm>> -> memref<64xi32, #tpu.memory_space<hbm>>
      tpu.enqueue_dma source(%dma_start3A_503 : memref<64xi32, #tpu.memory_space<hbm>>) target(%arg10 : memref<64xi32, #tpu.memory_space<vmem>>) target_semaphore(%arg33 : memref<!tpu.dma_semaphore, #tpu.memory_space<semaphore_mem>>)
      %dma_start3A_504 = tpu.memref_slice %arg3[%min3A_499] : memref<320000xi32, #tpu.memory_space<hbm>> -> memref<64xi32, #tpu.memory_space<hbm>>
      %dma_start3A_505 = tpu.memref_slice %arg3[%min3A_499] : memref<320000xi32, #tpu.memory_space<hbm>> -> memref<64xi32, #tpu.memory_space<hbm>>
      tpu.enqueue_dma source(%dma_start3A_505 : memref<64xi32, #tpu.memory_space<hbm>>) target(%arg18 : memref<64xi32, #tpu.memory_space<vmem>>) target_semaphore(%arg33 : memref<!tpu.dma_semaphore, #tpu.memory_space<semaphore_mem>>)
      %dma_wait3A_506 = arith.constant 0 : i32
      %dma_wait3A_507 = arith.constant 0 : i32
      %dma_wait3A_508 = tpu.memref_slice %arg5[%dma_wait3A_506, %dma_wait3A_507] : memref<10000x128xf32, #tpu.memory_space<hbm>> -> memref<10000x128xf32, #tpu.memory_space<hbm>>
      tpu.wait_indirect_dma semaphore(%arg38 : memref<!tpu.dma_semaphore, #tpu.memory_space<semaphore_mem>>) src(%dma_wait3A_508 : memref<10000x128xf32, #tpu.memory_space<hbm>>) dst(%arg23 : memref<64x128xf32, #tpu.memory_space<vmem>>)
      %dma_start3A_509 = arith.constant 0 : i32
      %dma_start3A_510 = arith.constant 0 : i32
      %dma_start3A_511 = tpu.memref_slice %arg29[%dma_start3A_509, %dma_start3A_510] : memref<10008x128xf32, #tpu.memory_space<vmem_shared>> -> memref<10008x128xf32, #tpu.memory_space<vmem_shared>>
      tpu.enqueue_indirect_dma source(%arg23 : memref<64x128xf32, #tpu.memory_space<vmem>>) target(%dma_start3A_511 : memref<10008x128xf32, #tpu.memory_space<vmem_shared>>) offsets(%arg19 : memref<64xi32, #tpu.memory_space<vmem>>) semaphore(%arg42 : memref<!tpu.dma_semaphore, #tpu.memory_space<semaphore_mem>>) {add = true}
      %dma_wait3A_512 = arith.constant 0 : i32
      %dma_wait3A_513 = arith.constant 0 : i32
      %dma_wait3A_514 = tpu.memref_slice %arg5[%dma_wait3A_512, %dma_wait3A_513] : memref<10000x128xf32, #tpu.memory_space<hbm>> -> memref<10000x128xf32, #tpu.memory_space<hbm>>
      tpu.wait_indirect_dma semaphore(%arg39 : memref<!tpu.dma_semaphore, #tpu.memory_space<semaphore_mem>>) src(%dma_wait3A_514 : memref<10000x128xf32, #tpu.memory_space<hbm>>) dst(%arg24 : memref<64x128xf32, #tpu.memory_space<vmem>>)
      %dma_start3A_515 = arith.constant 0 : i32
      %dma_start3A_516 = arith.constant 0 : i32
      %dma_start3A_517 = tpu.memref_slice %arg29[%dma_start3A_515, %dma_start3A_516] : memref<10008x128xf32, #tpu.memory_space<vmem_shared>> -> memref<10008x128xf32, #tpu.memory_space<vmem_shared>>
      tpu.enqueue_indirect_dma source(%arg24 : memref<64x128xf32, #tpu.memory_space<vmem>>) target(%dma_start3A_517 : memref<10008x128xf32, #tpu.memory_space<vmem_shared>>) offsets(%arg20 : memref<64xi32, #tpu.memory_space<vmem>>) semaphore(%arg43 : memref<!tpu.dma_semaphore, #tpu.memory_space<semaphore_mem>>) {add = true}
      %dma_wait3A_518 = arith.constant 0 : i32
      %dma_wait3A_519 = arith.constant 0 : i32
      %dma_wait3A_520 = tpu.memref_slice %arg5[%dma_wait3A_518, %dma_wait3A_519] : memref<10000x128xf32, #tpu.memory_space<hbm>> -> memref<10000x128xf32, #tpu.memory_space<hbm>>
      tpu.wait_indirect_dma semaphore(%arg40 : memref<!tpu.dma_semaphore, #tpu.memory_space<semaphore_mem>>) src(%dma_wait3A_520 : memref<10000x128xf32, #tpu.memory_space<hbm>>) dst(%arg25 : memref<64x128xf32, #tpu.memory_space<vmem>>)
      %dma_start3A_521 = arith.constant 0 : i32
      %dma_start3A_522 = arith.constant 0 : i32
      %dma_start3A_523 = tpu.memref_slice %arg29[%dma_start3A_521, %dma_start3A_522] : memref<10008x128xf32, #tpu.memory_space<vmem_shared>> -> memref<10008x128xf32, #tpu.memory_space<vmem_shared>>
      tpu.enqueue_indirect_dma source(%arg25 : memref<64x128xf32, #tpu.memory_space<vmem>>) target(%dma_start3A_523 : memref<10008x128xf32, #tpu.memory_space<vmem_shared>>) offsets(%arg21 : memref<64xi32, #tpu.memory_space<vmem>>) semaphore(%arg44 : memref<!tpu.dma_semaphore, #tpu.memory_space<semaphore_mem>>) {add = true}
      %dma_wait3A_524 = arith.constant 0 : i32
      %dma_wait3A_525 = arith.constant 0 : i32
      %dma_wait3A_526 = tpu.memref_slice %arg5[%dma_wait3A_524, %dma_wait3A_525] : memref<10000x128xf32, #tpu.memory_space<hbm>> -> memref<10000x128xf32, #tpu.memory_space<hbm>>
      tpu.wait_indirect_dma semaphore(%arg41 : memref<!tpu.dma_semaphore, #tpu.memory_space<semaphore_mem>>) src(%dma_wait3A_526 : memref<10000x128xf32, #tpu.memory_space<hbm>>) dst(%arg26 : memref<64x128xf32, #tpu.memory_space<vmem>>)
      %dma_start3A_527 = arith.constant 0 : i32
      %dma_start3A_528 = arith.constant 0 : i32
      %dma_start3A_529 = tpu.memref_slice %arg29[%dma_start3A_527, %dma_start3A_528] : memref<10008x128xf32, #tpu.memory_space<vmem_shared>> -> memref<10008x128xf32, #tpu.memory_space<vmem_shared>>
      tpu.enqueue_indirect_dma source(%arg26 : memref<64x128xf32, #tpu.memory_space<vmem>>) target(%dma_start3A_529 : memref<10008x128xf32, #tpu.memory_space<vmem_shared>>) offsets(%arg22 : memref<64xi32, #tpu.memory_space<vmem>>) semaphore(%arg45 : memref<!tpu.dma_semaphore, #tpu.memory_space<semaphore_mem>>) {add = true}
    }
    %scan3A_51 = arith.constant 19 : i32
    %add3A_52 = arith.constant 9728 : i32
    %add3A_53 = arith.addi %add3A, %add3A_52 : i32
    %dma_wait3A = arith.constant 0 : i32
    %dma_wait3A_54 = arith.constant 0 : i32
    %dma_wait3A_55 = tpu.memref_slice %arg29[%dma_wait3A, %dma_wait3A_54] : memref<10008x128xf32, #tpu.memory_space<vmem_shared>> -> memref<10008x128xf32, #tpu.memory_space<vmem_shared>>
    tpu.wait_indirect_dma semaphore(%arg42 : memref<!tpu.dma_semaphore, #tpu.memory_space<semaphore_mem>>) src(%arg23 : memref<64x128xf32, #tpu.memory_space<vmem>>) dst(%dma_wait3A_55 : memref<10008x128xf32, #tpu.memory_space<vmem_shared>>)
    %dma_wait3A_56 = arith.constant 0 : i32
    %dma_wait3A_57 = tpu.memref_slice %arg2[%dma_wait3A_56] : memref<320000xi32, #tpu.memory_space<hbm>> -> memref<64xi32, #tpu.memory_space<hbm>>
    %dma_wait3A_58 = arith.constant 0 : i32
    %dma_wait3A_59 = tpu.memref_slice %arg2[%dma_wait3A_58] : memref<320000xi32, #tpu.memory_space<hbm>> -> memref<64xi32, #tpu.memory_space<hbm>>
    tpu.wait_dma2 semaphore(%arg30 : memref<!tpu.dma_semaphore, #tpu.memory_space<semaphore_mem>>) src(%dma_wait3A_59 : memref<64xi32, #tpu.memory_space<hbm>>) dst(%arg7 : memref<64xi32, #tpu.memory_space<vmem>>)
    %dma_wait3A_60 = arith.constant 0 : i32
    %dma_wait3A_61 = tpu.memref_slice %arg3[%dma_wait3A_60] : memref<320000xi32, #tpu.memory_space<hbm>> -> memref<64xi32, #tpu.memory_space<hbm>>
    %dma_wait3A_62 = arith.constant 0 : i32
    %dma_wait3A_63 = tpu.memref_slice %arg3[%dma_wait3A_62] : memref<320000xi32, #tpu.memory_space<hbm>> -> memref<64xi32, #tpu.memory_space<hbm>>
    tpu.wait_dma2 semaphore(%arg30 : memref<!tpu.dma_semaphore, #tpu.memory_space<semaphore_mem>>) src(%dma_wait3A_63 : memref<64xi32, #tpu.memory_space<hbm>>) dst(%arg15 : memref<64xi32, #tpu.memory_space<vmem>>)
    %dma_start3A_64 = arith.constant 0 : i32
    %dma_start3A_65 = arith.constant 0 : i32
    %dma_start3A_66 = tpu.memref_slice %arg5[%dma_start3A_64, %dma_start3A_65] : memref<10000x128xf32, #tpu.memory_space<hbm>> -> memref<10000x128xf32, #tpu.memory_space<hbm>>
    tpu.enqueue_indirect_dma source(%dma_start3A_66 : memref<10000x128xf32, #tpu.memory_space<hbm>>) target(%arg23 : memref<64x128xf32, #tpu.memory_space<vmem>>) offsets(%arg7 : memref<64xi32, #tpu.memory_space<vmem>>) semaphore(%arg38 : memref<!tpu.dma_semaphore, #tpu.memory_space<semaphore_mem>>)
    %dma_wait3A_67 = arith.constant 0 : i32
    %dma_wait3A_68 = arith.constant 0 : i32
    %dma_wait3A_69 = tpu.memref_slice %arg29[%dma_wait3A_67, %dma_wait3A_68] : memref<10008x128xf32, #tpu.memory_space<vmem_shared>> -> memref<10008x128xf32, #tpu.memory_space<vmem_shared>>
    tpu.wait_indirect_dma semaphore(%arg43 : memref<!tpu.dma_semaphore, #tpu.memory_space<semaphore_mem>>) src(%arg24 : memref<64x128xf32, #tpu.memory_space<vmem>>) dst(%dma_wait3A_69 : memref<10008x128xf32, #tpu.memory_space<vmem_shared>>)
    %dma_wait3A_70 = arith.constant 0 : i32
    %dma_wait3A_71 = tpu.memref_slice %arg2[%dma_wait3A_70] : memref<320000xi32, #tpu.memory_space<hbm>> -> memref<64xi32, #tpu.memory_space<hbm>>
    %dma_wait3A_72 = arith.constant 0 : i32
    %dma_wait3A_73 = tpu.memref_slice %arg2[%dma_wait3A_72] : memref<320000xi32, #tpu.memory_space<hbm>> -> memref<64xi32, #tpu.memory_space<hbm>>
    tpu.wait_dma2 semaphore(%arg31 : memref<!tpu.dma_semaphore, #tpu.memory_space<semaphore_mem>>) src(%dma_wait3A_73 : memref<64xi32, #tpu.memory_space<hbm>>) dst(%arg8 : memref<64xi32, #tpu.memory_space<vmem>>)
    %dma_wait3A_74 = arith.constant 0 : i32
    %dma_wait3A_75 = tpu.memref_slice %arg3[%dma_wait3A_74] : memref<320000xi32, #tpu.memory_space<hbm>> -> memref<64xi32, #tpu.memory_space<hbm>>
    %dma_wait3A_76 = arith.constant 0 : i32
    %dma_wait3A_77 = tpu.memref_slice %arg3[%dma_wait3A_76] : memref<320000xi32, #tpu.memory_space<hbm>> -> memref<64xi32, #tpu.memory_space<hbm>>
    tpu.wait_dma2 semaphore(%arg31 : memref<!tpu.dma_semaphore, #tpu.memory_space<semaphore_mem>>) src(%dma_wait3A_77 : memref<64xi32, #tpu.memory_space<hbm>>) dst(%arg16 : memref<64xi32, #tpu.memory_space<vmem>>)
    %dma_start3A_78 = arith.constant 0 : i32
    %dma_start3A_79 = arith.constant 0 : i32
    %dma_start3A_80 = tpu.memref_slice %arg5[%dma_start3A_78, %dma_start3A_79] : memref<10000x128xf32, #tpu.memory_space<hbm>> -> memref<10000x128xf32, #tpu.memory_space<hbm>>
    tpu.enqueue_indirect_dma source(%dma_start3A_80 : memref<10000x128xf32, #tpu.memory_space<hbm>>) target(%arg24 : memref<64x128xf32, #tpu.memory_space<vmem>>) offsets(%arg8 : memref<64xi32, #tpu.memory_space<vmem>>) semaphore(%arg39 : memref<!tpu.dma_semaphore, #tpu.memory_space<semaphore_mem>>)
    %dma_wait3A_81 = arith.constant 0 : i32
    %dma_wait3A_82 = arith.constant 0 : i32
    %dma_wait3A_83 = tpu.memref_slice %arg29[%dma_wait3A_81, %dma_wait3A_82] : memref<10008x128xf32, #tpu.memory_space<vmem_shared>> -> memref<10008x128xf32, #tpu.memory_space<vmem_shared>>
    tpu.wait_indirect_dma semaphore(%arg44 : memref<!tpu.dma_semaphore, #tpu.memory_space<semaphore_mem>>) src(%arg25 : memref<64x128xf32, #tpu.memory_space<vmem>>) dst(%dma_wait3A_83 : memref<10008x128xf32, #tpu.memory_space<vmem_shared>>)
    %dma_wait3A_84 = arith.constant 0 : i32
    %dma_wait3A_85 = tpu.memref_slice %arg2[%dma_wait3A_84] : memref<320000xi32, #tpu.memory_space<hbm>> -> memref<64xi32, #tpu.memory_space<hbm>>
    %dma_wait3A_86 = arith.constant 0 : i32
    %dma_wait3A_87 = tpu.memref_slice %arg2[%dma_wait3A_86] : memref<320000xi32, #tpu.memory_space<hbm>> -> memref<64xi32, #tpu.memory_space<hbm>>
    tpu.wait_dma2 semaphore(%arg32 : memref<!tpu.dma_semaphore, #tpu.memory_space<semaphore_mem>>) src(%dma_wait3A_87 : memref<64xi32, #tpu.memory_space<hbm>>) dst(%arg9 : memref<64xi32, #tpu.memory_space<vmem>>)
    %dma_wait3A_88 = arith.constant 0 : i32
    %dma_wait3A_89 = tpu.memref_slice %arg3[%dma_wait3A_88] : memref<320000xi32, #tpu.memory_space<hbm>> -> memref<64xi32, #tpu.memory_space<hbm>>
    %dma_wait3A_90 = arith.constant 0 : i32
    %dma_wait3A_91 = tpu.memref_slice %arg3[%dma_wait3A_90] : memref<320000xi32, #tpu.memory_space<hbm>> -> memref<64xi32, #tpu.memory_space<hbm>>
    tpu.wait_dma2 semaphore(%arg32 : memref<!tpu.dma_semaphore, #tpu.memory_space<semaphore_mem>>) src(%dma_wait3A_91 : memref<64xi32, #tpu.memory_space<hbm>>) dst(%arg17 : memref<64xi32, #tpu.memory_space<vmem>>)
    %dma_start3A_92 = arith.constant 0 : i32
    %dma_start3A_93 = arith.constant 0 : i32
    %dma_start3A_94 = tpu.memref_slice %arg5[%dma_start3A_92, %dma_start3A_93] : memref<10000x128xf32, #tpu.memory_space<hbm>> -> memref<10000x128xf32, #tpu.memory_space<hbm>>
    tpu.enqueue_indirect_dma source(%dma_start3A_94 : memref<10000x128xf32, #tpu.memory_space<hbm>>) target(%arg25 : memref<64x128xf32, #tpu.memory_space<vmem>>) offsets(%arg9 : memref<64xi32, #tpu.memory_space<vmem>>) semaphore(%arg40 : memref<!tpu.dma_semaphore, #tpu.memory_space<semaphore_mem>>)
    %dma_wait3A_95 = arith.constant 0 : i32
    %dma_wait3A_96 = arith.constant 0 : i32
    %dma_wait3A_97 = tpu.memref_slice %arg29[%dma_wait3A_95, %dma_wait3A_96] : memref<10008x128xf32, #tpu.memory_space<vmem_shared>> -> memref<10008x128xf32, #tpu.memory_space<vmem_shared>>
    tpu.wait_indirect_dma semaphore(%arg45 : memref<!tpu.dma_semaphore, #tpu.memory_space<semaphore_mem>>) src(%arg26 : memref<64x128xf32, #tpu.memory_space<vmem>>) dst(%dma_wait3A_97 : memref<10008x128xf32, #tpu.memory_space<vmem_shared>>)
    %dma_wait3A_98 = arith.constant 0 : i32
    %dma_wait3A_99 = tpu.memref_slice %arg2[%dma_wait3A_98] : memref<320000xi32, #tpu.memory_space<hbm>> -> memref<64xi32, #tpu.memory_space<hbm>>
    %dma_wait3A_100 = arith.constant 0 : i32
    %dma_wait3A_101 = tpu.memref_slice %arg2[%dma_wait3A_100] : memref<320000xi32, #tpu.memory_space<hbm>> -> memref<64xi32, #tpu.memory_space<hbm>>
    tpu.wait_dma2 semaphore(%arg33 : memref<!tpu.dma_semaphore, #tpu.memory_space<semaphore_mem>>) src(%dma_wait3A_101 : memref<64xi32, #tpu.memory_space<hbm>>) dst(%arg10 : memref<64xi32, #tpu.memory_space<vmem>>)
    %dma_wait3A_102 = arith.constant 0 : i32
    %dma_wait3A_103 = tpu.memref_slice %arg3[%dma_wait3A_102] : memref<320000xi32, #tpu.memory_space<hbm>> -> memref<64xi32, #tpu.memory_space<hbm>>
    %dma_wait3A_104 = arith.constant 0 : i32
    %dma_wait3A_105 = tpu.memref_slice %arg3[%dma_wait3A_104] : memref<320000xi32, #tpu.memory_space<hbm>> -> memref<64xi32, #tpu.memory_space<hbm>>
    tpu.wait_dma2 semaphore(%arg33 : memref<!tpu.dma_semaphore, #tpu.memory_space<semaphore_mem>>) src(%dma_wait3A_105 : memref<64xi32, #tpu.memory_space<hbm>>) dst(%arg18 : memref<64xi32, #tpu.memory_space<vmem>>)
    %dma_start3A_106 = arith.constant 0 : i32
    %dma_start3A_107 = arith.constant 0 : i32
    %dma_start3A_108 = tpu.memref_slice %arg5[%dma_start3A_106, %dma_start3A_107] : memref<10000x128xf32, #tpu.memory_space<hbm>> -> memref<10000x128xf32, #tpu.memory_space<hbm>>
    tpu.enqueue_indirect_dma source(%dma_start3A_108 : memref<10000x128xf32, #tpu.memory_space<hbm>>) target(%arg26 : memref<64x128xf32, #tpu.memory_space<vmem>>) offsets(%arg10 : memref<64xi32, #tpu.memory_space<vmem>>) semaphore(%arg41 : memref<!tpu.dma_semaphore, #tpu.memory_space<semaphore_mem>>)
    %add3A_109 = arith.constant 256 : i32
    %add3A_110 = arith.addi %add3A_53, %add3A_109 : i32
    %add3A_111 = arith.constant 0 : i32
    %add3A_112 = arith.addi %add3A_110, %add3A_111 : i32
    %min3A_113 = arith.constant 319936 : i32
    %min3A_114 = arith.minsi %add3A_112, %min3A_113 : i32
    %add3A_115 = arith.constant 0 : i32
    %add3A_116 = arith.addi %add3A_115, %min3A_114 : i32
    %dma_start3A_117 = tpu.memref_slice %arg2[%add3A_116] : memref<320000xi32, #tpu.memory_space<hbm>> -> memref<64xi32, #tpu.memory_space<hbm>>
    %dma_start3A_118 = tpu.memref_slice %arg2[%add3A_116] : memref<320000xi32, #tpu.memory_space<hbm>> -> memref<64xi32, #tpu.memory_space<hbm>>
    tpu.enqueue_dma source(%dma_start3A_118 : memref<64xi32, #tpu.memory_space<hbm>>) target(%arg11 : memref<64xi32, #tpu.memory_space<vmem>>) target_semaphore(%arg34 : memref<!tpu.dma_semaphore, #tpu.memory_space<semaphore_mem>>)
    %dma_start3A_119 = tpu.memref_slice %arg3[%min3A_114] : memref<320000xi32, #tpu.memory_space<hbm>> -> memref<64xi32, #tpu.memory_space<hbm>>
    %dma_start3A_120 = tpu.memref_slice %arg3[%min3A_114] : memref<320000xi32, #tpu.memory_space<hbm>> -> memref<64xi32, #tpu.memory_space<hbm>>
    tpu.enqueue_dma source(%dma_start3A_120 : memref<64xi32, #tpu.memory_space<hbm>>) target(%arg19 : memref<64xi32, #tpu.memory_space<vmem>>) target_semaphore(%arg34 : memref<!tpu.dma_semaphore, #tpu.memory_space<semaphore_mem>>)
    %add3A_121 = arith.constant 64 : i32
    %add3A_122 = arith.addi %add3A_110, %add3A_121 : i32
    %min3A_123 = arith.constant 319936 : i32
    %min3A_124 = arith.minsi %add3A_122, %min3A_123 : i32
    %add3A_125 = arith.constant 0 : i32
    %add3A_126 = arith.addi %add3A_125, %min3A_124 : i32
    %dma_start3A_127 = tpu.memref_slice %arg2[%add3A_126] : memref<320000xi32, #tpu.memory_space<hbm>> -> memref<64xi32, #tpu.memory_space<hbm>>
    %dma_start3A_128 = tpu.memref_slice %arg2[%add3A_126] : memref<320000xi32, #tpu.memory_space<hbm>> -> memref<64xi32, #tpu.memory_space<hbm>>
    tpu.enqueue_dma source(%dma_start3A_128 : memref<64xi32, #tpu.memory_space<hbm>>) target(%arg12 : memref<64xi32, #tpu.memory_space<vmem>>) target_semaphore(%arg35 : memref<!tpu.dma_semaphore, #tpu.memory_space<semaphore_mem>>)
    %dma_start3A_129 = tpu.memref_slice %arg3[%min3A_124] : memref<320000xi32, #tpu.memory_space<hbm>> -> memref<64xi32, #tpu.memory_space<hbm>>
    %dma_start3A_130 = tpu.memref_slice %arg3[%min3A_124] : memref<320000xi32, #tpu.memory_space<hbm>> -> memref<64xi32, #tpu.memory_space<hbm>>
    tpu.enqueue_dma source(%dma_start3A_130 : memref<64xi32, #tpu.memory_space<hbm>>) target(%arg20 : memref<64xi32, #tpu.memory_space<vmem>>) target_semaphore(%arg35 : memref<!tpu.dma_semaphore, #tpu.memory_space<semaphore_mem>>)
    %add3A_131 = arith.constant 128 : i32
    %add3A_132 = arith.addi %add3A_110, %add3A_131 : i32
    %min3A_133 = arith.constant 319936 : i32
    %min3A_134 = arith.minsi %add3A_132, %min3A_133 : i32
    %add3A_135 = arith.constant 0 : i32
    %add3A_136 = arith.addi %add3A_135, %min3A_134 : i32
    %dma_start3A_137 = tpu.memref_slice %arg2[%add3A_136] : memref<320000xi32, #tpu.memory_space<hbm>> -> memref<64xi32, #tpu.memory_space<hbm>>
    %dma_start3A_138 = tpu.memref_slice %arg2[%add3A_136] : memref<320000xi32, #tpu.memory_space<hbm>> -> memref<64xi32, #tpu.memory_space<hbm>>
    tpu.enqueue_dma source(%dma_start3A_138 : memref<64xi32, #tpu.memory_space<hbm>>) target(%arg13 : memref<64xi32, #tpu.memory_space<vmem>>) target_semaphore(%arg36 : memref<!tpu.dma_semaphore, #tpu.memory_space<semaphore_mem>>)
    %dma_start3A_139 = tpu.memref_slice %arg3[%min3A_134] : memref<320000xi32, #tpu.memory_space<hbm>> -> memref<64xi32, #tpu.memory_space<hbm>>
    %dma_start3A_140 = tpu.memref_slice %arg3[%min3A_134] : memref<320000xi32, #tpu.memory_space<hbm>> -> memref<64xi32, #tpu.memory_space<hbm>>
    tpu.enqueue_dma source(%dma_start3A_140 : memref<64xi32, #tpu.memory_space<hbm>>) target(%arg21 : memref<64xi32, #tpu.memory_space<vmem>>) target_semaphore(%arg36 : memref<!tpu.dma_semaphore, #tpu.memory_space<semaphore_mem>>)
    %add3A_141 = arith.constant 192 : i32
    %add3A_142 = arith.addi %add3A_110, %add3A_141 : i32
    %min3A_143 = arith.constant 319936 : i32
    %min3A_144 = arith.minsi %add3A_142, %min3A_143 : i32
    %add3A_145 = arith.constant 0 : i32
    %add3A_146 = arith.addi %add3A_145, %min3A_144 : i32
    %dma_start3A_147 = tpu.memref_slice %arg2[%add3A_146] : memref<320000xi32, #tpu.memory_space<hbm>> -> memref<64xi32, #tpu.memory_space<hbm>>
    %dma_start3A_148 = tpu.memref_slice %arg2[%add3A_146] : memref<320000xi32, #tpu.memory_space<hbm>> -> memref<64xi32, #tpu.memory_space<hbm>>
    tpu.enqueue_dma source(%dma_start3A_148 : memref<64xi32, #tpu.memory_space<hbm>>) target(%arg14 : memref<64xi32, #tpu.memory_space<vmem>>) target_semaphore(%arg37 : memref<!tpu.dma_semaphore, #tpu.memory_space<semaphore_mem>>)
    %dma_start3A_149 = tpu.memref_slice %arg3[%min3A_144] : memref<320000xi32, #tpu.memory_space<hbm>> -> memref<64xi32, #tpu.memory_space<hbm>>
    %dma_start3A_150 = tpu.memref_slice %arg3[%min3A_144] : memref<320000xi32, #tpu.memory_space<hbm>> -> memref<64xi32, #tpu.memory_space<hbm>>
    tpu.enqueue_dma source(%dma_start3A_150 : memref<64xi32, #tpu.memory_space<hbm>>) target(%arg22 : memref<64xi32, #tpu.memory_space<vmem>>) target_semaphore(%arg37 : memref<!tpu.dma_semaphore, #tpu.memory_space<semaphore_mem>>)
    %dma_wait3A_151 = arith.constant 0 : i32
    %dma_wait3A_152 = arith.constant 0 : i32
    %dma_wait3A_153 = tpu.memref_slice %arg5[%dma_wait3A_151, %dma_wait3A_152] : memref<10000x128xf32, #tpu.memory_space<hbm>> -> memref<10000x128xf32, #tpu.memory_space<hbm>>
    tpu.wait_indirect_dma semaphore(%arg38 : memref<!tpu.dma_semaphore, #tpu.memory_space<semaphore_mem>>) src(%dma_wait3A_153 : memref<10000x128xf32, #tpu.memory_space<hbm>>) dst(%arg23 : memref<64x128xf32, #tpu.memory_space<vmem>>)
    %dma_start3A_154 = arith.constant 0 : i32
    %dma_start3A_155 = arith.constant 0 : i32
    %dma_start3A_156 = tpu.memref_slice %arg29[%dma_start3A_154, %dma_start3A_155] : memref<10008x128xf32, #tpu.memory_space<vmem_shared>> -> memref<10008x128xf32, #tpu.memory_space<vmem_shared>>
    tpu.enqueue_indirect_dma source(%arg23 : memref<64x128xf32, #tpu.memory_space<vmem>>) target(%dma_start3A_156 : memref<10008x128xf32, #tpu.memory_space<vmem_shared>>) offsets(%arg15 : memref<64xi32, #tpu.memory_space<vmem>>) semaphore(%arg42 : memref<!tpu.dma_semaphore, #tpu.memory_space<semaphore_mem>>) {add = true}
    %dma_wait3A_157 = arith.constant 0 : i32
    %dma_wait3A_158 = arith.constant 0 : i32
    %dma_wait3A_159 = tpu.memref_slice %arg5[%dma_wait3A_157, %dma_wait3A_158] : memref<10000x128xf32, #tpu.memory_space<hbm>> -> memref<10000x128xf32, #tpu.memory_space<hbm>>
    tpu.wait_indirect_dma semaphore(%arg39 : memref<!tpu.dma_semaphore, #tpu.memory_space<semaphore_mem>>) src(%dma_wait3A_159 : memref<10000x128xf32, #tpu.memory_space<hbm>>) dst(%arg24 : memref<64x128xf32, #tpu.memory_space<vmem>>)
    %dma_start3A_160 = arith.constant 0 : i32
    %dma_start3A_161 = arith.constant 0 : i32
    %dma_start3A_162 = tpu.memref_slice %arg29[%dma_start3A_160, %dma_start3A_161] : memref<10008x128xf32, #tpu.memory_space<vmem_shared>> -> memref<10008x128xf32, #tpu.memory_space<vmem_shared>>
    tpu.enqueue_indirect_dma source(%arg24 : memref<64x128xf32, #tpu.memory_space<vmem>>) target(%dma_start3A_162 : memref<10008x128xf32, #tpu.memory_space<vmem_shared>>) offsets(%arg16 : memref<64xi32, #tpu.memory_space<vmem>>) semaphore(%arg43 : memref<!tpu.dma_semaphore, #tpu.memory_space<semaphore_mem>>) {add = true}
    %dma_wait3A_163 = arith.constant 0 : i32
    %dma_wait3A_164 = arith.constant 0 : i32
    %dma_wait3A_165 = tpu.memref_slice %arg5[%dma_wait3A_163, %dma_wait3A_164] : memref<10000x128xf32, #tpu.memory_space<hbm>> -> memref<10000x128xf32, #tpu.memory_space<hbm>>
    tpu.wait_indirect_dma semaphore(%arg40 : memref<!tpu.dma_semaphore, #tpu.memory_space<semaphore_mem>>) src(%dma_wait3A_165 : memref<10000x128xf32, #tpu.memory_space<hbm>>) dst(%arg25 : memref<64x128xf32, #tpu.memory_space<vmem>>)
    %dma_start3A_166 = arith.constant 0 : i32
    %dma_start3A_167 = arith.constant 0 : i32
    %dma_start3A_168 = tpu.memref_slice %arg29[%dma_start3A_166, %dma_start3A_167] : memref<10008x128xf32, #tpu.memory_space<vmem_shared>> -> memref<10008x128xf32, #tpu.memory_space<vmem_shared>>
    tpu.enqueue_indirect_dma source(%arg25 : memref<64x128xf32, #tpu.memory_space<vmem>>) target(%dma_start3A_168 : memref<10008x128xf32, #tpu.memory_space<vmem_shared>>) offsets(%arg17 : memref<64xi32, #tpu.memory_space<vmem>>) semaphore(%arg44 : memref<!tpu.dma_semaphore, #tpu.memory_space<semaphore_mem>>) {add = true}
    %dma_wait3A_169 = arith.constant 0 : i32
    %dma_wait3A_170 = arith.constant 0 : i32
    %dma_wait3A_171 = tpu.memref_slice %arg5[%dma_wait3A_169, %dma_wait3A_170] : memref<10000x128xf32, #tpu.memory_space<hbm>> -> memref<10000x128xf32, #tpu.memory_space<hbm>>
    tpu.wait_indirect_dma semaphore(%arg41 : memref<!tpu.dma_semaphore, #tpu.memory_space<semaphore_mem>>) src(%dma_wait3A_171 : memref<10000x128xf32, #tpu.memory_space<hbm>>) dst(%arg26 : memref<64x128xf32, #tpu.memory_space<vmem>>)
    %dma_start3A_172 = arith.constant 0 : i32
    %dma_start3A_173 = arith.constant 0 : i32
    %dma_start3A_174 = tpu.memref_slice %arg29[%dma_start3A_172, %dma_start3A_173] : memref<10008x128xf32, #tpu.memory_space<vmem_shared>> -> memref<10008x128xf32, #tpu.memory_space<vmem_shared>>
    tpu.enqueue_indirect_dma source(%arg26 : memref<64x128xf32, #tpu.memory_space<vmem>>) target(%dma_start3A_174 : memref<10008x128xf32, #tpu.memory_space<vmem_shared>>) offsets(%arg18 : memref<64xi32, #tpu.memory_space<vmem>>) semaphore(%arg45 : memref<!tpu.dma_semaphore, #tpu.memory_space<semaphore_mem>>) {add = true}
    %dma_wait3A_175 = arith.constant 0 : i32
    %dma_wait3A_176 = arith.constant 0 : i32
    %dma_wait3A_177 = tpu.memref_slice %arg29[%dma_wait3A_175, %dma_wait3A_176] : memref<10008x128xf32, #tpu.memory_space<vmem_shared>> -> memref<10008x128xf32, #tpu.memory_space<vmem_shared>>
    tpu.wait_indirect_dma semaphore(%arg42 : memref<!tpu.dma_semaphore, #tpu.memory_space<semaphore_mem>>) src(%arg23 : memref<64x128xf32, #tpu.memory_space<vmem>>) dst(%dma_wait3A_177 : memref<10008x128xf32, #tpu.memory_space<vmem_shared>>)
    %dma_wait3A_178 = arith.constant 0 : i32
    %dma_wait3A_179 = arith.constant 0 : i32
    %dma_wait3A_180 = tpu.memref_slice %arg29[%dma_wait3A_178, %dma_wait3A_179] : memref<10008x128xf32, #tpu.memory_space<vmem_shared>> -> memref<10008x128xf32, #tpu.memory_space<vmem_shared>>
    tpu.wait_indirect_dma semaphore(%arg43 : memref<!tpu.dma_semaphore, #tpu.memory_space<semaphore_mem>>) src(%arg24 : memref<64x128xf32, #tpu.memory_space<vmem>>) dst(%dma_wait3A_180 : memref<10008x128xf32, #tpu.memory_space<vmem_shared>>)
    %dma_wait3A_181 = arith.constant 0 : i32
    %dma_wait3A_182 = arith.constant 0 : i32
    %dma_wait3A_183 = tpu.memref_slice %arg29[%dma_wait3A_181, %dma_wait3A_182] : memref<10008x128xf32, #tpu.memory_space<vmem_shared>> -> memref<10008x128xf32, #tpu.memory_space<vmem_shared>>
    tpu.wait_indirect_dma semaphore(%arg44 : memref<!tpu.dma_semaphore, #tpu.memory_space<semaphore_mem>>) src(%arg25 : memref<64x128xf32, #tpu.memory_space<vmem>>) dst(%dma_wait3A_183 : memref<10008x128xf32, #tpu.memory_space<vmem_shared>>)
    %dma_wait3A_184 = arith.constant 0 : i32
    %dma_wait3A_185 = arith.constant 0 : i32
    %dma_wait3A_186 = tpu.memref_slice %arg29[%dma_wait3A_184, %dma_wait3A_185] : memref<10008x128xf32, #tpu.memory_space<vmem_shared>> -> memref<10008x128xf32, #tpu.memory_space<vmem_shared>>
    tpu.wait_indirect_dma semaphore(%arg45 : memref<!tpu.dma_semaphore, #tpu.memory_space<semaphore_mem>>) src(%arg26 : memref<64x128xf32, #tpu.memory_space<vmem>>) dst(%dma_wait3A_186 : memref<10008x128xf32, #tpu.memory_space<vmem_shared>>)
    %dma_wait3A_187 = arith.constant 0 : i32
    %dma_wait3A_188 = tpu.memref_slice %arg2[%dma_wait3A_187] : memref<320000xi32, #tpu.memory_space<hbm>> -> memref<64xi32, #tpu.memory_space<hbm>>
    %dma_wait3A_189 = arith.constant 0 : i32
    %dma_wait3A_190 = tpu.memref_slice %arg2[%dma_wait3A_189] : memref<320000xi32, #tpu.memory_space<hbm>> -> memref<64xi32, #tpu.memory_space<hbm>>
    tpu.wait_dma2 semaphore(%arg34 : memref<!tpu.dma_semaphore, #tpu.memory_space<semaphore_mem>>) src(%dma_wait3A_190 : memref<64xi32, #tpu.memory_space<hbm>>) dst(%arg11 : memref<64xi32, #tpu.memory_space<vmem>>)
    %dma_wait3A_191 = arith.constant 0 : i32
    %dma_wait3A_192 = tpu.memref_slice %arg3[%dma_wait3A_191] : memref<320000xi32, #tpu.memory_space<hbm>> -> memref<64xi32, #tpu.memory_space<hbm>>
    %dma_wait3A_193 = arith.constant 0 : i32
    %dma_wait3A_194 = tpu.memref_slice %arg3[%dma_wait3A_193] : memref<320000xi32, #tpu.memory_space<hbm>> -> memref<64xi32, #tpu.memory_space<hbm>>
    tpu.wait_dma2 semaphore(%arg34 : memref<!tpu.dma_semaphore, #tpu.memory_space<semaphore_mem>>) src(%dma_wait3A_194 : memref<64xi32, #tpu.memory_space<hbm>>) dst(%arg19 : memref<64xi32, #tpu.memory_space<vmem>>)
    %dma_wait3A_195 = arith.constant 0 : i32
    %dma_wait3A_196 = tpu.memref_slice %arg2[%dma_wait3A_195] : memref<320000xi32, #tpu.memory_space<hbm>> -> memref<64xi32, #tpu.memory_space<hbm>>
    %dma_wait3A_197 = arith.constant 0 : i32
    %dma_wait3A_198 = tpu.memref_slice %arg2[%dma_wait3A_197] : memref<320000xi32, #tpu.memory_space<hbm>> -> memref<64xi32, #tpu.memory_space<hbm>>
    tpu.wait_dma2 semaphore(%arg35 : memref<!tpu.dma_semaphore, #tpu.memory_space<semaphore_mem>>) src(%dma_wait3A_198 : memref<64xi32, #tpu.memory_space<hbm>>) dst(%arg12 : memref<64xi32, #tpu.memory_space<vmem>>)
    %dma_wait3A_199 = arith.constant 0 : i32
    %dma_wait3A_200 = tpu.memref_slice %arg3[%dma_wait3A_199] : memref<320000xi32, #tpu.memory_space<hbm>> -> memref<64xi32, #tpu.memory_space<hbm>>
    %dma_wait3A_201 = arith.constant 0 : i32
    %dma_wait3A_202 = tpu.memref_slice %arg3[%dma_wait3A_201] : memref<320000xi32, #tpu.memory_space<hbm>> -> memref<64xi32, #tpu.memory_space<hbm>>
    tpu.wait_dma2 semaphore(%arg35 : memref<!tpu.dma_semaphore, #tpu.memory_space<semaphore_mem>>) src(%dma_wait3A_202 : memref<64xi32, #tpu.memory_space<hbm>>) dst(%arg20 : memref<64xi32, #tpu.memory_space<vmem>>)
    %dma_wait3A_203 = arith.constant 0 : i32
    %dma_wait3A_204 = tpu.memref_slice %arg2[%dma_wait3A_203] : memref<320000xi32, #tpu.memory_space<hbm>> -> memref<64xi32, #tpu.memory_space<hbm>>
    %dma_wait3A_205 = arith.constant 0 : i32
    %dma_wait3A_206 = tpu.memref_slice %arg2[%dma_wait3A_205] : memref<320000xi32, #tpu.memory_space<hbm>> -> memref<64xi32, #tpu.memory_space<hbm>>
    tpu.wait_dma2 semaphore(%arg36 : memref<!tpu.dma_semaphore, #tpu.memory_space<semaphore_mem>>) src(%dma_wait3A_206 : memref<64xi32, #tpu.memory_space<hbm>>) dst(%arg13 : memref<64xi32, #tpu.memory_space<vmem>>)
    %dma_wait3A_207 = arith.constant 0 : i32
    %dma_wait3A_208 = tpu.memref_slice %arg3[%dma_wait3A_207] : memref<320000xi32, #tpu.memory_space<hbm>> -> memref<64xi32, #tpu.memory_space<hbm>>
    %dma_wait3A_209 = arith.constant 0 : i32
    %dma_wait3A_210 = tpu.memref_slice %arg3[%dma_wait3A_209] : memref<320000xi32, #tpu.memory_space<hbm>> -> memref<64xi32, #tpu.memory_space<hbm>>
    tpu.wait_dma2 semaphore(%arg36 : memref<!tpu.dma_semaphore, #tpu.memory_space<semaphore_mem>>) src(%dma_wait3A_210 : memref<64xi32, #tpu.memory_space<hbm>>) dst(%arg21 : memref<64xi32, #tpu.memory_space<vmem>>)
    %dma_wait3A_211 = arith.constant 0 : i32
    %dma_wait3A_212 = tpu.memref_slice %arg2[%dma_wait3A_211] : memref<320000xi32, #tpu.memory_space<hbm>> -> memref<64xi32, #tpu.memory_space<hbm>>
    %dma_wait3A_213 = arith.constant 0 : i32
    %dma_wait3A_214 = tpu.memref_slice %arg2[%dma_wait3A_213] : memref<320000xi32, #tpu.memory_space<hbm>> -> memref<64xi32, #tpu.memory_space<hbm>>
    tpu.wait_dma2 semaphore(%arg37 : memref<!tpu.dma_semaphore, #tpu.memory_space<semaphore_mem>>) src(%dma_wait3A_214 : memref<64xi32, #tpu.memory_space<hbm>>) dst(%arg14 : memref<64xi32, #tpu.memory_space<vmem>>)
    %dma_wait3A_215 = arith.constant 0 : i32
    %dma_wait3A_216 = tpu.memref_slice %arg3[%dma_wait3A_215] : memref<320000xi32, #tpu.memory_space<hbm>> -> memref<64xi32, #tpu.memory_space<hbm>>
    %dma_wait3A_217 = arith.constant 0 : i32
    %dma_wait3A_218 = tpu.memref_slice %arg3[%dma_wait3A_217] : memref<320000xi32, #tpu.memory_space<hbm>> -> memref<64xi32, #tpu.memory_space<hbm>>
    tpu.wait_dma2 semaphore(%arg37 : memref<!tpu.dma_semaphore, #tpu.memory_space<semaphore_mem>>) src(%dma_wait3A_218 : memref<64xi32, #tpu.memory_space<hbm>>) dst(%arg22 : memref<64xi32, #tpu.memory_space<vmem>>)
    %add3A_219 = arith.constant 9984 : i32
    %add3A_220 = arith.addi %add3A, %add3A_219 : i32
    %add3A_221 = arith.constant 0 : i32
    %add3A_222 = arith.addi %add3A_221, %add3A_220 : i32
    %dma_start3A_223 = tpu.memref_slice %arg2[%add3A_222] : memref<320000xi32, #tpu.memory_space<hbm>> -> memref<16xi32, #tpu.memory_space<hbm>>
    %dma_start3A_224 = tpu.memref_slice %arg2[%add3A_222] : memref<320000xi32, #tpu.memory_space<hbm>> -> memref<16xi32, #tpu.memory_space<hbm>>
    tpu.enqueue_dma source(%dma_start3A_224 : memref<16xi32, #tpu.memory_space<hbm>>) target(%arg27 : memref<16xi32, #tpu.memory_space<vmem>>) target_semaphore(%arg30 : memref<!tpu.dma_semaphore, #tpu.memory_space<semaphore_mem>>)
    %dma_start3A_225 = tpu.memref_slice %arg3[%add3A_220] : memref<320000xi32, #tpu.memory_space<hbm>> -> memref<16xi32, #tpu.memory_space<hbm>>
    %dma_start3A_226 = tpu.memref_slice %arg3[%add3A_220] : memref<320000xi32, #tpu.memory_space<hbm>> -> memref<16xi32, #tpu.memory_space<hbm>>
    tpu.enqueue_dma source(%dma_start3A_226 : memref<16xi32, #tpu.memory_space<hbm>>) target(%arg28 : memref<16xi32, #tpu.memory_space<vmem>>) target_semaphore(%arg30 : memref<!tpu.dma_semaphore, #tpu.memory_space<semaphore_mem>>)
    %dma_wait3A_227 = tpu.memref_slice %arg2[%add3A_222] : memref<320000xi32, #tpu.memory_space<hbm>> -> memref<16xi32, #tpu.memory_space<hbm>>
    %dma_wait3A_228 = tpu.memref_slice %arg2[%add3A_222] : memref<320000xi32, #tpu.memory_space<hbm>> -> memref<16xi32, #tpu.memory_space<hbm>>
    tpu.wait_dma2 semaphore(%arg30 : memref<!tpu.dma_semaphore, #tpu.memory_space<semaphore_mem>>) src(%dma_wait3A_228 : memref<16xi32, #tpu.memory_space<hbm>>) dst(%arg27 : memref<16xi32, #tpu.memory_space<vmem>>)
    %dma_wait3A_229 = tpu.memref_slice %arg3[%add3A_220] : memref<320000xi32, #tpu.memory_space<hbm>> -> memref<16xi32, #tpu.memory_space<hbm>>
    %dma_wait3A_230 = tpu.memref_slice %arg3[%add3A_220] : memref<320000xi32, #tpu.memory_space<hbm>> -> memref<16xi32, #tpu.memory_space<hbm>>
    tpu.wait_dma2 semaphore(%arg30 : memref<!tpu.dma_semaphore, #tpu.memory_space<semaphore_mem>>) src(%dma_wait3A_230 : memref<16xi32, #tpu.memory_space<hbm>>) dst(%arg28 : memref<16xi32, #tpu.memory_space<vmem>>)
    %dma_start3A_231 = arith.constant 0 : i32
    %dma_start3A_232 = arith.constant 0 : i32
    %dma_start3A_233 = tpu.memref_slice %arg23[%dma_start3A_231, %dma_start3A_232] : memref<64x128xf32, #tpu.memory_space<vmem>> -> memref<16x128xf32, #tpu.memory_space<vmem>>
    %dma_start3A_234 = arith.constant 0 : i32
    %dma_start3A_235 = arith.constant 0 : i32
    %dma_start3A_236 = tpu.memref_slice %arg5[%dma_start3A_234, %dma_start3A_235] : memref<10000x128xf32, #tpu.memory_space<hbm>> -> memref<10000x128xf32, #tpu.memory_space<hbm>>
    tpu.enqueue_indirect_dma source(%dma_start3A_236 : memref<10000x128xf32, #tpu.memory_space<hbm>>) target(%dma_start3A_233 : memref<16x128xf32, #tpu.memory_space<vmem>>) offsets(%arg27 : memref<16xi32, #tpu.memory_space<vmem>>) semaphore(%arg38 : memref<!tpu.dma_semaphore, #tpu.memory_space<semaphore_mem>>)
    %dma_wait3A_237 = arith.constant 0 : i32
    %dma_wait3A_238 = arith.constant 0 : i32
    %dma_wait3A_239 = tpu.memref_slice %arg23[%dma_wait3A_237, %dma_wait3A_238] : memref<64x128xf32, #tpu.memory_space<vmem>> -> memref<16x128xf32, #tpu.memory_space<vmem>>
    %dma_wait3A_240 = arith.constant 0 : i32
    %dma_wait3A_241 = arith.constant 0 : i32
    %dma_wait3A_242 = tpu.memref_slice %arg5[%dma_wait3A_240, %dma_wait3A_241] : memref<10000x128xf32, #tpu.memory_space<hbm>> -> memref<10000x128xf32, #tpu.memory_space<hbm>>
    tpu.wait_indirect_dma semaphore(%arg38 : memref<!tpu.dma_semaphore, #tpu.memory_space<semaphore_mem>>) src(%dma_wait3A_242 : memref<10000x128xf32, #tpu.memory_space<hbm>>) dst(%dma_wait3A_239 : memref<16x128xf32, #tpu.memory_space<vmem>>)
    %dma_start3A_243 = arith.constant 0 : i32
    %dma_start3A_244 = arith.constant 0 : i32
    %dma_start3A_245 = tpu.memref_slice %arg23[%dma_start3A_243, %dma_start3A_244] : memref<64x128xf32, #tpu.memory_space<vmem>> -> memref<16x128xf32, #tpu.memory_space<vmem>>
    %dma_start3A_246 = arith.constant 0 : i32
    %dma_start3A_247 = arith.constant 0 : i32
    %dma_start3A_248 = tpu.memref_slice %arg29[%dma_start3A_246, %dma_start3A_247] : memref<10008x128xf32, #tpu.memory_space<vmem_shared>> -> memref<10008x128xf32, #tpu.memory_space<vmem_shared>>
    tpu.enqueue_indirect_dma source(%dma_start3A_245 : memref<16x128xf32, #tpu.memory_space<vmem>>) target(%dma_start3A_248 : memref<10008x128xf32, #tpu.memory_space<vmem_shared>>) offsets(%arg28 : memref<16xi32, #tpu.memory_space<vmem>>) semaphore(%arg42 : memref<!tpu.dma_semaphore, #tpu.memory_space<semaphore_mem>>) {add = true}
    %dma_wait3A_249 = arith.constant 0 : i32
    %dma_wait3A_250 = arith.constant 0 : i32
    %dma_wait3A_251 = tpu.memref_slice %arg23[%dma_wait3A_249, %dma_wait3A_250] : memref<64x128xf32, #tpu.memory_space<vmem>> -> memref<16x128xf32, #tpu.memory_space<vmem>>
    %dma_wait3A_252 = arith.constant 0 : i32
    %dma_wait3A_253 = arith.constant 0 : i32
    %dma_wait3A_254 = tpu.memref_slice %arg29[%dma_wait3A_252, %dma_wait3A_253] : memref<10008x128xf32, #tpu.memory_space<vmem_shared>> -> memref<10008x128xf32, #tpu.memory_space<vmem_shared>>
    tpu.wait_indirect_dma semaphore(%arg42 : memref<!tpu.dma_semaphore, #tpu.memory_space<semaphore_mem>>) src(%dma_wait3A_251 : memref<16x128xf32, #tpu.memory_space<vmem>>) dst(%dma_wait3A_254 : memref<10008x128xf32, #tpu.memory_space<vmem_shared>>)
    %barrier3A_255 = arith.constant 0 : index
    tpu.barrier barrier_id(%barrier3A_255)
    %lt3A_256 = arith.constant 15 : i32
    %lt3A_257 = arith.cmpi slt, %arg1, %lt3A_256 : i32
    %convert_element_type3A_258 = arith.extui %lt3A_257 : i1 to i32
    %cond3A_259 = arith.constant 0 : i32
    %cond3A_260 = arith.cmpi ne, %convert_element_type3A_258, %cond3A_259 : i32
    scf.if %cond3A_260 {
      %mul3A_266 = arith.constant 632 : i32
      %mul3A_267 = arith.muli %arg1, %mul3A_266 : i32
      %mul3A_268 = arith.constant 10000 : i32
      %mul3A_269 = arith.muli %arg0, %mul3A_268 : i32
      %mul3A_270 = arith.constant 632 : i32
      %mul3A_271 = arith.muli %arg1, %mul3A_270 : i32
      %add3A_272 = arith.addi %mul3A_269, %mul3A_271 : i32
      "tpu.region"() ({
        %run_scoped3A = tpu.sem_alloc : memref<!tpu.dma_semaphore, #tpu.memory_space<semaphore_mem>>
        %dma_start3A_273 = arith.constant 0 : i32
        %dma_start3A_274 = tpu.memref_slice %arg6[%add3A_272, %dma_start3A_273] : memref<20000x128xf32, #tpu.memory_space<hbm>> -> memref<632x128xf32, #tpu.memory_space<hbm>>
        %dma_start3A_275 = arith.constant 0 : i32
        %dma_start3A_276 = tpu.memref_slice %arg29[%mul3A_267, %dma_start3A_275] : memref<10008x128xf32, #tpu.memory_space<vmem_shared>> -> memref<632x128xf32, #tpu.memory_space<vmem_shared>>
        tpu.enqueue_dma source(%dma_start3A_276 : memref<632x128xf32, #tpu.memory_space<vmem_shared>>) target(%dma_start3A_274 : memref<632x128xf32, #tpu.memory_space<hbm>>) target_semaphore(%run_scoped3A : memref<!tpu.dma_semaphore, #tpu.memory_space<semaphore_mem>>)
        %dma_wait3A_277 = arith.constant 0 : i32
        %dma_wait3A_278 = tpu.memref_slice %arg6[%add3A_272, %dma_wait3A_277] : memref<20000x128xf32, #tpu.memory_space<hbm>> -> memref<632x128xf32, #tpu.memory_space<hbm>>
        %dma_wait3A_279 = arith.constant 0 : i32
        %dma_wait3A_280 = tpu.memref_slice %arg29[%mul3A_267, %dma_wait3A_279] : memref<10008x128xf32, #tpu.memory_space<vmem_shared>> -> memref<632x128xf32, #tpu.memory_space<vmem_shared>>
        tpu.wait_dma2 semaphore(%run_scoped3A : memref<!tpu.dma_semaphore, #tpu.memory_space<semaphore_mem>>) src(%dma_wait3A_280 : memref<632x128xf32, #tpu.memory_space<vmem_shared>>) dst(%dma_wait3A_278 : memref<632x128xf32, #tpu.memory_space<hbm>>)
        tpu.yield
      }) : () -> ()
    } else {
    }
    %eq3A_261 = arith.constant 15 : i32
    %eq3A_262 = arith.cmpi eq, %arg1, %eq3A_261 : i32
    %convert_element_type3A_263 = arith.extui %eq3A_262 : i1 to i32
    %cond3A_264 = arith.constant 0 : i32
    %cond3A_265 = arith.cmpi ne, %convert_element_type3A_263, %cond3A_264 : i32
    scf.if %cond3A_265 {
      %mul3A_266 = arith.constant 10000 : i32
      %mul3A_267 = arith.muli %arg0, %mul3A_266 : i32
      %add3A_268 = arith.constant 9480 : i32
      %add3A_269 = arith.addi %mul3A_267, %add3A_268 : i32
      "tpu.region"() ({
        %run_scoped3A = tpu.sem_alloc : memref<!tpu.dma_semaphore, #tpu.memory_space<semaphore_mem>>
        %dma_start3A_270 = arith.constant 0 : i32
        %dma_start3A_271 = tpu.memref_slice %arg6[%add3A_269, %dma_start3A_270] : memref<20000x128xf32, #tpu.memory_space<hbm>> -> memref<520x128xf32, #tpu.memory_space<hbm>>
        %dma_start3A_272 = arith.constant 9480 : i32
        %dma_start3A_273 = arith.constant 0 : i32
        %dma_start3A_274 = tpu.memref_slice %arg29[%dma_start3A_272, %dma_start3A_273] : memref<10008x128xf32, #tpu.memory_space<vmem_shared>> -> memref<520x128xf32, #tpu.memory_space<vmem_shared>>
        tpu.enqueue_dma source(%dma_start3A_274 : memref<520x128xf32, #tpu.memory_space<vmem_shared>>) target(%dma_start3A_271 : memref<520x128xf32, #tpu.memory_space<hbm>>) target_semaphore(%run_scoped3A : memref<!tpu.dma_semaphore, #tpu.memory_space<semaphore_mem>>)
        %dma_wait3A_275 = arith.constant 0 : i32
        %dma_wait3A_276 = tpu.memref_slice %arg6[%add3A_269, %dma_wait3A_275] : memref<20000x128xf32, #tpu.memory_space<hbm>> -> memref<520x128xf32, #tpu.memory_space<hbm>>
        %dma_wait3A_277 = arith.constant 9480 : i32
        %dma_wait3A_278 = arith.constant 0 : i32
        %dma_wait3A_279 = tpu.memref_slice %arg29[%dma_wait3A_277, %dma_wait3A_278] : memref<10008x128xf32, #tpu.memory_space<vmem_shared>> -> memref<520x128xf32, #tpu.memory_space<vmem_shared>>
        tpu.wait_dma2 semaphore(%run_scoped3A : memref<!tpu.dma_semaphore, #tpu.memory_space<semaphore_mem>>) src(%dma_wait3A_279 : memref<520x128xf32, #tpu.memory_space<vmem_shared>>) dst(%dma_wait3A_276 : memref<520x128xf32, #tpu.memory_space<hbm>>)
        tpu.yield
      }) : () -> ()
    } else {
    }
    return
  }
}

#map = affine_map<(d0, d1) -> (0)>
#map1 = affine_map<(d0, d1) -> (0, 0)>
module attributes {stable_mosaic.version = 14 : i64} {
  func.func @seg(%arg0: i32, %arg1: i32, %arg2: memref<640000xi32, #tpu.memory_space<hbm>>, %arg3: memref<320000xi32, #tpu.memory_space<hbm>>, %arg4: memref<10008x128xf32, #tpu.memory_space<hbm>>, %arg5: memref<20000x128xf32, #tpu.memory_space<hbm>>, %arg6: memref<20000x128xf32, #tpu.memory_space<hbm>>, %arg7: memref<64xi32, #tpu.memory_space<vmem>>, %arg8: memref<64xi32, #tpu.memory_space<vmem>>, %arg9: memref<64xi32, #tpu.memory_space<vmem>>, %arg10: memref<64xi32, #tpu.memory_space<vmem>>, %arg11: memref<64xi32, #tpu.memory_space<vmem>>, %arg12: memref<64xi32, #tpu.memory_space<vmem>>, %arg13: memref<64xi32, #tpu.memory_space<vmem>>, %arg14: memref<64xi32, #tpu.memory_space<vmem>>, %arg15: memref<64xi32, #tpu.memory_space<vmem>>, %arg16: memref<64xi32, #tpu.memory_space<vmem>>, %arg17: memref<64xi32, #tpu.memory_space<vmem>>, %arg18: memref<64xi32, #tpu.memory_space<vmem>>, %arg19: memref<64xi32, #tpu.memory_space<vmem>>, %arg20: memref<64xi32, #tpu.memory_space<vmem>>, %arg21: memref<64xi32, #tpu.memory_space<vmem>>, %arg22: memref<64xi32, #tpu.memory_space<vmem>>, %arg23: memref<64x128xf32, #tpu.memory_space<vmem>>, %arg24: memref<64x128xf32, #tpu.memory_space<vmem>>, %arg25: memref<64x128xf32, #tpu.memory_space<vmem>>, %arg26: memref<64x128xf32, #tpu.memory_space<vmem>>, %arg27: memref<32xi32, #tpu.memory_space<vmem>>, %arg28: memref<32xi32, #tpu.memory_space<vmem>>, %arg29: memref<10008x128xf32, #tpu.memory_space<vmem_shared>>, %arg30: memref<!tpu.dma_semaphore, #tpu.memory_space<semaphore_mem>>, %arg31: memref<!tpu.dma_semaphore, #tpu.memory_space<semaphore_mem>>, %arg32: memref<!tpu.dma_semaphore, #tpu.memory_space<semaphore_mem>>, %arg33: memref<!tpu.dma_semaphore, #tpu.memory_space<semaphore_mem>>, %arg34: memref<!tpu.dma_semaphore, #tpu.memory_space<semaphore_mem>>, %arg35: memref<!tpu.dma_semaphore, #tpu.memory_space<semaphore_mem>>, %arg36: memref<!tpu.dma_semaphore, #tpu.memory_space<semaphore_mem>>, %arg37: memref<!tpu.dma_semaphore, #tpu.memory_space<semaphore_mem>>, %arg38: memref<!tpu.dma_semaphore, #tpu.memory_space<semaphore_mem>>, %arg39: memref<!tpu.dma_semaphore, #tpu.memory_space<semaphore_mem>>, %arg40: memref<!tpu.dma_semaphore, #tpu.memory_space<semaphore_mem>>, %arg41: memref<!tpu.dma_semaphore, #tpu.memory_space<semaphore_mem>>, %arg42: memref<!tpu.dma_semaphore, #tpu.memory_space<semaphore_mem>>, %arg43: memref<!tpu.dma_semaphore, #tpu.memory_space<semaphore_mem>>, %arg44: memref<!tpu.dma_semaphore, #tpu.memory_space<semaphore_mem>>, %arg45: memref<!tpu.dma_semaphore, #tpu.memory_space<semaphore_mem>>) attributes {dimension_semantics = [#tpu.dimension_semantics<core_parallel>, #tpu.dimension_semantics<subcore_parallel>], iteration_bounds = array<i64: 2, 16>, scalar_prefetch = 0 : i64, scratch_operands = 39 : i64, tpu.core_type = #tpu.core_type<sc_vector_subcore>, window_params = [{transform_indices = #map}, {transform_indices = #map}, {transform_indices = #map1}, {transform_indices = #map1}, {transform_indices = #map1}]} {
    %mul3A = arith.constant 20000 : i32
    %mul3A_0 = arith.muli %arg1, %mul3A : i32
    %mul3A_1 = arith.constant 320000 : i32
    %mul3A_2 = arith.muli %arg0, %mul3A_1 : i32
    %add3A = arith.constant 0 : i32
    %add3A_3 = arith.addi %mul3A_0, %add3A : i32
    %min3A = arith.constant 319936 : i32
    %min3A_4 = arith.minsi %add3A_3, %min3A : i32
    %add3A_5 = arith.addi %mul3A_2, %min3A_4 : i32
    %dma_start3A = tpu.memref_slice %arg2[%add3A_5] : memref<640000xi32, #tpu.memory_space<hbm>> -> memref<64xi32, #tpu.memory_space<hbm>>
    %dma_start3A_6 = tpu.memref_slice %arg2[%add3A_5] : memref<640000xi32, #tpu.memory_space<hbm>> -> memref<64xi32, #tpu.memory_space<hbm>>
    tpu.enqueue_dma source(%dma_start3A_6 : memref<64xi32, #tpu.memory_space<hbm>>) target(%arg7 : memref<64xi32, #tpu.memory_space<vmem>>) target_semaphore(%arg30 : memref<!tpu.dma_semaphore, #tpu.memory_space<semaphore_mem>>)
    %dma_start3A_7 = tpu.memref_slice %arg3[%min3A_4] : memref<320000xi32, #tpu.memory_space<hbm>> -> memref<64xi32, #tpu.memory_space<hbm>>
    %dma_start3A_8 = tpu.memref_slice %arg3[%min3A_4] : memref<320000xi32, #tpu.memory_space<hbm>> -> memref<64xi32, #tpu.memory_space<hbm>>
    tpu.enqueue_dma source(%dma_start3A_8 : memref<64xi32, #tpu.memory_space<hbm>>) target(%arg15 : memref<64xi32, #tpu.memory_space<vmem>>) target_semaphore(%arg30 : memref<!tpu.dma_semaphore, #tpu.memory_space<semaphore_mem>>)
    %add3A_9 = arith.constant 64 : i32
    %add3A_10 = arith.addi %mul3A_0, %add3A_9 : i32
    %min3A_11 = arith.constant 319936 : i32
    %min3A_12 = arith.minsi %add3A_10, %min3A_11 : i32
    %add3A_13 = arith.addi %mul3A_2, %min3A_12 : i32
    %dma_start3A_14 = tpu.memref_slice %arg2[%add3A_13] : memref<640000xi32, #tpu.memory_space<hbm>> -> memref<64xi32, #tpu.memory_space<hbm>>
    %dma_start3A_15 = tpu.memref_slice %arg2[%add3A_13] : memref<640000xi32, #tpu.memory_space<hbm>> -> memref<64xi32, #tpu.memory_space<hbm>>
    tpu.enqueue_dma source(%dma_start3A_15 : memref<64xi32, #tpu.memory_space<hbm>>) target(%arg8 : memref<64xi32, #tpu.memory_space<vmem>>) target_semaphore(%arg31 : memref<!tpu.dma_semaphore, #tpu.memory_space<semaphore_mem>>)
    %dma_start3A_16 = tpu.memref_slice %arg3[%min3A_12] : memref<320000xi32, #tpu.memory_space<hbm>> -> memref<64xi32, #tpu.memory_space<hbm>>
    %dma_start3A_17 = tpu.memref_slice %arg3[%min3A_12] : memref<320000xi32, #tpu.memory_space<hbm>> -> memref<64xi32, #tpu.memory_space<hbm>>
    tpu.enqueue_dma source(%dma_start3A_17 : memref<64xi32, #tpu.memory_space<hbm>>) target(%arg16 : memref<64xi32, #tpu.memory_space<vmem>>) target_semaphore(%arg31 : memref<!tpu.dma_semaphore, #tpu.memory_space<semaphore_mem>>)
    %add3A_18 = arith.constant 128 : i32
    %add3A_19 = arith.addi %mul3A_0, %add3A_18 : i32
    %min3A_20 = arith.constant 319936 : i32
    %min3A_21 = arith.minsi %add3A_19, %min3A_20 : i32
    %add3A_22 = arith.addi %mul3A_2, %min3A_21 : i32
    %dma_start3A_23 = tpu.memref_slice %arg2[%add3A_22] : memref<640000xi32, #tpu.memory_space<hbm>> -> memref<64xi32, #tpu.memory_space<hbm>>
    %dma_start3A_24 = tpu.memref_slice %arg2[%add3A_22] : memref<640000xi32, #tpu.memory_space<hbm>> -> memref<64xi32, #tpu.memory_space<hbm>>
    tpu.enqueue_dma source(%dma_start3A_24 : memref<64xi32, #tpu.memory_space<hbm>>) target(%arg9 : memref<64xi32, #tpu.memory_space<vmem>>) target_semaphore(%arg32 : memref<!tpu.dma_semaphore, #tpu.memory_space<semaphore_mem>>)
    %dma_start3A_25 = tpu.memref_slice %arg3[%min3A_21] : memref<320000xi32, #tpu.memory_space<hbm>> -> memref<64xi32, #tpu.memory_space<hbm>>
    %dma_start3A_26 = tpu.memref_slice %arg3[%min3A_21] : memref<320000xi32, #tpu.memory_space<hbm>> -> memref<64xi32, #tpu.memory_space<hbm>>
    tpu.enqueue_dma source(%dma_start3A_26 : memref<64xi32, #tpu.memory_space<hbm>>) target(%arg17 : memref<64xi32, #tpu.memory_space<vmem>>) target_semaphore(%arg32 : memref<!tpu.dma_semaphore, #tpu.memory_space<semaphore_mem>>)
    %add3A_27 = arith.constant 192 : i32
    %add3A_28 = arith.addi %mul3A_0, %add3A_27 : i32
    %min3A_29 = arith.constant 319936 : i32
    %min3A_30 = arith.minsi %add3A_28, %min3A_29 : i32
    %add3A_31 = arith.addi %mul3A_2, %min3A_30 : i32
    %dma_start3A_32 = tpu.memref_slice %arg2[%add3A_31] : memref<640000xi32, #tpu.memory_space<hbm>> -> memref<64xi32, #tpu.memory_space<hbm>>
    %dma_start3A_33 = tpu.memref_slice %arg2[%add3A_31] : memref<640000xi32, #tpu.memory_space<hbm>> -> memref<64xi32, #tpu.memory_space<hbm>>
    tpu.enqueue_dma source(%dma_start3A_33 : memref<64xi32, #tpu.memory_space<hbm>>) target(%arg10 : memref<64xi32, #tpu.memory_space<vmem>>) target_semaphore(%arg33 : memref<!tpu.dma_semaphore, #tpu.memory_space<semaphore_mem>>)
    %dma_start3A_34 = tpu.memref_slice %arg3[%min3A_30] : memref<320000xi32, #tpu.memory_space<hbm>> -> memref<64xi32, #tpu.memory_space<hbm>>
    %dma_start3A_35 = tpu.memref_slice %arg3[%min3A_30] : memref<320000xi32, #tpu.memory_space<hbm>> -> memref<64xi32, #tpu.memory_space<hbm>>
    tpu.enqueue_dma source(%dma_start3A_35 : memref<64xi32, #tpu.memory_space<hbm>>) target(%arg18 : memref<64xi32, #tpu.memory_space<vmem>>) target_semaphore(%arg33 : memref<!tpu.dma_semaphore, #tpu.memory_space<semaphore_mem>>)
    %lt3A = arith.constant 15 : i32
    %lt3A_36 = arith.cmpi slt, %arg1, %lt3A : i32
    %convert_element_type3A = arith.extui %lt3A_36 : i1 to i32
    %cond3A = arith.constant 0 : i32
    %cond3A_37 = arith.cmpi ne, %convert_element_type3A, %cond3A : i32
    scf.if %cond3A_37 {
      %mul3A_136 = arith.constant 632 : i32
      %mul3A_137 = arith.muli %arg1, %mul3A_136 : i32
      %mul3A_138 = arith.constant 632 : i32
      %mul3A_139 = arith.muli %arg1, %mul3A_138 : i32
      "tpu.region"() ({
        %run_scoped3A = tpu.sem_alloc : memref<!tpu.dma_semaphore, #tpu.memory_space<semaphore_mem>>
        %dma_start3A_140 = arith.constant 0 : i32
        %dma_start3A_141 = tpu.memref_slice %arg29[%mul3A_139, %dma_start3A_140] : memref<10008x128xf32, #tpu.memory_space<vmem_shared>> -> memref<632x128xf32, #tpu.memory_space<vmem_shared>>
        %dma_start3A_142 = arith.constant 0 : i32
        %dma_start3A_143 = tpu.memref_slice %arg4[%mul3A_137, %dma_start3A_142] : memref<10008x128xf32, #tpu.memory_space<hbm>> -> memref<632x128xf32, #tpu.memory_space<hbm>>
        tpu.enqueue_dma source(%dma_start3A_143 : memref<632x128xf32, #tpu.memory_space<hbm>>) target(%dma_start3A_141 : memref<632x128xf32, #tpu.memory_space<vmem_shared>>) target_semaphore(%run_scoped3A : memref<!tpu.dma_semaphore, #tpu.memory_space<semaphore_mem>>)
        %dma_wait3A_144 = arith.constant 0 : i32
        %dma_wait3A_145 = tpu.memref_slice %arg29[%mul3A_139, %dma_wait3A_144] : memref<10008x128xf32, #tpu.memory_space<vmem_shared>> -> memref<632x128xf32, #tpu.memory_space<vmem_shared>>
        %dma_wait3A_146 = arith.constant 0 : i32
        %dma_wait3A_147 = tpu.memref_slice %arg4[%mul3A_137, %dma_wait3A_146] : memref<10008x128xf32, #tpu.memory_space<hbm>> -> memref<632x128xf32, #tpu.memory_space<hbm>>
        tpu.wait_dma2 semaphore(%run_scoped3A : memref<!tpu.dma_semaphore, #tpu.memory_space<semaphore_mem>>) src(%dma_wait3A_147 : memref<632x128xf32, #tpu.memory_space<hbm>>) dst(%dma_wait3A_145 : memref<632x128xf32, #tpu.memory_space<vmem_shared>>)
        tpu.yield
      }) : () -> ()
    } else {
    }
    %eq3A = arith.constant 15 : i32
    %eq3A_38 = arith.cmpi eq, %arg1, %eq3A : i32
    %convert_element_type3A_39 = arith.extui %eq3A_38 : i1 to i32
    %cond3A_40 = arith.constant 0 : i32
    %cond3A_41 = arith.cmpi ne, %convert_element_type3A_39, %cond3A_40 : i32
    scf.if %cond3A_41 {
      "tpu.region"() ({
        %run_scoped3A = tpu.sem_alloc : memref<!tpu.dma_semaphore, #tpu.memory_space<semaphore_mem>>
        %dma_start3A_136 = arith.constant 9480 : i32
        %dma_start3A_137 = arith.constant 0 : i32
        %dma_start3A_138 = tpu.memref_slice %arg29[%dma_start3A_136, %dma_start3A_137] : memref<10008x128xf32, #tpu.memory_space<vmem_shared>> -> memref<528x128xf32, #tpu.memory_space<vmem_shared>>
        %dma_start3A_139 = arith.constant 9480 : i32
        %dma_start3A_140 = arith.constant 0 : i32
        %dma_start3A_141 = tpu.memref_slice %arg4[%dma_start3A_139, %dma_start3A_140] : memref<10008x128xf32, #tpu.memory_space<hbm>> -> memref<528x128xf32, #tpu.memory_space<hbm>>
        tpu.enqueue_dma source(%dma_start3A_141 : memref<528x128xf32, #tpu.memory_space<hbm>>) target(%dma_start3A_138 : memref<528x128xf32, #tpu.memory_space<vmem_shared>>) target_semaphore(%run_scoped3A : memref<!tpu.dma_semaphore, #tpu.memory_space<semaphore_mem>>)
        %dma_wait3A_142 = arith.constant 9480 : i32
        %dma_wait3A_143 = arith.constant 0 : i32
        %dma_wait3A_144 = tpu.memref_slice %arg29[%dma_wait3A_142, %dma_wait3A_143] : memref<10008x128xf32, #tpu.memory_space<vmem_shared>> -> memref<528x128xf32, #tpu.memory_space<vmem_shared>>
        %dma_wait3A_145 = arith.constant 9480 : i32
        %dma_wait3A_146 = arith.constant 0 : i32
        %dma_wait3A_147 = tpu.memref_slice %arg4[%dma_wait3A_145, %dma_wait3A_146] : memref<10008x128xf32, #tpu.memory_space<hbm>> -> memref<528x128xf32, #tpu.memory_space<hbm>>
        tpu.wait_dma2 semaphore(%run_scoped3A : memref<!tpu.dma_semaphore, #tpu.memory_space<semaphore_mem>>) src(%dma_wait3A_147 : memref<528x128xf32, #tpu.memory_space<hbm>>) dst(%dma_wait3A_144 : memref<528x128xf32, #tpu.memory_space<vmem_shared>>)
        tpu.yield
      }) : () -> ()
    } else {
    }
    %barrier3A = arith.constant 0 : index
    tpu.barrier barrier_id(%barrier3A)
    %scan3A = arith.constant 0 : i32
    %scan3A_42 = arith.constant 0 : i32
    %scan3A_43 = arith.constant 39 : i32
    %scan3A_44 = arith.addi %scan3A_42, %scan3A_43 : i32
    %scan3A_45 = arith.constant 1 : i32
    scf.for %scan3A_136 = %scan3A_42 to %scan3A_44 step %scan3A_45  : i32 {
      %mul3A_137 = arith.constant 2 : i32
      %mul3A_138 = arith.muli %mul3A_137, %scan3A_136 : i32
      %mul3A_139 = arith.constant 256 : i32
      %mul3A_140 = arith.muli %mul3A_138, %mul3A_139 : i32
      %add3A_141 = arith.addi %mul3A_0, %mul3A_140 : i32
      %gt3A = arith.constant 0 : i32
      %gt3A_142 = arith.cmpi sgt, %scan3A_136, %gt3A : i32
      %convert_element_type3A_143 = arith.extui %gt3A_142 : i1 to i32
      %cond3A_144 = arith.constant 0 : i32
      %cond3A_145 = arith.cmpi ne, %convert_element_type3A_143, %cond3A_144 : i32
      scf.if %cond3A_145 {
        %dma_wait3A_392 = arith.constant 0 : i32
        %dma_wait3A_393 = arith.constant 0 : i32
        %dma_wait3A_394 = tpu.memref_slice %arg29[%dma_wait3A_392, %dma_wait3A_393] : memref<10008x128xf32, #tpu.memory_space<vmem_shared>> -> memref<10008x128xf32, #tpu.memory_space<vmem_shared>>
        tpu.wait_indirect_dma semaphore(%arg42 : memref<!tpu.dma_semaphore, #tpu.memory_space<semaphore_mem>>) src(%arg23 : memref<64x128xf32, #tpu.memory_space<vmem>>) dst(%dma_wait3A_394 : memref<10008x128xf32, #tpu.memory_space<vmem_shared>>)
      } else {
      }
      %dma_wait3A_146 = arith.constant 0 : i32
      %dma_wait3A_147 = tpu.memref_slice %arg2[%dma_wait3A_146] : memref<640000xi32, #tpu.memory_space<hbm>> -> memref<64xi32, #tpu.memory_space<hbm>>
      %dma_wait3A_148 = arith.constant 0 : i32
      %dma_wait3A_149 = tpu.memref_slice %arg2[%dma_wait3A_148] : memref<640000xi32, #tpu.memory_space<hbm>> -> memref<64xi32, #tpu.memory_space<hbm>>
      tpu.wait_dma2 semaphore(%arg30 : memref<!tpu.dma_semaphore, #tpu.memory_space<semaphore_mem>>) src(%dma_wait3A_149 : memref<64xi32, #tpu.memory_space<hbm>>) dst(%arg7 : memref<64xi32, #tpu.memory_space<vmem>>)
      %dma_wait3A_150 = arith.constant 0 : i32
      %dma_wait3A_151 = tpu.memref_slice %arg3[%dma_wait3A_150] : memref<320000xi32, #tpu.memory_space<hbm>> -> memref<64xi32, #tpu.memory_space<hbm>>
      %dma_wait3A_152 = arith.constant 0 : i32
      %dma_wait3A_153 = tpu.memref_slice %arg3[%dma_wait3A_152] : memref<320000xi32, #tpu.memory_space<hbm>> -> memref<64xi32, #tpu.memory_space<hbm>>
      tpu.wait_dma2 semaphore(%arg30 : memref<!tpu.dma_semaphore, #tpu.memory_space<semaphore_mem>>) src(%dma_wait3A_153 : memref<64xi32, #tpu.memory_space<hbm>>) dst(%arg15 : memref<64xi32, #tpu.memory_space<vmem>>)
      %dma_start3A_154 = arith.constant 0 : i32
      %dma_start3A_155 = arith.constant 0 : i32
      %dma_start3A_156 = tpu.memref_slice %arg5[%dma_start3A_154, %dma_start3A_155] : memref<20000x128xf32, #tpu.memory_space<hbm>> -> memref<20000x128xf32, #tpu.memory_space<hbm>>
      tpu.enqueue_indirect_dma source(%dma_start3A_156 : memref<20000x128xf32, #tpu.memory_space<hbm>>) target(%arg23 : memref<64x128xf32, #tpu.memory_space<vmem>>) offsets(%arg7 : memref<64xi32, #tpu.memory_space<vmem>>) semaphore(%arg38 : memref<!tpu.dma_semaphore, #tpu.memory_space<semaphore_mem>>)
      %gt3A_157 = arith.constant 0 : i32
      %gt3A_158 = arith.cmpi sgt, %scan3A_136, %gt3A_157 : i32
      %convert_element_type3A_159 = arith.extui %gt3A_158 : i1 to i32
      %cond3A_160 = arith.constant 0 : i32
      %cond3A_161 = arith.cmpi ne, %convert_element_type3A_159, %cond3A_160 : i32
      scf.if %cond3A_161 {
        %dma_wait3A_392 = arith.constant 0 : i32
        %dma_wait3A_393 = arith.constant 0 : i32
        %dma_wait3A_394 = tpu.memref_slice %arg29[%dma_wait3A_392, %dma_wait3A_393] : memref<10008x128xf32, #tpu.memory_space<vmem_shared>> -> memref<10008x128xf32, #tpu.memory_space<vmem_shared>>
        tpu.wait_indirect_dma semaphore(%arg43 : memref<!tpu.dma_semaphore, #tpu.memory_space<semaphore_mem>>) src(%arg24 : memref<64x128xf32, #tpu.memory_space<vmem>>) dst(%dma_wait3A_394 : memref<10008x128xf32, #tpu.memory_space<vmem_shared>>)
      } else {
      }
      %dma_wait3A_162 = arith.constant 0 : i32
      %dma_wait3A_163 = tpu.memref_slice %arg2[%dma_wait3A_162] : memref<640000xi32, #tpu.memory_space<hbm>> -> memref<64xi32, #tpu.memory_space<hbm>>
      %dma_wait3A_164 = arith.constant 0 : i32
      %dma_wait3A_165 = tpu.memref_slice %arg2[%dma_wait3A_164] : memref<640000xi32, #tpu.memory_space<hbm>> -> memref<64xi32, #tpu.memory_space<hbm>>
      tpu.wait_dma2 semaphore(%arg31 : memref<!tpu.dma_semaphore, #tpu.memory_space<semaphore_mem>>) src(%dma_wait3A_165 : memref<64xi32, #tpu.memory_space<hbm>>) dst(%arg8 : memref<64xi32, #tpu.memory_space<vmem>>)
      %dma_wait3A_166 = arith.constant 0 : i32
      %dma_wait3A_167 = tpu.memref_slice %arg3[%dma_wait3A_166] : memref<320000xi32, #tpu.memory_space<hbm>> -> memref<64xi32, #tpu.memory_space<hbm>>
      %dma_wait3A_168 = arith.constant 0 : i32
      %dma_wait3A_169 = tpu.memref_slice %arg3[%dma_wait3A_168] : memref<320000xi32, #tpu.memory_space<hbm>> -> memref<64xi32, #tpu.memory_space<hbm>>
      tpu.wait_dma2 semaphore(%arg31 : memref<!tpu.dma_semaphore, #tpu.memory_space<semaphore_mem>>) src(%dma_wait3A_169 : memref<64xi32, #tpu.memory_space<hbm>>) dst(%arg16 : memref<64xi32, #tpu.memory_space<vmem>>)
      %dma_start3A_170 = arith.constant 0 : i32
      %dma_start3A_171 = arith.constant 0 : i32
      %dma_start3A_172 = tpu.memref_slice %arg5[%dma_start3A_170, %dma_start3A_171] : memref<20000x128xf32, #tpu.memory_space<hbm>> -> memref<20000x128xf32, #tpu.memory_space<hbm>>
      tpu.enqueue_indirect_dma source(%dma_start3A_172 : memref<20000x128xf32, #tpu.memory_space<hbm>>) target(%arg24 : memref<64x128xf32, #tpu.memory_space<vmem>>) offsets(%arg8 : memref<64xi32, #tpu.memory_space<vmem>>) semaphore(%arg39 : memref<!tpu.dma_semaphore, #tpu.memory_space<semaphore_mem>>)
      %gt3A_173 = arith.constant 0 : i32
      %gt3A_174 = arith.cmpi sgt, %scan3A_136, %gt3A_173 : i32
      %convert_element_type3A_175 = arith.extui %gt3A_174 : i1 to i32
      %cond3A_176 = arith.constant 0 : i32
      %cond3A_177 = arith.cmpi ne, %convert_element_type3A_175, %cond3A_176 : i32
      scf.if %cond3A_177 {
        %dma_wait3A_392 = arith.constant 0 : i32
        %dma_wait3A_393 = arith.constant 0 : i32
        %dma_wait3A_394 = tpu.memref_slice %arg29[%dma_wait3A_392, %dma_wait3A_393] : memref<10008x128xf32, #tpu.memory_space<vmem_shared>> -> memref<10008x128xf32, #tpu.memory_space<vmem_shared>>
        tpu.wait_indirect_dma semaphore(%arg44 : memref<!tpu.dma_semaphore, #tpu.memory_space<semaphore_mem>>) src(%arg25 : memref<64x128xf32, #tpu.memory_space<vmem>>) dst(%dma_wait3A_394 : memref<10008x128xf32, #tpu.memory_space<vmem_shared>>)
      } else {
      }
      %dma_wait3A_178 = arith.constant 0 : i32
      %dma_wait3A_179 = tpu.memref_slice %arg2[%dma_wait3A_178] : memref<640000xi32, #tpu.memory_space<hbm>> -> memref<64xi32, #tpu.memory_space<hbm>>
      %dma_wait3A_180 = arith.constant 0 : i32
      %dma_wait3A_181 = tpu.memref_slice %arg2[%dma_wait3A_180] : memref<640000xi32, #tpu.memory_space<hbm>> -> memref<64xi32, #tpu.memory_space<hbm>>
      tpu.wait_dma2 semaphore(%arg32 : memref<!tpu.dma_semaphore, #tpu.memory_space<semaphore_mem>>) src(%dma_wait3A_181 : memref<64xi32, #tpu.memory_space<hbm>>) dst(%arg9 : memref<64xi32, #tpu.memory_space<vmem>>)
      %dma_wait3A_182 = arith.constant 0 : i32
      %dma_wait3A_183 = tpu.memref_slice %arg3[%dma_wait3A_182] : memref<320000xi32, #tpu.memory_space<hbm>> -> memref<64xi32, #tpu.memory_space<hbm>>
      %dma_wait3A_184 = arith.constant 0 : i32
      %dma_wait3A_185 = tpu.memref_slice %arg3[%dma_wait3A_184] : memref<320000xi32, #tpu.memory_space<hbm>> -> memref<64xi32, #tpu.memory_space<hbm>>
      tpu.wait_dma2 semaphore(%arg32 : memref<!tpu.dma_semaphore, #tpu.memory_space<semaphore_mem>>) src(%dma_wait3A_185 : memref<64xi32, #tpu.memory_space<hbm>>) dst(%arg17 : memref<64xi32, #tpu.memory_space<vmem>>)
      %dma_start3A_186 = arith.constant 0 : i32
      %dma_start3A_187 = arith.constant 0 : i32
      %dma_start3A_188 = tpu.memref_slice %arg5[%dma_start3A_186, %dma_start3A_187] : memref<20000x128xf32, #tpu.memory_space<hbm>> -> memref<20000x128xf32, #tpu.memory_space<hbm>>
      tpu.enqueue_indirect_dma source(%dma_start3A_188 : memref<20000x128xf32, #tpu.memory_space<hbm>>) target(%arg25 : memref<64x128xf32, #tpu.memory_space<vmem>>) offsets(%arg9 : memref<64xi32, #tpu.memory_space<vmem>>) semaphore(%arg40 : memref<!tpu.dma_semaphore, #tpu.memory_space<semaphore_mem>>)
      %gt3A_189 = arith.constant 0 : i32
      %gt3A_190 = arith.cmpi sgt, %scan3A_136, %gt3A_189 : i32
      %convert_element_type3A_191 = arith.extui %gt3A_190 : i1 to i32
      %cond3A_192 = arith.constant 0 : i32
      %cond3A_193 = arith.cmpi ne, %convert_element_type3A_191, %cond3A_192 : i32
      scf.if %cond3A_193 {
        %dma_wait3A_392 = arith.constant 0 : i32
        %dma_wait3A_393 = arith.constant 0 : i32
        %dma_wait3A_394 = tpu.memref_slice %arg29[%dma_wait3A_392, %dma_wait3A_393] : memref<10008x128xf32, #tpu.memory_space<vmem_shared>> -> memref<10008x128xf32, #tpu.memory_space<vmem_shared>>
        tpu.wait_indirect_dma semaphore(%arg45 : memref<!tpu.dma_semaphore, #tpu.memory_space<semaphore_mem>>) src(%arg26 : memref<64x128xf32, #tpu.memory_space<vmem>>) dst(%dma_wait3A_394 : memref<10008x128xf32, #tpu.memory_space<vmem_shared>>)
      } else {
      }
      %dma_wait3A_194 = arith.constant 0 : i32
      %dma_wait3A_195 = tpu.memref_slice %arg2[%dma_wait3A_194] : memref<640000xi32, #tpu.memory_space<hbm>> -> memref<64xi32, #tpu.memory_space<hbm>>
      %dma_wait3A_196 = arith.constant 0 : i32
      %dma_wait3A_197 = tpu.memref_slice %arg2[%dma_wait3A_196] : memref<640000xi32, #tpu.memory_space<hbm>> -> memref<64xi32, #tpu.memory_space<hbm>>
      tpu.wait_dma2 semaphore(%arg33 : memref<!tpu.dma_semaphore, #tpu.memory_space<semaphore_mem>>) src(%dma_wait3A_197 : memref<64xi32, #tpu.memory_space<hbm>>) dst(%arg10 : memref<64xi32, #tpu.memory_space<vmem>>)
      %dma_wait3A_198 = arith.constant 0 : i32
      %dma_wait3A_199 = tpu.memref_slice %arg3[%dma_wait3A_198] : memref<320000xi32, #tpu.memory_space<hbm>> -> memref<64xi32, #tpu.memory_space<hbm>>
      %dma_wait3A_200 = arith.constant 0 : i32
      %dma_wait3A_201 = tpu.memref_slice %arg3[%dma_wait3A_200] : memref<320000xi32, #tpu.memory_space<hbm>> -> memref<64xi32, #tpu.memory_space<hbm>>
      tpu.wait_dma2 semaphore(%arg33 : memref<!tpu.dma_semaphore, #tpu.memory_space<semaphore_mem>>) src(%dma_wait3A_201 : memref<64xi32, #tpu.memory_space<hbm>>) dst(%arg18 : memref<64xi32, #tpu.memory_space<vmem>>)
      %dma_start3A_202 = arith.constant 0 : i32
      %dma_start3A_203 = arith.constant 0 : i32
      %dma_start3A_204 = tpu.memref_slice %arg5[%dma_start3A_202, %dma_start3A_203] : memref<20000x128xf32, #tpu.memory_space<hbm>> -> memref<20000x128xf32, #tpu.memory_space<hbm>>
      tpu.enqueue_indirect_dma source(%dma_start3A_204 : memref<20000x128xf32, #tpu.memory_space<hbm>>) target(%arg26 : memref<64x128xf32, #tpu.memory_space<vmem>>) offsets(%arg10 : memref<64xi32, #tpu.memory_space<vmem>>) semaphore(%arg41 : memref<!tpu.dma_semaphore, #tpu.memory_space<semaphore_mem>>)
      %add3A_205 = arith.constant 256 : i32
      %add3A_206 = arith.addi %add3A_141, %add3A_205 : i32
      %add3A_207 = arith.constant 0 : i32
      %add3A_208 = arith.addi %add3A_206, %add3A_207 : i32
      %min3A_209 = arith.constant 319936 : i32
      %min3A_210 = arith.minsi %add3A_208, %min3A_209 : i32
      %add3A_211 = arith.addi %mul3A_2, %min3A_210 : i32
      %dma_start3A_212 = tpu.memref_slice %arg2[%add3A_211] : memref<640000xi32, #tpu.memory_space<hbm>> -> memref<64xi32, #tpu.memory_space<hbm>>
      %dma_start3A_213 = tpu.memref_slice %arg2[%add3A_211] : memref<640000xi32, #tpu.memory_space<hbm>> -> memref<64xi32, #tpu.memory_space<hbm>>
      tpu.enqueue_dma source(%dma_start3A_213 : memref<64xi32, #tpu.memory_space<hbm>>) target(%arg11 : memref<64xi32, #tpu.memory_space<vmem>>) target_semaphore(%arg34 : memref<!tpu.dma_semaphore, #tpu.memory_space<semaphore_mem>>)
      %dma_start3A_214 = tpu.memref_slice %arg3[%min3A_210] : memref<320000xi32, #tpu.memory_space<hbm>> -> memref<64xi32, #tpu.memory_space<hbm>>
      %dma_start3A_215 = tpu.memref_slice %arg3[%min3A_210] : memref<320000xi32, #tpu.memory_space<hbm>> -> memref<64xi32, #tpu.memory_space<hbm>>
      tpu.enqueue_dma source(%dma_start3A_215 : memref<64xi32, #tpu.memory_space<hbm>>) target(%arg19 : memref<64xi32, #tpu.memory_space<vmem>>) target_semaphore(%arg34 : memref<!tpu.dma_semaphore, #tpu.memory_space<semaphore_mem>>)
      %add3A_216 = arith.constant 64 : i32
      %add3A_217 = arith.addi %add3A_206, %add3A_216 : i32
      %min3A_218 = arith.constant 319936 : i32
      %min3A_219 = arith.minsi %add3A_217, %min3A_218 : i32
      %add3A_220 = arith.addi %mul3A_2, %min3A_219 : i32
      %dma_start3A_221 = tpu.memref_slice %arg2[%add3A_220] : memref<640000xi32, #tpu.memory_space<hbm>> -> memref<64xi32, #tpu.memory_space<hbm>>
      %dma_start3A_222 = tpu.memref_slice %arg2[%add3A_220] : memref<640000xi32, #tpu.memory_space<hbm>> -> memref<64xi32, #tpu.memory_space<hbm>>
      tpu.enqueue_dma source(%dma_start3A_222 : memref<64xi32, #tpu.memory_space<hbm>>) target(%arg12 : memref<64xi32, #tpu.memory_space<vmem>>) target_semaphore(%arg35 : memref<!tpu.dma_semaphore, #tpu.memory_space<semaphore_mem>>)
      %dma_start3A_223 = tpu.memref_slice %arg3[%min3A_219] : memref<320000xi32, #tpu.memory_space<hbm>> -> memref<64xi32, #tpu.memory_space<hbm>>
      %dma_start3A_224 = tpu.memref_slice %arg3[%min3A_219] : memref<320000xi32, #tpu.memory_space<hbm>> -> memref<64xi32, #tpu.memory_space<hbm>>
      tpu.enqueue_dma source(%dma_start3A_224 : memref<64xi32, #tpu.memory_space<hbm>>) target(%arg20 : memref<64xi32, #tpu.memory_space<vmem>>) target_semaphore(%arg35 : memref<!tpu.dma_semaphore, #tpu.memory_space<semaphore_mem>>)
      %add3A_225 = arith.constant 128 : i32
      %add3A_226 = arith.addi %add3A_206, %add3A_225 : i32
      %min3A_227 = arith.constant 319936 : i32
      %min3A_228 = arith.minsi %add3A_226, %min3A_227 : i32
      %add3A_229 = arith.addi %mul3A_2, %min3A_228 : i32
      %dma_start3A_230 = tpu.memref_slice %arg2[%add3A_229] : memref<640000xi32, #tpu.memory_space<hbm>> -> memref<64xi32, #tpu.memory_space<hbm>>
      %dma_start3A_231 = tpu.memref_slice %arg2[%add3A_229] : memref<640000xi32, #tpu.memory_space<hbm>> -> memref<64xi32, #tpu.memory_space<hbm>>
      tpu.enqueue_dma source(%dma_start3A_231 : memref<64xi32, #tpu.memory_space<hbm>>) target(%arg13 : memref<64xi32, #tpu.memory_space<vmem>>) target_semaphore(%arg36 : memref<!tpu.dma_semaphore, #tpu.memory_space<semaphore_mem>>)
      %dma_start3A_232 = tpu.memref_slice %arg3[%min3A_228] : memref<320000xi32, #tpu.memory_space<hbm>> -> memref<64xi32, #tpu.memory_space<hbm>>
      %dma_start3A_233 = tpu.memref_slice %arg3[%min3A_228] : memref<320000xi32, #tpu.memory_space<hbm>> -> memref<64xi32, #tpu.memory_space<hbm>>
      tpu.enqueue_dma source(%dma_start3A_233 : memref<64xi32, #tpu.memory_space<hbm>>) target(%arg21 : memref<64xi32, #tpu.memory_space<vmem>>) target_semaphore(%arg36 : memref<!tpu.dma_semaphore, #tpu.memory_space<semaphore_mem>>)
      %add3A_234 = arith.constant 192 : i32
      %add3A_235 = arith.addi %add3A_206, %add3A_234 : i32
      %min3A_236 = arith.constant 319936 : i32
      %min3A_237 = arith.minsi %add3A_235, %min3A_236 : i32
      %add3A_238 = arith.addi %mul3A_2, %min3A_237 : i32
      %dma_start3A_239 = tpu.memref_slice %arg2[%add3A_238] : memref<640000xi32, #tpu.memory_space<hbm>> -> memref<64xi32, #tpu.memory_space<hbm>>
      %dma_start3A_240 = tpu.memref_slice %arg2[%add3A_238] : memref<640000xi32, #tpu.memory_space<hbm>> -> memref<64xi32, #tpu.memory_space<hbm>>
      tpu.enqueue_dma source(%dma_start3A_240 : memref<64xi32, #tpu.memory_space<hbm>>) target(%arg14 : memref<64xi32, #tpu.memory_space<vmem>>) target_semaphore(%arg37 : memref<!tpu.dma_semaphore, #tpu.memory_space<semaphore_mem>>)
      %dma_start3A_241 = tpu.memref_slice %arg3[%min3A_237] : memref<320000xi32, #tpu.memory_space<hbm>> -> memref<64xi32, #tpu.memory_space<hbm>>
      %dma_start3A_242 = tpu.memref_slice %arg3[%min3A_237] : memref<320000xi32, #tpu.memory_space<hbm>> -> memref<64xi32, #tpu.memory_space<hbm>>
      tpu.enqueue_dma source(%dma_start3A_242 : memref<64xi32, #tpu.memory_space<hbm>>) target(%arg22 : memref<64xi32, #tpu.memory_space<vmem>>) target_semaphore(%arg37 : memref<!tpu.dma_semaphore, #tpu.memory_space<semaphore_mem>>)
      %dma_wait3A_243 = arith.constant 0 : i32
      %dma_wait3A_244 = arith.constant 0 : i32
      %dma_wait3A_245 = tpu.memref_slice %arg5[%dma_wait3A_243, %dma_wait3A_244] : memref<20000x128xf32, #tpu.memory_space<hbm>> -> memref<20000x128xf32, #tpu.memory_space<hbm>>
      tpu.wait_indirect_dma semaphore(%arg38 : memref<!tpu.dma_semaphore, #tpu.memory_space<semaphore_mem>>) src(%dma_wait3A_245 : memref<20000x128xf32, #tpu.memory_space<hbm>>) dst(%arg23 : memref<64x128xf32, #tpu.memory_space<vmem>>)
      %dma_start3A_246 = arith.constant 0 : i32
      %dma_start3A_247 = arith.constant 0 : i32
      %dma_start3A_248 = tpu.memref_slice %arg29[%dma_start3A_246, %dma_start3A_247] : memref<10008x128xf32, #tpu.memory_space<vmem_shared>> -> memref<10008x128xf32, #tpu.memory_space<vmem_shared>>
      tpu.enqueue_indirect_dma source(%arg23 : memref<64x128xf32, #tpu.memory_space<vmem>>) target(%dma_start3A_248 : memref<10008x128xf32, #tpu.memory_space<vmem_shared>>) offsets(%arg15 : memref<64xi32, #tpu.memory_space<vmem>>) semaphore(%arg42 : memref<!tpu.dma_semaphore, #tpu.memory_space<semaphore_mem>>) {add = true}
      %dma_wait3A_249 = arith.constant 0 : i32
      %dma_wait3A_250 = arith.constant 0 : i32
      %dma_wait3A_251 = tpu.memref_slice %arg5[%dma_wait3A_249, %dma_wait3A_250] : memref<20000x128xf32, #tpu.memory_space<hbm>> -> memref<20000x128xf32, #tpu.memory_space<hbm>>
      tpu.wait_indirect_dma semaphore(%arg39 : memref<!tpu.dma_semaphore, #tpu.memory_space<semaphore_mem>>) src(%dma_wait3A_251 : memref<20000x128xf32, #tpu.memory_space<hbm>>) dst(%arg24 : memref<64x128xf32, #tpu.memory_space<vmem>>)
      %dma_start3A_252 = arith.constant 0 : i32
      %dma_start3A_253 = arith.constant 0 : i32
      %dma_start3A_254 = tpu.memref_slice %arg29[%dma_start3A_252, %dma_start3A_253] : memref<10008x128xf32, #tpu.memory_space<vmem_shared>> -> memref<10008x128xf32, #tpu.memory_space<vmem_shared>>
      tpu.enqueue_indirect_dma source(%arg24 : memref<64x128xf32, #tpu.memory_space<vmem>>) target(%dma_start3A_254 : memref<10008x128xf32, #tpu.memory_space<vmem_shared>>) offsets(%arg16 : memref<64xi32, #tpu.memory_space<vmem>>) semaphore(%arg43 : memref<!tpu.dma_semaphore, #tpu.memory_space<semaphore_mem>>) {add = true}
      %dma_wait3A_255 = arith.constant 0 : i32
      %dma_wait3A_256 = arith.constant 0 : i32
      %dma_wait3A_257 = tpu.memref_slice %arg5[%dma_wait3A_255, %dma_wait3A_256] : memref<20000x128xf32, #tpu.memory_space<hbm>> -> memref<20000x128xf32, #tpu.memory_space<hbm>>
      tpu.wait_indirect_dma semaphore(%arg40 : memref<!tpu.dma_semaphore, #tpu.memory_space<semaphore_mem>>) src(%dma_wait3A_257 : memref<20000x128xf32, #tpu.memory_space<hbm>>) dst(%arg25 : memref<64x128xf32, #tpu.memory_space<vmem>>)
      %dma_start3A_258 = arith.constant 0 : i32
      %dma_start3A_259 = arith.constant 0 : i32
      %dma_start3A_260 = tpu.memref_slice %arg29[%dma_start3A_258, %dma_start3A_259] : memref<10008x128xf32, #tpu.memory_space<vmem_shared>> -> memref<10008x128xf32, #tpu.memory_space<vmem_shared>>
      tpu.enqueue_indirect_dma source(%arg25 : memref<64x128xf32, #tpu.memory_space<vmem>>) target(%dma_start3A_260 : memref<10008x128xf32, #tpu.memory_space<vmem_shared>>) offsets(%arg17 : memref<64xi32, #tpu.memory_space<vmem>>) semaphore(%arg44 : memref<!tpu.dma_semaphore, #tpu.memory_space<semaphore_mem>>) {add = true}
      %dma_wait3A_261 = arith.constant 0 : i32
      %dma_wait3A_262 = arith.constant 0 : i32
      %dma_wait3A_263 = tpu.memref_slice %arg5[%dma_wait3A_261, %dma_wait3A_262] : memref<20000x128xf32, #tpu.memory_space<hbm>> -> memref<20000x128xf32, #tpu.memory_space<hbm>>
      tpu.wait_indirect_dma semaphore(%arg41 : memref<!tpu.dma_semaphore, #tpu.memory_space<semaphore_mem>>) src(%dma_wait3A_263 : memref<20000x128xf32, #tpu.memory_space<hbm>>) dst(%arg26 : memref<64x128xf32, #tpu.memory_space<vmem>>)
      %dma_start3A_264 = arith.constant 0 : i32
      %dma_start3A_265 = arith.constant 0 : i32
      %dma_start3A_266 = tpu.memref_slice %arg29[%dma_start3A_264, %dma_start3A_265] : memref<10008x128xf32, #tpu.memory_space<vmem_shared>> -> memref<10008x128xf32, #tpu.memory_space<vmem_shared>>
      tpu.enqueue_indirect_dma source(%arg26 : memref<64x128xf32, #tpu.memory_space<vmem>>) target(%dma_start3A_266 : memref<10008x128xf32, #tpu.memory_space<vmem_shared>>) offsets(%arg18 : memref<64xi32, #tpu.memory_space<vmem>>) semaphore(%arg45 : memref<!tpu.dma_semaphore, #tpu.memory_space<semaphore_mem>>) {add = true}
      %mul3A_267 = arith.constant 2 : i32
      %mul3A_268 = arith.muli %mul3A_267, %scan3A_136 : i32
      %add3A_269 = arith.constant 1 : i32
      %add3A_270 = arith.addi %mul3A_268, %add3A_269 : i32
      %mul3A_271 = arith.constant 256 : i32
      %mul3A_272 = arith.muli %add3A_270, %mul3A_271 : i32
      %add3A_273 = arith.addi %mul3A_0, %mul3A_272 : i32
      %dma_wait3A_274 = arith.constant 0 : i32
      %dma_wait3A_275 = arith.constant 0 : i32
      %dma_wait3A_276 = tpu.memref_slice %arg29[%dma_wait3A_274, %dma_wait3A_275] : memref<10008x128xf32, #tpu.memory_space<vmem_shared>> -> memref<10008x128xf32, #tpu.memory_space<vmem_shared>>
      tpu.wait_indirect_dma semaphore(%arg42 : memref<!tpu.dma_semaphore, #tpu.memory_space<semaphore_mem>>) src(%arg23 : memref<64x128xf32, #tpu.memory_space<vmem>>) dst(%dma_wait3A_276 : memref<10008x128xf32, #tpu.memory_space<vmem_shared>>)
      %dma_wait3A_277 = arith.constant 0 : i32
      %dma_wait3A_278 = tpu.memref_slice %arg2[%dma_wait3A_277] : memref<640000xi32, #tpu.memory_space<hbm>> -> memref<64xi32, #tpu.memory_space<hbm>>
      %dma_wait3A_279 = arith.constant 0 : i32
      %dma_wait3A_280 = tpu.memref_slice %arg2[%dma_wait3A_279] : memref<640000xi32, #tpu.memory_space<hbm>> -> memref<64xi32, #tpu.memory_space<hbm>>
      tpu.wait_dma2 semaphore(%arg34 : memref<!tpu.dma_semaphore, #tpu.memory_space<semaphore_mem>>) src(%dma_wait3A_280 : memref<64xi32, #tpu.memory_space<hbm>>) dst(%arg11 : memref<64xi32, #tpu.memory_space<vmem>>)
      %dma_wait3A_281 = arith.constant 0 : i32
      %dma_wait3A_282 = tpu.memref_slice %arg3[%dma_wait3A_281] : memref<320000xi32, #tpu.memory_space<hbm>> -> memref<64xi32, #tpu.memory_space<hbm>>
      %dma_wait3A_283 = arith.constant 0 : i32
      %dma_wait3A_284 = tpu.memref_slice %arg3[%dma_wait3A_283] : memref<320000xi32, #tpu.memory_space<hbm>> -> memref<64xi32, #tpu.memory_space<hbm>>
      tpu.wait_dma2 semaphore(%arg34 : memref<!tpu.dma_semaphore, #tpu.memory_space<semaphore_mem>>) src(%dma_wait3A_284 : memref<64xi32, #tpu.memory_space<hbm>>) dst(%arg19 : memref<64xi32, #tpu.memory_space<vmem>>)
      %dma_start3A_285 = arith.constant 0 : i32
      %dma_start3A_286 = arith.constant 0 : i32
      %dma_start3A_287 = tpu.memref_slice %arg5[%dma_start3A_285, %dma_start3A_286] : memref<20000x128xf32, #tpu.memory_space<hbm>> -> memref<20000x128xf32, #tpu.memory_space<hbm>>
      tpu.enqueue_indirect_dma source(%dma_start3A_287 : memref<20000x128xf32, #tpu.memory_space<hbm>>) target(%arg23 : memref<64x128xf32, #tpu.memory_space<vmem>>) offsets(%arg11 : memref<64xi32, #tpu.memory_space<vmem>>) semaphore(%arg38 : memref<!tpu.dma_semaphore, #tpu.memory_space<semaphore_mem>>)
      %dma_wait3A_288 = arith.constant 0 : i32
      %dma_wait3A_289 = arith.constant 0 : i32
      %dma_wait3A_290 = tpu.memref_slice %arg29[%dma_wait3A_288, %dma_wait3A_289] : memref<10008x128xf32, #tpu.memory_space<vmem_shared>> -> memref<10008x128xf32, #tpu.memory_space<vmem_shared>>
      tpu.wait_indirect_dma semaphore(%arg43 : memref<!tpu.dma_semaphore, #tpu.memory_space<semaphore_mem>>) src(%arg24 : memref<64x128xf32, #tpu.memory_space<vmem>>) dst(%dma_wait3A_290 : memref<10008x128xf32, #tpu.memory_space<vmem_shared>>)
      %dma_wait3A_291 = arith.constant 0 : i32
      %dma_wait3A_292 = tpu.memref_slice %arg2[%dma_wait3A_291] : memref<640000xi32, #tpu.memory_space<hbm>> -> memref<64xi32, #tpu.memory_space<hbm>>
      %dma_wait3A_293 = arith.constant 0 : i32
      %dma_wait3A_294 = tpu.memref_slice %arg2[%dma_wait3A_293] : memref<640000xi32, #tpu.memory_space<hbm>> -> memref<64xi32, #tpu.memory_space<hbm>>
      tpu.wait_dma2 semaphore(%arg35 : memref<!tpu.dma_semaphore, #tpu.memory_space<semaphore_mem>>) src(%dma_wait3A_294 : memref<64xi32, #tpu.memory_space<hbm>>) dst(%arg12 : memref<64xi32, #tpu.memory_space<vmem>>)
      %dma_wait3A_295 = arith.constant 0 : i32
      %dma_wait3A_296 = tpu.memref_slice %arg3[%dma_wait3A_295] : memref<320000xi32, #tpu.memory_space<hbm>> -> memref<64xi32, #tpu.memory_space<hbm>>
      %dma_wait3A_297 = arith.constant 0 : i32
      %dma_wait3A_298 = tpu.memref_slice %arg3[%dma_wait3A_297] : memref<320000xi32, #tpu.memory_space<hbm>> -> memref<64xi32, #tpu.memory_space<hbm>>
      tpu.wait_dma2 semaphore(%arg35 : memref<!tpu.dma_semaphore, #tpu.memory_space<semaphore_mem>>) src(%dma_wait3A_298 : memref<64xi32, #tpu.memory_space<hbm>>) dst(%arg20 : memref<64xi32, #tpu.memory_space<vmem>>)
      %dma_start3A_299 = arith.constant 0 : i32
      %dma_start3A_300 = arith.constant 0 : i32
      %dma_start3A_301 = tpu.memref_slice %arg5[%dma_start3A_299, %dma_start3A_300] : memref<20000x128xf32, #tpu.memory_space<hbm>> -> memref<20000x128xf32, #tpu.memory_space<hbm>>
      tpu.enqueue_indirect_dma source(%dma_start3A_301 : memref<20000x128xf32, #tpu.memory_space<hbm>>) target(%arg24 : memref<64x128xf32, #tpu.memory_space<vmem>>) offsets(%arg12 : memref<64xi32, #tpu.memory_space<vmem>>) semaphore(%arg39 : memref<!tpu.dma_semaphore, #tpu.memory_space<semaphore_mem>>)
      %dma_wait3A_302 = arith.constant 0 : i32
      %dma_wait3A_303 = arith.constant 0 : i32
      %dma_wait3A_304 = tpu.memref_slice %arg29[%dma_wait3A_302, %dma_wait3A_303] : memref<10008x128xf32, #tpu.memory_space<vmem_shared>> -> memref<10008x128xf32, #tpu.memory_space<vmem_shared>>
      tpu.wait_indirect_dma semaphore(%arg44 : memref<!tpu.dma_semaphore, #tpu.memory_space<semaphore_mem>>) src(%arg25 : memref<64x128xf32, #tpu.memory_space<vmem>>) dst(%dma_wait3A_304 : memref<10008x128xf32, #tpu.memory_space<vmem_shared>>)
      %dma_wait3A_305 = arith.constant 0 : i32
      %dma_wait3A_306 = tpu.memref_slice %arg2[%dma_wait3A_305] : memref<640000xi32, #tpu.memory_space<hbm>> -> memref<64xi32, #tpu.memory_space<hbm>>
      %dma_wait3A_307 = arith.constant 0 : i32
      %dma_wait3A_308 = tpu.memref_slice %arg2[%dma_wait3A_307] : memref<640000xi32, #tpu.memory_space<hbm>> -> memref<64xi32, #tpu.memory_space<hbm>>
      tpu.wait_dma2 semaphore(%arg36 : memref<!tpu.dma_semaphore, #tpu.memory_space<semaphore_mem>>) src(%dma_wait3A_308 : memref<64xi32, #tpu.memory_space<hbm>>) dst(%arg13 : memref<64xi32, #tpu.memory_space<vmem>>)
      %dma_wait3A_309 = arith.constant 0 : i32
      %dma_wait3A_310 = tpu.memref_slice %arg3[%dma_wait3A_309] : memref<320000xi32, #tpu.memory_space<hbm>> -> memref<64xi32, #tpu.memory_space<hbm>>
      %dma_wait3A_311 = arith.constant 0 : i32
      %dma_wait3A_312 = tpu.memref_slice %arg3[%dma_wait3A_311] : memref<320000xi32, #tpu.memory_space<hbm>> -> memref<64xi32, #tpu.memory_space<hbm>>
      tpu.wait_dma2 semaphore(%arg36 : memref<!tpu.dma_semaphore, #tpu.memory_space<semaphore_mem>>) src(%dma_wait3A_312 : memref<64xi32, #tpu.memory_space<hbm>>) dst(%arg21 : memref<64xi32, #tpu.memory_space<vmem>>)
      %dma_start3A_313 = arith.constant 0 : i32
      %dma_start3A_314 = arith.constant 0 : i32
      %dma_start3A_315 = tpu.memref_slice %arg5[%dma_start3A_313, %dma_start3A_314] : memref<20000x128xf32, #tpu.memory_space<hbm>> -> memref<20000x128xf32, #tpu.memory_space<hbm>>
      tpu.enqueue_indirect_dma source(%dma_start3A_315 : memref<20000x128xf32, #tpu.memory_space<hbm>>) target(%arg25 : memref<64x128xf32, #tpu.memory_space<vmem>>) offsets(%arg13 : memref<64xi32, #tpu.memory_space<vmem>>) semaphore(%arg40 : memref<!tpu.dma_semaphore, #tpu.memory_space<semaphore_mem>>)
      %dma_wait3A_316 = arith.constant 0 : i32
      %dma_wait3A_317 = arith.constant 0 : i32
      %dma_wait3A_318 = tpu.memref_slice %arg29[%dma_wait3A_316, %dma_wait3A_317] : memref<10008x128xf32, #tpu.memory_space<vmem_shared>> -> memref<10008x128xf32, #tpu.memory_space<vmem_shared>>
      tpu.wait_indirect_dma semaphore(%arg45 : memref<!tpu.dma_semaphore, #tpu.memory_space<semaphore_mem>>) src(%arg26 : memref<64x128xf32, #tpu.memory_space<vmem>>) dst(%dma_wait3A_318 : memref<10008x128xf32, #tpu.memory_space<vmem_shared>>)
      %dma_wait3A_319 = arith.constant 0 : i32
      %dma_wait3A_320 = tpu.memref_slice %arg2[%dma_wait3A_319] : memref<640000xi32, #tpu.memory_space<hbm>> -> memref<64xi32, #tpu.memory_space<hbm>>
      %dma_wait3A_321 = arith.constant 0 : i32
      %dma_wait3A_322 = tpu.memref_slice %arg2[%dma_wait3A_321] : memref<640000xi32, #tpu.memory_space<hbm>> -> memref<64xi32, #tpu.memory_space<hbm>>
      tpu.wait_dma2 semaphore(%arg37 : memref<!tpu.dma_semaphore, #tpu.memory_space<semaphore_mem>>) src(%dma_wait3A_322 : memref<64xi32, #tpu.memory_space<hbm>>) dst(%arg14 : memref<64xi32, #tpu.memory_space<vmem>>)
      %dma_wait3A_323 = arith.constant 0 : i32
      %dma_wait3A_324 = tpu.memref_slice %arg3[%dma_wait3A_323] : memref<320000xi32, #tpu.memory_space<hbm>> -> memref<64xi32, #tpu.memory_space<hbm>>
      %dma_wait3A_325 = arith.constant 0 : i32
      %dma_wait3A_326 = tpu.memref_slice %arg3[%dma_wait3A_325] : memref<320000xi32, #tpu.memory_space<hbm>> -> memref<64xi32, #tpu.memory_space<hbm>>
      tpu.wait_dma2 semaphore(%arg37 : memref<!tpu.dma_semaphore, #tpu.memory_space<semaphore_mem>>) src(%dma_wait3A_326 : memref<64xi32, #tpu.memory_space<hbm>>) dst(%arg22 : memref<64xi32, #tpu.memory_space<vmem>>)
      %dma_start3A_327 = arith.constant 0 : i32
      %dma_start3A_328 = arith.constant 0 : i32
      %dma_start3A_329 = tpu.memref_slice %arg5[%dma_start3A_327, %dma_start3A_328] : memref<20000x128xf32, #tpu.memory_space<hbm>> -> memref<20000x128xf32, #tpu.memory_space<hbm>>
      tpu.enqueue_indirect_dma source(%dma_start3A_329 : memref<20000x128xf32, #tpu.memory_space<hbm>>) target(%arg26 : memref<64x128xf32, #tpu.memory_space<vmem>>) offsets(%arg14 : memref<64xi32, #tpu.memory_space<vmem>>) semaphore(%arg41 : memref<!tpu.dma_semaphore, #tpu.memory_space<semaphore_mem>>)
      %add3A_330 = arith.constant 256 : i32
      %add3A_331 = arith.addi %add3A_273, %add3A_330 : i32
      %add3A_332 = arith.constant 0 : i32
      %add3A_333 = arith.addi %add3A_331, %add3A_332 : i32
      %min3A_334 = arith.constant 319936 : i32
      %min3A_335 = arith.minsi %add3A_333, %min3A_334 : i32
      %add3A_336 = arith.addi %mul3A_2, %min3A_335 : i32
      %dma_start3A_337 = tpu.memref_slice %arg2[%add3A_336] : memref<640000xi32, #tpu.memory_space<hbm>> -> memref<64xi32, #tpu.memory_space<hbm>>
      %dma_start3A_338 = tpu.memref_slice %arg2[%add3A_336] : memref<640000xi32, #tpu.memory_space<hbm>> -> memref<64xi32, #tpu.memory_space<hbm>>
      tpu.enqueue_dma source(%dma_start3A_338 : memref<64xi32, #tpu.memory_space<hbm>>) target(%arg7 : memref<64xi32, #tpu.memory_space<vmem>>) target_semaphore(%arg30 : memref<!tpu.dma_semaphore, #tpu.memory_space<semaphore_mem>>)
      %dma_start3A_339 = tpu.memref_slice %arg3[%min3A_335] : memref<320000xi32, #tpu.memory_space<hbm>> -> memref<64xi32, #tpu.memory_space<hbm>>
      %dma_start3A_340 = tpu.memref_slice %arg3[%min3A_335] : memref<320000xi32, #tpu.memory_space<hbm>> -> memref<64xi32, #tpu.memory_space<hbm>>
      tpu.enqueue_dma source(%dma_start3A_340 : memref<64xi32, #tpu.memory_space<hbm>>) target(%arg15 : memref<64xi32, #tpu.memory_space<vmem>>) target_semaphore(%arg30 : memref<!tpu.dma_semaphore, #tpu.memory_space<semaphore_mem>>)
      %add3A_341 = arith.constant 64 : i32
      %add3A_342 = arith.addi %add3A_331, %add3A_341 : i32
      %min3A_343 = arith.constant 319936 : i32
      %min3A_344 = arith.minsi %add3A_342, %min3A_343 : i32
      %add3A_345 = arith.addi %mul3A_2, %min3A_344 : i32
      %dma_start3A_346 = tpu.memref_slice %arg2[%add3A_345] : memref<640000xi32, #tpu.memory_space<hbm>> -> memref<64xi32, #tpu.memory_space<hbm>>
      %dma_start3A_347 = tpu.memref_slice %arg2[%add3A_345] : memref<640000xi32, #tpu.memory_space<hbm>> -> memref<64xi32, #tpu.memory_space<hbm>>
      tpu.enqueue_dma source(%dma_start3A_347 : memref<64xi32, #tpu.memory_space<hbm>>) target(%arg8 : memref<64xi32, #tpu.memory_space<vmem>>) target_semaphore(%arg31 : memref<!tpu.dma_semaphore, #tpu.memory_space<semaphore_mem>>)
      %dma_start3A_348 = tpu.memref_slice %arg3[%min3A_344] : memref<320000xi32, #tpu.memory_space<hbm>> -> memref<64xi32, #tpu.memory_space<hbm>>
      %dma_start3A_349 = tpu.memref_slice %arg3[%min3A_344] : memref<320000xi32, #tpu.memory_space<hbm>> -> memref<64xi32, #tpu.memory_space<hbm>>
      tpu.enqueue_dma source(%dma_start3A_349 : memref<64xi32, #tpu.memory_space<hbm>>) target(%arg16 : memref<64xi32, #tpu.memory_space<vmem>>) target_semaphore(%arg31 : memref<!tpu.dma_semaphore, #tpu.memory_space<semaphore_mem>>)
      %add3A_350 = arith.constant 128 : i32
      %add3A_351 = arith.addi %add3A_331, %add3A_350 : i32
      %min3A_352 = arith.constant 319936 : i32
      %min3A_353 = arith.minsi %add3A_351, %min3A_352 : i32
      %add3A_354 = arith.addi %mul3A_2, %min3A_353 : i32
      %dma_start3A_355 = tpu.memref_slice %arg2[%add3A_354] : memref<640000xi32, #tpu.memory_space<hbm>> -> memref<64xi32, #tpu.memory_space<hbm>>
      %dma_start3A_356 = tpu.memref_slice %arg2[%add3A_354] : memref<640000xi32, #tpu.memory_space<hbm>> -> memref<64xi32, #tpu.memory_space<hbm>>
      tpu.enqueue_dma source(%dma_start3A_356 : memref<64xi32, #tpu.memory_space<hbm>>) target(%arg9 : memref<64xi32, #tpu.memory_space<vmem>>) target_semaphore(%arg32 : memref<!tpu.dma_semaphore, #tpu.memory_space<semaphore_mem>>)
      %dma_start3A_357 = tpu.memref_slice %arg3[%min3A_353] : memref<320000xi32, #tpu.memory_space<hbm>> -> memref<64xi32, #tpu.memory_space<hbm>>
      %dma_start3A_358 = tpu.memref_slice %arg3[%min3A_353] : memref<320000xi32, #tpu.memory_space<hbm>> -> memref<64xi32, #tpu.memory_space<hbm>>
      tpu.enqueue_dma source(%dma_start3A_358 : memref<64xi32, #tpu.memory_space<hbm>>) target(%arg17 : memref<64xi32, #tpu.memory_space<vmem>>) target_semaphore(%arg32 : memref<!tpu.dma_semaphore, #tpu.memory_space<semaphore_mem>>)
      %add3A_359 = arith.constant 192 : i32
      %add3A_360 = arith.addi %add3A_331, %add3A_359 : i32
      %min3A_361 = arith.constant 319936 : i32
      %min3A_362 = arith.minsi %add3A_360, %min3A_361 : i32
      %add3A_363 = arith.addi %mul3A_2, %min3A_362 : i32
      %dma_start3A_364 = tpu.memref_slice %arg2[%add3A_363] : memref<640000xi32, #tpu.memory_space<hbm>> -> memref<64xi32, #tpu.memory_space<hbm>>
      %dma_start3A_365 = tpu.memref_slice %arg2[%add3A_363] : memref<640000xi32, #tpu.memory_space<hbm>> -> memref<64xi32, #tpu.memory_space<hbm>>
      tpu.enqueue_dma source(%dma_start3A_365 : memref<64xi32, #tpu.memory_space<hbm>>) target(%arg10 : memref<64xi32, #tpu.memory_space<vmem>>) target_semaphore(%arg33 : memref<!tpu.dma_semaphore, #tpu.memory_space<semaphore_mem>>)
      %dma_start3A_366 = tpu.memref_slice %arg3[%min3A_362] : memref<320000xi32, #tpu.memory_space<hbm>> -> memref<64xi32, #tpu.memory_space<hbm>>
      %dma_start3A_367 = tpu.memref_slice %arg3[%min3A_362] : memref<320000xi32, #tpu.memory_space<hbm>> -> memref<64xi32, #tpu.memory_space<hbm>>
      tpu.enqueue_dma source(%dma_start3A_367 : memref<64xi32, #tpu.memory_space<hbm>>) target(%arg18 : memref<64xi32, #tpu.memory_space<vmem>>) target_semaphore(%arg33 : memref<!tpu.dma_semaphore, #tpu.memory_space<semaphore_mem>>)
      %dma_wait3A_368 = arith.constant 0 : i32
      %dma_wait3A_369 = arith.constant 0 : i32
      %dma_wait3A_370 = tpu.memref_slice %arg5[%dma_wait3A_368, %dma_wait3A_369] : memref<20000x128xf32, #tpu.memory_space<hbm>> -> memref<20000x128xf32, #tpu.memory_space<hbm>>
      tpu.wait_indirect_dma semaphore(%arg38 : memref<!tpu.dma_semaphore, #tpu.memory_space<semaphore_mem>>) src(%dma_wait3A_370 : memref<20000x128xf32, #tpu.memory_space<hbm>>) dst(%arg23 : memref<64x128xf32, #tpu.memory_space<vmem>>)
      %dma_start3A_371 = arith.constant 0 : i32
      %dma_start3A_372 = arith.constant 0 : i32
      %dma_start3A_373 = tpu.memref_slice %arg29[%dma_start3A_371, %dma_start3A_372] : memref<10008x128xf32, #tpu.memory_space<vmem_shared>> -> memref<10008x128xf32, #tpu.memory_space<vmem_shared>>
      tpu.enqueue_indirect_dma source(%arg23 : memref<64x128xf32, #tpu.memory_space<vmem>>) target(%dma_start3A_373 : memref<10008x128xf32, #tpu.memory_space<vmem_shared>>) offsets(%arg19 : memref<64xi32, #tpu.memory_space<vmem>>) semaphore(%arg42 : memref<!tpu.dma_semaphore, #tpu.memory_space<semaphore_mem>>) {add = true}
      %dma_wait3A_374 = arith.constant 0 : i32
      %dma_wait3A_375 = arith.constant 0 : i32
      %dma_wait3A_376 = tpu.memref_slice %arg5[%dma_wait3A_374, %dma_wait3A_375] : memref<20000x128xf32, #tpu.memory_space<hbm>> -> memref<20000x128xf32, #tpu.memory_space<hbm>>
      tpu.wait_indirect_dma semaphore(%arg39 : memref<!tpu.dma_semaphore, #tpu.memory_space<semaphore_mem>>) src(%dma_wait3A_376 : memref<20000x128xf32, #tpu.memory_space<hbm>>) dst(%arg24 : memref<64x128xf32, #tpu.memory_space<vmem>>)
      %dma_start3A_377 = arith.constant 0 : i32
      %dma_start3A_378 = arith.constant 0 : i32
      %dma_start3A_379 = tpu.memref_slice %arg29[%dma_start3A_377, %dma_start3A_378] : memref<10008x128xf32, #tpu.memory_space<vmem_shared>> -> memref<10008x128xf32, #tpu.memory_space<vmem_shared>>
      tpu.enqueue_indirect_dma source(%arg24 : memref<64x128xf32, #tpu.memory_space<vmem>>) target(%dma_start3A_379 : memref<10008x128xf32, #tpu.memory_space<vmem_shared>>) offsets(%arg20 : memref<64xi32, #tpu.memory_space<vmem>>) semaphore(%arg43 : memref<!tpu.dma_semaphore, #tpu.memory_space<semaphore_mem>>) {add = true}
      %dma_wait3A_380 = arith.constant 0 : i32
      %dma_wait3A_381 = arith.constant 0 : i32
      %dma_wait3A_382 = tpu.memref_slice %arg5[%dma_wait3A_380, %dma_wait3A_381] : memref<20000x128xf32, #tpu.memory_space<hbm>> -> memref<20000x128xf32, #tpu.memory_space<hbm>>
      tpu.wait_indirect_dma semaphore(%arg40 : memref<!tpu.dma_semaphore, #tpu.memory_space<semaphore_mem>>) src(%dma_wait3A_382 : memref<20000x128xf32, #tpu.memory_space<hbm>>) dst(%arg25 : memref<64x128xf32, #tpu.memory_space<vmem>>)
      %dma_start3A_383 = arith.constant 0 : i32
      %dma_start3A_384 = arith.constant 0 : i32
      %dma_start3A_385 = tpu.memref_slice %arg29[%dma_start3A_383, %dma_start3A_384] : memref<10008x128xf32, #tpu.memory_space<vmem_shared>> -> memref<10008x128xf32, #tpu.memory_space<vmem_shared>>
      tpu.enqueue_indirect_dma source(%arg25 : memref<64x128xf32, #tpu.memory_space<vmem>>) target(%dma_start3A_385 : memref<10008x128xf32, #tpu.memory_space<vmem_shared>>) offsets(%arg21 : memref<64xi32, #tpu.memory_space<vmem>>) semaphore(%arg44 : memref<!tpu.dma_semaphore, #tpu.memory_space<semaphore_mem>>) {add = true}
      %dma_wait3A_386 = arith.constant 0 : i32
      %dma_wait3A_387 = arith.constant 0 : i32
      %dma_wait3A_388 = tpu.memref_slice %arg5[%dma_wait3A_386, %dma_wait3A_387] : memref<20000x128xf32, #tpu.memory_space<hbm>> -> memref<20000x128xf32, #tpu.memory_space<hbm>>
      tpu.wait_indirect_dma semaphore(%arg41 : memref<!tpu.dma_semaphore, #tpu.memory_space<semaphore_mem>>) src(%dma_wait3A_388 : memref<20000x128xf32, #tpu.memory_space<hbm>>) dst(%arg26 : memref<64x128xf32, #tpu.memory_space<vmem>>)
      %dma_start3A_389 = arith.constant 0 : i32
      %dma_start3A_390 = arith.constant 0 : i32
      %dma_start3A_391 = tpu.memref_slice %arg29[%dma_start3A_389, %dma_start3A_390] : memref<10008x128xf32, #tpu.memory_space<vmem_shared>> -> memref<10008x128xf32, #tpu.memory_space<vmem_shared>>
      tpu.enqueue_indirect_dma source(%arg26 : memref<64x128xf32, #tpu.memory_space<vmem>>) target(%dma_start3A_391 : memref<10008x128xf32, #tpu.memory_space<vmem_shared>>) offsets(%arg22 : memref<64xi32, #tpu.memory_space<vmem>>) semaphore(%arg45 : memref<!tpu.dma_semaphore, #tpu.memory_space<semaphore_mem>>) {add = true}
    }
    %scan3A_46 = arith.constant 39 : i32
    %dma_wait3A = arith.constant 0 : i32
    %dma_wait3A_47 = arith.constant 0 : i32
    %dma_wait3A_48 = tpu.memref_slice %arg29[%dma_wait3A, %dma_wait3A_47] : memref<10008x128xf32, #tpu.memory_space<vmem_shared>> -> memref<10008x128xf32, #tpu.memory_space<vmem_shared>>
    tpu.wait_indirect_dma semaphore(%arg42 : memref<!tpu.dma_semaphore, #tpu.memory_space<semaphore_mem>>) src(%arg23 : memref<64x128xf32, #tpu.memory_space<vmem>>) dst(%dma_wait3A_48 : memref<10008x128xf32, #tpu.memory_space<vmem_shared>>)
    %dma_wait3A_49 = arith.constant 0 : i32
    %dma_wait3A_50 = arith.constant 0 : i32
    %dma_wait3A_51 = tpu.memref_slice %arg29[%dma_wait3A_49, %dma_wait3A_50] : memref<10008x128xf32, #tpu.memory_space<vmem_shared>> -> memref<10008x128xf32, #tpu.memory_space<vmem_shared>>
    tpu.wait_indirect_dma semaphore(%arg43 : memref<!tpu.dma_semaphore, #tpu.memory_space<semaphore_mem>>) src(%arg24 : memref<64x128xf32, #tpu.memory_space<vmem>>) dst(%dma_wait3A_51 : memref<10008x128xf32, #tpu.memory_space<vmem_shared>>)
    %dma_wait3A_52 = arith.constant 0 : i32
    %dma_wait3A_53 = arith.constant 0 : i32
    %dma_wait3A_54 = tpu.memref_slice %arg29[%dma_wait3A_52, %dma_wait3A_53] : memref<10008x128xf32, #tpu.memory_space<vmem_shared>> -> memref<10008x128xf32, #tpu.memory_space<vmem_shared>>
    tpu.wait_indirect_dma semaphore(%arg44 : memref<!tpu.dma_semaphore, #tpu.memory_space<semaphore_mem>>) src(%arg25 : memref<64x128xf32, #tpu.memory_space<vmem>>) dst(%dma_wait3A_54 : memref<10008x128xf32, #tpu.memory_space<vmem_shared>>)
    %dma_wait3A_55 = arith.constant 0 : i32
    %dma_wait3A_56 = arith.constant 0 : i32
    %dma_wait3A_57 = tpu.memref_slice %arg29[%dma_wait3A_55, %dma_wait3A_56] : memref<10008x128xf32, #tpu.memory_space<vmem_shared>> -> memref<10008x128xf32, #tpu.memory_space<vmem_shared>>
    tpu.wait_indirect_dma semaphore(%arg45 : memref<!tpu.dma_semaphore, #tpu.memory_space<semaphore_mem>>) src(%arg26 : memref<64x128xf32, #tpu.memory_space<vmem>>) dst(%dma_wait3A_57 : memref<10008x128xf32, #tpu.memory_space<vmem_shared>>)
    %dma_wait3A_58 = arith.constant 0 : i32
    %dma_wait3A_59 = tpu.memref_slice %arg2[%dma_wait3A_58] : memref<640000xi32, #tpu.memory_space<hbm>> -> memref<64xi32, #tpu.memory_space<hbm>>
    %dma_wait3A_60 = arith.constant 0 : i32
    %dma_wait3A_61 = tpu.memref_slice %arg2[%dma_wait3A_60] : memref<640000xi32, #tpu.memory_space<hbm>> -> memref<64xi32, #tpu.memory_space<hbm>>
    tpu.wait_dma2 semaphore(%arg30 : memref<!tpu.dma_semaphore, #tpu.memory_space<semaphore_mem>>) src(%dma_wait3A_61 : memref<64xi32, #tpu.memory_space<hbm>>) dst(%arg7 : memref<64xi32, #tpu.memory_space<vmem>>)
    %dma_wait3A_62 = arith.constant 0 : i32
    %dma_wait3A_63 = tpu.memref_slice %arg3[%dma_wait3A_62] : memref<320000xi32, #tpu.memory_space<hbm>> -> memref<64xi32, #tpu.memory_space<hbm>>
    %dma_wait3A_64 = arith.constant 0 : i32
    %dma_wait3A_65 = tpu.memref_slice %arg3[%dma_wait3A_64] : memref<320000xi32, #tpu.memory_space<hbm>> -> memref<64xi32, #tpu.memory_space<hbm>>
    tpu.wait_dma2 semaphore(%arg30 : memref<!tpu.dma_semaphore, #tpu.memory_space<semaphore_mem>>) src(%dma_wait3A_65 : memref<64xi32, #tpu.memory_space<hbm>>) dst(%arg15 : memref<64xi32, #tpu.memory_space<vmem>>)
    %dma_wait3A_66 = arith.constant 0 : i32
    %dma_wait3A_67 = tpu.memref_slice %arg2[%dma_wait3A_66] : memref<640000xi32, #tpu.memory_space<hbm>> -> memref<64xi32, #tpu.memory_space<hbm>>
    %dma_wait3A_68 = arith.constant 0 : i32
    %dma_wait3A_69 = tpu.memref_slice %arg2[%dma_wait3A_68] : memref<640000xi32, #tpu.memory_space<hbm>> -> memref<64xi32, #tpu.memory_space<hbm>>
    tpu.wait_dma2 semaphore(%arg31 : memref<!tpu.dma_semaphore, #tpu.memory_space<semaphore_mem>>) src(%dma_wait3A_69 : memref<64xi32, #tpu.memory_space<hbm>>) dst(%arg8 : memref<64xi32, #tpu.memory_space<vmem>>)
    %dma_wait3A_70 = arith.constant 0 : i32
    %dma_wait3A_71 = tpu.memref_slice %arg3[%dma_wait3A_70] : memref<320000xi32, #tpu.memory_space<hbm>> -> memref<64xi32, #tpu.memory_space<hbm>>
    %dma_wait3A_72 = arith.constant 0 : i32
    %dma_wait3A_73 = tpu.memref_slice %arg3[%dma_wait3A_72] : memref<320000xi32, #tpu.memory_space<hbm>> -> memref<64xi32, #tpu.memory_space<hbm>>
    tpu.wait_dma2 semaphore(%arg31 : memref<!tpu.dma_semaphore, #tpu.memory_space<semaphore_mem>>) src(%dma_wait3A_73 : memref<64xi32, #tpu.memory_space<hbm>>) dst(%arg16 : memref<64xi32, #tpu.memory_space<vmem>>)
    %dma_wait3A_74 = arith.constant 0 : i32
    %dma_wait3A_75 = tpu.memref_slice %arg2[%dma_wait3A_74] : memref<640000xi32, #tpu.memory_space<hbm>> -> memref<64xi32, #tpu.memory_space<hbm>>
    %dma_wait3A_76 = arith.constant 0 : i32
    %dma_wait3A_77 = tpu.memref_slice %arg2[%dma_wait3A_76] : memref<640000xi32, #tpu.memory_space<hbm>> -> memref<64xi32, #tpu.memory_space<hbm>>
    tpu.wait_dma2 semaphore(%arg32 : memref<!tpu.dma_semaphore, #tpu.memory_space<semaphore_mem>>) src(%dma_wait3A_77 : memref<64xi32, #tpu.memory_space<hbm>>) dst(%arg9 : memref<64xi32, #tpu.memory_space<vmem>>)
    %dma_wait3A_78 = arith.constant 0 : i32
    %dma_wait3A_79 = tpu.memref_slice %arg3[%dma_wait3A_78] : memref<320000xi32, #tpu.memory_space<hbm>> -> memref<64xi32, #tpu.memory_space<hbm>>
    %dma_wait3A_80 = arith.constant 0 : i32
    %dma_wait3A_81 = tpu.memref_slice %arg3[%dma_wait3A_80] : memref<320000xi32, #tpu.memory_space<hbm>> -> memref<64xi32, #tpu.memory_space<hbm>>
    tpu.wait_dma2 semaphore(%arg32 : memref<!tpu.dma_semaphore, #tpu.memory_space<semaphore_mem>>) src(%dma_wait3A_81 : memref<64xi32, #tpu.memory_space<hbm>>) dst(%arg17 : memref<64xi32, #tpu.memory_space<vmem>>)
    %dma_wait3A_82 = arith.constant 0 : i32
    %dma_wait3A_83 = tpu.memref_slice %arg2[%dma_wait3A_82] : memref<640000xi32, #tpu.memory_space<hbm>> -> memref<64xi32, #tpu.memory_space<hbm>>
    %dma_wait3A_84 = arith.constant 0 : i32
    %dma_wait3A_85 = tpu.memref_slice %arg2[%dma_wait3A_84] : memref<640000xi32, #tpu.memory_space<hbm>> -> memref<64xi32, #tpu.memory_space<hbm>>
    tpu.wait_dma2 semaphore(%arg33 : memref<!tpu.dma_semaphore, #tpu.memory_space<semaphore_mem>>) src(%dma_wait3A_85 : memref<64xi32, #tpu.memory_space<hbm>>) dst(%arg10 : memref<64xi32, #tpu.memory_space<vmem>>)
    %dma_wait3A_86 = arith.constant 0 : i32
    %dma_wait3A_87 = tpu.memref_slice %arg3[%dma_wait3A_86] : memref<320000xi32, #tpu.memory_space<hbm>> -> memref<64xi32, #tpu.memory_space<hbm>>
    %dma_wait3A_88 = arith.constant 0 : i32
    %dma_wait3A_89 = tpu.memref_slice %arg3[%dma_wait3A_88] : memref<320000xi32, #tpu.memory_space<hbm>> -> memref<64xi32, #tpu.memory_space<hbm>>
    tpu.wait_dma2 semaphore(%arg33 : memref<!tpu.dma_semaphore, #tpu.memory_space<semaphore_mem>>) src(%dma_wait3A_89 : memref<64xi32, #tpu.memory_space<hbm>>) dst(%arg18 : memref<64xi32, #tpu.memory_space<vmem>>)
    %add3A_90 = arith.constant 19968 : i32
    %add3A_91 = arith.addi %mul3A_0, %add3A_90 : i32
    %add3A_92 = arith.addi %mul3A_2, %add3A_91 : i32
    %dma_start3A_93 = tpu.memref_slice %arg2[%add3A_92] : memref<640000xi32, #tpu.memory_space<hbm>> -> memref<32xi32, #tpu.memory_space<hbm>>
    %dma_start3A_94 = tpu.memref_slice %arg2[%add3A_92] : memref<640000xi32, #tpu.memory_space<hbm>> -> memref<32xi32, #tpu.memory_space<hbm>>
    tpu.enqueue_dma source(%dma_start3A_94 : memref<32xi32, #tpu.memory_space<hbm>>) target(%arg27 : memref<32xi32, #tpu.memory_space<vmem>>) target_semaphore(%arg30 : memref<!tpu.dma_semaphore, #tpu.memory_space<semaphore_mem>>)
    %dma_start3A_95 = tpu.memref_slice %arg3[%add3A_91] : memref<320000xi32, #tpu.memory_space<hbm>> -> memref<32xi32, #tpu.memory_space<hbm>>
    %dma_start3A_96 = tpu.memref_slice %arg3[%add3A_91] : memref<320000xi32, #tpu.memory_space<hbm>> -> memref<32xi32, #tpu.memory_space<hbm>>
    tpu.enqueue_dma source(%dma_start3A_96 : memref<32xi32, #tpu.memory_space<hbm>>) target(%arg28 : memref<32xi32, #tpu.memory_space<vmem>>) target_semaphore(%arg30 : memref<!tpu.dma_semaphore, #tpu.memory_space<semaphore_mem>>)
    %dma_wait3A_97 = tpu.memref_slice %arg2[%add3A_92] : memref<640000xi32, #tpu.memory_space<hbm>> -> memref<32xi32, #tpu.memory_space<hbm>>
    %dma_wait3A_98 = tpu.memref_slice %arg2[%add3A_92] : memref<640000xi32, #tpu.memory_space<hbm>> -> memref<32xi32, #tpu.memory_space<hbm>>
    tpu.wait_dma2 semaphore(%arg30 : memref<!tpu.dma_semaphore, #tpu.memory_space<semaphore_mem>>) src(%dma_wait3A_98 : memref<32xi32, #tpu.memory_space<hbm>>) dst(%arg27 : memref<32xi32, #tpu.memory_space<vmem>>)
    %dma_wait3A_99 = tpu.memref_slice %arg3[%add3A_91] : memref<320000xi32, #tpu.memory_space<hbm>> -> memref<32xi32, #tpu.memory_space<hbm>>
    %dma_wait3A_100 = tpu.memref_slice %arg3[%add3A_91] : memref<320000xi32, #tpu.memory_space<hbm>> -> memref<32xi32, #tpu.memory_space<hbm>>
    tpu.wait_dma2 semaphore(%arg30 : memref<!tpu.dma_semaphore, #tpu.memory_space<semaphore_mem>>) src(%dma_wait3A_100 : memref<32xi32, #tpu.memory_space<hbm>>) dst(%arg28 : memref<32xi32, #tpu.memory_space<vmem>>)
    %dma_start3A_101 = arith.constant 0 : i32
    %dma_start3A_102 = arith.constant 0 : i32
    %dma_start3A_103 = tpu.memref_slice %arg23[%dma_start3A_101, %dma_start3A_102] : memref<64x128xf32, #tpu.memory_space<vmem>> -> memref<32x128xf32, #tpu.memory_space<vmem>>
    %dma_start3A_104 = arith.constant 0 : i32
    %dma_start3A_105 = arith.constant 0 : i32
    %dma_start3A_106 = tpu.memref_slice %arg5[%dma_start3A_104, %dma_start3A_105] : memref<20000x128xf32, #tpu.memory_space<hbm>> -> memref<20000x128xf32, #tpu.memory_space<hbm>>
    tpu.enqueue_indirect_dma source(%dma_start3A_106 : memref<20000x128xf32, #tpu.memory_space<hbm>>) target(%dma_start3A_103 : memref<32x128xf32, #tpu.memory_space<vmem>>) offsets(%arg27 : memref<32xi32, #tpu.memory_space<vmem>>) semaphore(%arg38 : memref<!tpu.dma_semaphore, #tpu.memory_space<semaphore_mem>>)
    %dma_wait3A_107 = arith.constant 0 : i32
    %dma_wait3A_108 = arith.constant 0 : i32
    %dma_wait3A_109 = tpu.memref_slice %arg23[%dma_wait3A_107, %dma_wait3A_108] : memref<64x128xf32, #tpu.memory_space<vmem>> -> memref<32x128xf32, #tpu.memory_space<vmem>>
    %dma_wait3A_110 = arith.constant 0 : i32
    %dma_wait3A_111 = arith.constant 0 : i32
    %dma_wait3A_112 = tpu.memref_slice %arg5[%dma_wait3A_110, %dma_wait3A_111] : memref<20000x128xf32, #tpu.memory_space<hbm>> -> memref<20000x128xf32, #tpu.memory_space<hbm>>
    tpu.wait_indirect_dma semaphore(%arg38 : memref<!tpu.dma_semaphore, #tpu.memory_space<semaphore_mem>>) src(%dma_wait3A_112 : memref<20000x128xf32, #tpu.memory_space<hbm>>) dst(%dma_wait3A_109 : memref<32x128xf32, #tpu.memory_space<vmem>>)
    %dma_start3A_113 = arith.constant 0 : i32
    %dma_start3A_114 = arith.constant 0 : i32
    %dma_start3A_115 = tpu.memref_slice %arg23[%dma_start3A_113, %dma_start3A_114] : memref<64x128xf32, #tpu.memory_space<vmem>> -> memref<32x128xf32, #tpu.memory_space<vmem>>
    %dma_start3A_116 = arith.constant 0 : i32
    %dma_start3A_117 = arith.constant 0 : i32
    %dma_start3A_118 = tpu.memref_slice %arg29[%dma_start3A_116, %dma_start3A_117] : memref<10008x128xf32, #tpu.memory_space<vmem_shared>> -> memref<10008x128xf32, #tpu.memory_space<vmem_shared>>
    tpu.enqueue_indirect_dma source(%dma_start3A_115 : memref<32x128xf32, #tpu.memory_space<vmem>>) target(%dma_start3A_118 : memref<10008x128xf32, #tpu.memory_space<vmem_shared>>) offsets(%arg28 : memref<32xi32, #tpu.memory_space<vmem>>) semaphore(%arg42 : memref<!tpu.dma_semaphore, #tpu.memory_space<semaphore_mem>>) {add = true}
    %dma_wait3A_119 = arith.constant 0 : i32
    %dma_wait3A_120 = arith.constant 0 : i32
    %dma_wait3A_121 = tpu.memref_slice %arg23[%dma_wait3A_119, %dma_wait3A_120] : memref<64x128xf32, #tpu.memory_space<vmem>> -> memref<32x128xf32, #tpu.memory_space<vmem>>
    %dma_wait3A_122 = arith.constant 0 : i32
    %dma_wait3A_123 = arith.constant 0 : i32
    %dma_wait3A_124 = tpu.memref_slice %arg29[%dma_wait3A_122, %dma_wait3A_123] : memref<10008x128xf32, #tpu.memory_space<vmem_shared>> -> memref<10008x128xf32, #tpu.memory_space<vmem_shared>>
    tpu.wait_indirect_dma semaphore(%arg42 : memref<!tpu.dma_semaphore, #tpu.memory_space<semaphore_mem>>) src(%dma_wait3A_121 : memref<32x128xf32, #tpu.memory_space<vmem>>) dst(%dma_wait3A_124 : memref<10008x128xf32, #tpu.memory_space<vmem_shared>>)
    %barrier3A_125 = arith.constant 0 : index
    tpu.barrier barrier_id(%barrier3A_125)
    %lt3A_126 = arith.constant 15 : i32
    %lt3A_127 = arith.cmpi slt, %arg1, %lt3A_126 : i32
    %convert_element_type3A_128 = arith.extui %lt3A_127 : i1 to i32
    %cond3A_129 = arith.constant 0 : i32
    %cond3A_130 = arith.cmpi ne, %convert_element_type3A_128, %cond3A_129 : i32
    scf.if %cond3A_130 {
      %mul3A_136 = arith.constant 632 : i32
      %mul3A_137 = arith.muli %arg1, %mul3A_136 : i32
      %mul3A_138 = arith.constant 10000 : i32
      %mul3A_139 = arith.muli %arg0, %mul3A_138 : i32
      %mul3A_140 = arith.constant 632 : i32
      %mul3A_141 = arith.muli %arg1, %mul3A_140 : i32
      %add3A_142 = arith.addi %mul3A_139, %mul3A_141 : i32
      "tpu.region"() ({
        %run_scoped3A = tpu.sem_alloc : memref<!tpu.dma_semaphore, #tpu.memory_space<semaphore_mem>>
        %dma_start3A_143 = arith.constant 0 : i32
        %dma_start3A_144 = tpu.memref_slice %arg6[%add3A_142, %dma_start3A_143] : memref<20000x128xf32, #tpu.memory_space<hbm>> -> memref<632x128xf32, #tpu.memory_space<hbm>>
        %dma_start3A_145 = arith.constant 0 : i32
        %dma_start3A_146 = tpu.memref_slice %arg29[%mul3A_137, %dma_start3A_145] : memref<10008x128xf32, #tpu.memory_space<vmem_shared>> -> memref<632x128xf32, #tpu.memory_space<vmem_shared>>
        tpu.enqueue_dma source(%dma_start3A_146 : memref<632x128xf32, #tpu.memory_space<vmem_shared>>) target(%dma_start3A_144 : memref<632x128xf32, #tpu.memory_space<hbm>>) target_semaphore(%run_scoped3A : memref<!tpu.dma_semaphore, #tpu.memory_space<semaphore_mem>>)
        %dma_wait3A_147 = arith.constant 0 : i32
        %dma_wait3A_148 = tpu.memref_slice %arg6[%add3A_142, %dma_wait3A_147] : memref<20000x128xf32, #tpu.memory_space<hbm>> -> memref<632x128xf32, #tpu.memory_space<hbm>>
        %dma_wait3A_149 = arith.constant 0 : i32
        %dma_wait3A_150 = tpu.memref_slice %arg29[%mul3A_137, %dma_wait3A_149] : memref<10008x128xf32, #tpu.memory_space<vmem_shared>> -> memref<632x128xf32, #tpu.memory_space<vmem_shared>>
        tpu.wait_dma2 semaphore(%run_scoped3A : memref<!tpu.dma_semaphore, #tpu.memory_space<semaphore_mem>>) src(%dma_wait3A_150 : memref<632x128xf32, #tpu.memory_space<vmem_shared>>) dst(%dma_wait3A_148 : memref<632x128xf32, #tpu.memory_space<hbm>>)
        tpu.yield
      }) : () -> ()
    } else {
    }
    %eq3A_131 = arith.constant 15 : i32
    %eq3A_132 = arith.cmpi eq, %arg1, %eq3A_131 : i32
    %convert_element_type3A_133 = arith.extui %eq3A_132 : i1 to i32
    %cond3A_134 = arith.constant 0 : i32
    %cond3A_135 = arith.cmpi ne, %convert_element_type3A_133, %cond3A_134 : i32
    scf.if %cond3A_135 {
      %mul3A_136 = arith.constant 10000 : i32
      %mul3A_137 = arith.muli %arg0, %mul3A_136 : i32
      %add3A_138 = arith.constant 9480 : i32
      %add3A_139 = arith.addi %mul3A_137, %add3A_138 : i32
      "tpu.region"() ({
        %run_scoped3A = tpu.sem_alloc : memref<!tpu.dma_semaphore, #tpu.memory_space<semaphore_mem>>
        %dma_start3A_140 = arith.constant 0 : i32
        %dma_start3A_141 = tpu.memref_slice %arg6[%add3A_139, %dma_start3A_140] : memref<20000x128xf32, #tpu.memory_space<hbm>> -> memref<520x128xf32, #tpu.memory_space<hbm>>
        %dma_start3A_142 = arith.constant 9480 : i32
        %dma_start3A_143 = arith.constant 0 : i32
        %dma_start3A_144 = tpu.memref_slice %arg29[%dma_start3A_142, %dma_start3A_143] : memref<10008x128xf32, #tpu.memory_space<vmem_shared>> -> memref<520x128xf32, #tpu.memory_space<vmem_shared>>
        tpu.enqueue_dma source(%dma_start3A_144 : memref<520x128xf32, #tpu.memory_space<vmem_shared>>) target(%dma_start3A_141 : memref<520x128xf32, #tpu.memory_space<hbm>>) target_semaphore(%run_scoped3A : memref<!tpu.dma_semaphore, #tpu.memory_space<semaphore_mem>>)
        %dma_wait3A_145 = arith.constant 0 : i32
        %dma_wait3A_146 = tpu.memref_slice %arg6[%add3A_139, %dma_wait3A_145] : memref<20000x128xf32, #tpu.memory_space<hbm>> -> memref<520x128xf32, #tpu.memory_space<hbm>>
        %dma_wait3A_147 = arith.constant 9480 : i32
        %dma_wait3A_148 = arith.constant 0 : i32
        %dma_wait3A_149 = tpu.memref_slice %arg29[%dma_wait3A_147, %dma_wait3A_148] : memref<10008x128xf32, #tpu.memory_space<vmem_shared>> -> memref<520x128xf32, #tpu.memory_space<vmem_shared>>
        tpu.wait_dma2 semaphore(%run_scoped3A : memref<!tpu.dma_semaphore, #tpu.memory_space<semaphore_mem>>) src(%dma_wait3A_149 : memref<520x128xf32, #tpu.memory_space<vmem_shared>>) dst(%dma_wait3A_146 : memref<520x128xf32, #tpu.memory_space<hbm>>)
        tpu.yield
      }) : () -> ()
    } else {
    }
    return
  }
}

module attributes {stable_mosaic.version = 14 : i64} {
  func.func @_tc1_body(%arg0: i32, %arg1: memref<1000x128xf32, #tpu.memory_space<vmem>>, %arg2: memref<1000x128xf32, #tpu.memory_space<vmem>>, %arg3: memref<1000x128xf32, #tpu.memory_space<vmem>>, %arg4: memref<128x256xf32, #tpu.memory_space<vmem>>, %arg5: memref<1x256xf32, #tpu.memory_space<vmem>>, %arg6: memref<128x256xf32, #tpu.memory_space<vmem>>, %arg7: memref<2x1000x128xf32, #tpu.memory_space<vmem>>) attributes {dimension_semantics = [#tpu.dimension_semantics<arbitrary>], iteration_bounds = array<i64: 10>, scalar_prefetch = 0 : i64, scratch_operands = 0 : i64, tpu.core_type = #tpu.core_type<tc>, window_params = [{transform_indices = @transform_0, window_bounds = array<i64: 1000, 128>}, {transform_indices = @transform_1, window_bounds = array<i64: 1000, 128>}, {transform_indices = @transform_2, window_bounds = array<i64: 1000, 128>}, {pipeline_mode = #tpu.pipeline_mode<synchronous>, transform_indices = @transform_3, window_bounds = array<i64: 128, 256>}, {pipeline_mode = #tpu.pipeline_mode<synchronous>, transform_indices = @transform_4, window_bounds = array<i64: 1, 256>}, {pipeline_mode = #tpu.pipeline_mode<synchronous>, transform_indices = @transform_5, window_bounds = array<i64: 128, 256>}, {transform_indices = @transform_6, window_bounds = array<i64: 2, 1000, 128>}]} {
    %get3A = arith.constant 0 : index
    %get3A_0 = arith.constant 0 : index
    %get3A_1 = vector.load %arg2[%get3A, %get3A_0] : memref<1000x128xf32, #tpu.memory_space<vmem>>, vector<1000x128xf32>
    %get3A_2 = arith.constant 0 : index
    %get3A_3 = arith.constant 0 : index
    %get3A_4 = vector.load %arg3[%get3A_2, %get3A_3] : memref<1000x128xf32, #tpu.memory_space<vmem>>, vector<1000x128xf32>
    %add3A = arith.addf %get3A_1, %get3A_4 : vector<1000x128xf32>
    %get3A_5 = arith.constant 0 : index
    %get3A_6 = arith.constant 0 : index
    %get3A_7 = vector.load %arg4[%get3A_5, %get3A_6] : memref<128x256xf32, #tpu.memory_space<vmem>>, vector<128x256xf32>
    %dot_general3A = arith.constant dense<0.000000e+00> : vector<1000x256xf32>
    %dot_general3A_8 = tpu.matmul %add3A, %get3A_7, %dot_general3A {dimension_numbers = #tpu.dot_dimension_numbers<[1], [0], [0], [1], [0, 0, 1, 1], [], []>, transpose_lhs_hint = false} : vector<1000x128xf32>, vector<128x256xf32>, vector<1000x256xf32> -> vector<1000x256xf32>
    %get3A_9 = arith.constant 0 : index
    %get3A_10 = arith.constant 0 : index
    %get3A_11 = vector.load %arg1[%get3A_9, %get3A_10] : memref<1000x128xf32, #tpu.memory_space<vmem>>, vector<1000x128xf32>
    %get3A_12 = arith.constant 0 : index
    %get3A_13 = arith.constant 0 : index
    %get3A_14 = vector.load %arg6[%get3A_12, %get3A_13] : memref<128x256xf32, #tpu.memory_space<vmem>>, vector<128x256xf32>
    %dot_general3A_15 = arith.constant dense<0.000000e+00> : vector<1000x256xf32>
    %dot_general3A_16 = tpu.matmul %get3A_11, %get3A_14, %dot_general3A_15 {dimension_numbers = #tpu.dot_dimension_numbers<[1], [0], [0], [1], [0, 0, 1, 1], [], []>, transpose_lhs_hint = false} : vector<1000x128xf32>, vector<128x256xf32>, vector<1000x256xf32> -> vector<1000x256xf32>
    %add3A_17 = arith.addf %dot_general3A_8, %dot_general3A_16 : vector<1000x256xf32>
    %get3A_18 = arith.constant 0 : index
    %get3A_19 = arith.constant 0 : index
    %get3A_20 = vector.load %arg5[%get3A_18, %get3A_19] : memref<1x256xf32, #tpu.memory_space<vmem>>, vector<1x256xf32>
    %add3A_21 = vector.broadcast %get3A_20 : vector<1x256xf32> to vector<1000x256xf32>
    %add3A_22 = arith.addf %add3A_17, %add3A_21 : vector<1000x256xf32>
    %max3A = arith.constant 0.000000e+00 : f32
    %max3A_23 = vector.broadcast %max3A : f32 to vector<1000x256xf32>
    %max3A_24 = arith.maximumf %add3A_22, %max3A_23 : vector<1000x256xf32>
    %slice3A = vector.extract_strided_slice %max3A_24 {offsets = [0, 0], sizes = [1000, 128], strides = [1, 1]} : vector<1000x256xf32> to vector<1000x128xf32>
    %swap3A = arith.constant 0 : index
    %swap3A_25 = arith.constant 0 : index
    %swap3A_26 = arith.constant 0 : index
    %swap3A_27 = vector.load %arg7[%swap3A, %swap3A_25, %swap3A_26] : memref<2x1000x128xf32, #tpu.memory_space<vmem>>, vector<1x1000x128xf32>
    %swap3A_28 = vector.shape_cast %swap3A_27 : vector<1x1000x128xf32> to vector<1000x128xf32>
    %swap3A_29 = vector.shape_cast %slice3A : vector<1000x128xf32> to vector<1x1000x128xf32>
    tpu.vector_store %arg7[%swap3A, %swap3A_25, %swap3A_26], %swap3A_29 {strides = array<i32>} : memref<2x1000x128xf32, #tpu.memory_space<vmem>>, vector<1x1000x128xf32>,
    %slice3A_30 = vector.extract_strided_slice %max3A_24 {offsets = [0, 128], sizes = [1000, 128], strides = [1, 1]} : vector<1000x256xf32> to vector<1000x128xf32>
    %swap3A_31 = arith.constant 1 : index
    %swap3A_32 = arith.constant 0 : index
    %swap3A_33 = arith.constant 0 : index
    %swap3A_34 = vector.load %arg7[%swap3A_31, %swap3A_32, %swap3A_33] : memref<2x1000x128xf32, #tpu.memory_space<vmem>>, vector<1x1000x128xf32>
    %swap3A_35 = vector.shape_cast %swap3A_34 : vector<1x1000x128xf32> to vector<1000x128xf32>
    %swap3A_36 = vector.shape_cast %slice3A_30 : vector<1000x128xf32> to vector<1x1000x128xf32>
    tpu.vector_store %arg7[%swap3A_31, %swap3A_32, %swap3A_33], %swap3A_36 {strides = array<i32>} : memref<2x1000x128xf32, #tpu.memory_space<vmem>>, vector<1x1000x128xf32>,
    return
  }
  func.func @transform_0(%arg0: i32) -> (i32, i32) {
    %c0_i32 = arith.constant 0 : i32
    %c0_i32_0 = arith.constant 0 : i32
    return %arg0, %c0_i32 : i32, i32
  }
  func.func @transform_1(%arg0: i32) -> (i32, i32) {
    %c0_i32 = arith.constant 0 : i32
    %c0_i32_0 = arith.constant 0 : i32
    return %arg0, %c0_i32 : i32, i32
  }
  func.func @transform_2(%arg0: i32) -> (i32, i32) {
    %add3A = arith.constant 10 : i32
    %add3A_0 = arith.addi %arg0, %add3A : i32
    %c0_i32 = arith.constant 0 : i32
    %c0_i32_1 = arith.constant 0 : i32
    return %add3A_0, %c0_i32 : i32, i32
  }
  func.func @transform_3(%arg0: i32) -> (i32, i32) {
    %c0_i32 = arith.constant 0 : i32
    %c0_i32_0 = arith.constant 0 : i32
    %c0_i32_1 = arith.constant 0 : i32
    return %c0_i32, %c0_i32_0 : i32, i32
  }
  func.func @transform_4(%arg0: i32) -> (i32, i32) {
    %c0_i32 = arith.constant 0 : i32
    %c0_i32_0 = arith.constant 0 : i32
    %c0_i32_1 = arith.constant 0 : i32
    return %c0_i32, %c0_i32_0 : i32, i32
  }
  func.func @transform_5(%arg0: i32) -> (i32, i32) {
    %c0_i32 = arith.constant 0 : i32
    %c0_i32_0 = arith.constant 0 : i32
    %c0_i32_1 = arith.constant 0 : i32
    return %c0_i32, %c0_i32_0 : i32, i32
  }
  func.func @transform_6(%arg0: i32) -> (i32, i32, i32) {
    %c0_i32 = arith.constant 0 : i32
    %c0_i32_0 = arith.constant 0 : i32
    %c0_i32_1 = arith.constant 0 : i32
    return %c0_i32, %arg0, %c0_i32_0 : i32, i32, i32
  }
}

module attributes {stable_mosaic.version = 14 : i64} {
  func.func @_tc2_body(%arg0: i32, %arg1: memref<1000x128xf32, #tpu.memory_space<vmem>>, %arg2: memref<1000x128xf32, #tpu.memory_space<vmem>>, %arg3: memref<1000x128xf32, #tpu.memory_space<vmem>>, %arg4: memref<1000x128xf32, #tpu.memory_space<vmem>>, %arg5: memref<256x256xf32, #tpu.memory_space<vmem>>, %arg6: memref<1x256xf32, #tpu.memory_space<vmem>>, %arg7: memref<256x256xf32, #tpu.memory_space<vmem>>, %arg8: memref<1000x256xf32, #tpu.memory_space<vmem>>) attributes {dimension_semantics = [#tpu.dimension_semantics<arbitrary>], iteration_bounds = array<i64: 10>, scalar_prefetch = 0 : i64, scratch_operands = 0 : i64, tpu.core_type = #tpu.core_type<tc>, window_params = [{transform_indices = @transform_0, window_bounds = array<i64: 1000, 128>}, {transform_indices = @transform_1, window_bounds = array<i64: 1000, 128>}, {transform_indices = @transform_2, window_bounds = array<i64: 1000, 128>}, {transform_indices = @transform_3, window_bounds = array<i64: 1000, 128>}, {pipeline_mode = #tpu.pipeline_mode<synchronous>, transform_indices = @transform_4, window_bounds = array<i64: 256, 256>}, {pipeline_mode = #tpu.pipeline_mode<synchronous>, transform_indices = @transform_5, window_bounds = array<i64: 1, 256>}, {pipeline_mode = #tpu.pipeline_mode<synchronous>, transform_indices = @transform_6, window_bounds = array<i64: 256, 256>}, {transform_indices = @transform_7, window_bounds = array<i64: 1000, 256>}]} {
    %get3A = arith.constant 0 : index
    %get3A_0 = arith.constant 0 : index
    %get3A_1 = vector.load %arg3[%get3A, %get3A_0] : memref<1000x128xf32, #tpu.memory_space<vmem>>, vector<1000x128xf32>
    %get3A_2 = arith.constant 0 : index
    %get3A_3 = arith.constant 0 : index
    %get3A_4 = vector.load %arg5[%get3A_2, %get3A_3] : memref<256x256xf32, #tpu.memory_space<vmem>>, vector<128x256xf32>
    %dot_general3A = arith.constant dense<0.000000e+00> : vector<1000x256xf32>
    %dot_general3A_5 = tpu.matmul %get3A_1, %get3A_4, %dot_general3A {dimension_numbers = #tpu.dot_dimension_numbers<[1], [0], [0], [1], [0, 0, 1, 1], [], []>, transpose_lhs_hint = false} : vector<1000x128xf32>, vector<128x256xf32>, vector<1000x256xf32> -> vector<1000x256xf32>
    %get3A_6 = arith.constant 0 : index
    %get3A_7 = arith.constant 0 : index
    %get3A_8 = vector.load %arg4[%get3A_6, %get3A_7] : memref<1000x128xf32, #tpu.memory_space<vmem>>, vector<1000x128xf32>
    %get3A_9 = arith.constant 128 : index
    %get3A_10 = arith.constant 0 : index
    %get3A_11 = vector.load %arg5[%get3A_9, %get3A_10] : memref<256x256xf32, #tpu.memory_space<vmem>>, vector<128x256xf32>
    %dot_general3A_12 = arith.constant dense<0.000000e+00> : vector<1000x256xf32>
    %dot_general3A_13 = tpu.matmul %get3A_8, %get3A_11, %dot_general3A_12 {dimension_numbers = #tpu.dot_dimension_numbers<[1], [0], [0], [1], [0, 0, 1, 1], [], []>, transpose_lhs_hint = false} : vector<1000x128xf32>, vector<128x256xf32>, vector<1000x256xf32> -> vector<1000x256xf32>
    %add3A = arith.addf %dot_general3A_5, %dot_general3A_13 : vector<1000x256xf32>
    %get3A_14 = arith.constant 0 : index
    %get3A_15 = arith.constant 0 : index
    %get3A_16 = vector.load %arg1[%get3A_14, %get3A_15] : memref<1000x128xf32, #tpu.memory_space<vmem>>, vector<1000x128xf32>
    %get3A_17 = arith.constant 0 : index
    %get3A_18 = arith.constant 0 : index
    %get3A_19 = vector.load %arg7[%get3A_17, %get3A_18] : memref<256x256xf32, #tpu.memory_space<vmem>>, vector<128x256xf32>
    %dot_general3A_20 = arith.constant dense<0.000000e+00> : vector<1000x256xf32>
    %dot_general3A_21 = tpu.matmul %get3A_16, %get3A_19, %dot_general3A_20 {dimension_numbers = #tpu.dot_dimension_numbers<[1], [0], [0], [1], [0, 0, 1, 1], [], []>, transpose_lhs_hint = false} : vector<1000x128xf32>, vector<128x256xf32>, vector<1000x256xf32> -> vector<1000x256xf32>
    %add3A_22 = arith.addf %add3A, %dot_general3A_21 : vector<1000x256xf32>
    %get3A_23 = arith.constant 0 : index
    %get3A_24 = arith.constant 0 : index
    %get3A_25 = vector.load %arg2[%get3A_23, %get3A_24] : memref<1000x128xf32, #tpu.memory_space<vmem>>, vector<1000x128xf32>
    %get3A_26 = arith.constant 128 : index
    %get3A_27 = arith.constant 0 : index
    %get3A_28 = vector.load %arg7[%get3A_26, %get3A_27] : memref<256x256xf32, #tpu.memory_space<vmem>>, vector<128x256xf32>
    %dot_general3A_29 = arith.constant dense<0.000000e+00> : vector<1000x256xf32>
    %dot_general3A_30 = tpu.matmul %get3A_25, %get3A_28, %dot_general3A_29 {dimension_numbers = #tpu.dot_dimension_numbers<[1], [0], [0], [1], [0, 0, 1, 1], [], []>, transpose_lhs_hint = false} : vector<1000x128xf32>, vector<128x256xf32>, vector<1000x256xf32> -> vector<1000x256xf32>
    %add3A_31 = arith.addf %add3A_22, %dot_general3A_30 : vector<1000x256xf32>
    %get3A_32 = arith.constant 0 : index
    %get3A_33 = arith.constant 0 : index
    %get3A_34 = vector.load %arg6[%get3A_32, %get3A_33] : memref<1x256xf32, #tpu.memory_space<vmem>>, vector<1x256xf32>
    %add3A_35 = vector.broadcast %get3A_34 : vector<1x256xf32> to vector<1000x256xf32>
    %add3A_36 = arith.addf %add3A_31, %add3A_35 : vector<1000x256xf32>
    %max3A = arith.constant 0.000000e+00 : f32
    %max3A_37 = vector.broadcast %max3A : f32 to vector<1000x256xf32>
    %max3A_38 = arith.maximumf %add3A_36, %max3A_37 : vector<1000x256xf32>
    %swap3A = arith.constant 0 : index
    %swap3A_39 = arith.constant 0 : index
    %swap3A_40 = vector.load %arg8[%swap3A, %swap3A_39] : memref<1000x256xf32, #tpu.memory_space<vmem>>, vector<1000x256xf32>
    tpu.vector_store %arg8[%swap3A, %swap3A_39], %max3A_38 {strides = array<i32>} : memref<1000x256xf32, #tpu.memory_space<vmem>>, vector<1000x256xf32>,
    return
  }
  func.func @transform_0(%arg0: i32) -> (i32, i32) {
    %c0_i32 = arith.constant 0 : i32
    %c0_i32_0 = arith.constant 0 : i32
    return %arg0, %c0_i32 : i32, i32
  }
  func.func @transform_1(%arg0: i32) -> (i32, i32) {
    %add3A = arith.constant 10 : i32
    %add3A_0 = arith.addi %arg0, %add3A : i32
    %c0_i32 = arith.constant 0 : i32
    %c0_i32_1 = arith.constant 0 : i32
    return %add3A_0, %c0_i32 : i32, i32
  }
  func.func @transform_2(%arg0: i32) -> (i32, i32) {
    %c0_i32 = arith.constant 0 : i32
    %c0_i32_0 = arith.constant 0 : i32
    return %arg0, %c0_i32 : i32, i32
  }
  func.func @transform_3(%arg0: i32) -> (i32, i32) {
    %add3A = arith.constant 10 : i32
    %add3A_0 = arith.addi %arg0, %add3A : i32
    %c0_i32 = arith.constant 0 : i32
    %c0_i32_1 = arith.constant 0 : i32
    return %add3A_0, %c0_i32 : i32, i32
  }
  func.func @transform_4(%arg0: i32) -> (i32, i32) {
    %c0_i32 = arith.constant 0 : i32
    %c0_i32_0 = arith.constant 0 : i32
    %c0_i32_1 = arith.constant 0 : i32
    return %c0_i32, %c0_i32_0 : i32, i32
  }
  func.func @transform_5(%arg0: i32) -> (i32, i32) {
    %c0_i32 = arith.constant 0 : i32
    %c0_i32_0 = arith.constant 0 : i32
    %c0_i32_1 = arith.constant 0 : i32
    return %c0_i32, %c0_i32_0 : i32, i32
  }
  func.func @transform_6(%arg0: i32) -> (i32, i32) {
    %c0_i32 = arith.constant 0 : i32
    %c0_i32_0 = arith.constant 0 : i32
    %c0_i32_1 = arith.constant 0 : i32
    return %c0_i32, %c0_i32_0 : i32, i32
  }
  func.func @transform_7(%arg0: i32) -> (i32, i32) {
    %c0_i32 = arith.constant 0 : i32
    %c0_i32_0 = arith.constant 0 : i32
    return %arg0, %c0_i32 : i32, i32
  }
}

</mosaic_0001>

<sc_bundles>
// kernel: kernel.6.cloned.1.call-start
scs
__scs_entry_jumppad:
0x0: {  	(pc) =	sbr.rel $0x88, $3  }
0x1: {  	(tag) =	ssettag $0x0;
	lr =	simm.s32 $0x1  }
0x2: {  	[smem:$0x3F99] =	sst lr;
	_ =	strace $0xD0000000  }
0x3: {  	_ = 	snop  }
0x4: {  	_ = 	snop  }
0x5: {  	_ = 	snop  }
0x6: {  	_ = 	snop  }
0x7: {  	_ = 	snop  }
__scs_overlays_trampoline_lowered:
0x8: {  	[smem:$0x3FA8] =	sst s0  }
0x9: {  	[smem:$0x3FA9] =	sst s1  }
0xa: {  	[smem:$0x3FAA] =	sst s2  }
0xb: {  	[smem:$0x3FAB] =	sst s3  }
0xc: {  	[smem:$0x3FAC] =	sst s4  }
0xd: {  	[smem:$0x3FAD] =	sst s5  }
0xe: {  	[smem:$0x3FAE] =	sst s6  }
0xf: {  	[smem:$0x3FAF] =	sst s7  }
0x10: {  	[smem:$0x3FB0] =	sst s8  }
0x11: {  	[smem:$0x3FB1] =	sst s9;
	s0 =	simm.s32 @!p0 $0x0  }
0x12: {  	s1 =	sld [smem:$0x3F97];
	s0 =	simm.s32 @p0 $0x1  }
0x13: {  	[smem:$0x3FB2] =	sst s0;
	s0 =	simm.s32 @!p1 $0x0  }
0x14: {  	s2 =	sld [smem:$0x3F96];
	s0 =	simm.s32 @p1 $0x1  }
0x15: {  	[smem:$0x3FB3] =	sst s0;
	s0 =	simm.s32 @!p2 $0x0  }
0x16: {  	s3 =	sld [smem:$0x3FDB];
	s0 =	simm.s32 @p2 $0x1  }
0x17: {  	s4 =	simm.s32 $0x1BF5;
	[smem:$0x3FB5] =	sst s0  }
0x18: {  	s0 =	sld [smem:$0x3F98];
	_ =	swait.ge [sflag:s4], $0x0  }
0x19: {  	s7 =	sld [smem:$0x3F99]  }
0x1a: {  	s8 =	sadd.s32 $0xFFFFE003, lr  }
0x1b: {  	s9 =	sadd.s32 $0xFFFFFEF7, lr;
	s5 =	simm.s32 $0xFFFFFFFF;
	p2 =	slt.u32 s8, $0xFFFFF086  }
0x1c: {  	p1 =	slt.u32 s9, $0xF7A;
	s5 =	simm.s32 @!p2 $0x0  }
0x1d: {  	s5 =	simm.s32 @p1 $0x1;
	p0 =	seq.s32 s7, s2  }
0x1e: {  	s7 =	smul.u32 @!p0 $0xF7A, s2;
	p2 =	seq.s32 @!p0 s5, $0x0  }
0x1f: {  	s9 =	smul.u32 $0xF7A, s1;
	s8 =	simm.s32 @!p0 $0x1BF5;
	p2 =	por !p2, p0  }
0x20: {  	[sflag:s8] =	ssyncset.s32 @!p0 $0xFFFFF086;
	s6 =	sadd.s32 @!p0 s3, s7;
	s7 =	simm.s32 @!p0 $0x108  }
0x21: {  	s3 =	sadd.s32 s3, s9;
	s6 =	sadd.s32 @!p0 $0x88, s6;
	s7 =	simm.s32 @p2 $0x1082  }
0x22: {  	[simem:s7], [sflag:s8] =	dma.local @!p0 [hbm:s6], $0xF7A  }
0x23: {  	s9 =	sor.u32 $0xD0000000, s2;
	s6 =	simm.s32 $0x108;
	_ =	swait.ge @!p0 [sflag:s8], $0x0  }
0x24: {  	s3 =	sadd.s32 $0x88, s3;
	s6 =	simm.s32 @!p1 $0x1082;
	[sflag:s4] =	ssyncset.s32 $0xFFFFF086  }
0x25: {  	[simem:s6], [sflag:s4] =	dma.local [hbm:s3], $0xF7A  }
0x26: {  	[smem:$0x3F99] =	sst s1;
	(tag) =	ssettag s2;
	_ =	strace s9  }
0x27: {  	s1 =	sld [smem:$0x3FA9]  }
0x28: {  	s2 =	sld [smem:$0x3FAA]  }
0x29: {  	s4 =	sld [smem:$0x3FAC]  }
0x2a: {  	p0 =	seq.s32 s5, $0x0;
	s5 =	sld [smem:$0x3FAD]  }
0x2b: {  	s6 =	sld [smem:$0x3FAE]  }
0x2c: {  	s7 =	sld [smem:$0x3FAF]  }
0x2d: {  	s3 =	simm.s32 $0x108;
	s8 =	sld [smem:$0x3FB0]  }
0x2e: {  	s3 =	simm.s32 @!p0 $0x1082;
	s9 =	sld [smem:$0x3FB1]  }
0x2f: {  	lr =	sadd.s32 s0, s3;
	s0 =	sld [smem:$0x3FA8]  }
0x30: {  	s3 =	sld [smem:$0x3FAB]  }
0x31: {  	[smem:$0x3FB4] =	sst s10  }
0x32: {  	s10 =	sld [smem:$0x3FB2];
	_ =	sdelay $0x3  }
0x33: {  	p0 =	seq.s32 s10, $0x1;
	s10 =	sld [smem:$0x3FB4];
	_ =	sdelay $0x3  }
0x34: {  	[smem:$0x3FB4] =	sst s10  }
0x35: {  	s10 =	sld [smem:$0x3FB3];
	_ =	sdelay $0x3  }
0x36: {  	p1 =	seq.s32 s10, $0x1;
	s10 =	sld [smem:$0x3FB4];
	_ =	sdelay $0x3  }
0x37: {  	[smem:$0x3FB4] =	sst s10  }
0x38: {  	s10 =	sld [smem:$0x3FB5]  }
0x39: {  	_ = 	snop;
	(pc) =	sbr.ind lr, $3  }
0x3a: {  	_ = 	snop  }
0x3b: {  	_ = 	snop  }
0x3c: {  	p2 =	seq.s32 s10, $0x1;
	s10 =	sld [smem:$0x3FB4]  }
0x3d: {  	_ =	shalt  }
0x3e: {  	_ =	shalt  }
0x3f: {  	_ =	shalt  }
0x40: {  	_ =	shalt  }
0x41: {  	_ =	shalt  }
0x42: {  	_ =	shalt  }
0x43: {  	_ =	shalt  }
0x44: {  	_ =	shalt  }
0x45: {  	_ =	shalt  }
0x46: {  	_ =	shalt  }
0x47: {  	_ =	shalt  }
0x48: {  	_ =	shalt  }
0x49: {  	_ =	shalt  }
0x4a: {  	_ =	shalt  }
0x4b: {  	_ =	shalt  }
0x4c: {  	_ =	shalt  }
0x4d: {  	_ =	shalt  }
0x4e: {  	_ =	shalt  }
0x4f: {  	_ =	shalt  }
0x50: {  	_ =	shalt  }
0x51: {  	_ =	shalt  }
0x52: {  	_ =	shalt  }
0x53: {  	_ =	shalt  }
0x54: {  	_ =	shalt  }
0x55: {  	_ =	shalt  }
0x56: {  	_ =	shalt  }
0x57: {  	_ =	shalt  }
0x58: {  	_ =	shalt  }
0x59: {  	_ =	shalt  }
0x5a: {  	_ =	shalt  }
0x5b: {  	_ =	shalt  }
0x5c: {  	_ =	shalt  }
0x5d: {  	_ =	shalt  }
0x5e: {  	_ =	shalt  }
0x5f: {  	_ =	shalt  }
0x60: {  	_ =	shalt  }
0x61: {  	_ =	shalt  }
0x62: {  	_ =	shalt  }
0x63: {  	_ =	shalt  }
0x64: {  	_ =	shalt  }
0x65: {  	_ =	shalt  }
0x66: {  	_ =	shalt  }
0x67: {  	_ =	shalt  }
0x68: {  	_ =	shalt  }
0x69: {  	_ =	shalt  }
0x6a: {  	_ =	shalt  }
0x6b: {  	_ =	shalt  }
0x6c: {  	_ =	shalt  }
0x6d: {  	_ =	shalt  }
0x6e: {  	_ =	shalt  }
0x6f: {  	_ =	shalt  }
0x70: {  	_ =	shalt  }
0x71: {  	_ =	shalt  }
0x72: {  	_ =	shalt  }
0x73: {  	_ =	shalt  }
0x74: {  	_ =	shalt  }
0x75: {  	_ =	shalt  }
0x76: {  	_ =	shalt  }
0x77: {  	_ =	shalt  }
0x78: {  	_ =	shalt  }
0x79: {  	_ =	shalt  }
0x7a: {  	_ =	shalt  }
0x7b: {  	_ =	shalt  }
0x7c: {  	_ =	shalt  }
0x7d: {  	_ =	shalt  }
0x7e: {  	_ =	shalt  }
0x7f: {  	_ =	shalt  }
0x80: {  	_ =	shalt  }
0x81: {  	_ =	shalt  }
0x82: {  	_ =	shalt  }
0x83: {  	_ =	shalt  }
0x84: {  	_ =	shalt  }
0x85: {  	_ =	shalt  }
0x86: {  	_ =	shalt  }
0x87: {  	_ =	shalt  }
.Lfunc_end0:
.L_simem_size_0:
called_computation_lowered:
.L_overlay_start_0:
0x88: {  	s2 =	sld [smem:$0x3FD9]  }
0x89: {  	s3 =	sld [smem:$0x3FFE];
	_ =	sdelay $0x1  }
0x8a: {  	s1 =	srdreg.scid  }
0x8b: {  	s0 =	sand.u32 $0x1, s1  }
0x8c: {  	s17 =	sshll.u32 s0, $0xA;
	s2 =	sadd.s32 s3, s2  }
0x8d: {  	s2 =	sadd.s32 s2, s17  }
0x8e: {  	[smem:$0x3FC0] =	sst s2  }
0x8f: {  	_ = 	snop  }
0x90: {  	s2 =	sld [smem:$0x3FC9]  }
0x91: {  	s18 =	sld [smem:$0x3FD0];
	(tm) =	ssettm $0x1  }
0x92: {  	s4 =	sld [smem:$0x3FFB];
	_ =	sdelay $0x3  }
0x93: {  	_ =	strace s4  }
0x94: {  	s4 =	sld [smem:$0x3FFC];
	_ =	sdelay $0x3  }
0x95: {  	_ =	strace s4  }
0x96: {  	s4 =	sld [smem:$0x3FFD];
	_ =	sdelay $0x3  }
0x97: {  	_ =	strace s4  }
0x98: {  	_ =	strace $0x8FFFFFFF  }
0x99: {  	s19 =	sld [smem:$0x3FDB];
	_ =	sdelay $0x1  }
0x9a: {  	s5 =	simm.s32 $_scs_section_size  }
0x9b: {  	s6 =	simm.s32 $_size__tile_overlayer_lowered;
	s7 =	simm.s32 $_tile_overlayer_lowered  }
0x9c: {  	s22 =	simm.s32 $0x1BFF;
	s21 =	sshll.u32 s7, $0x1;
	s4 =	sadd.s32 s5, s19  }
0x9d: {  	s8 =	simm.s32 $0x0;
	s20 =	sshll.u32 s6, $0x1;
	s6 =	sadd.s32 s21, s4  }
0x9e: {  	[timem:s8], [sflag:s22] =	dma.local [hbm:s6], s20  }
0x9f: {  	_ =	swait.ge [sflag:s22], s20  }
0xa0: {  	s5 =	ssub.s32 $0x0, s20;
	[sflag:s22] =	ssyncset.done $0x0  }
0xa1: {  	[sflag:s22] =	ssyncadd.s32 s5;
	_ =	sdelay $0x1  }
0xa2: {  	s23 =	simm.s32 $0x1B8B  }
0xa3: {  	_ =	swait.ge [sflag:s23], $0x1  }
0xa4: {  	[sflag:s23] =	ssyncset.done $0x0  }
0xa5: {  	s25 =	simm.s32 $0x1B8E;
	s24 =	sld [smem:$0x3FFE];
	[sflag:s23] =	ssyncadd.s32 $0xFFFFFFFF  }
0xa6: {  	s26 =	simm.s32 $execute0_lowered;
	[smem:$0x3FD2] =	sst s25  }
0xa7: {  	s6 =	sshll.u32 s26, $0x1;
	_ =	strace $0x80000046;
	[dreg:$0x1] =	wrdreg $0xFFFFFFFF  }
0xa8: {  	s28 =	simm.s32 $_size_execute0_lowered;
	s4 =	sadd.s32 s4, s6;
	[dreg:$0x0] =	wrdreg $0x0  }
0xa9: {  	s6 =	sshll.u32 s28, $0x1;
	[dreg:$0x2] =	wrdreg s4  }
0xaa: {  	[dreg:$0x3] =	wrdreg s6  }
0xab: {  	[dreg:$0x4] =	wrdreg $0xC0  }
0xac: {  	_ =	task [dreg:s8], $0x5FFFF  }
0xad: {  	[dreg:$0x1] =	wrdreg $0xFFFFFFFF  }
0xae: {  	[dreg:$0x0] =	wrdreg $0x60  }
0xaf: {  	[dreg:$0x2] =	wrdreg s24  }
0xb0: {  	[dreg:$0x3] =	wrdreg s2  }
0xb1: {  	[dreg:$0x4] =	wrdreg s18  }
0xb2: {  	[dreg:$0x5] =	wrdreg $0x89000  }
0xb3: {  	[dreg:$0x6] =	wrdreg $0x9  }
0xb4: {  	_ =	task.clear_ibuf [dreg:s8], $0x7FFFF;
	_ =	strace $0x90000046  }
0xb5: {  	s29 =	simm.s32 $0x9;
	_ =	strace $0x80000048  }
0xb6: {  	_ =	swait.ge [sflag:s29], $0x1  }
0xb7: {  	[sflag:s29] =	ssyncadd.s32 $0xFFFFFFFF  }
0xb8: {  	_ =	strace $0x90000048  }
0xb9: {  	_ =	sfence  }
0xba: {  	s30 =	sld [smem:$0x0];
	_ =	sdelay $0x2  }
0xbb: {  	s31 =	sshll.u32 s1, $0xD;
	s1 =	sshrl.u32 s1, $0x2  }
0xbc: {  	s3 =	sand.u32 $0x4000, s31;
	s1 =	sadd.s32 s1, s30  }
0xbd: {  	s0 =	sor.u32 s3, s0;
	s1 =	sshll.u32 s1, $0x11  }
0xbe: {  	s0 =	sor.u32 s1, s0  }
0xbf: {  	s0 =	sadd.s32 $0x8F2B, s0  }
0xc0: {  	[sflag:s0] =	ssyncadd.remote.s32 $0x1  }
0xc1: {  	_ =	sfence.sel $0xFFFF  }
0xc2: {  	[dreg:$0x0] =	wrdreg $0xFFFFFFFF;
	(pc) =	sbr.abs _section_cstart, $3  }
0xc3: {  	[dreg:$0x1] =	wrdreg $0xFFFFFFFF  }
0xc4: {  	_ =	task.clear_ibuf [dreg:s8], $0x2FFFF;
	_ =	strace $0x9FFFFFFF  }
0xc5: {  	(tm) =	ssettm $0x7FFFFFFF  }
tec
execute0_lowered:
.L_overlay_start_1:
0x0: {  	(tag) =	ssettag $0x1  }
0x1: {  	s6 =	rddreg [dreg:$0x0]  }
0x2: {  	s1 =	rddreg [dreg:$0x1]  }
0x3: {  	s5 =	rddreg [dreg:$0x2];
	s14 =	stileid.u32  }
0x4: {  	s2 =	rddreg [dreg:$0x3];
	s21 =	smul.u32 $0x2710, s14  }
0x5: {  	s0 =	srdreg.scid;
	s4 =	simm.s32 $0x0;
	s9 =	smul.u32 $0x2780, s14  }
0x6: {  	s7 =	sand.u32 $0x1, s0;
	[smem:$0x7FF] =	sst s4;
	s26 =	smul.u32 $0x4F000, s14  }
0x7: {  	s15 =	sadd.s32 $0x2600, s6;
	s16 =	sadd.s32 $0xC400, s6;
	s8 =	smul.u32 $0x27100, s7  }
0x8: {  	_ =	strace $0x80000047;
	s3 =	ssub.s32 $0x2, s7;
	[dreg:$0x13] =	wrdreg s15  }
0x9: {  	s7 =	smul.u32 $0x138800, s7;
	[dreg:$0x14] =	wrdreg s16;
	s10 =	sshrl.u32 s3, $0x1  }
0xa: {  	s12 =	sadd.s32 s9, s6;
	s6 =	sadd.s32 $0x3B280, s6;
	s0 =	sadd.s32 s21, s8  }
0xb: {  	s8 =	sadd.s32 s9, s8;
	s12 =	sadd.s32 $0x16200, s12;
	[dreg:$0x1f] =	wrdreg s6  }
0xc: {  	s3 =	ssub.s32 s3, s10;
	[dreg:$0x1e] =	wrdreg s12;
	s8 =	sadd.s32 s5, s8  }
0xd: {  	s11 =	sshrl.u32 s0, $0x3;
	s3 =	smax.u32 s3, $0x1;
	[smem:$0x7EF] =	sst s8  }
0xe: {  	s7 =	sshrl.u32 s7, $0x3;
	s13 =	sadd.s32 s15, s11;
	[smem:$0x7FB] =	sst s3  }
0xf: {  	s5 =	sadd.s32 s5, s7;
	s23 =	sadd.s32 s16, s11;
	[dreg:$0x15] =	wrdreg s13  }
0x10: {  	s22 =	sadd.s32 $0x8, s11;
	s5 =	sadd.s32 $0x25080, s5;
	[dreg:$0x16] =	wrdreg s23  }
0x11: {  	s19 =	sadd.s32 $0x280, s0;
	s24 =	sadd.s32 s15, s22;
	[smem:$0x7FA] =	sst s5  }
0x12: {  	s25 =	sadd.s32 $0x10, s11;
	s10 =	sadd.s32 s16, s22;
	[dreg:$0x17] =	wrdreg s24  }
0x13: {  	s28 =	sadd.s32 $0x18, s11;
	s17 =	sadd.s32 s15, s25;
	[dreg:$0x18] =	wrdreg s10  }
0x14: {  	s21 =	sshrl.u32 s19, $0x3;
	s11 =	sadd.s32 s15, s28;
	[dreg:$0x19] =	wrdreg s17  }
0x15: {  	s30 =	sshrl.u32 s26, $0x2;
	s22 =	sadd.s32 s21, s16;
	[dreg:$0x1b] =	wrdreg s11  }
0x16: {  	s31 =	sadd.s32 $0x2C0, s0;
	s10 =	sadd.s32 s16, s25;
	[dreg:$0x7] =	wrdreg s22  }
0x17: {  	s23 =	sadd.s32 $0x240, s0;
	s11 =	sadd.s32 s30, s2;
	[dreg:$0x1a] =	wrdreg s10  }
0x18: {  	s13 =	sadd.s32 $0x180, s0;
	s24 =	sadd.s32 s21, s15;
	[dreg:$0x1d] =	wrdreg s11  }
0x19: {  	s17 =	sshrl.u32 s31, $0x3;
	s10 =	sadd.s32 s16, s28;
	[dreg:$0x8] =	wrdreg s24  }
0x1a: {  	s25 =	sshrl.u32 s23, $0x3;
	s18 =	sadd.s32 s17, s16;
	[dreg:$0x1c] =	wrdreg s10  }
0x1b: {  	s20 =	sadd.s32 s17, s15;
	s26 =	sadd.s32 s25, s16;
	[dreg:$0x5] =	wrdreg s18  }
0x1c: {  	s28 =	sadd.s32 $0x1C0, s0;
	s30 =	sadd.s32 s25, s15;
	[dreg:$0x6] =	wrdreg s20  }
0x1d: {  	s24 =	sadd.s32 $0x100, s0;
	[dreg:$0x9] =	wrdreg s26;
	s31 =	sshrl.u32 s28, $0x3  }
0x1e: {  	[dreg:$0xa] =	wrdreg s30;
	s18 =	sshrl.u32 s13, $0x3;
	s11 =	sadd.s32 s31, s16  }
0x1f: {  	s20 =	sadd.s32 $0x140, s0;
	s17 =	sadd.s32 s31, s15;
	[dreg:$0xb] =	wrdreg s11  }
0x20: {  	s26 =	sshrl.u32 s24, $0x3;
	s19 =	sadd.s32 s18, s16;
	[dreg:$0xc] =	wrdreg s17  }
0x21: {  	s28 =	sadd.s32 $0x2700, s0;
	s21 =	sadd.s32 s18, s15;
	[dreg:$0xd] =	wrdreg s19  }
0x22: {  	s13 =	smin.u32 s0, $0x4BA80;
	s30 =	sadd.s32 s26, s16;
	[dreg:$0xe] =	wrdreg s21  }
0x23: {  	s22 =	sshrl.u32 s20, $0x3;
	s12 =	sadd.s32 s26, s15;
	[dreg:$0x11] =	wrdreg s30  }
0x24: {  	s31 =	smin.u32 s28, $0x4E1C0;
	s23 =	sadd.s32 s22, s16;
	[dreg:$0x12] =	wrdreg s12  }
0x25: {  	s18 =	smin.u32 s0, $0x4BA40;
	s25 =	sadd.s32 s22, s15;
	[dreg:$0xf] =	wrdreg s23  }
0x26: {  	s22 =	smin.u32 s0, $0x4BA00;
	s0 =	sadd.s32 $0x200, s0;
	[dreg:$0x10] =	wrdreg s25  }
0x27: {  	s9 =	sshrl.u32 s31, $0x3;
	s31 =	sadd.s32 $0x128400, s2;
	[smem:$0x7FC] =	sst s0  }
0x28: {  	s7 =	sshrl.u32 s13, $0x3;
	s17 =	sadd.s32 s15, s9;
	[smem:$0x7FD] =	sst s31  }
0x29: {  	s19 =	sadd.s32 $0x4E8, s7;
	s6 =	sadd.s32 s16, s9;
	[smem:$0x7F0] =	sst s17  }
0x2a: {  	s20 =	sshrl.u32 s18, $0x3;
	s21 =	sadd.s32 s15, s19;
	[smem:$0x7F1] =	sst s6  }
0x2b: {  	s7 =	sadd.s32 $0x4F0, s20;
	[smem:$0x7F2] =	sst s21;
	s6 =	sadd.s32 s16, s19  }
0x2c: {  	s24 =	sadd.s32 s15, s7;
	[smem:$0x7F3] =	sst s6  }
0x2d: {  	s25 =	sshrl.u32 s28, $0x3;
	s7 =	sadd.s32 s16, s7;
	[smem:$0x7F4] =	sst s24  }
0x2e: {  	s23 =	sshrl.u32 s22, $0x3;
	s28 =	sadd.s32 s15, s25;
	[smem:$0x7F5] =	sst s7  }
0x2f: {  	s30 =	sadd.s32 s16, s25;
	s6 =	sadd.s32 $0x4F8, s23;
	[smem:$0x7F8] =	sst s28  }
0x30: {  	s29 =	simm.s32 $0x780;
	[smem:$0x7F9] =	sst s30;
	s26 =	sadd.s32 s15, s6  }
0x31: {  	p0 =	seq.s32 s14, $0xF;
	s6 =	sadd.s32 s16, s6;
	[smem:$0x7F6] =	sst s26  }
0x32: {  	s0 =	simm.s32 $0x0;
	s15 =	simm.s32 $0x40;
	[smem:$0x7F7] =	sst s6  }
.LBB2_1:
0x33: {  	[smem:$0x7EB] =	sst s0  }
0x34: {  	s13 =	rddreg [dreg:$0x15]  }
0x35: {  	s30 =	rddreg [dreg:$0x16]  }
0x36: {  	s31 =	rddreg [dreg:$0x17]  }
0x37: {  	s0 =	rddreg [dreg:$0x18]  }
0x38: {  	[tilespmem:s4], [sflag:$0x1] =	stream.linear.gather [hbm4b:s13+s4], $0x40, $0x38;
	[tilespmem:$0x1C1C0] =	vst v63  }
0x39: {  	s22 =	simm.s32 $0x400;
	s3 =	rddreg [dreg:$0x19]  }
0x3a: {  	[tilespmem:s22], [sflag:$0x1] =	stream.linear.gather [hbm4b:s30+s4], $0x40, $0x38;
	[tilespmem:$0x1C1C0] =	vst v63  }
0x3b: {  	s23 =	simm.s32 $0x80;
	s5 =	rddreg [dreg:$0x1a]  }
0x3c: {  	[tilespmem:s23], [sflag:$0x2] =	stream.linear.gather [hbm4b:s31+s4], $0x40, $0x38;
	[tilespmem:$0x1C1C0] =	vst v63  }
0x3d: {  	s24 =	simm.s32 $0x480;
	s6 =	rddreg [dreg:$0x1b]  }
0x3e: {  	[tilespmem:s24], [sflag:$0x2] =	stream.linear.gather [hbm4b:s0+s4], $0x40, $0x38;
	[tilespmem:$0x1C1C0] =	vst v63  }
0x3f: {  	s25 =	simm.s32 $0x100;
	s13 =	sld [smem:$0x7FD]  }
0x40: {  	[tilespmem:s25], [sflag:$0x3] =	stream.linear.gather [hbm4b:s3+s4], $0x40, $0x38;
	[tilespmem:$0x1C1C0] =	vst v63  }
0x41: {  	s26 =	simm.s32 $0x500;
	s7 =	rddreg [dreg:$0x1c]  }
0x42: {  	[tilespmem:s26], [sflag:$0x3] =	stream.linear.gather [hbm4b:s5+s4], $0x40, $0x38;
	[tilespmem:$0x1C1C0] =	vst v63  }
0x43: {  	s19 =	rddreg [dreg:$0x1f];
	s0 =	sshrl.u32 @p0 s13, $0x3;
	s3 =	simm.s32 $0x180  }
0x44: {  	[tilespmem:s3], [sflag:$0x4] =	stream.linear.gather [hbm4b:s6+s4], $0x40, $0x38;
	[tilespmem:$0x1C1C0] =	vst v63  }
0x45: {  	s10 =	simm.s32 $0x580;
	s13 =	simm.s32 @p0 $0x1FD1;
	[smem:$0x7EC] =	sst s0  }
0x46: {  	[tilespmem:s10], [sflag:$0x4] =	stream.linear.gather [hbm4b:s7+s4], $0x40, $0x38;
	[tilespmem:$0x1C1C0] =	vst v63  }
0x47: {  	[spmem:s0], [sflag:s13] =	dma.local @p0 [hbm:s19], $0x2100  }
0x48: {  	s13 =	simm.s32 @p0 $0x11  }
0x49: {  	s19 =	stileid.u32;
	_ =	swait.ge @p0 [sflag:s13], $0x2100  }
0x4a: {  	s19 =	sshll.u32 @!p0 s19, $0x6;
	[sflag:s13] =	ssyncset.done @p0 $0x0  }
0x4b: {  	s0 =	sor.u32 @!p0 $0x1C11, s19;
	[sflag:s13] =	ssyncadd.s32 @p0 $0xFFFFDF00;
	s13 =	rddreg [dreg:$0x1d]  }
0x4c: {  	[smem:$0x7ED] =	sst s0  }
0x4d: {  	s5 =	sshrl.u32 @!p0 s13, $0x3;
	s13 =	rddreg [dreg:$0x1e]  }
0x4e: {  	[smem:$0x7EE] =	sst s5  }
0x4f: {  	[spmem:s5], [sflag:s0] =	dma.local @!p0 [hbm:s13], $0x2780  }
0x50: {  	s13 =	simm.s32 @!p0 $0x11  }
0x51: {  	_ =	swait.ge @!p0 [sflag:s13], $0x2780  }
0x52: {  	[sflag:s13] =	ssyncset.done @!p0 $0x0  }
0x53: {  	p1 =	por $0x1, $0x1;
	[sflag:s13] =	ssyncadd.s32 @!p0 $0xFFFFD880  }
0x54: {  	s13 =	simm.s32 @p1 $0x1;
	[bflag:$0x0] =	sbarrier.arrive $0xFFFF  }
0x55: {  	_ =	swait.ge @p1 [sflag:s13], $0x40  }
0x56: {  	[sflag:s13] =	ssyncset.done @p1 $0x0  }
0x57: {  	[sflag:s13] =	ssyncadd.s32 @p1 $0xFFFFFFC0  }
0x58: {  	_ =	swait.ge @p1 [sflag:s13], $0x40  }
0x59: {  	s20 =	simm.s32 @!p1 $0xD;
	s21 =	simm.s32 @p1 $0x0;
	[sflag:s13] =	ssyncset.done @p1 $0x0  }
0x5a: {  	s19 =	simm.s32 @p1 $0x800;
	[sflag:s13] =	ssyncadd.s32 @p1 $0xFFFFFFC0;
	s13 =	simm.s32 @p1 $0x40  }
0x5b: {  	[tilespmem:s19], [sflag:$0x9] =	stream.indirect.gather @p1 [hbm4b:s1+s13], $0x80, s21, s13, $0xb8;
	[tilespmem:$0x1C1C0] =	vst v63  }
0x5c: {  	_ =	swait.ge @!p1 [sflag:s20], $0x2000  }
0x5d: {  	[sflag:s20] =	ssyncset.done @!p1 $0x0  }
0x5e: {  	s19 =	simm.s32 @!p1 $0x1;
	[sflag:s20] =	ssyncadd.s32 @!p1 $0xFFFFE000  }
0x5f: {  	_ =	swait.ge @!p1 [sflag:s19], $0x40  }
0x60: {  	[sflag:s19] =	ssyncset.done @!p1 $0x0  }
0x61: {  	[sflag:s19] =	ssyncadd.s32 @!p1 $0xFFFFFFC0  }
0x62: {  	_ =	swait.ge @!p1 [sflag:s19], $0x40  }
0x63: {  	s21 =	simm.s32 @!p1 $0x0;
	[sflag:s19] =	ssyncset.done @!p1 $0x0  }
0x64: {  	s20 =	simm.s32 @!p1 $0x800;
	[sflag:s19] =	ssyncadd.s32 @!p1 $0xFFFFFFC0;
	s19 =	simm.s32 @!p1 $0x40  }
0x65: {  	[tilespmem:s20], [sflag:$0x9] =	stream.indirect.gather @!p1 [hbm4b:s1+s19], $0x80, s21, s19, $0xb8;
	[tilespmem:$0x1C1C0] =	vst v63  }
0x66: {  	s20 =	simm.s32 @!p1 $0xE  }
0x67: {  	_ =	swait.ge @!p1 [sflag:s20], $0x2000  }
0x68: {  	[sflag:s20] =	ssyncset.done @!p1 $0x0  }
0x69: {  	s6 =	simm.s32 $0x2;
	[sflag:s20] =	ssyncadd.s32 @!p1 $0xFFFFE000  }
0x6a: {  	_ =	swait.ge [sflag:s6], $0x40  }
0x6b: {  	[sflag:s6] =	ssyncset.done $0x0  }
0x6c: {  	[sflag:s6] =	ssyncadd.s32 $0xFFFFFFC0  }
0x6d: {  	_ =	swait.ge [sflag:s6], $0x40  }
0x6e: {  	[sflag:s6] =	ssyncset.done $0x0  }
0x6f: {  	s16 =	simm.s32 $0x2800;
	s20 =	simm.s32 @p1 $0x3;
	[sflag:s6] =	ssyncadd.s32 $0xFFFFFFC0  }
0x70: {  	[tilespmem:s16], [sflag:$0xA] =	stream.indirect.gather [hbm4b:s1+s15], $0x80, s23, s15, $0xb8;
	[tilespmem:$0x1C1C0] =	vst v63  }
0x71: {  	_ =	swait.ge @p1 [sflag:s20], $0x40  }
0x72: {  	[sflag:s20] =	ssyncset.done @p1 $0x0  }
0x73: {  	[sflag:s20] =	ssyncadd.s32 @p1 $0xFFFFFFC0  }
0x74: {  	_ =	swait.ge @p1 [sflag:s20], $0x40  }
0x75: {  	[sflag:s20] =	ssyncset.done @p1 $0x0  }
0x76: {  	s21 =	simm.s32 @p1 $0x4800;
	[sflag:s20] =	ssyncadd.s32 @p1 $0xFFFFFFC0;
	s20 =	simm.s32 @p1 $0x100  }
0x77: {  	[tilespmem:s21], [sflag:$0xB] =	stream.indirect.gather @p1 [hbm4b:s1+s13], $0x80, s20, s13, $0xb8;
	[tilespmem:$0x1C1C0] =	vst v63  }
0x78: {  	s13 =	simm.s32 @!p1 $0xF  }
0x79: {  	_ =	swait.ge @!p1 [sflag:s13], $0x2000  }
0x7a: {  	[sflag:s13] =	ssyncset.done @!p1 $0x0  }
0x7b: {  	[sflag:s13] =	ssyncadd.s32 @!p1 $0xFFFFE000;
	s13 =	simm.s32 @!p1 $0x3  }
0x7c: {  	_ =	swait.ge @!p1 [sflag:s13], $0x40  }
0x7d: {  	[sflag:s13] =	ssyncset.done @!p1 $0x0  }
0x7e: {  	[sflag:s13] =	ssyncadd.s32 @!p1 $0xFFFFFFC0  }
0x7f: {  	_ =	swait.ge @!p1 [sflag:s13], $0x40  }
0x80: {  	[sflag:s13] =	ssyncset.done @!p1 $0x0  }
0x81: {  	s20 =	simm.s32 @!p1 $0x4800;
	[sflag:s13] =	ssyncadd.s32 @!p1 $0xFFFFFFC0;
	s13 =	simm.s32 @!p1 $0x100  }
0x82: {  	[tilespmem:s20], [sflag:$0xB] =	stream.indirect.gather @!p1 [hbm4b:s1+s19], $0x80, s13, s19, $0xb8;
	[tilespmem:$0x1C1C0] =	vst v63  }
0x83: {  	s13 =	simm.s32 @!p1 $0x10  }
0x84: {  	_ =	swait.ge @!p1 [sflag:s13], $0x2000  }
0x85: {  	[sflag:s13] =	ssyncset.done @!p1 $0x0  }
0x86: {  	s8 =	simm.s32 $0x4;
	[sflag:s13] =	ssyncadd.s32 @!p1 $0xFFFFE000  }
0x87: {  	_ =	swait.ge [sflag:s8], $0x40  }
0x88: {  	[sflag:s8] =	ssyncset.done $0x0  }
0x89: {  	[sflag:s8] =	ssyncadd.s32 $0xFFFFFFC0  }
0x8a: {  	_ =	swait.ge [sflag:s8], $0x40  }
0x8b: {  	[sflag:s8] =	ssyncset.done $0x0  }
0x8c: {  	s14 =	simm.s32 $0x6800;
	s9 =	rddreg [dreg:$0x12];
	[sflag:s8] =	ssyncadd.s32 $0xFFFFFFC0  }
0x8d: {  	[tilespmem:s14], [sflag:$0xC] =	stream.indirect.gather [hbm4b:s1+s15], $0x80, s3, s15, $0xb8;
	[tilespmem:$0x1C1C0] =	vst v63  }
0x8e: {  	s6 =	simm.s32 $0x200;
	s11 =	rddreg [dreg:$0x11];
	s13 =	sadd.s32 $0x0, s9  }
0x8f: {  	[tilespmem:s6], [sflag:$0x5] =	stream.linear.gather [hbm4b:s13+s4], $0x40, $0x38;
	[tilespmem:$0x1C1C0] =	vst v63  }
0x90: {  	s12 =	rddreg [dreg:$0x10];
	s17 =	sadd.s32 $0x0, s11;
	s8 =	simm.s32 $0x600  }
0x91: {  	[tilespmem:s8], [sflag:$0x5] =	stream.linear.gather [hbm4b:s17+s4], $0x40, $0x38;
	[tilespmem:$0x1C1C0] =	vst v63  }
0x92: {  	s18 =	rddreg [dreg:$0xf];
	s21 =	sadd.s32 $0x0, s12;
	s11 =	simm.s32 $0x280  }
0x93: {  	[tilespmem:s11], [sflag:$0x6] =	stream.linear.gather [hbm4b:s21+s4], $0x40, $0x38;
	[tilespmem:$0x1C1C0] =	vst v63  }
0x94: {  	s28 =	rddreg [dreg:$0xe];
	s30 =	sadd.s32 $0x0, s18;
	s17 =	simm.s32 $0x680  }
0x95: {  	[tilespmem:s17], [sflag:$0x6] =	stream.linear.gather [hbm4b:s30+s4], $0x40, $0x38;
	[tilespmem:$0x1C1C0] =	vst v63  }
0x96: {  	s31 =	rddreg [dreg:$0xd];
	s0 =	sadd.s32 $0x0, s28;
	s18 =	simm.s32 $0x300  }
0x97: {  	[tilespmem:s18], [sflag:$0x7] =	stream.linear.gather [hbm4b:s0+s4], $0x40, $0x38;
	[tilespmem:$0x1C1C0] =	vst v63  }
0x98: {  	s5 =	rddreg [dreg:$0xc];
	s7 =	sadd.s32 $0x0, s31;
	s28 =	simm.s32 $0x700  }
0x99: {  	[tilespmem:s28], [sflag:$0x7] =	stream.linear.gather [hbm4b:s7+s4], $0x40, $0x38;
	[tilespmem:$0x1C1C0] =	vst v63  }
0x9a: {  	s20 =	simm.s32 $0x380;
	s9 =	rddreg [dreg:$0xb];
	s12 =	sadd.s32 $0x0, s5  }
0x9b: {  	[tilespmem:s20], [sflag:$0x8] =	stream.linear.gather [hbm4b:s12+s4], $0x40, $0x38;
	[tilespmem:$0x1C1C0] =	vst v63  }
0x9c: {  	s19 =	sadd.s32 $0x0, s9  }
0x9d: {  	[tilespmem:s29], [sflag:$0x8] =	stream.linear.gather [hbm4b:s19+s4], $0x40, $0x38;
	[tilespmem:$0x1C1C0] =	vst v63  }
0x9e: {  	s29 =	simm.s32 $0x9  }
0x9f: {  	_ =	swait.ge [sflag:s29], $0x2000  }
0xa0: {  	[sflag:s29] =	ssyncset.done $0x0  }
0xa1: {  	s5 =	simm.s32 $0xA;
	s0 =	simm.s32 $0x800;
	[sflag:s29] =	ssyncadd.s32 $0xFFFFE000  }
0xa2: {  	[spmem:s2] =	stream.indirect.scatter.add.f32 [tilespmem:s0], [sflag:$0xD], $0x80, s22, s15, $0xb8;
	[tilespmem:$0x1C1C0] =	vst v63  }
0xa3: {  	_ =	swait.ge [sflag:s5], $0x2000  }
0xa4: {  	[sflag:s5] =	ssyncset.done $0x0  }
0xa5: {  	s7 =	simm.s32 $0xB;
	[sflag:s5] =	ssyncadd.s32 $0xFFFFE000  }
0xa6: {  	[spmem:s2] =	stream.indirect.scatter.add.f32 [tilespmem:s16], [sflag:$0xE], $0x80, s24, s15, $0xb8;
	[tilespmem:$0x1C1C0] =	vst v63  }
0xa7: {  	_ =	swait.ge [sflag:s7], $0x2000  }
0xa8: {  	[sflag:s7] =	ssyncset.done $0x0  }
0xa9: {  	s9 =	simm.s32 $0x4800;
	s12 =	simm.s32 $0xC;
	[sflag:s7] =	ssyncadd.s32 $0xFFFFE000  }
0xaa: {  	[spmem:s2] =	stream.indirect.scatter.add.f32 [tilespmem:s9], [sflag:$0xF], $0x80, s26, s15, $0xb8;
	[tilespmem:$0x1C1C0] =	vst v63  }
0xab: {  	_ =	swait.ge [sflag:s12], $0x2000  }
0xac: {  	[sflag:s12] =	ssyncset.done $0x0  }
0xad: {  	s21 =	simm.s32 $0xD;
	[sflag:s12] =	ssyncadd.s32 $0xFFFFE000  }
0xae: {  	[spmem:s2] =	stream.indirect.scatter.add.f32 [tilespmem:s14], [sflag:$0x10], $0x80, s10, s15, $0xb8;
	[tilespmem:$0x1C1C0] =	vst v63  }
0xaf: {  	_ =	swait.ge [sflag:s21], $0x2000  }
0xb0: {  	[sflag:s21] =	ssyncset.done $0x0  }
0xb1: {  	s30 =	simm.s32 $0x5;
	[sflag:s21] =	ssyncadd.s32 $0xFFFFE000  }
0xb2: {  	_ =	swait.ge [sflag:s30], $0x40  }
0xb3: {  	[sflag:s30] =	ssyncset.done $0x0  }
0xb4: {  	[sflag:s30] =	ssyncadd.s32 $0xFFFFFFC0  }
0xb5: {  	_ =	swait.ge [sflag:s30], $0x40  }
0xb6: {  	[sflag:s30] =	ssyncset.done $0x0  }
0xb7: {  	s31 =	simm.s32 $0xE;
	[sflag:s30] =	ssyncadd.s32 $0xFFFFFFC0  }
0xb8: {  	[tilespmem:s0], [sflag:$0x9] =	stream.indirect.gather [hbm4b:s1+s15], $0x80, s6, s15, $0xb8;
	[tilespmem:$0x1C1C0] =	vst v63  }
0xb9: {  	_ =	swait.ge [sflag:s31], $0x2000  }
0xba: {  	[sflag:s31] =	ssyncset.done $0x0  }
0xbb: {  	s13 =	simm.s32 $0x6;
	[sflag:s31] =	ssyncadd.s32 $0xFFFFE000  }
0xbc: {  	_ =	swait.ge [sflag:s13], $0x40  }
0xbd: {  	[sflag:s13] =	ssyncset.done $0x0  }
0xbe: {  	[sflag:s13] =	ssyncadd.s32 $0xFFFFFFC0  }
0xbf: {  	_ =	swait.ge [sflag:s13], $0x40  }
0xc0: {  	[sflag:s13] =	ssyncset.done $0x0  }
0xc1: {  	s19 =	simm.s32 $0xF;
	[sflag:s13] =	ssyncadd.s32 $0xFFFFFFC0  }
0xc2: {  	[tilespmem:s16], [sflag:$0xA] =	stream.indirect.gather [hbm4b:s1+s15], $0x80, s11, s15, $0xb8;
	[tilespmem:$0x1C1C0] =	vst v63  }
0xc3: {  	_ =	swait.ge [sflag:s19], $0x2000  }
0xc4: {  	[sflag:s19] =	ssyncset.done $0x0  }
0xc5: {  	s21 =	simm.s32 $0x7;
	[sflag:s19] =	ssyncadd.s32 $0xFFFFE000  }
0xc6: {  	_ =	swait.ge [sflag:s21], $0x40  }
0xc7: {  	[sflag:s21] =	ssyncset.done $0x0  }
0xc8: {  	[sflag:s21] =	ssyncadd.s32 $0xFFFFFFC0  }
0xc9: {  	_ =	swait.ge [sflag:s21], $0x40  }
0xca: {  	[sflag:s21] =	ssyncset.done $0x0  }
0xcb: {  	s30 =	simm.s32 $0x10;
	[sflag:s21] =	ssyncadd.s32 $0xFFFFFFC0  }
0xcc: {  	[tilespmem:s9], [sflag:$0xB] =	stream.indirect.gather [hbm4b:s1+s15], $0x80, s18, s15, $0xb8;
	[tilespmem:$0x1C1C0] =	vst v63  }
0xcd: {  	_ =	swait.ge [sflag:s30], $0x2000  }
0xce: {  	[sflag:s30] =	ssyncset.done $0x0  }
0xcf: {  	s31 =	simm.s32 $0x8;
	[sflag:s30] =	ssyncadd.s32 $0xFFFFE000  }
0xd0: {  	_ =	swait.ge [sflag:s31], $0x40  }
0xd1: {  	[sflag:s31] =	ssyncset.done $0x0  }
0xd2: {  	[sflag:s31] =	ssyncadd.s32 $0xFFFFFFC0  }
0xd3: {  	_ =	swait.ge [sflag:s31], $0x40  }
0xd4: {  	[sflag:s31] =	ssyncset.done $0x0;
	s21 =	sld [smem:$0x7FC]  }
0xd5: {  	[sflag:s31] =	ssyncadd.s32 $0xFFFFFFC0  }
0xd6: {  	[tilespmem:s14], [sflag:$0xC] =	stream.indirect.gather [hbm4b:s1+s15], $0x80, s20, s15, $0xb8;
	[tilespmem:$0x1C1C0] =	vst v63  }
0xd7: {  	s14 =	rddreg [dreg:$0x13];
	s11 =	sshrl.u32 s21, $0x3  }
0xd8: {  	s30 =	rddreg [dreg:$0x14];
	s19 =	sadd.s32 s14, s11  }
0xd9: {  	[tilespmem:s4], [sflag:$0x1] =	stream.linear.gather [hbm4b:s19+s4], $0x40, $0x38;
	[tilespmem:$0x1C1C0] =	vst v63  }
0xda: {  	s18 =	rddreg [dreg:$0xa];
	s13 =	sadd.s32 s30, s11  }
0xdb: {  	[tilespmem:s22], [sflag:$0x1] =	stream.linear.gather [hbm4b:s13+s4], $0x40, $0x38;
	[tilespmem:$0x1C1C0] =	vst v63  }
0xdc: {  	s31 =	rddreg [dreg:$0x9];
	s6 =	sadd.s32 $0x0, s18  }
0xdd: {  	[tilespmem:s23], [sflag:$0x2] =	stream.linear.gather [hbm4b:s6+s4], $0x40, $0x38;
	[tilespmem:$0x1C1C0] =	vst v63  }
0xde: {  	s11 =	rddreg [dreg:$0x8];
	s14 =	sadd.s32 $0x0, s31  }
0xdf: {  	[tilespmem:s24], [sflag:$0x2] =	stream.linear.gather [hbm4b:s14+s4], $0x40, $0x38;
	[tilespmem:$0x1C1C0] =	vst v63  }
0xe0: {  	s18 =	rddreg [dreg:$0x7];
	s22 =	sadd.s32 $0x0, s11  }
0xe1: {  	[tilespmem:s25], [sflag:$0x3] =	stream.linear.gather [hbm4b:s22+s4], $0x40, $0x38;
	[tilespmem:$0x1C1C0] =	vst v63  }
0xe2: {  	s23 =	rddreg [dreg:$0x6];
	s24 =	sadd.s32 $0x0, s18  }
0xe3: {  	[tilespmem:s26], [sflag:$0x3] =	stream.linear.gather [hbm4b:s24+s4], $0x40, $0x38;
	[tilespmem:$0x1C1C0] =	vst v63  }
0xe4: {  	s30 =	sadd.s32 $0x0, s23;
	s25 =	rddreg [dreg:$0x5]  }
0xe5: {  	[tilespmem:s3], [sflag:$0x4] =	stream.linear.gather [hbm4b:s30+s4], $0x40, $0x38;
	[tilespmem:$0x1C1C0] =	vst v63  }
0xe6: {  	s31 =	sadd.s32 $0x0, s25  }
0xe7: {  	[tilespmem:s10], [sflag:$0x4] =	stream.linear.gather [hbm4b:s31+s4], $0x40, $0x38;
	[tilespmem:$0x1C1C0] =	vst v63  }
0xe8: {  	_ =	swait.ge [sflag:s29], $0x2000  }
0xe9: {  	[sflag:s29] =	ssyncset.done $0x0  }
0xea: {  	[sflag:s29] =	ssyncadd.s32 $0xFFFFE000  }
0xeb: {  	[spmem:s2] =	stream.indirect.scatter.add.f32 [tilespmem:s0], [sflag:$0xD], $0x80, s8, s15, $0xb8;
	[tilespmem:$0x1C1C0] =	vst v63  }
0xec: {  	_ =	swait.ge [sflag:s5], $0x2000  }
0xed: {  	[sflag:s5] =	ssyncset.done $0x0  }
0xee: {  	[sflag:s5] =	ssyncadd.s32 $0xFFFFE000  }
0xef: {  	[spmem:s2] =	stream.indirect.scatter.add.f32 [tilespmem:s16], [sflag:$0xE], $0x80, s17, s15, $0xb8;
	[tilespmem:$0x1C1C0] =	vst v63  }
0xf0: {  	_ =	swait.ge [sflag:s7], $0x2000  }
0xf1: {  	[sflag:s7] =	ssyncset.done $0x0  }
0xf2: {  	[sflag:s7] =	ssyncadd.s32 $0xFFFFE000  }
0xf3: {  	[spmem:s2] =	stream.indirect.scatter.add.f32 [tilespmem:s9], [sflag:$0xF], $0x80, s28, s15, $0xb8;
	[tilespmem:$0x1C1C0] =	vst v63  }
0xf4: {  	p2 =	por $0x0, $0x0;
	s20 =	simm.s32 $0x80;
	_ =	swait.ge [sflag:s12], $0x2000  }
0xf5: {  	s19 =	sadd.s32 $0x200, s21;
	s13 =	simm.s32 $0x40;
	[sflag:s12] =	ssyncset.done $0x0  }
.LBB2_2:
0xf6: {  	s22 =	simm.s32 @p2 $0x1;
	s12 =	simm.s32 $0xC  }
0xf7: {  	s14 =	simm.s32 $0x6800;
	s6 =	simm.s32 $0x780;
	[sflag:s12] =	ssyncadd.s32 $0xFFFFE000  }
0xf8: {  	[spmem:s2] =	stream.indirect.scatter.add.f32 [tilespmem:s14], [sflag:$0x10], $0x80, s6, s15, $0xb8;
	[tilespmem:$0x1C1C0] =	vst v63  }
0xf9: {  	_ =	swait.ge @p2 [sflag:s22], $0x40  }
0xfa: {  	[sflag:s22] =	ssyncset.done @p2 $0x0  }
0xfb: {  	[sflag:s22] =	ssyncadd.s32 @p2 $0xFFFFFFC0  }
0xfc: {  	_ =	swait.ge @p2 [sflag:s22], $0x40  }
0xfd: {  	s23 =	simm.s32 @p2 $0x800;
	s24 =	simm.s32 @!p2 $0xD;
	[sflag:s22] =	ssyncset.done @p2 $0x0  }
0xfe: {  	s25 =	simm.s32 @p2 $0x0;
	[sflag:s22] =	ssyncadd.s32 @p2 $0xFFFFFFC0;
	s22 =	simm.s32 @p2 $0x40  }
0xff: {  	[tilespmem:s23], [sflag:$0x9] =	stream.indirect.gather @p2 [hbm4b:s1+s22], $0x80, s25, s22, $0xb8;
	[tilespmem:$0x1C1C0] =	vst v63  }
0x100: {  	_ =	swait.ge @!p2 [sflag:s24], $0x2000  }
0x101: {  	[sflag:s24] =	ssyncset.done @!p2 $0x0  }
0x102: {  	s23 =	simm.s32 @!p2 $0x1;
	[sflag:s24] =	ssyncadd.s32 @!p2 $0xFFFFE000  }
0x103: {  	_ =	swait.ge @!p2 [sflag:s23], $0x40  }
0x104: {  	[sflag:s23] =	ssyncset.done @!p2 $0x0  }
0x105: {  	[sflag:s23] =	ssyncadd.s32 @!p2 $0xFFFFFFC0  }
0x106: {  	_ =	swait.ge @!p2 [sflag:s23], $0x40  }
0x107: {  	s26 =	simm.s32 @!p2 $0x0;
	s25 =	simm.s32 @!p2 $0xE;
	[sflag:s23] =	ssyncset.done @!p2 $0x0  }
0x108: {  	s24 =	simm.s32 @!p2 $0x800;
	[sflag:s23] =	ssyncadd.s32 @!p2 $0xFFFFFFC0;
	s23 =	simm.s32 @!p2 $0x40  }
0x109: {  	[tilespmem:s24], [sflag:$0x9] =	stream.indirect.gather @!p2 [hbm4b:s1+s23], $0x80, s26, s23, $0xb8;
	[tilespmem:$0x1C1C0] =	vst v63  }
0x10a: {  	_ =	swait.ge @!p2 [sflag:s25], $0x2000  }
0x10b: {  	[sflag:s25] =	ssyncset.done @!p2 $0x0  }
0x10c: {  	s3 =	simm.s32 $0x2;
	[sflag:s25] =	ssyncadd.s32 @!p2 $0xFFFFE000  }
0x10d: {  	_ =	swait.ge [sflag:s3], $0x40  }
0x10e: {  	[sflag:s3] =	ssyncset.done $0x0  }
0x10f: {  	[sflag:s3] =	ssyncadd.s32 $0xFFFFFFC0  }
0x110: {  	_ =	swait.ge [sflag:s3], $0x40  }
0x111: {  	s29 =	simm.s32 $0x80;
	[sflag:s3] =	ssyncset.done $0x0  }
0x112: {  	s18 =	simm.s32 $0x2800;
	s24 =	simm.s32 @p2 $0x3;
	[sflag:s3] =	ssyncadd.s32 $0xFFFFFFC0  }
0x113: {  	[tilespmem:s18], [sflag:$0xA] =	stream.indirect.gather [hbm4b:s1+s15], $0x80, s29, s15, $0xb8;
	[tilespmem:$0x1C1C0] =	vst v63  }
0x114: {  	_ =	swait.ge @p2 [sflag:s24], $0x40  }
0x115: {  	[sflag:s24] =	ssyncset.done @p2 $0x0  }
0x116: {  	[sflag:s24] =	ssyncadd.s32 @p2 $0xFFFFFFC0  }
0x117: {  	_ =	swait.ge @p2 [sflag:s24], $0x40  }
0x118: {  	s26 =	simm.s32 @p2 $0x4800;
	[sflag:s24] =	ssyncset.done @p2 $0x0  }
0x119: {  	s25 =	simm.s32 @!p2 $0xF;
	[sflag:s24] =	ssyncadd.s32 @p2 $0xFFFFFFC0;
	s24 =	simm.s32 @p2 $0x100  }
0x11a: {  	[tilespmem:s26], [sflag:$0xB] =	stream.indirect.gather @p2 [hbm4b:s1+s22], $0x80, s24, s22, $0xb8;
	[tilespmem:$0x1C1C0] =	vst v63  }
0x11b: {  	_ =	swait.ge @!p2 [sflag:s25], $0x2000  }
0x11c: {  	[sflag:s25] =	ssyncset.done @!p2 $0x0  }
0x11d: {  	s22 =	simm.s32 @!p2 $0x3;
	[sflag:s25] =	ssyncadd.s32 @!p2 $0xFFFFE000  }
0x11e: {  	_ =	swait.ge @!p2 [sflag:s22], $0x40  }
0x11f: {  	[sflag:s22] =	ssyncset.done @!p2 $0x0  }
0x120: {  	[sflag:s22] =	ssyncadd.s32 @!p2 $0xFFFFFFC0  }
0x121: {  	_ =	swait.ge @!p2 [sflag:s22], $0x40  }
0x122: {  	s24 =	simm.s32 @!p2 $0x10;
	[sflag:s22] =	ssyncset.done @!p2 $0x0  }
0x123: {  	s25 =	simm.s32 @!p2 $0x4800;
	[sflag:s22] =	ssyncadd.s32 @!p2 $0xFFFFFFC0;
	s22 =	simm.s32 @!p2 $0x100  }
0x124: {  	[tilespmem:s25], [sflag:$0xB] =	stream.indirect.gather @!p2 [hbm4b:s1+s23], $0x80, s22, s23, $0xb8;
	[tilespmem:$0x1C1C0] =	vst v63  }
0x125: {  	_ =	swait.ge @!p2 [sflag:s24], $0x2000  }
0x126: {  	[sflag:s24] =	ssyncset.done @!p2 $0x0  }
0x127: {  	s0 =	simm.s32 $0x4;
	[sflag:s24] =	ssyncadd.s32 @!p2 $0xFFFFE000  }
0x128: {  	_ =	swait.ge [sflag:s0], $0x40  }
0x129: {  	[sflag:s0] =	ssyncset.done $0x0  }
0x12a: {  	[sflag:s0] =	ssyncadd.s32 $0xFFFFFFC0  }
0x12b: {  	_ =	swait.ge [sflag:s0], $0x40  }
0x12c: {  	[sflag:s0] =	ssyncset.done $0x0  }
0x12d: {  	s10 =	simm.s32 $0x180;
	s5 =	rddreg [dreg:$0x12];
	[sflag:s0] =	ssyncadd.s32 $0xFFFFFFC0  }
0x12e: {  	[tilespmem:s14], [sflag:$0xC] =	stream.indirect.gather [hbm4b:s1+s15], $0x80, s10, s15, $0xb8;
	[tilespmem:$0x1C1C0] =	vst v63  }
0x12f: {  	s8 =	simm.s32 $0x200;
	s7 =	rddreg [dreg:$0x11];
	s22 =	sadd.s32 s13, s5  }
0x130: {  	[tilespmem:s8], [sflag:$0x5] =	stream.linear.gather [hbm4b:s22+s4], $0x40, $0x38;
	[tilespmem:$0x1C1C0] =	vst v63  }
0x131: {  	s11 =	simm.s32 $0x600;
	s9 =	rddreg [dreg:$0x10];
	s16 =	sadd.s32 s13, s7  }
0x132: {  	[tilespmem:s11], [sflag:$0x5] =	stream.linear.gather [hbm4b:s16+s4], $0x40, $0x38;
	[tilespmem:$0x1C1C0] =	vst v63  }
0x133: {  	s17 =	rddreg [dreg:$0xf];
	s25 =	sadd.s32 s13, s9;
	s16 =	simm.s32 $0x280  }
0x134: {  	[tilespmem:s16], [sflag:$0x6] =	stream.linear.gather [hbm4b:s25+s4], $0x40, $0x38;
	[tilespmem:$0x1C1C0] =	vst v63  }
0x135: {  	s26 =	rddreg [dreg:$0xe];
	s28 =	sadd.s32 s13, s17;
	s17 =	simm.s32 $0x680  }
0x136: {  	[tilespmem:s17], [sflag:$0x6] =	stream.linear.gather [hbm4b:s28+s4], $0x40, $0x38;
	[tilespmem:$0x1C1C0] =	vst v63  }
0x137: {  	s30 =	rddreg [dreg:$0xd];
	s31 =	sadd.s32 s13, s26;
	s28 =	simm.s32 $0x300  }
0x138: {  	[tilespmem:s28], [sflag:$0x7] =	stream.linear.gather [hbm4b:s31+s4], $0x40, $0x38;
	[tilespmem:$0x1C1C0] =	vst v63  }
0x139: {  	s0 =	rddreg [dreg:$0xc];
	s3 =	sadd.s32 s13, s30;
	s30 =	simm.s32 $0x700  }
0x13a: {  	[tilespmem:s30], [sflag:$0x7] =	stream.linear.gather [hbm4b:s3+s4], $0x40, $0x38;
	[tilespmem:$0x1C1C0] =	vst v63  }
0x13b: {  	s24 =	simm.s32 $0x380;
	s5 =	rddreg [dreg:$0xb];
	s7 =	sadd.s32 s13, s0  }
0x13c: {  	[tilespmem:s24], [sflag:$0x8] =	stream.linear.gather [hbm4b:s7+s4], $0x40, $0x38;
	[tilespmem:$0x1C1C0] =	vst v63  }
0x13d: {  	s9 =	sadd.s32 s13, s5;
	s31 =	simm.s32 $0x9  }
0x13e: {  	[tilespmem:s6], [sflag:$0x8] =	stream.linear.gather [hbm4b:s9+s4], $0x40, $0x38;
	[tilespmem:$0x1C1C0] =	vst v63  }
0x13f: {  	_ =	swait.ge [sflag:s31], $0x2000  }
0x140: {  	s0 =	simm.s32 $0x800;
	[sflag:s31] =	ssyncset.done $0x0  }
0x141: {  	s5 =	simm.s32 $0xA;
	s25 =	simm.s32 $0x400;
	[sflag:s31] =	ssyncadd.s32 $0xFFFFE000  }
0x142: {  	[spmem:s2] =	stream.indirect.scatter.add.f32 [tilespmem:s0], [sflag:$0xD], $0x80, s25, s15, $0xb8;
	[tilespmem:$0x1C1C0] =	vst v63  }
0x143: {  	_ =	swait.ge [sflag:s5], $0x2000  }
0x144: {  	[sflag:s5] =	ssyncset.done $0x0  }
0x145: {  	s26 =	simm.s32 $0x480;
	s7 =	simm.s32 $0xB;
	[sflag:s5] =	ssyncadd.s32 $0xFFFFE000  }
0x146: {  	[spmem:s2] =	stream.indirect.scatter.add.f32 [tilespmem:s18], [sflag:$0xE], $0x80, s26, s15, $0xb8;
	[tilespmem:$0x1C1C0] =	vst v63  }
0x147: {  	_ =	swait.ge [sflag:s7], $0x2000  }
0x148: {  	[sflag:s7] =	ssyncset.done $0x0  }
0x149: {  	s3 =	simm.s32 $0x500;
	s9 =	simm.s32 $0x4800;
	[sflag:s7] =	ssyncadd.s32 $0xFFFFE000  }
0x14a: {  	[spmem:s2] =	stream.indirect.scatter.add.f32 [tilespmem:s9], [sflag:$0xF], $0x80, s3, s15, $0xb8;
	[tilespmem:$0x1C1C0] =	vst v63  }
0x14b: {  	_ =	swait.ge [sflag:s12], $0x2000  }
0x14c: {  	[sflag:s12] =	ssyncset.done $0x0  }
0x14d: {  	s23 =	simm.s32 $0xD;
	s6 =	simm.s32 $0x580;
	[sflag:s12] =	ssyncadd.s32 $0xFFFFE000  }
0x14e: {  	[spmem:s2] =	stream.indirect.scatter.add.f32 [tilespmem:s14], [sflag:$0x10], $0x80, s6, s15, $0xb8;
	[tilespmem:$0x1C1C0] =	vst v63  }
0x14f: {  	_ =	swait.ge [sflag:s23], $0x2000  }
0x150: {  	[sflag:s23] =	ssyncset.done $0x0  }
0x151: {  	[sflag:s23] =	ssyncadd.s32 $0xFFFFE000;
	s23 =	simm.s32 $0x5  }
0x152: {  	_ =	swait.ge [sflag:s23], $0x40  }
0x153: {  	[sflag:s23] =	ssyncset.done $0x0  }
0x154: {  	[sflag:s23] =	ssyncadd.s32 $0xFFFFFFC0  }
0x155: {  	_ =	swait.ge [sflag:s23], $0x40  }
0x156: {  	[sflag:s23] =	ssyncset.done $0x0  }
0x157: {  	s22 =	simm.s32 $0xE;
	[sflag:s23] =	ssyncadd.s32 $0xFFFFFFC0  }
0x158: {  	[tilespmem:s0], [sflag:$0x9] =	stream.indirect.gather [hbm4b:s1+s15], $0x80, s8, s15, $0xb8;
	[tilespmem:$0x1C1C0] =	vst v63  }
0x159: {  	_ =	swait.ge [sflag:s22], $0x2000  }
0x15a: {  	[sflag:s22] =	ssyncset.done $0x0  }
0x15b: {  	s23 =	simm.s32 $0x6;
	[sflag:s22] =	ssyncadd.s32 $0xFFFFE000  }
0x15c: {  	_ =	swait.ge [sflag:s23], $0x40  }
0x15d: {  	[sflag:s23] =	ssyncset.done $0x0  }
0x15e: {  	[sflag:s23] =	ssyncadd.s32 $0xFFFFFFC0  }
0x15f: {  	_ =	swait.ge [sflag:s23], $0x40  }
0x160: {  	[sflag:s23] =	ssyncset.done $0x0  }
0x161: {  	[sflag:s23] =	ssyncadd.s32 $0xFFFFFFC0  }
0x162: {  	[tilespmem:s18], [sflag:$0xA] =	stream.indirect.gather [hbm4b:s1+s15], $0x80, s16, s15, $0xb8;
	[tilespmem:$0x1C1C0] =	vst v63  }
0x163: {  	s16 =	simm.s32 $0xF  }
0x164: {  	_ =	swait.ge [sflag:s16], $0x2000  }
0x165: {  	[sflag:s16] =	ssyncset.done $0x0  }
0x166: {  	s22 =	simm.s32 $0x7;
	[sflag:s16] =	ssyncadd.s32 $0xFFFFE000  }
0x167: {  	_ =	swait.ge [sflag:s22], $0x40  }
0x168: {  	[sflag:s22] =	ssyncset.done $0x0  }
0x169: {  	[sflag:s22] =	ssyncadd.s32 $0xFFFFFFC0  }
0x16a: {  	_ =	swait.ge [sflag:s22], $0x40  }
0x16b: {  	[sflag:s22] =	ssyncset.done $0x0  }
0x16c: {  	s23 =	simm.s32 $0x10;
	[sflag:s22] =	ssyncadd.s32 $0xFFFFFFC0  }
0x16d: {  	[tilespmem:s9], [sflag:$0xB] =	stream.indirect.gather [hbm4b:s1+s15], $0x80, s28, s15, $0xb8;
	[tilespmem:$0x1C1C0] =	vst v63  }
0x16e: {  	_ =	swait.ge [sflag:s23], $0x2000  }
0x16f: {  	[sflag:s23] =	ssyncset.done $0x0  }
0x170: {  	s28 =	simm.s32 $0x8;
	[sflag:s23] =	ssyncadd.s32 $0xFFFFE000  }
0x171: {  	_ =	swait.ge [sflag:s28], $0x40  }
0x172: {  	[sflag:s28] =	ssyncset.done $0x0  }
0x173: {  	[sflag:s28] =	ssyncadd.s32 $0xFFFFFFC0  }
0x174: {  	_ =	swait.ge [sflag:s28], $0x40  }
0x175: {  	[sflag:s28] =	ssyncset.done $0x0  }
0x176: {  	s16 =	sshrl.u32 s19, $0x3;
	[sflag:s28] =	ssyncadd.s32 $0xFFFFFFC0;
	s28 =	rddreg [dreg:$0x13]  }
0x177: {  	[tilespmem:s14], [sflag:$0xC] =	stream.indirect.gather [hbm4b:s1+s15], $0x80, s24, s15, $0xb8;
	[tilespmem:$0x1C1C0] =	vst v63  }
0x178: {  	s23 =	sadd.s32 s28, s16;
	s14 =	rddreg [dreg:$0x14]  }
0x179: {  	[tilespmem:s4], [sflag:$0x1] =	stream.linear.gather [hbm4b:s23+s4], $0x40, $0x38;
	[tilespmem:$0x1C1C0] =	vst v63  }
0x17a: {  	s8 =	rddreg [dreg:$0xa];
	s22 =	sadd.s32 s14, s16  }
0x17b: {  	[tilespmem:s25], [sflag:$0x1] =	stream.linear.gather [hbm4b:s22+s4], $0x40, $0x38;
	[tilespmem:$0x1C1C0] =	vst v63  }
0x17c: {  	s24 =	sadd.s32 s13, s8;
	s16 =	rddreg [dreg:$0x9]  }
0x17d: {  	[tilespmem:s29], [sflag:$0x2] =	stream.linear.gather [hbm4b:s24+s4], $0x40, $0x38;
	[tilespmem:$0x1C1C0] =	vst v63  }
0x17e: {  	s28 =	sadd.s32 s13, s16;
	s25 =	rddreg [dreg:$0x8]  }
0x17f: {  	[tilespmem:s26], [sflag:$0x2] =	stream.linear.gather [hbm4b:s28+s4], $0x40, $0x38;
	[tilespmem:$0x1C1C0] =	vst v63  }
0x180: {  	s16 =	simm.s32 $0x100;
	s8 =	sadd.s32 s13, s25;
	s29 =	rddreg [dreg:$0x7]  }
0x181: {  	[tilespmem:s16], [sflag:$0x3] =	stream.linear.gather [hbm4b:s8+s4], $0x40, $0x38;
	[tilespmem:$0x1C1C0] =	vst v63  }
0x182: {  	s14 =	rddreg [dreg:$0x6];
	s25 =	sadd.s32 s13, s29  }
0x183: {  	[tilespmem:s3], [sflag:$0x3] =	stream.linear.gather [hbm4b:s25+s4], $0x40, $0x38;
	[tilespmem:$0x1C1C0] =	vst v63  }
0x184: {  	s26 =	rddreg [dreg:$0x5];
	s28 =	sadd.s32 s13, s14  }
0x185: {  	[tilespmem:s10], [sflag:$0x4] =	stream.linear.gather [hbm4b:s28+s4], $0x40, $0x38;
	[tilespmem:$0x1C1C0] =	vst v63  }
0x186: {  	s29 =	sadd.s32 s13, s26  }
0x187: {  	[tilespmem:s6], [sflag:$0x4] =	stream.linear.gather [hbm4b:s29+s4], $0x40, $0x38;
	[tilespmem:$0x1C1C0] =	vst v63  }
0x188: {  	_ =	swait.ge [sflag:s31], $0x2000  }
0x189: {  	[sflag:s31] =	ssyncset.done $0x0  }
0x18a: {  	[sflag:s31] =	ssyncadd.s32 $0xFFFFE000  }
0x18b: {  	[spmem:s2] =	stream.indirect.scatter.add.f32 [tilespmem:s0], [sflag:$0xD], $0x80, s11, s15, $0xb8;
	[tilespmem:$0x1C1C0] =	vst v63  }
0x18c: {  	_ =	swait.ge [sflag:s5], $0x2000  }
0x18d: {  	[sflag:s5] =	ssyncset.done $0x0  }
0x18e: {  	s21 =	smov.u32 s20;
	s20 =	sadd.s32 $0x40, s20;
	[sflag:s5] =	ssyncadd.s32 $0xFFFFE000  }
0x18f: {  	[spmem:s2] =	stream.indirect.scatter.add.f32 [tilespmem:s18], [sflag:$0xE], $0x80, s17, s15, $0xb8;
	[tilespmem:$0x1C1C0] =	vst v63  }
0x190: {  	p1 =	sne.s32 s20, $0x4C0;
	_ =	swait.ge [sflag:s7], $0x2000  }
.Ltmp0:
0x191: {  	[sflag:s7] =	ssyncset.done $0x0;
	(pc) =	sbr.rel @p1 .LBB2_2-.Ltmp0, $4  }
0x192: {  	[sflag:s7] =	ssyncadd.s32 $0xFFFFE000  }
0x193: {  	[spmem:s2] =	stream.indirect.scatter.add.f32 [tilespmem:s9], [sflag:$0xF], $0x80, s30, s15, $0xb8;
	[tilespmem:$0x1C1C0] =	vst v63  }
0x194: {  	s13 =	smov.u32 s21;
	_ =	swait.ge [sflag:s12], $0x2000  }
0x195: {  	s19 =	sadd.s32 $0x200, s19;
	p2 =	seq.s32 s13, $0x0;
	[sflag:s12] =	ssyncset.done $0x0  }
0x196: {  	s20 =	simm.s32 @p2 $0x1;
	s24 =	simm.s32 $0xC  }
0x197: {  	s3 =	simm.s32 $0x6800;
	s0 =	simm.s32 $0x780;
	[sflag:s24] =	ssyncadd.s32 $0xFFFFE000  }
0x198: {  	[spmem:s2] =	stream.indirect.scatter.add.f32 [tilespmem:s3], [sflag:$0x10], $0x80, s0, s15, $0xb8;
	[tilespmem:$0x1C1C0] =	vst v63  }
0x199: {  	_ =	swait.ge @p2 [sflag:s20], $0x40  }
0x19a: {  	[sflag:s20] =	ssyncset.done @p2 $0x0  }
0x19b: {  	[sflag:s20] =	ssyncadd.s32 @p2 $0xFFFFFFC0  }
0x19c: {  	_ =	swait.ge @p2 [sflag:s20], $0x40  }
0x19d: {  	s21 =	simm.s32 @p2 $0x800;
	s22 =	simm.s32 @!p2 $0xD;
	[sflag:s20] =	ssyncset.done @p2 $0x0  }
0x19e: {  	s23 =	simm.s32 @p2 $0x0;
	[sflag:s20] =	ssyncadd.s32 @p2 $0xFFFFFFC0;
	s20 =	simm.s32 @p2 $0x40  }
0x19f: {  	[tilespmem:s21], [sflag:$0x9] =	stream.indirect.gather @p2 [hbm4b:s1+s20], $0x80, s23, s20, $0xb8;
	[tilespmem:$0x1C1C0] =	vst v63  }
0x1a0: {  	_ =	swait.ge @!p2 [sflag:s22], $0x2000  }
0x1a1: {  	[sflag:s22] =	ssyncset.done @!p2 $0x0  }
0x1a2: {  	s21 =	simm.s32 @!p2 $0x1;
	[sflag:s22] =	ssyncadd.s32 @!p2 $0xFFFFE000  }
0x1a3: {  	_ =	swait.ge @!p2 [sflag:s21], $0x40  }
0x1a4: {  	[sflag:s21] =	ssyncset.done @!p2 $0x0  }
0x1a5: {  	[sflag:s21] =	ssyncadd.s32 @!p2 $0xFFFFFFC0  }
0x1a6: {  	_ =	swait.ge @!p2 [sflag:s21], $0x40  }
0x1a7: {  	s23 =	simm.s32 @!p2 $0x0;
	[sflag:s21] =	ssyncset.done @!p2 $0x0  }
0x1a8: {  	s22 =	simm.s32 @!p2 $0x800;
	[sflag:s21] =	ssyncadd.s32 @!p2 $0xFFFFFFC0;
	s21 =	simm.s32 @!p2 $0x40  }
0x1a9: {  	[tilespmem:s22], [sflag:$0x9] =	stream.indirect.gather @!p2 [hbm4b:s1+s21], $0x80, s23, s21, $0xb8;
	[tilespmem:$0x1C1C0] =	vst v63  }
0x1aa: {  	s22 =	simm.s32 @!p2 $0xE  }
0x1ab: {  	_ =	swait.ge @!p2 [sflag:s22], $0x2000  }
0x1ac: {  	[sflag:s22] =	ssyncset.done @!p2 $0x0  }
0x1ad: {  	s18 =	simm.s32 $0x2;
	[sflag:s22] =	ssyncadd.s32 @!p2 $0xFFFFE000  }
0x1ae: {  	_ =	swait.ge [sflag:s18], $0x40  }
0x1af: {  	[sflag:s18] =	ssyncset.done $0x0  }
0x1b0: {  	[sflag:s18] =	ssyncadd.s32 $0xFFFFFFC0  }
0x1b1: {  	_ =	swait.ge [sflag:s18], $0x40  }
0x1b2: {  	s8 =	simm.s32 $0x80;
	[sflag:s18] =	ssyncset.done $0x0  }
0x1b3: {  	s5 =	simm.s32 $0x2800;
	s22 =	simm.s32 @p2 $0x3;
	[sflag:s18] =	ssyncadd.s32 $0xFFFFFFC0  }
0x1b4: {  	[tilespmem:s5], [sflag:$0xA] =	stream.indirect.gather [hbm4b:s1+s15], $0x80, s8, s15, $0xb8;
	[tilespmem:$0x1C1C0] =	vst v63  }
0x1b5: {  	_ =	swait.ge @p2 [sflag:s22], $0x40  }
0x1b6: {  	[sflag:s22] =	ssyncset.done @p2 $0x0  }
0x1b7: {  	[sflag:s22] =	ssyncadd.s32 @p2 $0xFFFFFFC0  }
0x1b8: {  	_ =	swait.ge @p2 [sflag:s22], $0x40  }
0x1b9: {  	[sflag:s22] =	ssyncset.done @p2 $0x0  }
0x1ba: {  	s23 =	simm.s32 @p2 $0x4800;
	[sflag:s22] =	ssyncadd.s32 @p2 $0xFFFFFFC0;
	s22 =	simm.s32 @p2 $0x100  }
0x1bb: {  	[tilespmem:s23], [sflag:$0xB] =	stream.indirect.gather @p2 [hbm4b:s1+s20], $0x80, s22, s20, $0xb8;
	[tilespmem:$0x1C1C0] =	vst v63  }
0x1bc: {  	s20 =	simm.s32 @!p2 $0xF  }
0x1bd: {  	_ =	swait.ge @!p2 [sflag:s20], $0x2000  }
0x1be: {  	[sflag:s20] =	ssyncset.done @!p2 $0x0  }
0x1bf: {  	[sflag:s20] =	ssyncadd.s32 @!p2 $0xFFFFE000;
	s20 =	simm.s32 @!p2 $0x3  }
0x1c0: {  	_ =	swait.ge @!p2 [sflag:s20], $0x40  }
0x1c1: {  	[sflag:s20] =	ssyncset.done @!p2 $0x0  }
0x1c2: {  	[sflag:s20] =	ssyncadd.s32 @!p2 $0xFFFFFFC0  }
0x1c3: {  	_ =	swait.ge @!p2 [sflag:s20], $0x40  }
0x1c4: {  	[sflag:s20] =	ssyncset.done @!p2 $0x0  }
0x1c5: {  	s22 =	simm.s32 @!p2 $0x4800;
	[sflag:s20] =	ssyncadd.s32 @!p2 $0xFFFFFFC0;
	s20 =	simm.s32 @!p2 $0x100  }
0x1c6: {  	[tilespmem:s22], [sflag:$0xB] =	stream.indirect.gather @!p2 [hbm4b:s1+s21], $0x80, s20, s21, $0xb8;
	[tilespmem:$0x1C1C0] =	vst v63  }
0x1c7: {  	s20 =	simm.s32 @!p2 $0x10  }
0x1c8: {  	_ =	swait.ge @!p2 [sflag:s20], $0x2000  }
0x1c9: {  	[sflag:s20] =	ssyncset.done @!p2 $0x0  }
0x1ca: {  	s26 =	simm.s32 $0x4;
	[sflag:s20] =	ssyncadd.s32 @!p2 $0xFFFFE000  }
0x1cb: {  	_ =	swait.ge [sflag:s26], $0x40  }
0x1cc: {  	[sflag:s26] =	ssyncset.done $0x0  }
0x1cd: {  	[sflag:s26] =	ssyncadd.s32 $0xFFFFFFC0  }
0x1ce: {  	_ =	swait.ge [sflag:s26], $0x40  }
0x1cf: {  	s11 =	simm.s32 $0x180;
	[sflag:s26] =	ssyncset.done $0x0  }
0x1d0: {  	s6 =	simm.s32 $0x6800;
	s9 =	rddreg [dreg:$0x12];
	[sflag:s26] =	ssyncadd.s32 $0xFFFFFFC0  }
0x1d1: {  	[tilespmem:s6], [sflag:$0xC] =	stream.indirect.gather [hbm4b:s1+s15], $0x80, s11, s15, $0xb8;
	[tilespmem:$0x1C1C0] =	vst v63  }
0x1d2: {  	s12 =	simm.s32 $0x200;
	s10 =	rddreg [dreg:$0x11];
	s20 =	sadd.s32 s13, s9  }
0x1d3: {  	[tilespmem:s12], [sflag:$0x5] =	stream.linear.gather [hbm4b:s20+s4], $0x40, $0x38;
	[tilespmem:$0x1C1C0] =	vst v63  }
0x1d4: {  	s16 =	simm.s32 $0x600;
	s14 =	rddreg [dreg:$0x10];
	s21 =	sadd.s32 s13, s10  }
0x1d5: {  	[tilespmem:s16], [sflag:$0x5] =	stream.linear.gather [hbm4b:s21+s4], $0x40, $0x38;
	[tilespmem:$0x1C1C0] =	vst v63  }
0x1d6: {  	s22 =	simm.s32 $0x280;
	s17 =	rddreg [dreg:$0xf];
	s20 =	sadd.s32 s13, s14  }
0x1d7: {  	[tilespmem:s22], [sflag:$0x6] =	stream.linear.gather [hbm4b:s20+s4], $0x40, $0x38;
	[tilespmem:$0x1C1C0] =	vst v63  }
0x1d8: {  	s25 =	simm.s32 $0x680;
	s23 =	rddreg [dreg:$0xe];
	s21 =	sadd.s32 s13, s17  }
0x1d9: {  	[tilespmem:s25], [sflag:$0x6] =	stream.linear.gather [hbm4b:s21+s4], $0x40, $0x38;
	[tilespmem:$0x1C1C0] =	vst v63  }
0x1da: {  	s30 =	simm.s32 $0x300;
	s28 =	rddreg [dreg:$0xd];
	s20 =	sadd.s32 s13, s23  }
0x1db: {  	[tilespmem:s30], [sflag:$0x7] =	stream.linear.gather [hbm4b:s20+s4], $0x40, $0x38;
	[tilespmem:$0x1C1C0] =	vst v63  }
0x1dc: {  	s8 =	simm.s32 $0x700;
	s31 =	rddreg [dreg:$0xc];
	s21 =	sadd.s32 s13, s28  }
0x1dd: {  	[tilespmem:s8], [sflag:$0x7] =	stream.linear.gather [hbm4b:s21+s4], $0x40, $0x38;
	[tilespmem:$0x1C1C0] =	vst v63  }
0x1de: {  	s29 =	simm.s32 $0x380;
	s9 =	rddreg [dreg:$0xb];
	s20 =	sadd.s32 s13, s31  }
0x1df: {  	[tilespmem:s29], [sflag:$0x8] =	stream.linear.gather [hbm4b:s20+s4], $0x40, $0x38;
	[tilespmem:$0x1C1C0] =	vst v63  }
0x1e0: {  	s0 =	simm.s32 $0x780;
	s10 =	sadd.s32 s13, s9;
	s14 =	simm.s32 $0x9  }
0x1e1: {  	[tilespmem:s0], [sflag:$0x8] =	stream.linear.gather [hbm4b:s10+s4], $0x40, $0x38;
	[tilespmem:$0x1C1C0] =	vst v63  }
0x1e2: {  	_ =	swait.ge [sflag:s14], $0x2000  }
0x1e3: {  	s11 =	simm.s32 $0x400;
	[sflag:s14] =	ssyncset.done $0x0  }
0x1e4: {  	s31 =	simm.s32 $0x800;
	s10 =	simm.s32 $0xA;
	[sflag:s14] =	ssyncadd.s32 $0xFFFFE000  }
0x1e5: {  	[spmem:s2] =	stream.indirect.scatter.add.f32 [tilespmem:s31], [sflag:$0xD], $0x80, s11, s15, $0xb8;
	[tilespmem:$0x1C1C0] =	vst v63  }
0x1e6: {  	_ =	swait.ge [sflag:s10], $0x2000  }
0x1e7: {  	s12 =	simm.s32 $0x480;
	[sflag:s10] =	ssyncset.done $0x0  }
0x1e8: {  	s8 =	simm.s32 $0x2800;
	s11 =	simm.s32 $0xB;
	[sflag:s10] =	ssyncadd.s32 $0xFFFFE000  }
0x1e9: {  	[spmem:s2] =	stream.indirect.scatter.add.f32 [tilespmem:s8], [sflag:$0xE], $0x80, s12, s15, $0xb8;
	[tilespmem:$0x1C1C0] =	vst v63  }
0x1ea: {  	_ =	swait.ge [sflag:s11], $0x2000  }
0x1eb: {  	[sflag:s11] =	ssyncset.done $0x0  }
0x1ec: {  	s17 =	simm.s32 $0x500;
	s28 =	simm.s32 $0x4800;
	[sflag:s11] =	ssyncadd.s32 $0xFFFFE000  }
0x1ed: {  	[spmem:s2] =	stream.indirect.scatter.add.f32 [tilespmem:s28], [sflag:$0xF], $0x80, s17, s15, $0xb8;
	[tilespmem:$0x1C1C0] =	vst v63  }
0x1ee: {  	_ =	swait.ge [sflag:s24], $0x2000  }
0x1ef: {  	[sflag:s24] =	ssyncset.done $0x0  }
0x1f0: {  	s20 =	simm.s32 $0x580;
	s12 =	simm.s32 $0xD;
	[sflag:s24] =	ssyncadd.s32 $0xFFFFE000  }
0x1f1: {  	[spmem:s2] =	stream.indirect.scatter.add.f32 [tilespmem:s6], [sflag:$0x10], $0x80, s20, s15, $0xb8;
	[tilespmem:$0x1C1C0] =	vst v63  }
0x1f2: {  	_ =	swait.ge [sflag:s12], $0x2000  }
0x1f3: {  	[sflag:s12] =	ssyncset.done $0x0  }
0x1f4: {  	s6 =	simm.s32 $0x5;
	[sflag:s12] =	ssyncadd.s32 $0xFFFFE000  }
0x1f5: {  	_ =	swait.ge [sflag:s6], $0x40  }
0x1f6: {  	[sflag:s6] =	ssyncset.done $0x0  }
0x1f7: {  	[sflag:s6] =	ssyncadd.s32 $0xFFFFFFC0  }
0x1f8: {  	_ =	swait.ge [sflag:s6], $0x40  }
0x1f9: {  	[sflag:s6] =	ssyncset.done $0x0  }
0x1fa: {  	s3 =	simm.s32 $0x200;
	s9 =	simm.s32 $0xE;
	[sflag:s6] =	ssyncadd.s32 $0xFFFFFFC0  }
0x1fb: {  	[tilespmem:s31], [sflag:$0x9] =	stream.indirect.gather [hbm4b:s1+s15], $0x80, s3, s15, $0xb8;
	[tilespmem:$0x1C1C0] =	vst v63  }
0x1fc: {  	_ =	swait.ge [sflag:s9], $0x2000  }
0x1fd: {  	[sflag:s9] =	ssyncset.done $0x0  }
0x1fe: {  	s5 =	simm.s32 $0x6;
	[sflag:s9] =	ssyncadd.s32 $0xFFFFE000  }
0x1ff: {  	_ =	swait.ge [sflag:s5], $0x40  }
0x200: {  	[sflag:s5] =	ssyncset.done $0x0  }
0x201: {  	[sflag:s5] =	ssyncadd.s32 $0xFFFFFFC0  }
0x202: {  	_ =	swait.ge [sflag:s5], $0x40  }
0x203: {  	[sflag:s5] =	ssyncset.done $0x0  }
0x204: {  	s7 =	simm.s32 $0x280;
	[sflag:s5] =	ssyncadd.s32 $0xFFFFFFC0  }
0x205: {  	[tilespmem:s8], [sflag:$0xA] =	stream.indirect.gather [hbm4b:s1+s15], $0x80, s7, s15, $0xb8;
	[tilespmem:$0x1C1C0] =	vst v63  }
0x206: {  	s8 =	simm.s32 $0xF  }
0x207: {  	_ =	swait.ge [sflag:s8], $0x2000  }
0x208: {  	[sflag:s8] =	ssyncset.done $0x0  }
0x209: {  	s3 =	simm.s32 $0x7;
	[sflag:s8] =	ssyncadd.s32 $0xFFFFE000  }
0x20a: {  	_ =	swait.ge [sflag:s3], $0x40  }
0x20b: {  	[sflag:s3] =	ssyncset.done $0x0  }
0x20c: {  	[sflag:s3] =	ssyncadd.s32 $0xFFFFFFC0  }
0x20d: {  	_ =	swait.ge [sflag:s3], $0x40  }
0x20e: {  	[sflag:s3] =	ssyncset.done $0x0  }
0x20f: {  	s16 =	simm.s32 $0x300;
	s7 =	simm.s32 $0x10;
	[sflag:s3] =	ssyncadd.s32 $0xFFFFFFC0  }
0x210: {  	[tilespmem:s28], [sflag:$0xB] =	stream.indirect.gather [hbm4b:s1+s15], $0x80, s16, s15, $0xb8;
	[tilespmem:$0x1C1C0] =	vst v63  }
0x211: {  	_ =	swait.ge [sflag:s7], $0x2000  }
0x212: {  	[sflag:s7] =	ssyncset.done $0x0  }
0x213: {  	s0 =	simm.s32 $0x8;
	[sflag:s7] =	ssyncadd.s32 $0xFFFFE000  }
0x214: {  	_ =	swait.ge [sflag:s0], $0x40  }
0x215: {  	[sflag:s0] =	ssyncset.done $0x0  }
0x216: {  	[sflag:s0] =	ssyncadd.s32 $0xFFFFFFC0  }
0x217: {  	_ =	swait.ge [sflag:s0], $0x40  }
0x218: {  	s19 =	sshrl.u32 s19, $0x3;
	[sflag:s0] =	ssyncset.done $0x0  }
0x219: {  	s17 =	simm.s32 $0x6800;
	s21 =	rddreg [dreg:$0x13];
	[sflag:s0] =	ssyncadd.s32 $0xFFFFFFC0  }
0x21a: {  	[tilespmem:s17], [sflag:$0xC] =	stream.indirect.gather [hbm4b:s1+s15], $0x80, s29, s15, $0xb8;
	[tilespmem:$0x1C1C0] =	vst v63  }
0x21b: {  	s20 =	sadd.s32 s21, s19;
	s17 =	rddreg [dreg:$0x14]  }
0x21c: {  	[tilespmem:s4], [sflag:$0x1] =	stream.linear.gather [hbm4b:s20+s4], $0x40, $0x38;
	[tilespmem:$0x1C1C0] =	vst v63  }
0x21d: {  	s22 =	simm.s32 $0x400;
	s16 =	rddreg [dreg:$0xa];
	s19 =	sadd.s32 s17, s19  }
0x21e: {  	[tilespmem:s22], [sflag:$0x1] =	stream.linear.gather [hbm4b:s19+s4], $0x40, $0x38;
	[tilespmem:$0x1C1C0] =	vst v63  }
0x21f: {  	s20 =	sadd.s32 s13, s16;
	s16 =	simm.s32 $0x80;
	s22 =	rddreg [dreg:$0x9]  }
0x220: {  	[tilespmem:s16], [sflag:$0x2] =	stream.linear.gather [hbm4b:s20+s4], $0x40, $0x38;
	[tilespmem:$0x1C1C0] =	vst v63  }
0x221: {  	s23 =	simm.s32 $0x480;
	s17 =	rddreg [dreg:$0x8];
	s19 =	sadd.s32 s13, s22  }
0x222: {  	[tilespmem:s23], [sflag:$0x2] =	stream.linear.gather [hbm4b:s19+s4], $0x40, $0x38;
	[tilespmem:$0x1C1C0] =	vst v63  }
0x223: {  	s21 =	rddreg [dreg:$0x7];
	s20 =	sadd.s32 s13, s17;
	s23 =	simm.s32 $0x100  }
0x224: {  	[tilespmem:s23], [sflag:$0x3] =	stream.linear.gather [hbm4b:s20+s4], $0x40, $0x38;
	[tilespmem:$0x1C1C0] =	vst v63  }
0x225: {  	s25 =	simm.s32 $0x500;
	s22 =	rddreg [dreg:$0x6];
	s19 =	sadd.s32 s13, s21  }
0x226: {  	[tilespmem:s25], [sflag:$0x3] =	stream.linear.gather [hbm4b:s19+s4], $0x40, $0x38;
	[tilespmem:$0x1C1C0] =	vst v63  }
0x227: {  	s17 =	rddreg [dreg:$0x5];
	s20 =	sadd.s32 s13, s22;
	s25 =	simm.s32 $0x180  }
0x228: {  	[tilespmem:s25], [sflag:$0x4] =	stream.linear.gather [hbm4b:s20+s4], $0x40, $0x38;
	[tilespmem:$0x1C1C0] =	vst v63  }
0x229: {  	s21 =	sadd.s32 s13, s17;
	s22 =	simm.s32 $0x580  }
0x22a: {  	[tilespmem:s22], [sflag:$0x4] =	stream.linear.gather [hbm4b:s21+s4], $0x40, $0x38;
	[tilespmem:$0x1C1C0] =	vst v63  }
0x22b: {  	_ =	swait.ge [sflag:s14], $0x2000  }
0x22c: {  	[sflag:s14] =	ssyncset.done $0x0  }
0x22d: {  	s22 =	simm.s32 $0x600;
	[sflag:s14] =	ssyncadd.s32 $0xFFFFE000  }
0x22e: {  	[spmem:s2] =	stream.indirect.scatter.add.f32 [tilespmem:s31], [sflag:$0xD], $0x80, s22, s15, $0xb8;
	[tilespmem:$0x1C1C0] =	vst v63  }
0x22f: {  	_ =	swait.ge [sflag:s10], $0x2000  }
0x230: {  	[sflag:s10] =	ssyncset.done $0x0  }
0x231: {  	s13 =	simm.s32 $0x2800;
	s21 =	simm.s32 $0x680;
	[sflag:s10] =	ssyncadd.s32 $0xFFFFE000  }
0x232: {  	[spmem:s2] =	stream.indirect.scatter.add.f32 [tilespmem:s13], [sflag:$0xE], $0x80, s21, s15, $0xb8;
	[tilespmem:$0x1C1C0] =	vst v63  }
0x233: {  	_ =	swait.ge [sflag:s11], $0x2000  }
0x234: {  	[sflag:s11] =	ssyncset.done $0x0  }
0x235: {  	s17 =	simm.s32 $0x700;
	[sflag:s11] =	ssyncadd.s32 $0xFFFFE000  }
0x236: {  	[spmem:s2] =	stream.indirect.scatter.add.f32 [tilespmem:s28], [sflag:$0xF], $0x80, s17, s15, $0xb8;
	[tilespmem:$0x1C1C0] =	vst v63  }
0x237: {  	_ =	swait.ge [sflag:s24], $0x2000  }
0x238: {  	[sflag:s24] =	ssyncset.done $0x0  }
0x239: {  	s30 =	simm.s32 $0x6800;
	s20 =	simm.s32 $0x780;
	[sflag:s24] =	ssyncadd.s32 $0xFFFFE000  }
0x23a: {  	[spmem:s2] =	stream.indirect.scatter.add.f32 [tilespmem:s30], [sflag:$0x10], $0x80, s20, s15, $0xb8;
	[tilespmem:$0x1C1C0] =	vst v63  }
0x23b: {  	_ =	swait.ge [sflag:s12], $0x2000  }
0x23c: {  	[sflag:s12] =	ssyncset.done $0x0  }
0x23d: {  	s19 =	simm.s32 $0x1;
	[sflag:s12] =	ssyncadd.s32 $0xFFFFE000  }
0x23e: {  	_ =	swait.ge [sflag:s19], $0x40  }
0x23f: {  	[sflag:s19] =	ssyncset.done $0x0  }
0x240: {  	[sflag:s19] =	ssyncadd.s32 $0xFFFFFFC0  }
0x241: {  	_ =	swait.ge [sflag:s19], $0x40  }
0x242: {  	[sflag:s19] =	ssyncset.done $0x0  }
0x243: {  	[sflag:s19] =	ssyncadd.s32 $0xFFFFFFC0  }
0x244: {  	[tilespmem:s31], [sflag:$0x9] =	stream.indirect.gather [hbm4b:s1+s15], $0x80, s4, s15, $0xb8;
	[tilespmem:$0x1C1C0] =	vst v63  }
0x245: {  	_ =	swait.ge [sflag:s9], $0x2000  }
0x246: {  	[sflag:s9] =	ssyncset.done $0x0  }
0x247: {  	[sflag:s9] =	ssyncadd.s32 $0xFFFFE000  }
0x248: {  	_ =	swait.ge [sflag:s18], $0x40  }
0x249: {  	[sflag:s18] =	ssyncset.done $0x0  }
0x24a: {  	[sflag:s18] =	ssyncadd.s32 $0xFFFFFFC0  }
0x24b: {  	_ =	swait.ge [sflag:s18], $0x40  }
0x24c: {  	[sflag:s18] =	ssyncset.done $0x0  }
0x24d: {  	[sflag:s18] =	ssyncadd.s32 $0xFFFFFFC0  }
0x24e: {  	[tilespmem:s13], [sflag:$0xA] =	stream.indirect.gather [hbm4b:s1+s15], $0x80, s16, s15, $0xb8;
	[tilespmem:$0x1C1C0] =	vst v63  }
0x24f: {  	_ =	swait.ge [sflag:s8], $0x2000  }
0x250: {  	[sflag:s8] =	ssyncset.done $0x0  }
0x251: {  	s18 =	simm.s32 $0x3;
	[sflag:s8] =	ssyncadd.s32 $0xFFFFE000  }
0x252: {  	_ =	swait.ge [sflag:s18], $0x40  }
0x253: {  	[sflag:s18] =	ssyncset.done $0x0  }
0x254: {  	[sflag:s18] =	ssyncadd.s32 $0xFFFFFFC0  }
0x255: {  	_ =	swait.ge [sflag:s18], $0x40  }
0x256: {  	[sflag:s18] =	ssyncset.done $0x0  }
0x257: {  	[sflag:s18] =	ssyncadd.s32 $0xFFFFFFC0  }
0x258: {  	[tilespmem:s28], [sflag:$0xB] =	stream.indirect.gather [hbm4b:s1+s15], $0x80, s23, s15, $0xb8;
	[tilespmem:$0x1C1C0] =	vst v63  }
0x259: {  	_ =	swait.ge [sflag:s7], $0x2000  }
0x25a: {  	[sflag:s7] =	ssyncset.done $0x0  }
0x25b: {  	[sflag:s7] =	ssyncadd.s32 $0xFFFFE000  }
0x25c: {  	_ =	swait.ge [sflag:s26], $0x40  }
0x25d: {  	[sflag:s26] =	ssyncset.done $0x0  }
0x25e: {  	[sflag:s26] =	ssyncadd.s32 $0xFFFFFFC0  }
0x25f: {  	_ =	swait.ge [sflag:s26], $0x40  }
0x260: {  	[sflag:s26] =	ssyncset.done $0x0  }
0x261: {  	[sflag:s26] =	ssyncadd.s32 $0xFFFFFFC0  }
0x262: {  	[tilespmem:s30], [sflag:$0xC] =	stream.indirect.gather [hbm4b:s1+s15], $0x80, s25, s15, $0xb8;
	[tilespmem:$0x1C1C0] =	vst v63  }
0x263: {  	s25 =	sld [smem:$0x7F0];
	_ =	sdelay $0x1  }
0x264: {  	s23 =	sld [smem:$0x7F1];
	s26 =	simm.s32 $0x200  }
0x265: {  	[tilespmem:s26], [sflag:$0x5] =	stream.linear.gather [hbm4b:s25+s4], $0x40, $0x38;
	[tilespmem:$0x1C1C0] =	vst v63  }
0x266: {  	s25 =	sld [smem:$0x7F2]  }
0x267: {  	[tilespmem:s22], [sflag:$0x5] =	stream.linear.gather [hbm4b:s23+s4], $0x40, $0x38;
	[tilespmem:$0x1C1C0] =	vst v63  }
0x268: {  	s26 =	simm.s32 $0x280;
	s22 =	sld [smem:$0x7F3]  }
0x269: {  	[tilespmem:s26], [sflag:$0x6] =	stream.linear.gather [hbm4b:s25+s4], $0x40, $0x38;
	[tilespmem:$0x1C1C0] =	vst v63  }
0x26a: {  	s23 =	sld [smem:$0x7F4]  }
0x26b: {  	[tilespmem:s21], [sflag:$0x6] =	stream.linear.gather [hbm4b:s22+s4], $0x40, $0x38;
	[tilespmem:$0x1C1C0] =	vst v63  }
0x26c: {  	s25 =	simm.s32 $0x300;
	s26 =	sld [smem:$0x7F5]  }
0x26d: {  	[tilespmem:s25], [sflag:$0x7] =	stream.linear.gather [hbm4b:s23+s4], $0x40, $0x38;
	[tilespmem:$0x1C1C0] =	vst v63  }
0x26e: {  	_ = 	snop  }
0x26f: {  	[tilespmem:s17], [sflag:$0x7] =	stream.linear.gather [hbm4b:s26+s4], $0x40, $0x38;
	[tilespmem:$0x1C1C0] =	vst v63  }
0x270: {  	s17 =	sld [smem:$0x7F6];
	_ =	sdelay $0x1  }
0x271: {  	s18 =	sld [smem:$0x7F7]  }
0x272: {  	[tilespmem:s29], [sflag:$0x8] =	stream.linear.gather [hbm4b:s17+s4], $0x40, $0x38;
	[tilespmem:$0x1C1C0] =	vst v63  }
0x273: {  	_ = 	snop  }
0x274: {  	[tilespmem:s20], [sflag:$0x8] =	stream.linear.gather [hbm4b:s18+s4], $0x40, $0x38;
	[tilespmem:$0x1C1C0] =	vst v63  }
0x275: {  	_ =	swait.ge [sflag:s14], $0x2000  }
0x276: {  	[sflag:s14] =	ssyncset.done $0x0  }
0x277: {  	s20 =	simm.s32 $0x400;
	[sflag:s14] =	ssyncadd.s32 $0xFFFFE000  }
0x278: {  	[spmem:s2] =	stream.indirect.scatter.add.f32 [tilespmem:s31], [sflag:$0xD], $0x80, s20, s15, $0xb8;
	[tilespmem:$0x1C1C0] =	vst v63  }
0x279: {  	_ =	swait.ge [sflag:s10], $0x2000  }
0x27a: {  	[sflag:s10] =	ssyncset.done $0x0  }
0x27b: {  	s16 =	simm.s32 $0x2800;
	s21 =	simm.s32 $0x480;
	[sflag:s10] =	ssyncadd.s32 $0xFFFFE000  }
0x27c: {  	[spmem:s2] =	stream.indirect.scatter.add.f32 [tilespmem:s16], [sflag:$0xE], $0x80, s21, s15, $0xb8;
	[tilespmem:$0x1C1C0] =	vst v63  }
0x27d: {  	_ =	swait.ge [sflag:s11], $0x2000  }
0x27e: {  	[sflag:s11] =	ssyncset.done $0x0  }
0x27f: {  	s22 =	simm.s32 $0x500;
	[sflag:s11] =	ssyncadd.s32 $0xFFFFE000  }
0x280: {  	[spmem:s2] =	stream.indirect.scatter.add.f32 [tilespmem:s28], [sflag:$0xF], $0x80, s22, s15, $0xb8;
	[tilespmem:$0x1C1C0] =	vst v63  }
0x281: {  	_ =	swait.ge [sflag:s24], $0x2000  }
0x282: {  	[sflag:s24] =	ssyncset.done $0x0  }
0x283: {  	s23 =	simm.s32 $0x580;
	[sflag:s24] =	ssyncadd.s32 $0xFFFFE000  }
0x284: {  	[spmem:s2] =	stream.indirect.scatter.add.f32 [tilespmem:s30], [sflag:$0x10], $0x80, s23, s15, $0xb8;
	[tilespmem:$0x1C1C0] =	vst v63  }
0x285: {  	_ =	swait.ge [sflag:s12], $0x2000  }
0x286: {  	[sflag:s12] =	ssyncset.done $0x0  }
0x287: {  	[sflag:s12] =	ssyncadd.s32 $0xFFFFE000  }
0x288: {  	_ =	swait.ge [sflag:s9], $0x2000  }
0x289: {  	[sflag:s9] =	ssyncset.done $0x0  }
0x28a: {  	[sflag:s9] =	ssyncadd.s32 $0xFFFFE000  }
0x28b: {  	_ =	swait.ge [sflag:s8], $0x2000  }
0x28c: {  	[sflag:s8] =	ssyncset.done $0x0  }
0x28d: {  	[sflag:s8] =	ssyncadd.s32 $0xFFFFE000  }
0x28e: {  	_ =	swait.ge [sflag:s7], $0x2000  }
0x28f: {  	[sflag:s7] =	ssyncset.done $0x0  }
0x290: {  	[sflag:s7] =	ssyncadd.s32 $0xFFFFE000  }
0x291: {  	_ =	swait.ge [sflag:s6], $0x40  }
0x292: {  	[sflag:s6] =	ssyncset.done $0x0  }
0x293: {  	[sflag:s6] =	ssyncadd.s32 $0xFFFFFFC0  }
0x294: {  	_ =	swait.ge [sflag:s6], $0x40  }
0x295: {  	[sflag:s6] =	ssyncset.done $0x0  }
0x296: {  	[sflag:s6] =	ssyncadd.s32 $0xFFFFFFC0  }
0x297: {  	_ =	swait.ge [sflag:s5], $0x40  }
0x298: {  	[sflag:s5] =	ssyncset.done $0x0  }
0x299: {  	[sflag:s5] =	ssyncadd.s32 $0xFFFFFFC0  }
0x29a: {  	_ =	swait.ge [sflag:s5], $0x40  }
0x29b: {  	[sflag:s5] =	ssyncset.done $0x0  }
0x29c: {  	[sflag:s5] =	ssyncadd.s32 $0xFFFFFFC0  }
0x29d: {  	_ =	swait.ge [sflag:s3], $0x40  }
0x29e: {  	[sflag:s3] =	ssyncset.done $0x0  }
0x29f: {  	[sflag:s3] =	ssyncadd.s32 $0xFFFFFFC0  }
0x2a0: {  	_ =	swait.ge [sflag:s3], $0x40  }
0x2a1: {  	[sflag:s3] =	ssyncset.done $0x0  }
0x2a2: {  	[sflag:s3] =	ssyncadd.s32 $0xFFFFFFC0  }
0x2a3: {  	_ =	swait.ge [sflag:s0], $0x40  }
0x2a4: {  	[sflag:s0] =	ssyncset.done $0x0  }
0x2a5: {  	[sflag:s0] =	ssyncadd.s32 $0xFFFFFFC0  }
0x2a6: {  	_ =	swait.ge [sflag:s0], $0x40  }
0x2a7: {  	s24 =	sld [smem:$0x7F8]  }
0x2a8: {  	[sflag:s0] =	ssyncset.done $0x0  }
0x2a9: {  	s25 =	simm.s32 $0x8800;
	s26 =	sld [smem:$0x7F9];
	[sflag:s0] =	ssyncadd.s32 $0xFFFFFFC0  }
0x2aa: {  	[tilespmem:s25], [sflag:$0x1] =	stream.linear.gather [hbm4b:s24+s4], $0x10, $0x38;
	[tilespmem:$0x1C1C0] =	vst v63  }
0x2ab: {  	s28 =	simm.s32 $0x8880  }
0x2ac: {  	[tilespmem:s28], [sflag:$0x1] =	stream.linear.gather [hbm4b:s26+s4], $0x10, $0x38;
	[tilespmem:$0x1C1C0] =	vst v63  }
0x2ad: {  	_ =	swait.ge [sflag:s19], $0x10  }
0x2ae: {  	[sflag:s19] =	ssyncset.done $0x0  }
0x2af: {  	[sflag:s19] =	ssyncadd.s32 $0xFFFFFFF0  }
0x2b0: {  	_ =	swait.ge [sflag:s19], $0x10  }
0x2b1: {  	[sflag:s19] =	ssyncset.done $0x0  }
0x2b2: {  	[sflag:s19] =	ssyncadd.s32 $0xFFFFFFF0  }
0x2b3: {  	[tilespmem:s31], [sflag:$0x9] =	stream.indirect.gather [hbm4b:s1+s7], $0x80, s25, s7, $0xb8;
	[tilespmem:$0x1C1C0] =	vst v63  }
0x2b4: {  	_ =	swait.ge [sflag:s14], $0x800  }
0x2b5: {  	[sflag:s14] =	ssyncset.done $0x0  }
0x2b6: {  	[sflag:s14] =	ssyncadd.s32 $0xFFFFF800  }
0x2b7: {  	[spmem:s2] =	stream.indirect.scatter.add.f32 [tilespmem:s31], [sflag:$0xD], $0x80, s28, s7, $0xb8;
	[tilespmem:$0x1C1C0] =	vst v63  }
0x2b8: {  	_ =	swait.ge [sflag:s12], $0x800  }
0x2b9: {  	[sflag:s12] =	ssyncset.done $0x0  }
0x2ba: {  	[sflag:s12] =	ssyncadd.s32 $0xFFFFF800  }
0x2bb: {  	[bflag:$0x0] =	sbarrier.arrive $0xFFFF  }
0x2bc: {  	s19 =	sld [smem:$0x7FA]  }
0x2bd: {  	s0 =	sld [smem:$0x7EC];
	_ =	sdelay $0x1  }
0x2be: {  	s13 =	simm.s32 @p0 $0x1FD1  }
0x2bf: {  	[hbm:s19], [sflag:s13] =	dma.local @p0 [spmem:s0], $0x2080  }
0x2c0: {  	s13 =	simm.s32 @p0 $0x11  }
0x2c1: {  	_ =	swait.ge @p0 [sflag:s13], $0x2080  }
0x2c2: {  	s0 =	sld [smem:$0x7ED]  }
0x2c3: {  	[sflag:s13] =	ssyncset.done @p0 $0x0;
	s3 =	sld [smem:$0x7EE]  }
0x2c4: {  	[sflag:s13] =	ssyncadd.s32 @p0 $0xFFFFDF80;
	s13 =	sld [smem:$0x7EF];
	_ =	sdelay $0x2  }
0x2c5: {  	[hbm:s13], [sflag:s0] =	dma.local @!p0 [spmem:s3], $0x2780  }
0x2c6: {  	s13 =	simm.s32 @!p0 $0x11  }
0x2c7: {  	_ =	swait.ge @!p0 [sflag:s13], $0x2780  }
0x2c8: {  	s30 =	sld [smem:$0x7EB]  }
0x2c9: {  	s31 =	sld [smem:$0x7FB];
	_ =	sdelay $0x1  }
0x2ca: {  	s0 =	sadd.s32 $0x1, s30  }
0x2cb: {  	p1 =	sne.s32 s0, s31  }
.Ltmp1:
0x2cc: {  	_ = 	snop;
	(pc) =	sbr.rel @p1 .LBB2_1-.Ltmp1, $3  }
0x2cd: {  	_ =	sdelay $0x1  }
0x2ce: {  	[sflag:s13] =	ssyncset.done @!p0 $0x0  }
0x2cf: {  	s29 =	simm.s32 $0x780;
	[sflag:s13] =	ssyncadd.s32 @!p0 $0xFFFFD880  }
0x2d0: {  	_ =	sfence.sel $0x180000  }
0x2d1: {  	[bflag:$0x0] =	sbarrier.arrive $0xFFFF  }
0x2d2: {  	_ =	strace $0x90000047  }
0x2d3: {  	s0 =	stileid.u32;
	[bflag:$0x2] =	sbarrier.arrive $0xFFFF  }
0x2d4: {  	p0 =	sne.s32 s0, $0x0;
	s0 =	rddreg [dreg:$0x4]  }
0x2d5: {  	s0 =	sadd.s32 @!p0 $0x100000, s0  }
0x2d6: {  	[sflag:s0] =	ssyncadd.tile.s32 @!p0 $0x1;
	_ =	shalt  }
.Lfunc_end2:
_tile_overlayer_lowered:
.L_overlay_start_2:
0x2d7: {  	(tag) =	ssettag $0x2  }
0x2d8: {  	s0 =	rddreg [dreg:$0x0];
	s2 =	stileid.u32  }
0x2d9: {  	s1 =	rddreg [dreg:$0x1];
	p0 =	sne.s32 s2, $0x0  }
0x2da: {  	s3 =	rddreg [dreg:$0x2];
	[bflag:$0x3] =	sbarrier.arrive $0xFFFF;
	s2 =	simm.s32 @!p0 $0x1C11  }
0x2db: {  	[timem:s3], [sflag:s2] =	dma.local @!p0 [hbm:s0], s1  }
0x2dc: {  	s0 =	simm.s32 @!p0 $0x11  }
0x2dd: {  	_ =	swait.ge @!p0 [sflag:s0], s1  }
0x2de: {  	s1 =	ssub.s32 @!p0 $0x0, s1;
	[sflag:s0] =	ssyncset.done @!p0 $0x0  }
0x2df: {  	[sflag:s0] =	ssyncadd.s32 @!p0 s1  }
0x2e0: {  	[bflag:$0x3] =	sbarrier.arrive $0xFFFF  }
0x2e1: {  	_ =	shalt  }

// kernel: kernel.9.cloned.1.call-start
scs
__scs_entry_jumppad:
0x0: {  	(pc) =	sbr.rel $0x88, $3  }
0x1: {  	(tag) =	ssettag $0x0;
	lr =	simm.s32 $0x1  }
0x2: {  	[smem:$0x3F99] =	sst lr;
	_ =	strace $0xD0000000  }
0x3: {  	_ = 	snop  }
0x4: {  	_ = 	snop  }
0x5: {  	_ = 	snop  }
0x6: {  	_ = 	snop  }
0x7: {  	_ = 	snop  }
__scs_overlays_trampoline_lowered:
0x8: {  	[smem:$0x3FA8] =	sst s0  }
0x9: {  	[smem:$0x3FA9] =	sst s1  }
0xa: {  	[smem:$0x3FAA] =	sst s2  }
0xb: {  	[smem:$0x3FAB] =	sst s3  }
0xc: {  	[smem:$0x3FAC] =	sst s4  }
0xd: {  	[smem:$0x3FAD] =	sst s5  }
0xe: {  	[smem:$0x3FAE] =	sst s6  }
0xf: {  	[smem:$0x3FAF] =	sst s7  }
0x10: {  	[smem:$0x3FB0] =	sst s8  }
0x11: {  	[smem:$0x3FB1] =	sst s9;
	s0 =	simm.s32 @!p0 $0x0  }
0x12: {  	s1 =	sld [smem:$0x3F97];
	s0 =	simm.s32 @p0 $0x1  }
0x13: {  	[smem:$0x3FB2] =	sst s0;
	s0 =	simm.s32 @!p1 $0x0  }
0x14: {  	s2 =	sld [smem:$0x3F96];
	s0 =	simm.s32 @p1 $0x1  }
0x15: {  	[smem:$0x3FB3] =	sst s0;
	s0 =	simm.s32 @!p2 $0x0  }
0x16: {  	s3 =	sld [smem:$0x3FDB];
	s0 =	simm.s32 @p2 $0x1  }
0x17: {  	s4 =	simm.s32 $0x1BF5;
	[smem:$0x3FB5] =	sst s0  }
0x18: {  	s0 =	sld [smem:$0x3F98];
	_ =	swait.ge [sflag:s4], $0x0  }
0x19: {  	s7 =	sld [smem:$0x3F99]  }
0x1a: {  	s8 =	sadd.s32 $0xFFFFE003, lr  }
0x1b: {  	s9 =	sadd.s32 $0xFFFFFEF7, lr;
	s5 =	simm.s32 $0xFFFFFFFF;
	p2 =	slt.u32 s8, $0xFFFFF086  }
0x1c: {  	p1 =	slt.u32 s9, $0xF7A;
	s5 =	simm.s32 @!p2 $0x0  }
0x1d: {  	s5 =	simm.s32 @p1 $0x1;
	p0 =	seq.s32 s7, s2  }
0x1e: {  	s7 =	smul.u32 @!p0 $0xF7A, s2;
	p2 =	seq.s32 @!p0 s5, $0x0  }
0x1f: {  	s9 =	smul.u32 $0xF7A, s1;
	s8 =	simm.s32 @!p0 $0x1BF5;
	p2 =	por !p2, p0  }
0x20: {  	[sflag:s8] =	ssyncset.s32 @!p0 $0xFFFFF086;
	s6 =	sadd.s32 @!p0 s3, s7;
	s7 =	simm.s32 @!p0 $0x108  }
0x21: {  	s3 =	sadd.s32 s3, s9;
	s6 =	sadd.s32 @!p0 $0x88, s6;
	s7 =	simm.s32 @p2 $0x1082  }
0x22: {  	[simem:s7], [sflag:s8] =	dma.local @!p0 [hbm:s6], $0xF7A  }
0x23: {  	s9 =	sor.u32 $0xD0000000, s2;
	s6 =	simm.s32 $0x108;
	_ =	swait.ge @!p0 [sflag:s8], $0x0  }
0x24: {  	s3 =	sadd.s32 $0x88, s3;
	s6 =	simm.s32 @!p1 $0x1082;
	[sflag:s4] =	ssyncset.s32 $0xFFFFF086  }
0x25: {  	[simem:s6], [sflag:s4] =	dma.local [hbm:s3], $0xF7A  }
0x26: {  	[smem:$0x3F99] =	sst s1;
	(tag) =	ssettag s2;
	_ =	strace s9  }
0x27: {  	s1 =	sld [smem:$0x3FA9]  }
0x28: {  	s2 =	sld [smem:$0x3FAA]  }
0x29: {  	s4 =	sld [smem:$0x3FAC]  }
0x2a: {  	p0 =	seq.s32 s5, $0x0;
	s5 =	sld [smem:$0x3FAD]  }
0x2b: {  	s6 =	sld [smem:$0x3FAE]  }
0x2c: {  	s7 =	sld [smem:$0x3FAF]  }
0x2d: {  	s3 =	simm.s32 $0x108;
	s8 =	sld [smem:$0x3FB0]  }
0x2e: {  	s3 =	simm.s32 @!p0 $0x1082;
	s9 =	sld [smem:$0x3FB1]  }
0x2f: {  	lr =	sadd.s32 s0, s3;
	s0 =	sld [smem:$0x3FA8]  }
0x30: {  	s3 =	sld [smem:$0x3FAB]  }
0x31: {  	[smem:$0x3FB4] =	sst s10  }
0x32: {  	s10 =	sld [smem:$0x3FB2];
	_ =	sdelay $0x3  }
0x33: {  	p0 =	seq.s32 s10, $0x1;
	s10 =	sld [smem:$0x3FB4];
	_ =	sdelay $0x3  }
0x34: {  	[smem:$0x3FB4] =	sst s10  }
0x35: {  	s10 =	sld [smem:$0x3FB3];
	_ =	sdelay $0x3  }
0x36: {  	p1 =	seq.s32 s10, $0x1;
	s10 =	sld [smem:$0x3FB4];
	_ =	sdelay $0x3  }
0x37: {  	[smem:$0x3FB4] =	sst s10  }
0x38: {  	s10 =	sld [smem:$0x3FB5]  }
0x39: {  	_ = 	snop;
	(pc) =	sbr.ind lr, $3  }
0x3a: {  	_ = 	snop  }
0x3b: {  	_ = 	snop  }
0x3c: {  	p2 =	seq.s32 s10, $0x1;
	s10 =	sld [smem:$0x3FB4]  }
0x3d: {  	_ =	shalt  }
0x3e: {  	_ =	shalt  }
0x3f: {  	_ =	shalt  }
0x40: {  	_ =	shalt  }
0x41: {  	_ =	shalt  }
0x42: {  	_ =	shalt  }
0x43: {  	_ =	shalt  }
0x44: {  	_ =	shalt  }
0x45: {  	_ =	shalt  }
0x46: {  	_ =	shalt  }
0x47: {  	_ =	shalt  }
0x48: {  	_ =	shalt  }
0x49: {  	_ =	shalt  }
0x4a: {  	_ =	shalt  }
0x4b: {  	_ =	shalt  }
0x4c: {  	_ =	shalt  }
0x4d: {  	_ =	shalt  }
0x4e: {  	_ =	shalt  }
0x4f: {  	_ =	shalt  }
0x50: {  	_ =	shalt  }
0x51: {  	_ =	shalt  }
0x52: {  	_ =	shalt  }
0x53: {  	_ =	shalt  }
0x54: {  	_ =	shalt  }
0x55: {  	_ =	shalt  }
0x56: {  	_ =	shalt  }
0x57: {  	_ =	shalt  }
0x58: {  	_ =	shalt  }
0x59: {  	_ =	shalt  }
0x5a: {  	_ =	shalt  }
0x5b: {  	_ =	shalt  }
0x5c: {  	_ =	shalt  }
0x5d: {  	_ =	shalt  }
0x5e: {  	_ =	shalt  }
0x5f: {  	_ =	shalt  }
0x60: {  	_ =	shalt  }
0x61: {  	_ =	shalt  }
0x62: {  	_ =	shalt  }
0x63: {  	_ =	shalt  }
0x64: {  	_ =	shalt  }
0x65: {  	_ =	shalt  }
0x66: {  	_ =	shalt  }
0x67: {  	_ =	shalt  }
0x68: {  	_ =	shalt  }
0x69: {  	_ =	shalt  }
0x6a: {  	_ =	shalt  }
0x6b: {  	_ =	shalt  }
0x6c: {  	_ =	shalt  }
0x6d: {  	_ =	shalt  }
0x6e: {  	_ =	shalt  }
0x6f: {  	_ =	shalt  }
0x70: {  	_ =	shalt  }
0x71: {  	_ =	shalt  }
0x72: {  	_ =	shalt  }
0x73: {  	_ =	shalt  }
0x74: {  	_ =	shalt  }
0x75: {  	_ =	shalt  }
0x76: {  	_ =	shalt  }
0x77: {  	_ =	shalt  }
0x78: {  	_ =	shalt  }
0x79: {  	_ =	shalt  }
0x7a: {  	_ =	shalt  }
0x7b: {  	_ =	shalt  }
0x7c: {  	_ =	shalt  }
0x7d: {  	_ =	shalt  }
0x7e: {  	_ =	shalt  }
0x7f: {  	_ =	shalt  }
0x80: {  	_ =	shalt  }
0x81: {  	_ =	shalt  }
0x82: {  	_ =	shalt  }
0x83: {  	_ =	shalt  }
0x84: {  	_ =	shalt  }
0x85: {  	_ =	shalt  }
0x86: {  	_ =	shalt  }
0x87: {  	_ =	shalt  }
.Lfunc_end0:
.L_simem_size_0:
called_computation.1_lowered:
.L_overlay_start_0:
0x88: {  	s2 =	sld [smem:$0x3FD9]  }
0x89: {  	s3 =	sld [smem:$0x3FFE];
	_ =	sdelay $0x1  }
0x8a: {  	s1 =	srdreg.scid  }
0x8b: {  	s0 =	sand.u32 $0x1, s1  }
0x8c: {  	s17 =	sshll.u32 s0, $0xA;
	s2 =	sadd.s32 s3, s2  }
0x8d: {  	s2 =	sadd.s32 s2, s17  }
0x8e: {  	[smem:$0x3FC0] =	sst s2  }
0x8f: {  	_ = 	snop  }
0x90: {  	s2 =	sld [smem:$0x3FD0];
	(tm) =	ssettm $0x1  }
0x91: {  	s18 =	sld [smem:$0x3FFB];
	_ =	sdelay $0x3  }
0x92: {  	_ =	strace s18  }
0x93: {  	s3 =	sld [smem:$0x3FFC];
	_ =	sdelay $0x3  }
0x94: {  	_ =	strace s3  }
0x95: {  	s3 =	sld [smem:$0x3FFD];
	_ =	sdelay $0x3  }
0x96: {  	_ =	strace s3  }
0x97: {  	_ =	strace $0x8FFFFFFF  }
0x98: {  	s19 =	sld [smem:$0x3FDB];
	_ =	sdelay $0x1  }
0x99: {  	s4 =	simm.s32 $_scs_section_size  }
0x9a: {  	s5 =	simm.s32 $_size__tile_overlayer_lowered;
	s6 =	simm.s32 $_tile_overlayer_lowered  }
0x9b: {  	s22 =	simm.s32 $0x1BFF;
	s21 =	sshll.u32 s6, $0x1;
	s3 =	sadd.s32 s4, s19  }
0x9c: {  	s7 =	simm.s32 $0x0;
	s20 =	sshll.u32 s5, $0x1;
	s5 =	sadd.s32 s21, s3  }
0x9d: {  	[timem:s7], [sflag:s22] =	dma.local [hbm:s5], s20  }
0x9e: {  	_ =	swait.ge [sflag:s22], s20  }
0x9f: {  	s4 =	ssub.s32 $0x0, s20;
	[sflag:s22] =	ssyncset.done $0x0  }
0xa0: {  	[sflag:s22] =	ssyncadd.s32 s4;
	_ =	sdelay $0x1  }
0xa1: {  	s23 =	simm.s32 $0x1B8B  }
0xa2: {  	_ =	swait.ge [sflag:s23], $0x1  }
0xa3: {  	[sflag:s23] =	ssyncset.done $0x0  }
0xa4: {  	s25 =	simm.s32 $0x1B8E;
	s24 =	sld [smem:$0x3FFE];
	[sflag:s23] =	ssyncadd.s32 $0xFFFFFFFF  }
0xa5: {  	s26 =	simm.s32 $execute0_lowered;
	[smem:$0x3FD2] =	sst s25  }
0xa6: {  	s5 =	sshll.u32 s26, $0x1;
	_ =	strace $0x80000049;
	[dreg:$0x1] =	wrdreg $0xFFFFFFFF  }
0xa7: {  	s28 =	simm.s32 $_size_execute0_lowered;
	s3 =	sadd.s32 s3, s5;
	[dreg:$0x0] =	wrdreg $0x0  }
0xa8: {  	s5 =	sshll.u32 s28, $0x1;
	[dreg:$0x2] =	wrdreg s3  }
0xa9: {  	[dreg:$0x3] =	wrdreg s5  }
0xaa: {  	[dreg:$0x4] =	wrdreg $0xC0  }
0xab: {  	_ =	task [dreg:s7], $0x5FFFF  }
0xac: {  	[dreg:$0x1] =	wrdreg $0xFFFFFFFF  }
0xad: {  	[dreg:$0x0] =	wrdreg $0x60  }
0xae: {  	[dreg:$0x2] =	wrdreg s24  }
0xaf: {  	[dreg:$0x3] =	wrdreg s2  }
0xb0: {  	[dreg:$0x4] =	wrdreg $0x89000  }
0xb1: {  	[dreg:$0x5] =	wrdreg $0x9  }
0xb2: {  	_ =	task.clear_ibuf [dreg:s7], $0x6FFFF;
	_ =	strace $0x90000049  }
0xb3: {  	s29 =	simm.s32 $0x9;
	_ =	strace $0x8000004B  }
0xb4: {  	_ =	swait.ge [sflag:s29], $0x1  }
0xb5: {  	[sflag:s29] =	ssyncadd.s32 $0xFFFFFFFF  }
0xb6: {  	_ =	strace $0x9000004B  }
0xb7: {  	_ =	sfence  }
0xb8: {  	s30 =	sld [smem:$0x0];
	_ =	sdelay $0x2  }
0xb9: {  	s31 =	sshll.u32 s1, $0xD;
	s1 =	sshrl.u32 s1, $0x2  }
0xba: {  	s3 =	sand.u32 $0x4000, s31;
	s1 =	sadd.s32 s1, s30  }
0xbb: {  	s0 =	sor.u32 s3, s0;
	s1 =	sshll.u32 s1, $0x11  }
0xbc: {  	s0 =	sor.u32 s1, s0  }
0xbd: {  	s0 =	sadd.s32 $0x8F2B, s0  }
0xbe: {  	[sflag:s0] =	ssyncadd.remote.s32 $0x1  }
0xbf: {  	_ =	sfence.sel $0xFFFF  }
0xc0: {  	[dreg:$0x0] =	wrdreg $0xFFFFFFFF;
	(pc) =	sbr.abs _section_cstart, $3  }
0xc1: {  	[dreg:$0x1] =	wrdreg $0xFFFFFFFF  }
0xc2: {  	_ =	task.clear_ibuf [dreg:s7], $0x2FFFF;
	_ =	strace $0x9FFFFFFF  }
0xc3: {  	(tm) =	ssettm $0x7FFFFFFF  }
tec
execute0_lowered:
.L_overlay_start_1:
0x0: {  	(tag) =	ssettag $0x1  }
0x1: {  	s0 =	rddreg [dreg:$0x0]  }
0x2: {  	s3 =	rddreg [dreg:$0x2];
	s18 =	stileid.u32;
	s4 =	simm.s32 $0x0  }
0x3: {  	s1 =	srdreg.scid;
	s28 =	simm.s32 $0x780;
	s8 =	smul.u32 $0x2780, s18  }
0x4: {  	[smem:$0x7FF] =	sst s4;
	s9 =	sand.u32 $0x1, s1;
	s1 =	smul.u32 $0x4E20, s18  }
0x5: {  	s6 =	sadd.s32 $0x3D400, s0;
	s7 =	sadd.s32 $0xC400, s0;
	s24 =	smul.u32 $0x4F000, s18  }
0x6: {  	s14 =	sadd.s32 $0x50E00, s0;
	p0 =	seq.s32 s18, $0xF;
	s5 =	smul.u32 $0x4E200, s9  }
0x7: {  	_ =	strace $0x8000004A;
	s25 =	smul.u32 $0x27100, s9;
	[dreg:$0xa] =	wrdreg s6  }
0x8: {  	s10 =	ssub.s32 $0x2, s9;
	s9 =	smul.u32 $0x138800, s9;
	[dreg:$0xb] =	wrdreg s7  }
0x9: {  	s11 =	sadd.s32 s8, s0;
	s12 =	sshrl.u32 s10, $0x1;
	s16 =	sshrl.u32 s1, $0x3  }
0xa: {  	s22 =	sadd.s32 $0xC0, s1;
	s29 =	sshrl.u32 s24, $0x2;
	s24 =	sadd.s32 $0x128400, s3  }
0xb: {  	s0 =	sadd.s32 $0x3B280, s0;
	s13 =	sadd.s32 s5, s1;
	s10 =	ssub.s32 s10, s12  }
0xc: {  	s23 =	sadd.s32 s5, s22;
	s8 =	sadd.s32 s8, s25;
	[dreg:$0x9] =	wrdreg s5  }
0xd: {  	s31 =	sshrl.u32 s9, $0x3;
	s11 =	sadd.s32 $0x16200, s11;
	[dreg:$0x19] =	wrdreg s24  }
0xe: {  	[dreg:$0x1a] =	wrdreg s0;
	s15 =	sshrl.u32 s13, $0x3;
	s30 =	sadd.s32 $0x1C0, s13  }
0xf: {  	s8 =	sadd.s32 s14, s8;
	[dreg:$0x18] =	wrdreg s11;
	s12 =	sadd.s32 s6, s15  }
0x10: {  	s15 =	sadd.s32 $0x40, s1;
	[dreg:$0x16] =	wrdreg s8;
	s2 =	sshrl.u32 s30, $0x3  }
0x11: {  	s8 =	sadd.s32 s14, s31;
	s30 =	smax.u32 s10, $0x1;
	s31 =	sadd.s32 $0x100, s1  }
0x12: {  	[dreg:$0xe] =	wrdreg s12;
	s12 =	sadd.s32 s7, s16;
	s17 =	sadd.s32 s5, s15  }
0x13: {  	s16 =	sadd.s32 $0x80, s1;
	s15 =	sshrl.u32 s15, $0x3;
	[dreg:$0x1e] =	wrdreg s30  }
0x14: {  	s9 =	sadd.s32 s2, s6;
	[dreg:$0x1f] =	wrdreg s31;
	s2 =	simm.s32 $0x0  }
0x15: {  	[dreg:$0xf] =	wrdreg s12;
	s12 =	sshrl.u32 s17, $0x3;
	s17 =	sadd.s32 s5, s16  }
0x16: {  	s19 =	sadd.s32 s7, s15;
	s21 =	sshrl.u32 s16, $0x3;
	s15 =	sshrl.u32 s22, $0x3  }
0x17: {  	[dreg:$0x4] =	wrdreg s9;
	s16 =	sadd.s32 $0x180, s13;
	s22 =	sadd.s32 $0x4E00, s1  }
0x18: {  	s12 =	sadd.s32 s6, s12;
	[dreg:$0x11] =	wrdreg s19;
	s20 =	sshrl.u32 s17, $0x3  }
0x19: {  	s26 =	sadd.s32 s7, s15;
	s15 =	smul.u32 $0x9C4, s18;
	[dreg:$0x10] =	wrdreg s12  }
0x1a: {  	s9 =	sshrl.u32 s16, $0x3;
	s12 =	sadd.s32 s6, s20;
	[dreg:$0x15] =	wrdreg s26  }
0x1b: {  	s19 =	sadd.s32 $0x140, s13;
	s9 =	sadd.s32 s9, s6;
	[dreg:$0x12] =	wrdreg s12  }
0x1c: {  	s20 =	sshrl.u32 s19, $0x3;
	s12 =	sadd.s32 s7, s21;
	[dreg:$0x6] =	wrdreg s9  }
0x1d: {  	s26 =	sshrl.u32 s22, $0x3;
	s17 =	sadd.s32 s15, s7;
	[dreg:$0x13] =	wrdreg s12  }
0x1e: {  	s21 =	sadd.s32 $0x100, s13;
	s9 =	sadd.s32 s20, s6;
	[dreg:$0x5] =	wrdreg s17  }
0x1f: {  	s0 =	sadd.s32 s7, s26;
	s12 =	sshrl.u32 s23, $0x3;
	[dreg:$0x7] =	wrdreg s9  }
0x20: {  	s11 =	sshrl.u32 s21, $0x3;
	[dreg:$0x1c] =	wrdreg s0;
	s12 =	sadd.s32 s6, s12  }
0x21: {  	s23 =	sadd.s32 s5, s22;
	s11 =	sadd.s32 s11, s6;
	[dreg:$0x14] =	wrdreg s12  }
0x22: {  	s9 =	sshrl.u32 s23, $0x3;
	s12 =	sadd.s32 s29, s3;
	[dreg:$0x8] =	wrdreg s11  }
0x23: {  	s1 =	simm.s32 $0x700;
	s25 =	sadd.s32 s6, s9;
	[dreg:$0x17] =	wrdreg s12  }
0x24: {  	s5 =	simm.s32 $0x600;
	s29 =	sadd.s32 $0x25080, s8;
	[dreg:$0x1b] =	wrdreg s25  }
0x25: {  	s9 =	simm.s32 $0x40;
	[dreg:$0x1d] =	wrdreg s29;
	s25 =	simm.s32 $0x680  }
.LBB2_1:
0x26: {  	[smem:$0x7FA] =	sst s2  }
0x27: {  	s0 =	rddreg [dreg:$0xe]  }
0x28: {  	s16 =	rddreg [dreg:$0xf]  }
0x29: {  	s17 =	rddreg [dreg:$0x10]  }
0x2a: {  	s18 =	rddreg [dreg:$0x11]  }
0x2b: {  	[tilespmem:s4], [sflag:$0x1] =	stream.linear.gather [hbm4b:s0+s4], $0x40, $0x38;
	[tilespmem:$0x1C1C0] =	vst v63  }
0x2c: {  	s12 =	simm.s32 $0x400;
	s19 =	rddreg [dreg:$0x12]  }
0x2d: {  	[tilespmem:s12], [sflag:$0x1] =	stream.linear.gather [hbm4b:s16+s4], $0x40, $0x38;
	[tilespmem:$0x1C1C0] =	vst v63  }
0x2e: {  	s8 =	simm.s32 $0x80;
	s21 =	rddreg [dreg:$0x13]  }
0x2f: {  	[tilespmem:s8], [sflag:$0x2] =	stream.linear.gather [hbm4b:s17+s4], $0x40, $0x38;
	[tilespmem:$0x1C1C0] =	vst v63  }
0x30: {  	s13 =	simm.s32 $0x480;
	s23 =	rddreg [dreg:$0x14]  }
0x31: {  	[tilespmem:s13], [sflag:$0x2] =	stream.linear.gather [hbm4b:s18+s4], $0x40, $0x38;
	[tilespmem:$0x1C1C0] =	vst v63  }
0x32: {  	s20 =	simm.s32 $0x100;
	s24 =	rddreg [dreg:$0x15]  }
0x33: {  	[tilespmem:s20], [sflag:$0x3] =	stream.linear.gather [hbm4b:s19+s4], $0x40, $0x38;
	[tilespmem:$0x1C1C0] =	vst v63  }
0x34: {  	s22 =	simm.s32 $0x500;
	s0 =	rddreg [dreg:$0x19]  }
0x35: {  	[tilespmem:s22], [sflag:$0x3] =	stream.linear.gather [hbm4b:s21+s4], $0x40, $0x38;
	[tilespmem:$0x1C1C0] =	vst v63  }
0x36: {  	s11 =	simm.s32 $0x180;
	s10 =	rddreg [dreg:$0x1a];
	s2 =	sshrl.u32 @p0 s0, $0x3  }
0x37: {  	[tilespmem:s11], [sflag:$0x4] =	stream.linear.gather [hbm4b:s23+s4], $0x40, $0x38;
	[tilespmem:$0x1C1C0] =	vst v63  }
0x38: {  	s0 =	simm.s32 @p0 $0x1FD1;
	[smem:$0x7FB] =	sst s2;
	s21 =	simm.s32 $0x580  }
0x39: {  	[tilespmem:s21], [sflag:$0x4] =	stream.linear.gather [hbm4b:s24+s4], $0x40, $0x38;
	[tilespmem:$0x1C1C0] =	vst v63  }
0x3a: {  	[spmem:s2], [sflag:s0] =	dma.local @p0 [hbm:s10], $0x2100  }
0x3b: {  	s0 =	simm.s32 @p0 $0x11  }
0x3c: {  	s10 =	stileid.u32;
	_ =	swait.ge @p0 [sflag:s0], $0x2100  }
0x3d: {  	s15 =	sshll.u32 @!p0 s10, $0x6;
	[sflag:s0] =	ssyncset.done @p0 $0x0  }
0x3e: {  	s2 =	sor.u32 @!p0 $0x1C11, s15;
	[sflag:s0] =	ssyncadd.s32 @p0 $0xFFFFDF00;
	s0 =	rddreg [dreg:$0x17]  }
0x3f: {  	[smem:$0x7FC] =	sst s2  }
0x40: {  	s3 =	sshrl.u32 @!p0 s0, $0x3;
	s0 =	rddreg [dreg:$0x18]  }
0x41: {  	[smem:$0x7FD] =	sst s3  }
0x42: {  	[spmem:s3], [sflag:s2] =	dma.local @!p0 [hbm:s0], $0x2780  }
0x43: {  	s0 =	simm.s32 @!p0 $0x11  }
0x44: {  	_ =	swait.ge @!p0 [sflag:s0], $0x2780  }
0x45: {  	[sflag:s0] =	ssyncset.done @!p0 $0x0  }
0x46: {  	p1 =	por $0x1, $0x1;
	[sflag:s0] =	ssyncadd.s32 @!p0 $0xFFFFD880  }
0x47: {  	s0 =	simm.s32 @p1 $0x1;
	[bflag:$0x0] =	sbarrier.arrive $0xFFFF  }
0x48: {  	_ =	swait.ge @p1 [sflag:s0], $0x40  }
0x49: {  	[sflag:s0] =	ssyncset.done @p1 $0x0  }
0x4a: {  	[sflag:s0] =	ssyncadd.s32 @p1 $0xFFFFFFC0  }
0x4b: {  	_ =	swait.ge @p1 [sflag:s0], $0x40  }
0x4c: {  	[sflag:s0] =	ssyncset.done @p1 $0x0  }
0x4d: {  	s16 =	simm.s32 @!p1 $0xD;
	s17 =	simm.s32 @p1 $0x0;
	[sflag:s0] =	ssyncadd.s32 @p1 $0xFFFFFFC0  }
0x4e: {  	s15 =	simm.s32 @p1 $0x800;
	s0 =	simm.s32 @p1 $0x40;
	s6 =	rddreg [dreg:$0x1]  }
0x4f: {  	[tilespmem:s15], [sflag:$0x9] =	stream.indirect.gather @p1 [hbm4b:s6+s0], $0x80, s17, s0, $0xb8;
	[tilespmem:$0x1C1C0] =	vst v63  }
0x50: {  	_ =	swait.ge @!p1 [sflag:s16], $0x2000  }
0x51: {  	[sflag:s16] =	ssyncset.done @!p1 $0x0  }
0x52: {  	s15 =	simm.s32 @!p1 $0x1;
	[sflag:s16] =	ssyncadd.s32 @!p1 $0xFFFFE000  }
0x53: {  	_ =	swait.ge @!p1 [sflag:s15], $0x40  }
0x54: {  	[sflag:s15] =	ssyncset.done @!p1 $0x0  }
0x55: {  	[sflag:s15] =	ssyncadd.s32 @!p1 $0xFFFFFFC0  }
0x56: {  	_ =	swait.ge @!p1 [sflag:s15], $0x40  }
0x57: {  	s18 =	simm.s32 @!p1 $0x0;
	s17 =	simm.s32 @!p1 $0xE;
	[sflag:s15] =	ssyncset.done @!p1 $0x0  }
0x58: {  	s16 =	simm.s32 @!p1 $0x800;
	[sflag:s15] =	ssyncadd.s32 @!p1 $0xFFFFFFC0;
	s15 =	simm.s32 @!p1 $0x40  }
0x59: {  	[tilespmem:s16], [sflag:$0x9] =	stream.indirect.gather @!p1 [hbm4b:s6+s15], $0x80, s18, s15, $0xb8;
	[tilespmem:$0x1C1C0] =	vst v63  }
0x5a: {  	_ =	swait.ge @!p1 [sflag:s17], $0x2000  }
0x5b: {  	[sflag:s17] =	ssyncset.done @!p1 $0x0  }
0x5c: {  	s26 =	simm.s32 $0x2;
	[sflag:s17] =	ssyncadd.s32 @!p1 $0xFFFFE000  }
0x5d: {  	_ =	swait.ge [sflag:s26], $0x40  }
0x5e: {  	[sflag:s26] =	ssyncset.done $0x0  }
0x5f: {  	[sflag:s26] =	ssyncadd.s32 $0xFFFFFFC0  }
0x60: {  	_ =	swait.ge [sflag:s26], $0x40  }
0x61: {  	[sflag:s26] =	ssyncset.done $0x0  }
0x62: {  	s10 =	simm.s32 $0x2800;
	s16 =	simm.s32 @p1 $0x3;
	[sflag:s26] =	ssyncadd.s32 $0xFFFFFFC0  }
0x63: {  	[tilespmem:s10], [sflag:$0xA] =	stream.indirect.gather [hbm4b:s6+s9], $0x80, s8, s9, $0xb8;
	[tilespmem:$0x1C1C0] =	vst v63  }
0x64: {  	_ =	swait.ge @p1 [sflag:s16], $0x40  }
0x65: {  	[sflag:s16] =	ssyncset.done @p1 $0x0  }
0x66: {  	[sflag:s16] =	ssyncadd.s32 @p1 $0xFFFFFFC0  }
0x67: {  	_ =	swait.ge @p1 [sflag:s16], $0x40  }
0x68: {  	s18 =	simm.s32 @p1 $0x4800;
	[sflag:s16] =	ssyncset.done @p1 $0x0  }
0x69: {  	s17 =	simm.s32 @!p1 $0xF;
	[sflag:s16] =	ssyncadd.s32 @p1 $0xFFFFFFC0;
	s16 =	simm.s32 @p1 $0x100  }
0x6a: {  	[tilespmem:s18], [sflag:$0xB] =	stream.indirect.gather @p1 [hbm4b:s6+s0], $0x80, s16, s0, $0xb8;
	[tilespmem:$0x1C1C0] =	vst v63  }
0x6b: {  	_ =	swait.ge @!p1 [sflag:s17], $0x2000  }
0x6c: {  	[sflag:s17] =	ssyncset.done @!p1 $0x0  }
0x6d: {  	s0 =	simm.s32 @!p1 $0x3;
	[sflag:s17] =	ssyncadd.s32 @!p1 $0xFFFFE000  }
0x6e: {  	_ =	swait.ge @!p1 [sflag:s0], $0x40  }
0x6f: {  	[sflag:s0] =	ssyncset.done @!p1 $0x0  }
0x70: {  	[sflag:s0] =	ssyncadd.s32 @!p1 $0xFFFFFFC0  }
0x71: {  	_ =	swait.ge @!p1 [sflag:s0], $0x40  }
0x72: {  	s16 =	simm.s32 @!p1 $0x10;
	[sflag:s0] =	ssyncset.done @!p1 $0x0  }
0x73: {  	s17 =	simm.s32 @!p1 $0x4800;
	[sflag:s0] =	ssyncadd.s32 @!p1 $0xFFFFFFC0;
	s0 =	simm.s32 @!p1 $0x100  }
0x74: {  	[tilespmem:s17], [sflag:$0xB] =	stream.indirect.gather @!p1 [hbm4b:s6+s15], $0x80, s0, s15, $0xb8;
	[tilespmem:$0x1C1C0] =	vst v63  }
0x75: {  	_ =	swait.ge @!p1 [sflag:s16], $0x2000  }
0x76: {  	[sflag:s16] =	ssyncset.done @!p1 $0x0  }
0x77: {  	s29 =	simm.s32 $0x4;
	[sflag:s16] =	ssyncadd.s32 @!p1 $0xFFFFE000  }
0x78: {  	_ =	swait.ge [sflag:s29], $0x40  }
0x79: {  	[sflag:s29] =	ssyncset.done $0x0  }
0x7a: {  	[sflag:s29] =	ssyncadd.s32 $0xFFFFFFC0  }
0x7b: {  	_ =	swait.ge [sflag:s29], $0x40  }
0x7c: {  	s30 =	rddreg [dreg:$0x5];
	[sflag:s29] =	ssyncset.done $0x0  }
0x7d: {  	s19 =	simm.s32 $0x6800;
	s31 =	rddreg [dreg:$0x8];
	[sflag:s29] =	ssyncadd.s32 $0xFFFFFFC0  }
0x7e: {  	[tilespmem:s19], [sflag:$0xC] =	stream.indirect.gather [hbm4b:s6+s9], $0x80, s11, s9, $0xb8;
	[tilespmem:$0x1C1C0] =	vst v63  }
0x7f: {  	s17 =	simm.s32 $0x200;
	s15 =	sadd.s32 $0x0, s31;
	s0 =	sadd.s32 $0x0, s30  }
0x80: {  	[tilespmem:s17], [sflag:$0x5] =	stream.linear.gather [hbm4b:s15+s4], $0x40, $0x38;
	[tilespmem:$0x1C1C0] =	vst v63  }
0x81: {  	s2 =	rddreg [dreg:$0x7];
	s3 =	sadd.s32 $0x20, s0  }
0x82: {  	[tilespmem:s5], [sflag:$0x5] =	stream.linear.gather [hbm4b:s3+s4], $0x40, $0x38;
	[tilespmem:$0x1C1C0] =	vst v63  }
0x83: {  	s18 =	simm.s32 $0x280;
	s5 =	sadd.s32 $0x0, s2  }
0x84: {  	[tilespmem:s18], [sflag:$0x6] =	stream.linear.gather [hbm4b:s5+s4], $0x40, $0x38;
	[tilespmem:$0x1C1C0] =	vst v63  }
0x85: {  	s7 =	rddreg [dreg:$0x6];
	s14 =	sadd.s32 $0x28, s0  }
0x86: {  	[tilespmem:s25], [sflag:$0x6] =	stream.linear.gather [hbm4b:s14+s4], $0x40, $0x38;
	[tilespmem:$0x1C1C0] =	vst v63  }
0x87: {  	s23 =	simm.s32 $0x300;
	s16 =	sadd.s32 $0x0, s7  }
0x88: {  	[tilespmem:s23], [sflag:$0x7] =	stream.linear.gather [hbm4b:s16+s4], $0x40, $0x38;
	[tilespmem:$0x1C1C0] =	vst v63  }
0x89: {  	s24 =	rddreg [dreg:$0x4];
	s25 =	sadd.s32 $0x30, s0  }
0x8a: {  	[tilespmem:s1], [sflag:$0x7] =	stream.linear.gather [hbm4b:s25+s4], $0x40, $0x38;
	[tilespmem:$0x1C1C0] =	vst v63  }
0x8b: {  	s26 =	sadd.s32 $0x0, s24;
	s1 =	simm.s32 $0x380  }
0x8c: {  	[tilespmem:s1], [sflag:$0x8] =	stream.linear.gather [hbm4b:s26+s4], $0x40, $0x38;
	[tilespmem:$0x1C1C0] =	vst v63  }
0x8d: {  	s3 =	simm.s32 $0x9;
	s0 =	sadd.s32 $0x38, s0  }
0x8e: {  	[tilespmem:s28], [sflag:$0x8] =	stream.linear.gather [hbm4b:s0+s4], $0x40, $0x38;
	[tilespmem:$0x1C1C0] =	vst v63  }
0x8f: {  	_ =	swait.ge [sflag:s3], $0x2000  }
0x90: {  	[sflag:s3] =	ssyncset.done $0x0  }
0x91: {  	[sflag:s3] =	ssyncadd.s32 $0xFFFFE000  }
0x92: {  	s30 =	simm.s32 $0x800;
	s31 =	simm.s32 $0xA;
	s29 =	rddreg [dreg:$0x2]  }
0x93: {  	[spmem:s29] =	stream.indirect.scatter.add.f32 [tilespmem:s30], [sflag:$0xD], $0x80, s12, s9, $0xb8;
	[tilespmem:$0x1C1C0] =	vst v63  }
0x94: {  	_ =	swait.ge [sflag:s31], $0x2000  }
0x95: {  	[sflag:s31] =	ssyncset.done $0x0  }
0x96: {  	s7 =	simm.s32 $0xB;
	[sflag:s31] =	ssyncadd.s32 $0xFFFFE000  }
0x97: {  	[spmem:s29] =	stream.indirect.scatter.add.f32 [tilespmem:s10], [sflag:$0xE], $0x80, s13, s9, $0xb8;
	[tilespmem:$0x1C1C0] =	vst v63  }
0x98: {  	_ =	swait.ge [sflag:s7], $0x2000  }
0x99: {  	[sflag:s7] =	ssyncset.done $0x0  }
0x9a: {  	s14 =	simm.s32 $0x4800;
	[sflag:s7] =	ssyncadd.s32 $0xFFFFE000;
	s7 =	simm.s32 $0xC  }
0x9b: {  	[spmem:s29] =	stream.indirect.scatter.add.f32 [tilespmem:s14], [sflag:$0xF], $0x80, s22, s9, $0xb8;
	[tilespmem:$0x1C1C0] =	vst v63  }
0x9c: {  	_ =	swait.ge [sflag:s7], $0x2000  }
0x9d: {  	[sflag:s7] =	ssyncset.done $0x0  }
0x9e: {  	s15 =	simm.s32 $0xD;
	[sflag:s7] =	ssyncadd.s32 $0xFFFFE000  }
0x9f: {  	[spmem:s29] =	stream.indirect.scatter.add.f32 [tilespmem:s19], [sflag:$0x10], $0x80, s21, s9, $0xb8;
	[tilespmem:$0x1C1C0] =	vst v63  }
0xa0: {  	_ =	swait.ge [sflag:s15], $0x2000  }
0xa1: {  	[sflag:s15] =	ssyncset.done $0x0  }
0xa2: {  	s16 =	simm.s32 $0x5;
	[sflag:s15] =	ssyncadd.s32 $0xFFFFE000  }
0xa3: {  	_ =	swait.ge [sflag:s16], $0x40  }
0xa4: {  	[sflag:s16] =	ssyncset.done $0x0  }
0xa5: {  	[sflag:s16] =	ssyncadd.s32 $0xFFFFFFC0  }
0xa6: {  	_ =	swait.ge [sflag:s16], $0x40  }
0xa7: {  	[sflag:s16] =	ssyncset.done $0x0  }
0xa8: {  	[sflag:s16] =	ssyncadd.s32 $0xFFFFFFC0  }
0xa9: {  	[tilespmem:s30], [sflag:$0x9] =	stream.indirect.gather [hbm4b:s6+s9], $0x80, s17, s9, $0xb8;
	[tilespmem:$0x1C1C0] =	vst v63  }
0xaa: {  	s17 =	simm.s32 $0xE  }
0xab: {  	_ =	swait.ge [sflag:s17], $0x2000  }
0xac: {  	[sflag:s17] =	ssyncset.done $0x0  }
0xad: {  	s24 =	simm.s32 $0x6;
	[sflag:s17] =	ssyncadd.s32 $0xFFFFE000  }
0xae: {  	_ =	swait.ge [sflag:s24], $0x40  }
0xaf: {  	[sflag:s24] =	ssyncset.done $0x0  }
0xb0: {  	[sflag:s24] =	ssyncadd.s32 $0xFFFFFFC0  }
0xb1: {  	_ =	swait.ge [sflag:s24], $0x40  }
0xb2: {  	[sflag:s24] =	ssyncset.done $0x0  }
0xb3: {  	s25 =	simm.s32 $0xF;
	[sflag:s24] =	ssyncadd.s32 $0xFFFFFFC0  }
0xb4: {  	[tilespmem:s10], [sflag:$0xA] =	stream.indirect.gather [hbm4b:s6+s9], $0x80, s18, s9, $0xb8;
	[tilespmem:$0x1C1C0] =	vst v63  }
0xb5: {  	_ =	swait.ge [sflag:s25], $0x2000  }
0xb6: {  	[sflag:s25] =	ssyncset.done $0x0  }
0xb7: {  	s26 =	simm.s32 $0x7;
	[sflag:s25] =	ssyncadd.s32 $0xFFFFE000  }
0xb8: {  	_ =	swait.ge [sflag:s26], $0x40  }
0xb9: {  	[sflag:s26] =	ssyncset.done $0x0  }
0xba: {  	[sflag:s26] =	ssyncadd.s32 $0xFFFFFFC0  }
0xbb: {  	_ =	swait.ge [sflag:s26], $0x40  }
0xbc: {  	[sflag:s26] =	ssyncset.done $0x0  }
0xbd: {  	s28 =	simm.s32 $0x10;
	[sflag:s26] =	ssyncadd.s32 $0xFFFFFFC0  }
0xbe: {  	[tilespmem:s14], [sflag:$0xB] =	stream.indirect.gather [hbm4b:s6+s9], $0x80, s23, s9, $0xb8;
	[tilespmem:$0x1C1C0] =	vst v63  }
0xbf: {  	_ =	swait.ge [sflag:s28], $0x2000  }
0xc0: {  	s30 =	simm.s32 $0x8;
	s29 =	rddreg [dreg:$0x1f];
	[sflag:s28] =	ssyncset.done $0x0  }
0xc1: {  	p1 =	slt.s32 s29, $0x4E040;
	s0 =	smov.u32 s29;
	[sflag:s28] =	ssyncadd.s32 $0xFFFFE000  }
0xc2: {  	s15 =	smov.u32 s29;
	s17 =	smov.u32 s29;
	s0 =	simm.s32 @!p1 $0x4E040  }
0xc3: {  	_ =	swait.ge [sflag:s30], $0x40;
	p1 =	slt.s32 s29, $0x4E0C0;
	s0 =	sadd.s32 $0x180, s0  }
0xc4: {  	[sflag:s30] =	ssyncset.done $0x0;
	s5 =	rddreg [dreg:$0x9];
	s15 =	simm.s32 @!p1 $0x4E0C0  }
0xc5: {  	p1 =	slt.s32 s29, $0x4E080;
	s31 =	sshrl.u32 s0, $0x3;
	s0 =	sadd.s32 s5, s0  }
0xc6: {  	[sflag:s30] =	ssyncadd.s32 $0xFFFFFFC0;
	s15 =	sadd.s32 $0x100, s15;
	s17 =	simm.s32 @!p1 $0x4E080  }
0xc7: {  	p1 =	slt.s32 s29, $0x4E000;
	_ =	swait.ge [sflag:s30], $0x40;
	s7 =	sadd.s32 s5, s15  }
0xc8: {  	s17 =	sadd.s32 $0x140, s17;
	s15 =	sshrl.u32 s15, $0x3;
	[sflag:s30] =	ssyncset.done $0x0  }
0xc9: {  	s18 =	sshrl.u32 s7, $0x3;
	s23 =	rddreg [dreg:$0xa];
	[sflag:s30] =	ssyncadd.s32 $0xFFFFFFC0  }
0xca: {  	[tilespmem:s19], [sflag:$0xC] =	stream.indirect.gather [hbm4b:s6+s9], $0x80, s1, s9, $0xb8;
	[tilespmem:$0x1C1C0] =	vst v63  }
0xcb: {  	s0 =	sshrl.u32 s0, $0x3;
	s24 =	rddreg [dreg:$0xb];
	s18 =	sadd.s32 s23, s18  }
0xcc: {  	[tilespmem:s4], [sflag:$0x1] =	stream.linear.gather [hbm4b:s18+s4], $0x40, $0x38;
	[tilespmem:$0x1C1C0] =	vst v63  }
0xcd: {  	s14 =	sadd.s32 s5, s17;
	s17 =	sshrl.u32 s17, $0x3;
	s15 =	sadd.s32 s24, s15  }
0xce: {  	[tilespmem:s12], [sflag:$0x1] =	stream.linear.gather [hbm4b:s15+s4], $0x40, $0x38;
	[tilespmem:$0x1C1C0] =	vst v63  }
0xcf: {  	s25 =	sshrl.u32 s14, $0x3;
	s17 =	sadd.s32 s24, s17;
	s15 =	smov.u32 s29  }
0xd0: {  	s0 =	sadd.s32 s23, s0;
	s18 =	sadd.s32 s23, s25;
	s15 =	simm.s32 @!p1 $0x4E000  }
0xd1: {  	[tilespmem:s8], [sflag:$0x2] =	stream.linear.gather [hbm4b:s18+s4], $0x40, $0x38;
	[tilespmem:$0x1C1C0] =	vst v63  }
0xd2: {  	s19 =	simm.s32 $0x80;
	s26 =	sadd.s32 $0x1C0, s15;
	s15 =	sadd.s32 $0x200, s29  }
0xd3: {  	[tilespmem:s13], [sflag:$0x2] =	stream.linear.gather [hbm4b:s17+s4], $0x40, $0x38;
	[tilespmem:$0x1C1C0] =	vst v63  }
0xd4: {  	s29 =	sadd.s32 s24, s31;
	s18 =	simm.s32 $0x40;
	s28 =	sadd.s32 s5, s26  }
0xd5: {  	[tilespmem:s20], [sflag:$0x3] =	stream.linear.gather [hbm4b:s0+s4], $0x40, $0x38;
	[tilespmem:$0x1C1C0] =	vst v63  }
0xd6: {  	p1 =	slt.s32 s15, $0x4E040;
	s30 =	sshrl.u32 s28, $0x3;
	s17 =	smov.u32 s15  }
0xd7: {  	[tilespmem:s22], [sflag:$0x3] =	stream.linear.gather [hbm4b:s29+s4], $0x40, $0x38;
	[tilespmem:$0x1C1C0] =	vst v63  }
0xd8: {  	s31 =	sshrl.u32 s26, $0x3;
	s17 =	simm.s32 @!p1 $0x4E040;
	s16 =	sadd.s32 s23, s30  }
0xd9: {  	[tilespmem:s11], [sflag:$0x4] =	stream.linear.gather [hbm4b:s16+s4], $0x40, $0x38;
	[tilespmem:$0x1C1C0] =	vst v63  }
0xda: {  	s17 =	sadd.s32 $0x180, s17;
	s0 =	sadd.s32 s24, s31;
	s20 =	sadd.s32 $0x200, s15  }
0xdb: {  	[tilespmem:s21], [sflag:$0x4] =	stream.linear.gather [hbm4b:s0+s4], $0x40, $0x38;
	[tilespmem:$0x1C1C0] =	vst v63  }
0xdc: {  	s21 =	sshrl.u32 s17, $0x3;
	s17 =	sadd.s32 s5, s17;
	_ =	swait.ge [sflag:s3], $0x2000  }
.LBB2_2:
0xdd: {  	s3 =	simm.s32 $0x9  }
0xde: {  	p1 =	slt.s32 s20, $0x4E040;
	s0 =	smov.u32 s20;
	[sflag:s3] =	ssyncset.done $0x0  }
0xdf: {  	s23 =	simm.s32 $0x600;
	s7 =	simm.s32 $0x800;
	[sflag:s3] =	ssyncadd.s32 $0xFFFFE000  }
0xe0: {  	s2 =	simm.s32 $0xA;
	s0 =	simm.s32 @!p1 $0x4E040;
	s5 =	rddreg [dreg:$0x2]  }
0xe1: {  	[spmem:s5] =	stream.indirect.scatter.add.f32 [tilespmem:s7], [sflag:$0xD], $0x80, s23, s9, $0xb8;
	[tilespmem:$0x1C1C0] =	vst v63  }
0xe2: {  	s24 =	simm.s32 $0x2800;
	s0 =	sadd.s32 $0x180, s0;
	_ =	swait.ge [sflag:s2], $0x2000  }
0xe3: {  	s31 =	simm.s32 $0x680;
	s1 =	sshrl.u32 s0, $0x3;
	s6 =	rddreg [dreg:$0x9]  }
0xe4: {  	[dreg:$0xc] =	wrdreg s1;
	[sflag:s2] =	ssyncset.done $0x0;
	s0 =	sadd.s32 s6, s0  }
0xe5: {  	s22 =	simm.s32 $0xB;
	[sflag:s2] =	ssyncadd.s32 $0xFFFFE000;
	[dreg:$0xd] =	wrdreg s0  }
0xe6: {  	[spmem:s5] =	stream.indirect.scatter.add.f32 [tilespmem:s24], [sflag:$0xE], $0x80, s31, s9, $0xb8;
	[tilespmem:$0x1C1C0] =	vst v63  }
0xe7: {  	_ =	swait.ge [sflag:s22], $0x2000  }
0xe8: {  	s12 =	simm.s32 $0x4800;
	[sflag:s22] =	ssyncset.done $0x0  }
0xe9: {  	s25 =	simm.s32 $0xC;
	s1 =	simm.s32 $0x700;
	[sflag:s22] =	ssyncadd.s32 $0xFFFFE000  }
0xea: {  	[spmem:s5] =	stream.indirect.scatter.add.f32 [tilespmem:s12], [sflag:$0xF], $0x80, s1, s9, $0xb8;
	[tilespmem:$0x1C1C0] =	vst v63  }
0xeb: {  	_ =	swait.ge [sflag:s25], $0x2000  }
0xec: {  	p2 =	seq.s32 s18, $0x0;
	s30 =	simm.s32 $0x6800;
	[sflag:s25] =	ssyncset.done $0x0  }
0xed: {  	s14 =	simm.s32 $0x780;
	s29 =	simm.s32 @p2 $0x1;
	[sflag:s25] =	ssyncadd.s32 $0xFFFFE000  }
0xee: {  	[spmem:s5] =	stream.indirect.scatter.add.f32 [tilespmem:s30], [sflag:$0x10], $0x80, s14, s9, $0xb8;
	[tilespmem:$0x1C1C0] =	vst v63  }
0xef: {  	_ =	swait.ge @p2 [sflag:s29], $0x40  }
0xf0: {  	[sflag:s29] =	ssyncset.done @p2 $0x0  }
0xf1: {  	[sflag:s29] =	ssyncadd.s32 @p2 $0xFFFFFFC0  }
0xf2: {  	_ =	swait.ge @p2 [sflag:s29], $0x40  }
0xf3: {  	[sflag:s29] =	ssyncset.done @p2 $0x0  }
0xf4: {  	s13 =	simm.s32 @!p2 $0xD;
	s10 =	simm.s32 @p2 $0x0;
	[sflag:s29] =	ssyncadd.s32 @p2 $0xFFFFFFC0  }
0xf5: {  	s0 =	simm.s32 @p2 $0x800;
	s29 =	simm.s32 @p2 $0x40;
	s16 =	rddreg [dreg:$0x1]  }
0xf6: {  	[tilespmem:s0], [sflag:$0x9] =	stream.indirect.gather @p2 [hbm4b:s16+s29], $0x80, s10, s29, $0xb8;
	[tilespmem:$0x1C1C0] =	vst v63  }
0xf7: {  	_ =	swait.ge @!p2 [sflag:s13], $0x2000  }
0xf8: {  	[sflag:s13] =	ssyncset.done @!p2 $0x0  }
0xf9: {  	s0 =	simm.s32 @!p2 $0x1;
	[sflag:s13] =	ssyncadd.s32 @!p2 $0xFFFFE000  }
0xfa: {  	_ =	swait.ge @!p2 [sflag:s0], $0x40  }
0xfb: {  	[sflag:s0] =	ssyncset.done @!p2 $0x0  }
0xfc: {  	[sflag:s0] =	ssyncadd.s32 @!p2 $0xFFFFFFC0  }
0xfd: {  	_ =	swait.ge @!p2 [sflag:s0], $0x40  }
0xfe: {  	s12 =	simm.s32 @!p2 $0x0;
	s10 =	simm.s32 @!p2 $0x800;
	[sflag:s0] =	ssyncset.done @!p2 $0x0  }
0xff: {  	s13 =	simm.s32 @!p2 $0xE;
	[sflag:s0] =	ssyncadd.s32 @!p2 $0xFFFFFFC0;
	s0 =	simm.s32 @!p2 $0x40  }
0x100: {  	[tilespmem:s10], [sflag:$0x9] =	stream.indirect.gather @!p2 [hbm4b:s16+s0], $0x80, s12, s0, $0xb8;
	[tilespmem:$0x1C1C0] =	vst v63  }
0x101: {  	_ =	swait.ge @!p2 [sflag:s13], $0x2000  }
0x102: {  	[sflag:s13] =	ssyncset.done @!p2 $0x0  }
0x103: {  	s8 =	simm.s32 $0x2;
	[sflag:s13] =	ssyncadd.s32 @!p2 $0xFFFFE000  }
0x104: {  	_ =	swait.ge [sflag:s8], $0x40  }
0x105: {  	[sflag:s8] =	ssyncset.done $0x0  }
0x106: {  	[sflag:s8] =	ssyncadd.s32 $0xFFFFFFC0  }
0x107: {  	_ =	swait.ge [sflag:s8], $0x40  }
0x108: {  	[sflag:s8] =	ssyncset.done $0x0  }
0x109: {  	s10 =	simm.s32 @p2 $0x3;
	[sflag:s8] =	ssyncadd.s32 $0xFFFFFFC0;
	s8 =	simm.s32 $0x80  }
0x10a: {  	[tilespmem:s24], [sflag:$0xA] =	stream.indirect.gather [hbm4b:s16+s9], $0x80, s8, s9, $0xb8;
	[tilespmem:$0x1C1C0] =	vst v63  }
0x10b: {  	_ =	swait.ge @p2 [sflag:s10], $0x40  }
0x10c: {  	[sflag:s10] =	ssyncset.done @p2 $0x0  }
0x10d: {  	[sflag:s10] =	ssyncadd.s32 @p2 $0xFFFFFFC0  }
0x10e: {  	_ =	swait.ge @p2 [sflag:s10], $0x40  }
0x10f: {  	s12 =	simm.s32 @!p2 $0xF;
	[sflag:s10] =	ssyncset.done @p2 $0x0  }
0x110: {  	s13 =	simm.s32 @p2 $0x4800;
	[sflag:s10] =	ssyncadd.s32 @p2 $0xFFFFFFC0;
	s10 =	simm.s32 @p2 $0x100  }
0x111: {  	[tilespmem:s13], [sflag:$0xB] =	stream.indirect.gather @p2 [hbm4b:s16+s29], $0x80, s10, s29, $0xb8;
	[tilespmem:$0x1C1C0] =	vst v63  }
0x112: {  	_ =	swait.ge @!p2 [sflag:s12], $0x2000  }
0x113: {  	[sflag:s12] =	ssyncset.done @!p2 $0x0  }
0x114: {  	s10 =	simm.s32 @!p2 $0x3;
	[sflag:s12] =	ssyncadd.s32 @!p2 $0xFFFFE000  }
0x115: {  	_ =	swait.ge @!p2 [sflag:s10], $0x40  }
0x116: {  	[sflag:s10] =	ssyncset.done @!p2 $0x0  }
0x117: {  	[sflag:s10] =	ssyncadd.s32 @!p2 $0xFFFFFFC0  }
0x118: {  	_ =	swait.ge @!p2 [sflag:s10], $0x40  }
0x119: {  	s13 =	simm.s32 @!p2 $0x4800;
	[sflag:s10] =	ssyncset.done @!p2 $0x0  }
0x11a: {  	s12 =	simm.s32 @!p2 $0x10;
	[sflag:s10] =	ssyncadd.s32 @!p2 $0xFFFFFFC0;
	s10 =	simm.s32 @!p2 $0x100  }
0x11b: {  	[tilespmem:s13], [sflag:$0xB] =	stream.indirect.gather @!p2 [hbm4b:s16+s0], $0x80, s10, s0, $0xb8;
	[tilespmem:$0x1C1C0] =	vst v63  }
0x11c: {  	_ =	swait.ge @!p2 [sflag:s12], $0x2000  }
0x11d: {  	[sflag:s12] =	ssyncset.done @!p2 $0x0  }
0x11e: {  	s11 =	simm.s32 $0x4;
	[sflag:s12] =	ssyncadd.s32 @!p2 $0xFFFFE000  }
0x11f: {  	_ =	swait.ge [sflag:s11], $0x40  }
0x120: {  	[sflag:s11] =	ssyncset.done $0x0  }
0x121: {  	[sflag:s11] =	ssyncadd.s32 $0xFFFFFFC0  }
0x122: {  	_ =	swait.ge [sflag:s11], $0x40  }
0x123: {  	[sflag:s11] =	ssyncset.done $0x0;
	s13 =	rddreg [dreg:$0x5]  }
0x124: {  	s29 =	simm.s32 $0x180;
	s28 =	rddreg [dreg:$0x8];
	[sflag:s11] =	ssyncadd.s32 $0xFFFFFFC0  }
0x125: {  	[tilespmem:s30], [sflag:$0xC] =	stream.indirect.gather [hbm4b:s16+s9], $0x80, s29, s9, $0xb8;
	[tilespmem:$0x1C1C0] =	vst v63  }
0x126: {  	s10 =	sadd.s32 s18, s28;
	s0 =	sadd.s32 s18, s13;
	s13 =	simm.s32 $0x200  }
0x127: {  	[tilespmem:s13], [sflag:$0x5] =	stream.linear.gather [hbm4b:s10+s4], $0x40, $0x38;
	[tilespmem:$0x1C1C0] =	vst v63  }
0x128: {  	s11 =	rddreg [dreg:$0x7];
	s28 =	sadd.s32 $0x20, s0  }
0x129: {  	[tilespmem:s23], [sflag:$0x5] =	stream.linear.gather [hbm4b:s28+s4], $0x40, $0x38;
	[tilespmem:$0x1C1C0] =	vst v63  }
0x12a: {  	s29 =	sadd.s32 s18, s11;
	s28 =	simm.s32 $0x280  }
0x12b: {  	[tilespmem:s28], [sflag:$0x6] =	stream.linear.gather [hbm4b:s29+s4], $0x40, $0x38;
	[tilespmem:$0x1C1C0] =	vst v63  }
0x12c: {  	s11 =	rddreg [dreg:$0x6];
	s23 =	sadd.s32 $0x28, s0  }
0x12d: {  	[tilespmem:s31], [sflag:$0x6] =	stream.linear.gather [hbm4b:s23+s4], $0x40, $0x38;
	[tilespmem:$0x1C1C0] =	vst v63  }
0x12e: {  	s29 =	sadd.s32 s18, s11;
	s31 =	simm.s32 $0x300  }
0x12f: {  	[tilespmem:s31], [sflag:$0x7] =	stream.linear.gather [hbm4b:s29+s4], $0x40, $0x38;
	[tilespmem:$0x1C1C0] =	vst v63  }
0x130: {  	s11 =	rddreg [dreg:$0x4];
	s23 =	sadd.s32 $0x30, s0  }
0x131: {  	[tilespmem:s1], [sflag:$0x7] =	stream.linear.gather [hbm4b:s23+s4], $0x40, $0x38;
	[tilespmem:$0x1C1C0] =	vst v63  }
0x132: {  	s29 =	sadd.s32 s18, s11;
	s1 =	simm.s32 $0x380  }
0x133: {  	[tilespmem:s1], [sflag:$0x8] =	stream.linear.gather [hbm4b:s29+s4], $0x40, $0x38;
	[tilespmem:$0x1C1C0] =	vst v63  }
0x134: {  	s0 =	sadd.s32 $0x38, s0  }
0x135: {  	[tilespmem:s14], [sflag:$0x8] =	stream.linear.gather [hbm4b:s0+s4], $0x40, $0x38;
	[tilespmem:$0x1C1C0] =	vst v63  }
0x136: {  	_ =	swait.ge [sflag:s3], $0x2000  }
0x137: {  	s26 =	smov.u32 s19;
	[sflag:s3] =	ssyncset.done $0x0  }
0x138: {  	s18 =	smov.u32 s26;
	s26 =	simm.s32 $0x400;
	[sflag:s3] =	ssyncadd.s32 $0xFFFFE000  }
0x139: {  	[spmem:s5] =	stream.indirect.scatter.add.f32 [tilespmem:s7], [sflag:$0xD], $0x80, s26, s9, $0xb8;
	[tilespmem:$0x1C1C0] =	vst v63  }
0x13a: {  	_ =	swait.ge [sflag:s2], $0x2000  }
0x13b: {  	[sflag:s2] =	ssyncset.done $0x0  }
0x13c: {  	s29 =	simm.s32 $0x480;
	[sflag:s2] =	ssyncadd.s32 $0xFFFFE000  }
0x13d: {  	[spmem:s5] =	stream.indirect.scatter.add.f32 [tilespmem:s24], [sflag:$0xE], $0x80, s29, s9, $0xb8;
	[tilespmem:$0x1C1C0] =	vst v63  }
0x13e: {  	_ =	swait.ge [sflag:s22], $0x2000  }
0x13f: {  	[sflag:s22] =	ssyncset.done $0x0  }
0x140: {  	s11 =	simm.s32 $0x500;
	s14 =	simm.s32 $0x4800;
	[sflag:s22] =	ssyncadd.s32 $0xFFFFE000  }
0x141: {  	[spmem:s5] =	stream.indirect.scatter.add.f32 [tilespmem:s14], [sflag:$0xF], $0x80, s11, s9, $0xb8;
	[tilespmem:$0x1C1C0] =	vst v63  }
0x142: {  	_ =	swait.ge [sflag:s25], $0x2000  }
0x143: {  	[sflag:s25] =	ssyncset.done $0x0  }
0x144: {  	s23 =	simm.s32 $0x580;
	s2 =	simm.s32 $0xD;
	[sflag:s25] =	ssyncadd.s32 $0xFFFFE000  }
0x145: {  	[spmem:s5] =	stream.indirect.scatter.add.f32 [tilespmem:s30], [sflag:$0x10], $0x80, s23, s9, $0xb8;
	[tilespmem:$0x1C1C0] =	vst v63  }
0x146: {  	_ =	swait.ge [sflag:s2], $0x2000  }
0x147: {  	[sflag:s2] =	ssyncset.done $0x0  }
0x148: {  	s5 =	simm.s32 $0x5;
	[sflag:s2] =	ssyncadd.s32 $0xFFFFE000  }
0x149: {  	_ =	swait.ge [sflag:s5], $0x40  }
0x14a: {  	[sflag:s5] =	ssyncset.done $0x0  }
0x14b: {  	[sflag:s5] =	ssyncadd.s32 $0xFFFFFFC0  }
0x14c: {  	_ =	swait.ge [sflag:s5], $0x40  }
0x14d: {  	[sflag:s5] =	ssyncset.done $0x0  }
0x14e: {  	[sflag:s5] =	ssyncadd.s32 $0xFFFFFFC0  }
0x14f: {  	[tilespmem:s7], [sflag:$0x9] =	stream.indirect.gather [hbm4b:s16+s9], $0x80, s13, s9, $0xb8;
	[tilespmem:$0x1C1C0] =	vst v63  }
0x150: {  	s7 =	simm.s32 $0xE  }
0x151: {  	_ =	swait.ge [sflag:s7], $0x2000  }
0x152: {  	[sflag:s7] =	ssyncset.done $0x0  }
0x153: {  	s10 =	simm.s32 $0x6;
	[sflag:s7] =	ssyncadd.s32 $0xFFFFE000  }
0x154: {  	_ =	swait.ge [sflag:s10], $0x40  }
0x155: {  	[sflag:s10] =	ssyncset.done $0x0  }
0x156: {  	[sflag:s10] =	ssyncadd.s32 $0xFFFFFFC0  }
0x157: {  	_ =	swait.ge [sflag:s10], $0x40  }
0x158: {  	[sflag:s10] =	ssyncset.done $0x0  }
0x159: {  	s12 =	simm.s32 $0xF;
	[sflag:s10] =	ssyncadd.s32 $0xFFFFFFC0  }
0x15a: {  	[tilespmem:s24], [sflag:$0xA] =	stream.indirect.gather [hbm4b:s16+s9], $0x80, s28, s9, $0xb8;
	[tilespmem:$0x1C1C0] =	vst v63  }
0x15b: {  	_ =	swait.ge [sflag:s12], $0x2000  }
0x15c: {  	[sflag:s12] =	ssyncset.done $0x0  }
0x15d: {  	s13 =	simm.s32 $0x7;
	[sflag:s12] =	ssyncadd.s32 $0xFFFFE000  }
0x15e: {  	_ =	swait.ge [sflag:s13], $0x40  }
0x15f: {  	[sflag:s13] =	ssyncset.done $0x0  }
0x160: {  	[sflag:s13] =	ssyncadd.s32 $0xFFFFFFC0  }
0x161: {  	_ =	swait.ge [sflag:s13], $0x40  }
0x162: {  	[sflag:s13] =	ssyncset.done $0x0  }
0x163: {  	s25 =	simm.s32 $0x10;
	[sflag:s13] =	ssyncadd.s32 $0xFFFFFFC0  }
0x164: {  	[tilespmem:s14], [sflag:$0xB] =	stream.indirect.gather [hbm4b:s16+s9], $0x80, s31, s9, $0xb8;
	[tilespmem:$0x1C1C0] =	vst v63  }
0x165: {  	s19 =	sadd.s32 $0x40, s19;
	_ =	swait.ge [sflag:s25], $0x2000  }
0x166: {  	p2 =	slt.s32 s15, $0x4E0C0;
	s0 =	smov.u32 s15;
	[sflag:s25] =	ssyncset.done $0x0  }
0x167: {  	s0 =	simm.s32 @!p2 $0x4E0C0;
	s28 =	simm.s32 $0x8;
	[sflag:s25] =	ssyncadd.s32 $0xFFFFE000  }
0x168: {  	p1 =	sne.s32 s19, $0x9C0;
	s0 =	sadd.s32 $0x100, s0;
	_ =	swait.ge [sflag:s28], $0x40  }
0x169: {  	p2 =	slt.s32 s15, $0x4E080;
	s22 =	sadd.s32 s6, s0;
	[sflag:s28] =	ssyncset.done $0x0  }
0x16a: {  	s0 =	sshrl.u32 s0, $0x3;
	s12 =	smov.u32 s15;
	[sflag:s28] =	ssyncadd.s32 $0xFFFFFFC0  }
0x16b: {  	s10 =	sshrl.u32 s22, $0x3;
	s12 =	simm.s32 @!p2 $0x4E080;
	_ =	swait.ge [sflag:s28], $0x40  }
0x16c: {  	p2 =	slt.s32 s15, $0x4E000;
	s12 =	sadd.s32 $0x140, s12;
	[sflag:s28] =	ssyncset.done $0x0  }
0x16d: {  	s15 =	simm.s32 @!p2 $0x4E000;
	s5 =	rddreg [dreg:$0xa];
	[sflag:s28] =	ssyncadd.s32 $0xFFFFFFC0  }
0x16e: {  	[tilespmem:s30], [sflag:$0xC] =	stream.indirect.gather [hbm4b:s16+s9], $0x80, s1, s9, $0xb8;
	[tilespmem:$0x1C1C0] =	vst v63  }
0x16f: {  	s24 =	sadd.s32 s6, s12;
	s31 =	rddreg [dreg:$0xb];
	s10 =	sadd.s32 s5, s10  }
0x170: {  	[tilespmem:s4], [sflag:$0x1] =	stream.linear.gather [hbm4b:s10+s4], $0x40, $0x38;
	[tilespmem:$0x1C1C0] =	vst v63  }
0x171: {  	s12 =	sshrl.u32 s12, $0x3;
	s13 =	sshrl.u32 s24, $0x3;
	s0 =	sadd.s32 s31, s0  }
0x172: {  	[tilespmem:s26], [sflag:$0x1] =	stream.linear.gather [hbm4b:s0+s4], $0x40, $0x38;
	[tilespmem:$0x1C1C0] =	vst v63  }
0x173: {  	s22 =	sadd.s32 $0x1C0, s15;
	s15 =	smov.u32 s20;
	s7 =	sadd.s32 s5, s13  }
0x174: {  	[tilespmem:s8], [sflag:$0x2] =	stream.linear.gather [hbm4b:s7+s4], $0x40, $0x38;
	[tilespmem:$0x1C1C0] =	vst v63  }
0x175: {  	s14 =	sshrl.u32 s17, $0x3;
	s25 =	sadd.s32 s6, s22;
	s13 =	sadd.s32 s31, s12  }
0x176: {  	[tilespmem:s29], [sflag:$0x2] =	stream.linear.gather [hbm4b:s13+s4], $0x40, $0x38;
	[tilespmem:$0x1C1C0] =	vst v63  }
0x177: {  	s24 =	rddreg [dreg:$0xd];
	s16 =	sadd.s32 s5, s14;
	s26 =	simm.s32 $0x100  }
0x178: {  	[tilespmem:s26], [sflag:$0x3] =	stream.linear.gather [hbm4b:s16+s4], $0x40, $0x38;
	[tilespmem:$0x1C1C0] =	vst v63  }
0x179: {  	s12 =	sshrl.u32 s22, $0x3;
	s28 =	sadd.s32 s31, s21;
	s0 =	sshrl.u32 s25, $0x3  }
0x17a: {  	[tilespmem:s11], [sflag:$0x3] =	stream.linear.gather [hbm4b:s28+s4], $0x40, $0x38;
	[tilespmem:$0x1C1C0] =	vst v63  }
.Ltmp0:
0x17b: {  	s30 =	simm.s32 $0x180;
	s0 =	sadd.s32 s5, s0;
	(pc) =	sbr.rel @p1 .LBB2_2-.Ltmp0, $4  }
0x17c: {  	[tilespmem:s30], [sflag:$0x4] =	stream.linear.gather [hbm4b:s0+s4], $0x40, $0x38;
	[tilespmem:$0x1C1C0] =	vst v63  }
0x17d: {  	s20 =	sadd.s32 $0x200, s20;
	s31 =	sadd.s32 s31, s12;
	s29 =	rddreg [dreg:$0xc]  }
0x17e: {  	[tilespmem:s23], [sflag:$0x4] =	stream.linear.gather [hbm4b:s31+s4], $0x40, $0x38;
	[tilespmem:$0x1C1C0] =	vst v63  }
0x17f: {  	s17 =	smov.u32 s24;
	s21 =	smov.u32 s29;
	_ =	swait.ge [sflag:s3], $0x2000  }
0x180: {  	s22 =	simm.s32 $0x9  }
0x181: {  	[sflag:s22] =	ssyncset.done $0x0  }
0x182: {  	s0 =	simm.s32 $0x600;
	[sflag:s22] =	ssyncadd.s32 $0xFFFFE000  }
0x183: {  	s31 =	simm.s32 $0x800;
	s29 =	simm.s32 $0xA;
	s14 =	rddreg [dreg:$0x2]  }
0x184: {  	[spmem:s14] =	stream.indirect.scatter.add.f32 [tilespmem:s31], [sflag:$0xD], $0x80, s0, s9, $0xb8;
	[tilespmem:$0x1C1C0] =	vst v63  }
0x185: {  	_ =	swait.ge [sflag:s29], $0x2000  }
0x186: {  	s28 =	simm.s32 $0x2800;
	[sflag:s29] =	ssyncset.done $0x0  }
0x187: {  	s24 =	simm.s32 $0x680;
	s11 =	simm.s32 $0xB;
	[sflag:s29] =	ssyncadd.s32 $0xFFFFE000  }
0x188: {  	[spmem:s14] =	stream.indirect.scatter.add.f32 [tilespmem:s28], [sflag:$0xE], $0x80, s24, s9, $0xb8;
	[tilespmem:$0x1C1C0] =	vst v63  }
0x189: {  	_ =	swait.ge [sflag:s11], $0x2000  }
0x18a: {  	s25 =	simm.s32 $0x700;
	[sflag:s11] =	ssyncset.done $0x0  }
0x18b: {  	s1 =	simm.s32 $0x4800;
	s19 =	simm.s32 $0xC;
	[sflag:s11] =	ssyncadd.s32 $0xFFFFE000  }
0x18c: {  	[spmem:s14] =	stream.indirect.scatter.add.f32 [tilespmem:s1], [sflag:$0xF], $0x80, s25, s9, $0xb8;
	[tilespmem:$0x1C1C0] =	vst v63  }
0x18d: {  	_ =	swait.ge [sflag:s19], $0x2000  }
0x18e: {  	p1 =	seq.s32 s18, $0x0;
	s30 =	simm.s32 $0x6800;
	[sflag:s19] =	ssyncset.done $0x0  }
0x18f: {  	s5 =	simm.s32 $0x780;
	s0 =	simm.s32 @p1 $0x1;
	[sflag:s19] =	ssyncadd.s32 $0xFFFFE000  }
0x190: {  	[spmem:s14] =	stream.indirect.scatter.add.f32 [tilespmem:s30], [sflag:$0x10], $0x80, s5, s9, $0xb8;
	[tilespmem:$0x1C1C0] =	vst v63  }
0x191: {  	_ =	swait.ge @p1 [sflag:s0], $0x40  }
0x192: {  	[sflag:s0] =	ssyncset.done @p1 $0x0  }
0x193: {  	[sflag:s0] =	ssyncadd.s32 @p1 $0xFFFFFFC0  }
0x194: {  	_ =	swait.ge @p1 [sflag:s0], $0x40  }
0x195: {  	[sflag:s0] =	ssyncset.done @p1 $0x0  }
0x196: {  	s10 =	simm.s32 @p1 $0x800;
	s12 =	simm.s32 @!p1 $0xD;
	[sflag:s0] =	ssyncadd.s32 @p1 $0xFFFFFFC0  }
0x197: {  	s13 =	simm.s32 @p1 $0x0;
	s0 =	simm.s32 @p1 $0x40;
	s16 =	rddreg [dreg:$0x1]  }
0x198: {  	[tilespmem:s10], [sflag:$0x9] =	stream.indirect.gather @p1 [hbm4b:s16+s0], $0x80, s13, s0, $0xb8;
	[tilespmem:$0x1C1C0] =	vst v63  }
0x199: {  	_ =	swait.ge @!p1 [sflag:s12], $0x2000  }
0x19a: {  	[sflag:s12] =	ssyncset.done @!p1 $0x0  }
0x19b: {  	s10 =	simm.s32 @!p1 $0x1;
	[sflag:s12] =	ssyncadd.s32 @!p1 $0xFFFFE000  }
0x19c: {  	_ =	swait.ge @!p1 [sflag:s10], $0x40  }
0x19d: {  	[sflag:s10] =	ssyncset.done @!p1 $0x0  }
0x19e: {  	[sflag:s10] =	ssyncadd.s32 @!p1 $0xFFFFFFC0  }
0x19f: {  	_ =	swait.ge @!p1 [sflag:s10], $0x40  }
0x1a0: {  	s13 =	simm.s32 @!p1 $0x0;
	[sflag:s10] =	ssyncset.done @!p1 $0x0  }
0x1a1: {  	s12 =	simm.s32 @!p1 $0x800;
	[sflag:s10] =	ssyncadd.s32 @!p1 $0xFFFFFFC0;
	s10 =	simm.s32 @!p1 $0x40  }
0x1a2: {  	[tilespmem:s12], [sflag:$0x9] =	stream.indirect.gather @!p1 [hbm4b:s16+s10], $0x80, s13, s10, $0xb8;
	[tilespmem:$0x1C1C0] =	vst v63  }
0x1a3: {  	s12 =	simm.s32 @!p1 $0xE  }
0x1a4: {  	_ =	swait.ge @!p1 [sflag:s12], $0x2000  }
0x1a5: {  	[sflag:s12] =	ssyncset.done @!p1 $0x0  }
0x1a6: {  	s20 =	simm.s32 $0x2;
	[sflag:s12] =	ssyncadd.s32 @!p1 $0xFFFFE000  }
0x1a7: {  	_ =	swait.ge [sflag:s20], $0x40  }
0x1a8: {  	[sflag:s20] =	ssyncset.done $0x0  }
0x1a9: {  	[sflag:s20] =	ssyncadd.s32 $0xFFFFFFC0  }
0x1aa: {  	_ =	swait.ge [sflag:s20], $0x40  }
0x1ab: {  	[sflag:s20] =	ssyncset.done $0x0  }
0x1ac: {  	s8 =	simm.s32 $0x80;
	s12 =	simm.s32 @p1 $0x3;
	[sflag:s20] =	ssyncadd.s32 $0xFFFFFFC0  }
0x1ad: {  	[tilespmem:s28], [sflag:$0xA] =	stream.indirect.gather [hbm4b:s16+s9], $0x80, s8, s9, $0xb8;
	[tilespmem:$0x1C1C0] =	vst v63  }
0x1ae: {  	_ =	swait.ge @p1 [sflag:s12], $0x40  }
0x1af: {  	[sflag:s12] =	ssyncset.done @p1 $0x0  }
0x1b0: {  	[sflag:s12] =	ssyncadd.s32 @p1 $0xFFFFFFC0  }
0x1b1: {  	_ =	swait.ge @p1 [sflag:s12], $0x40  }
0x1b2: {  	[sflag:s12] =	ssyncset.done @p1 $0x0  }
0x1b3: {  	s13 =	simm.s32 @p1 $0x4800;
	[sflag:s12] =	ssyncadd.s32 @p1 $0xFFFFFFC0;
	s12 =	simm.s32 @p1 $0x100  }
0x1b4: {  	[tilespmem:s13], [sflag:$0xB] =	stream.indirect.gather @p1 [hbm4b:s16+s0], $0x80, s12, s0, $0xb8;
	[tilespmem:$0x1C1C0] =	vst v63  }
0x1b5: {  	s0 =	simm.s32 @!p1 $0xF  }
0x1b6: {  	_ =	swait.ge @!p1 [sflag:s0], $0x2000  }
0x1b7: {  	[sflag:s0] =	ssyncset.done @!p1 $0x0  }
0x1b8: {  	[sflag:s0] =	ssyncadd.s32 @!p1 $0xFFFFE000;
	s0 =	simm.s32 @!p1 $0x3  }
0x1b9: {  	_ =	swait.ge @!p1 [sflag:s0], $0x40  }
0x1ba: {  	[sflag:s0] =	ssyncset.done @!p1 $0x0  }
0x1bb: {  	[sflag:s0] =	ssyncadd.s32 @!p1 $0xFFFFFFC0  }
0x1bc: {  	_ =	swait.ge @!p1 [sflag:s0], $0x40  }
0x1bd: {  	[sflag:s0] =	ssyncset.done @!p1 $0x0  }
0x1be: {  	s12 =	simm.s32 @!p1 $0x4800;
	[sflag:s0] =	ssyncadd.s32 @!p1 $0xFFFFFFC0;
	s0 =	simm.s32 @!p1 $0x100  }
0x1bf: {  	[tilespmem:s12], [sflag:$0xB] =	stream.indirect.gather @!p1 [hbm4b:s16+s10], $0x80, s0, s10, $0xb8;
	[tilespmem:$0x1C1C0] =	vst v63  }
0x1c0: {  	s0 =	simm.s32 @!p1 $0x10  }
0x1c1: {  	_ =	swait.ge @!p1 [sflag:s0], $0x2000  }
0x1c2: {  	[sflag:s0] =	ssyncset.done @!p1 $0x0  }
0x1c3: {  	s6 =	simm.s32 $0x4;
	[sflag:s0] =	ssyncadd.s32 @!p1 $0xFFFFE000  }
0x1c4: {  	_ =	swait.ge [sflag:s6], $0x40  }
0x1c5: {  	[sflag:s6] =	ssyncset.done $0x0  }
0x1c6: {  	[sflag:s6] =	ssyncadd.s32 $0xFFFFFFC0  }
0x1c7: {  	_ =	swait.ge [sflag:s6], $0x40  }
0x1c8: {  	s26 =	rddreg [dreg:$0x5];
	[sflag:s6] =	ssyncset.done $0x0  }
0x1c9: {  	s25 =	simm.s32 $0x180;
	s5 =	rddreg [dreg:$0x8];
	[sflag:s6] =	ssyncadd.s32 $0xFFFFFFC0  }
0x1ca: {  	[tilespmem:s30], [sflag:$0xC] =	stream.indirect.gather [hbm4b:s16+s9], $0x80, s25, s9, $0xb8;
	[tilespmem:$0x1C1C0] =	vst v63  }
0x1cb: {  	s24 =	simm.s32 $0x200;
	s10 =	sadd.s32 s18, s5;
	s0 =	sadd.s32 s18, s26  }
0x1cc: {  	[tilespmem:s24], [sflag:$0x5] =	stream.linear.gather [hbm4b:s10+s4], $0x40, $0x38;
	[tilespmem:$0x1C1C0] =	vst v63  }
0x1cd: {  	s3 =	simm.s32 $0x600;
	s7 =	rddreg [dreg:$0x7];
	s13 =	sadd.s32 $0x20, s0  }
0x1ce: {  	[tilespmem:s3], [sflag:$0x5] =	stream.linear.gather [hbm4b:s13+s4], $0x40, $0x38;
	[tilespmem:$0x1C1C0] =	vst v63  }
0x1cf: {  	s26 =	sadd.s32 s18, s7;
	s7 =	simm.s32 $0x280  }
0x1d0: {  	[tilespmem:s7], [sflag:$0x6] =	stream.linear.gather [hbm4b:s26+s4], $0x40, $0x38;
	[tilespmem:$0x1C1C0] =	vst v63  }
0x1d1: {  	s2 =	simm.s32 $0x680;
	s5 =	sadd.s32 $0x28, s0;
	s3 =	rddreg [dreg:$0x6]  }
0x1d2: {  	[tilespmem:s2], [sflag:$0x6] =	stream.linear.gather [hbm4b:s5+s4], $0x40, $0x38;
	[tilespmem:$0x1C1C0] =	vst v63  }
0x1d3: {  	s13 =	sadd.s32 s18, s3;
	s5 =	simm.s32 $0x300  }
0x1d4: {  	[tilespmem:s5], [sflag:$0x7] =	stream.linear.gather [hbm4b:s13+s4], $0x40, $0x38;
	[tilespmem:$0x1C1C0] =	vst v63  }
0x1d5: {  	s1 =	simm.s32 $0x700;
	s26 =	rddreg [dreg:$0x4];
	s2 =	sadd.s32 $0x30, s0  }
0x1d6: {  	[tilespmem:s1], [sflag:$0x7] =	stream.linear.gather [hbm4b:s2+s4], $0x40, $0x38;
	[tilespmem:$0x1C1C0] =	vst v63  }
0x1d7: {  	s3 =	sadd.s32 s18, s26;
	s1 =	simm.s32 $0x380  }
0x1d8: {  	[tilespmem:s1], [sflag:$0x8] =	stream.linear.gather [hbm4b:s3+s4], $0x40, $0x38;
	[tilespmem:$0x1C1C0] =	vst v63  }
0x1d9: {  	s23 =	simm.s32 $0x780;
	s0 =	sadd.s32 $0x38, s0  }
0x1da: {  	[tilespmem:s23], [sflag:$0x8] =	stream.linear.gather [hbm4b:s0+s4], $0x40, $0x38;
	[tilespmem:$0x1C1C0] =	vst v63  }
0x1db: {  	_ =	swait.ge [sflag:s22], $0x2000  }
0x1dc: {  	[sflag:s22] =	ssyncset.done $0x0  }
0x1dd: {  	s12 =	simm.s32 $0x400;
	[sflag:s22] =	ssyncadd.s32 $0xFFFFE000  }
0x1de: {  	[spmem:s14] =	stream.indirect.scatter.add.f32 [tilespmem:s31], [sflag:$0xD], $0x80, s12, s9, $0xb8;
	[tilespmem:$0x1C1C0] =	vst v63  }
0x1df: {  	_ =	swait.ge [sflag:s29], $0x2000  }
0x1e0: {  	[sflag:s29] =	ssyncset.done $0x0  }
0x1e1: {  	s13 =	simm.s32 $0x480;
	[sflag:s29] =	ssyncadd.s32 $0xFFFFE000  }
0x1e2: {  	[spmem:s14] =	stream.indirect.scatter.add.f32 [tilespmem:s28], [sflag:$0xE], $0x80, s13, s9, $0xb8;
	[tilespmem:$0x1C1C0] =	vst v63  }
0x1e3: {  	_ =	swait.ge [sflag:s11], $0x2000  }
0x1e4: {  	[sflag:s11] =	ssyncset.done $0x0  }
0x1e5: {  	s18 =	simm.s32 $0x500;
	s2 =	simm.s32 $0x4800;
	[sflag:s11] =	ssyncadd.s32 $0xFFFFE000  }
0x1e6: {  	[spmem:s14] =	stream.indirect.scatter.add.f32 [tilespmem:s2], [sflag:$0xF], $0x80, s18, s9, $0xb8;
	[tilespmem:$0x1C1C0] =	vst v63  }
0x1e7: {  	_ =	swait.ge [sflag:s19], $0x2000  }
0x1e8: {  	[sflag:s19] =	ssyncset.done $0x0  }
0x1e9: {  	s26 =	simm.s32 $0xD;
	s23 =	simm.s32 $0x580;
	[sflag:s19] =	ssyncadd.s32 $0xFFFFE000  }
0x1ea: {  	[spmem:s14] =	stream.indirect.scatter.add.f32 [tilespmem:s30], [sflag:$0x10], $0x80, s23, s9, $0xb8;
	[tilespmem:$0x1C1C0] =	vst v63  }
0x1eb: {  	_ =	swait.ge [sflag:s26], $0x2000  }
0x1ec: {  	[sflag:s26] =	ssyncset.done $0x0  }
0x1ed: {  	s10 =	simm.s32 $0x5;
	[sflag:s26] =	ssyncadd.s32 $0xFFFFE000  }
0x1ee: {  	_ =	swait.ge [sflag:s10], $0x40  }
0x1ef: {  	[sflag:s10] =	ssyncset.done $0x0  }
0x1f0: {  	[sflag:s10] =	ssyncadd.s32 $0xFFFFFFC0  }
0x1f1: {  	_ =	swait.ge [sflag:s10], $0x40  }
0x1f2: {  	[sflag:s10] =	ssyncset.done $0x0  }
0x1f3: {  	[sflag:s10] =	ssyncadd.s32 $0xFFFFFFC0  }
0x1f4: {  	[tilespmem:s31], [sflag:$0x9] =	stream.indirect.gather [hbm4b:s16+s9], $0x80, s24, s9, $0xb8;
	[tilespmem:$0x1C1C0] =	vst v63  }
0x1f5: {  	s24 =	simm.s32 $0xE  }
0x1f6: {  	_ =	swait.ge [sflag:s24], $0x2000  }
0x1f7: {  	[sflag:s24] =	ssyncset.done $0x0  }
0x1f8: {  	s3 =	simm.s32 $0x6;
	[sflag:s24] =	ssyncadd.s32 $0xFFFFE000  }
0x1f9: {  	_ =	swait.ge [sflag:s3], $0x40  }
0x1fa: {  	[sflag:s3] =	ssyncset.done $0x0  }
0x1fb: {  	[sflag:s3] =	ssyncadd.s32 $0xFFFFFFC0  }
0x1fc: {  	_ =	swait.ge [sflag:s3], $0x40  }
0x1fd: {  	[sflag:s3] =	ssyncset.done $0x0  }
0x1fe: {  	[sflag:s3] =	ssyncadd.s32 $0xFFFFFFC0;
	s3 =	simm.s32 $0xF  }
0x1ff: {  	[tilespmem:s28], [sflag:$0xA] =	stream.indirect.gather [hbm4b:s16+s9], $0x80, s7, s9, $0xb8;
	[tilespmem:$0x1C1C0] =	vst v63  }
0x200: {  	_ =	swait.ge [sflag:s3], $0x2000  }
0x201: {  	[sflag:s3] =	ssyncset.done $0x0  }
0x202: {  	s10 =	simm.s32 $0x7;
	[sflag:s3] =	ssyncadd.s32 $0xFFFFE000  }
0x203: {  	_ =	swait.ge [sflag:s10], $0x40  }
0x204: {  	[sflag:s10] =	ssyncset.done $0x0  }
0x205: {  	[sflag:s10] =	ssyncadd.s32 $0xFFFFFFC0  }
0x206: {  	_ =	swait.ge [sflag:s10], $0x40  }
0x207: {  	[sflag:s10] =	ssyncset.done $0x0  }
0x208: {  	[sflag:s10] =	ssyncadd.s32 $0xFFFFFFC0  }
0x209: {  	[tilespmem:s2], [sflag:$0xB] =	stream.indirect.gather [hbm4b:s16+s9], $0x80, s5, s9, $0xb8;
	[tilespmem:$0x1C1C0] =	vst v63  }
0x20a: {  	s2 =	simm.s32 $0x10  }
0x20b: {  	_ =	swait.ge [sflag:s2], $0x2000  }
0x20c: {  	[sflag:s2] =	ssyncset.done $0x0  }
0x20d: {  	s7 =	simm.s32 $0x8;
	[sflag:s2] =	ssyncadd.s32 $0xFFFFE000  }
0x20e: {  	_ =	swait.ge [sflag:s7], $0x40  }
0x20f: {  	[sflag:s7] =	ssyncset.done $0x0  }
0x210: {  	p1 =	slt.s32 s15, $0x4E0C0;
	s0 =	smov.u32 s15;
	[sflag:s7] =	ssyncadd.s32 $0xFFFFFFC0  }
0x211: {  	s0 =	simm.s32 @!p1 $0x4E0C0;
	_ =	swait.ge [sflag:s7], $0x40  }
0x212: {  	s0 =	sadd.s32 $0x100, s0;
	s5 =	rddreg [dreg:$0x9];
	[sflag:s7] =	ssyncset.done $0x0  }
0x213: {  	s10 =	sadd.s32 s5, s0;
	[sflag:s7] =	ssyncadd.s32 $0xFFFFFFC0  }
0x214: {  	[tilespmem:s30], [sflag:$0xC] =	stream.indirect.gather [hbm4b:s16+s9], $0x80, s1, s9, $0xb8;
	[tilespmem:$0x1C1C0] =	vst v63  }
0x215: {  	s10 =	sshrl.u32 s10, $0x3;
	s1 =	rddreg [dreg:$0xa]  }
0x216: {  	s10 =	sadd.s32 s1, s10  }
0x217: {  	[tilespmem:s4], [sflag:$0x1] =	stream.linear.gather [hbm4b:s10+s4], $0x40, $0x38;
	[tilespmem:$0x1C1C0] =	vst v63  }
0x218: {  	p1 =	slt.s32 s15, $0x4E080;
	s10 =	smov.u32 s15  }
0x219: {  	s0 =	sshrl.u32 s0, $0x3;
	s7 =	rddreg [dreg:$0xb];
	s10 =	simm.s32 @!p1 $0x4E080  }
0x21a: {  	s0 =	sadd.s32 s7, s0;
	s10 =	sadd.s32 $0x140, s10  }
0x21b: {  	[tilespmem:s12], [sflag:$0x1] =	stream.linear.gather [hbm4b:s0+s4], $0x40, $0x38;
	[tilespmem:$0x1C1C0] =	vst v63  }
0x21c: {  	s12 =	sadd.s32 s5, s10  }
0x21d: {  	p1 =	slt.s32 s15, $0x4E000;
	s0 =	sshrl.u32 s12, $0x3  }
0x21e: {  	s15 =	simm.s32 @!p1 $0x4E000;
	s10 =	sshrl.u32 s10, $0x3;
	s0 =	sadd.s32 s1, s0  }
0x21f: {  	[tilespmem:s8], [sflag:$0x2] =	stream.linear.gather [hbm4b:s0+s4], $0x40, $0x38;
	[tilespmem:$0x1C1C0] =	vst v63  }
0x220: {  	s12 =	sshrl.u32 s17, $0x3;
	s17 =	sadd.s32 $0x1C0, s15;
	s0 =	sadd.s32 s7, s10  }
0x221: {  	[tilespmem:s13], [sflag:$0x2] =	stream.linear.gather [hbm4b:s0+s4], $0x40, $0x38;
	[tilespmem:$0x1C1C0] =	vst v63  }
0x222: {  	s8 =	sadd.s32 s5, s17;
	s0 =	sadd.s32 s1, s12;
	s13 =	simm.s32 $0x100  }
0x223: {  	[tilespmem:s13], [sflag:$0x3] =	stream.linear.gather [hbm4b:s0+s4], $0x40, $0x38;
	[tilespmem:$0x1C1C0] =	vst v63  }
0x224: {  	s21 =	sadd.s32 s7, s21;
	s10 =	sshrl.u32 s8, $0x3  }
0x225: {  	[tilespmem:s18], [sflag:$0x3] =	stream.linear.gather [hbm4b:s21+s4], $0x40, $0x38;
	[tilespmem:$0x1C1C0] =	vst v63  }
0x226: {  	s10 =	sadd.s32 s1, s10;
	s0 =	sshrl.u32 s17, $0x3  }
0x227: {  	[tilespmem:s25], [sflag:$0x4] =	stream.linear.gather [hbm4b:s10+s4], $0x40, $0x38;
	[tilespmem:$0x1C1C0] =	vst v63  }
0x228: {  	s0 =	sadd.s32 s7, s0  }
0x229: {  	[tilespmem:s23], [sflag:$0x4] =	stream.linear.gather [hbm4b:s0+s4], $0x40, $0x38;
	[tilespmem:$0x1C1C0] =	vst v63  }
0x22a: {  	_ =	swait.ge [sflag:s22], $0x2000  }
0x22b: {  	[sflag:s22] =	ssyncset.done $0x0  }
0x22c: {  	s10 =	simm.s32 $0x600;
	[sflag:s22] =	ssyncadd.s32 $0xFFFFE000  }
0x22d: {  	[spmem:s14] =	stream.indirect.scatter.add.f32 [tilespmem:s31], [sflag:$0xD], $0x80, s10, s9, $0xb8;
	[tilespmem:$0x1C1C0] =	vst v63  }
0x22e: {  	_ =	swait.ge [sflag:s29], $0x2000  }
0x22f: {  	[sflag:s29] =	ssyncset.done $0x0  }
0x230: {  	s12 =	simm.s32 $0x680;
	[sflag:s29] =	ssyncadd.s32 $0xFFFFE000  }
0x231: {  	[spmem:s14] =	stream.indirect.scatter.add.f32 [tilespmem:s28], [sflag:$0xE], $0x80, s12, s9, $0xb8;
	[tilespmem:$0x1C1C0] =	vst v63  }
0x232: {  	_ =	swait.ge [sflag:s11], $0x2000  }
0x233: {  	[sflag:s11] =	ssyncset.done $0x0  }
0x234: {  	s15 =	simm.s32 $0x4800;
	s13 =	simm.s32 $0x700;
	[sflag:s11] =	ssyncadd.s32 $0xFFFFE000  }
0x235: {  	[spmem:s14] =	stream.indirect.scatter.add.f32 [tilespmem:s15], [sflag:$0xF], $0x80, s13, s9, $0xb8;
	[tilespmem:$0x1C1C0] =	vst v63  }
0x236: {  	_ =	swait.ge [sflag:s19], $0x2000  }
0x237: {  	[sflag:s19] =	ssyncset.done $0x0  }
0x238: {  	s17 =	simm.s32 $0x780;
	[sflag:s19] =	ssyncadd.s32 $0xFFFFE000  }
0x239: {  	[spmem:s14] =	stream.indirect.scatter.add.f32 [tilespmem:s30], [sflag:$0x10], $0x80, s17, s9, $0xb8;
	[tilespmem:$0x1C1C0] =	vst v63  }
0x23a: {  	_ =	swait.ge [sflag:s26], $0x2000  }
0x23b: {  	[sflag:s26] =	ssyncset.done $0x0  }
0x23c: {  	[sflag:s26] =	ssyncadd.s32 $0xFFFFE000  }
0x23d: {  	_ =	swait.ge [sflag:s24], $0x2000  }
0x23e: {  	[sflag:s24] =	ssyncset.done $0x0  }
0x23f: {  	[sflag:s24] =	ssyncadd.s32 $0xFFFFE000  }
0x240: {  	_ =	swait.ge [sflag:s3], $0x2000  }
0x241: {  	[sflag:s3] =	ssyncset.done $0x0  }
0x242: {  	[sflag:s3] =	ssyncadd.s32 $0xFFFFE000  }
0x243: {  	_ =	swait.ge [sflag:s2], $0x2000  }
0x244: {  	[sflag:s2] =	ssyncset.done $0x0  }
0x245: {  	s18 =	simm.s32 $0x1;
	[sflag:s2] =	ssyncadd.s32 $0xFFFFE000  }
0x246: {  	_ =	swait.ge [sflag:s18], $0x40  }
0x247: {  	[sflag:s18] =	ssyncset.done $0x0  }
0x248: {  	[sflag:s18] =	ssyncadd.s32 $0xFFFFFFC0  }
0x249: {  	_ =	swait.ge [sflag:s18], $0x40  }
0x24a: {  	[sflag:s18] =	ssyncset.done $0x0  }
0x24b: {  	[sflag:s18] =	ssyncadd.s32 $0xFFFFFFC0  }
0x24c: {  	_ =	swait.ge [sflag:s20], $0x40  }
0x24d: {  	[sflag:s20] =	ssyncset.done $0x0  }
0x24e: {  	[sflag:s20] =	ssyncadd.s32 $0xFFFFFFC0  }
0x24f: {  	_ =	swait.ge [sflag:s20], $0x40  }
0x250: {  	[sflag:s20] =	ssyncset.done $0x0  }
0x251: {  	s19 =	simm.s32 $0x3;
	[sflag:s20] =	ssyncadd.s32 $0xFFFFFFC0  }
0x252: {  	_ =	swait.ge [sflag:s19], $0x40  }
0x253: {  	[sflag:s19] =	ssyncset.done $0x0  }
0x254: {  	[sflag:s19] =	ssyncadd.s32 $0xFFFFFFC0  }
0x255: {  	_ =	swait.ge [sflag:s19], $0x40  }
0x256: {  	[sflag:s19] =	ssyncset.done $0x0  }
0x257: {  	[sflag:s19] =	ssyncadd.s32 $0xFFFFFFC0  }
0x258: {  	_ =	swait.ge [sflag:s6], $0x40  }
0x259: {  	[sflag:s6] =	ssyncset.done $0x0  }
0x25a: {  	[sflag:s6] =	ssyncadd.s32 $0xFFFFFFC0  }
0x25b: {  	_ =	swait.ge [sflag:s6], $0x40  }
0x25c: {  	[sflag:s6] =	ssyncset.done $0x0  }
0x25d: {  	s21 =	simm.s32 $0x8800;
	s20 =	rddreg [dreg:$0x1b];
	[sflag:s6] =	ssyncadd.s32 $0xFFFFFFC0  }
0x25e: {  	[tilespmem:s21], [sflag:$0x1] =	stream.linear.gather [hbm4b:s20+s4], $0x20, $0x38;
	[tilespmem:$0x1C1C0] =	vst v63  }
0x25f: {  	s24 =	simm.s32 $0x8880;
	s23 =	rddreg [dreg:$0x1c]  }
0x260: {  	[tilespmem:s24], [sflag:$0x1] =	stream.linear.gather [hbm4b:s23+s4], $0x20, $0x38;
	[tilespmem:$0x1C1C0] =	vst v63  }
0x261: {  	_ =	swait.ge [sflag:s18], $0x20  }
0x262: {  	[sflag:s18] =	ssyncset.done $0x0  }
0x263: {  	[sflag:s18] =	ssyncadd.s32 $0xFFFFFFE0  }
0x264: {  	_ =	swait.ge [sflag:s18], $0x20  }
0x265: {  	[sflag:s18] =	ssyncset.done $0x0  }
0x266: {  	s29 =	simm.s32 $0x20;
	[sflag:s18] =	ssyncadd.s32 $0xFFFFFFE0  }
0x267: {  	[tilespmem:s31], [sflag:$0x9] =	stream.indirect.gather [hbm4b:s16+s29], $0x80, s21, s29, $0xb8;
	[tilespmem:$0x1C1C0] =	vst v63  }
0x268: {  	_ =	swait.ge [sflag:s22], $0x1000  }
0x269: {  	[sflag:s22] =	ssyncset.done $0x0  }
0x26a: {  	[sflag:s22] =	ssyncadd.s32 $0xFFFFF000  }
0x26b: {  	[spmem:s14] =	stream.indirect.scatter.add.f32 [tilespmem:s31], [sflag:$0xD], $0x80, s24, s29, $0xb8;
	[tilespmem:$0x1C1C0] =	vst v63  }
0x26c: {  	_ =	swait.ge [sflag:s26], $0x1000  }
0x26d: {  	[sflag:s26] =	ssyncset.done $0x0  }
0x26e: {  	[sflag:s26] =	ssyncadd.s32 $0xFFFFF000  }
0x26f: {  	[bflag:$0x0] =	sbarrier.arrive $0xFFFF  }
0x270: {  	s2 =	sld [smem:$0x7FB];
	_ =	sdelay $0x1  }
0x271: {  	s0 =	simm.s32 @p0 $0x1FD1;
	s10 =	rddreg [dreg:$0x1d]  }
0x272: {  	[hbm:s10], [sflag:s0] =	dma.local @p0 [spmem:s2], $0x2080  }
0x273: {  	s0 =	simm.s32 @p0 $0x11  }
0x274: {  	_ =	swait.ge @p0 [sflag:s0], $0x2080  }
0x275: {  	s2 =	sld [smem:$0x7FC]  }
0x276: {  	s3 =	sld [smem:$0x7FD]  }
0x277: {  	[sflag:s0] =	ssyncset.done @p0 $0x0  }
0x278: {  	[sflag:s0] =	ssyncadd.s32 @p0 $0xFFFFDF80;
	s0 =	rddreg [dreg:$0x16]  }
0x279: {  	[hbm:s0], [sflag:s2] =	dma.local @!p0 [spmem:s3], $0x2780  }
0x27a: {  	s0 =	simm.s32 @!p0 $0x11  }
0x27b: {  	_ =	swait.ge @!p0 [sflag:s0], $0x2780  }
0x27c: {  	s30 =	sld [smem:$0x7FA];
	_ =	sdelay $0x2  }
0x27d: {  	s31 =	rddreg [dreg:$0x1e];
	s2 =	sadd.s32 $0x1, s30  }
0x27e: {  	p1 =	sne.s32 s2, s31  }
.Ltmp1:
0x27f: {  	_ = 	snop;
	(pc) =	sbr.rel @p1 .LBB2_1-.Ltmp1, $3  }
0x280: {  	_ =	sdelay $0x1  }
0x281: {  	s5 =	simm.s32 $0x600;
	s1 =	simm.s32 $0x700;
	[sflag:s0] =	ssyncset.done @!p0 $0x0  }
0x282: {  	s25 =	simm.s32 $0x680;
	s28 =	simm.s32 $0x780;
	[sflag:s0] =	ssyncadd.s32 @!p0 $0xFFFFD880  }
0x283: {  	_ =	sfence.sel $0x180000  }
0x284: {  	[bflag:$0x0] =	sbarrier.arrive $0xFFFF  }
0x285: {  	_ =	strace $0x9000004A  }
0x286: {  	s0 =	stileid.u32;
	[bflag:$0x2] =	sbarrier.arrive $0xFFFF  }
0x287: {  	p0 =	sne.s32 s0, $0x0;
	s0 =	rddreg [dreg:$0x3]  }
0x288: {  	s0 =	sadd.s32 @!p0 $0x100000, s0  }
0x289: {  	[sflag:s0] =	ssyncadd.tile.s32 @!p0 $0x1;
	_ =	shalt  }
.Lfunc_end2:
_tile_overlayer_lowered:
.L_overlay_start_2:
0x28a: {  	(tag) =	ssettag $0x2  }
0x28b: {  	s0 =	rddreg [dreg:$0x0];
	s2 =	stileid.u32  }
0x28c: {  	s1 =	rddreg [dreg:$0x1];
	p0 =	sne.s32 s2, $0x0  }
0x28d: {  	s3 =	rddreg [dreg:$0x2];
	[bflag:$0x3] =	sbarrier.arrive $0xFFFF;
	s2 =	simm.s32 @!p0 $0x1C11  }
0x28e: {  	[timem:s3], [sflag:s2] =	dma.local @!p0 [hbm:s0], s1  }
0x28f: {  	s0 =	simm.s32 @!p0 $0x11  }
0x290: {  	_ =	swait.ge @!p0 [sflag:s0], s1  }
0x291: {  	s1 =	ssub.s32 @!p0 $0x0, s1;
	[sflag:s0] =	ssyncset.done @!p0 $0x0  }
0x292: {  	[sflag:s0] =	ssyncadd.s32 @!p0 s1  }
0x293: {  	[bflag:$0x3] =	sbarrier.arrive $0xFFFF  }
0x294: {  	_ =	shalt  }

</sc_bundles>
